<compile_context>
chip_gen: v7x
topology: tpu7x:2x2x1
jax: 0.10.2.dev20260603
libtpu: 0.0.44.dev20260713+nightly
codegen_flags: <defaults>
</compile_context>

<pallas_src>
import jax
import jax.numpy as jnp
from jax import lax
from jax.experimental import pallas as pl
from jax.experimental.pallas import tpu as pltpu
from jax.experimental.pallas import tpu_sc as plsc

_B, _N, _C = 4, 8192, 1024
_K = int(_N * 0.7)
_CH = 48
_NMAIN = _K // _CH
_TAIL_START = _K - _CH
_NCHUNK = _NMAIN + 1
_KIDX_W = 5808
_TAIL_OFF = 5760
_NW = 32
_CPW = (_B * _NCHUNK) // _NW



def _scores_body(x_ref, lnw_ref, lnb_ref, w_ref, b_ref, out_ref):
    xb = x_ref[0]
    mu = jnp.mean(xb, axis=-1, keepdims=True)
    xc = xb - mu
    var = jnp.mean(xc * xc, axis=-1, keepdims=True)
    xn = xc / jnp.sqrt(var + 1e-5) * lnw_ref[0] + lnb_ref[0]
    xnr = xn.astype(jnp.bfloat16).astype(jnp.float32)
    wr = w_ref[0].astype(jnp.float32)
    out_ref[0, 0, 0, :] = jnp.sum(xnr * wr, axis=-1) + b_ref[0, 0]


def _scores(x, ln_w, ln_b, w, b):
    TN = 512
    grid = (_B, _N // TN)
    return pl.pallas_call(
        _scores_body,
        grid=grid,
        in_specs=[
            pl.BlockSpec((1, TN, _C), lambda i, j: (i, j, 0)),
            pl.BlockSpec((1, _C), lambda i, j: (0, 0)),
            pl.BlockSpec((1, _C), lambda i, j: (0, 0)),
            pl.BlockSpec((1, _C), lambda i, j: (0, 0)),
            pl.BlockSpec((1, 1), lambda i, j: (0, 0)),
        ],
        out_specs=pl.BlockSpec((1, 1, 1, TN), lambda i, j: (i, j, 0, 0)),
        out_shape=jax.ShapeDtypeStruct((_B, _N // TN, 1, TN), jnp.float32),
        compiler_params=pltpu.CompilerParams(
            dimension_semantics=("parallel", "parallel")),
    )(x, ln_w.reshape(1, _C), ln_b.reshape(1, _C),
      w.reshape(1, _C).astype(jnp.bfloat16),
      b.reshape(1, 1)).reshape(_B, _N)



def _excl_cumsum(m):
    m3 = m.reshape(_B, _N // 128, 128)
    r = lax.broadcasted_iota(jnp.int32, (128, 128), 0)
    c = lax.broadcasted_iota(jnp.int32, (128, 128), 1)
    U = (r <= c).astype(jnp.float32)
    within = lax.dot_general(
        m3.reshape(-1, 128), U, (((1,), (0,)), ((), ())),
        preferred_element_type=jnp.float32).reshape(_B, _N // 128, 128)
    rowsum = within[:, :, 127]
    nb = _N // 128
    rb = lax.broadcasted_iota(jnp.int32, (nb, nb), 0)
    cb = lax.broadcasted_iota(jnp.int32, (nb, nb), 1)
    S = (rb < cb).astype(jnp.float32)
    roff = lax.dot_general(rowsum, S, (((1,), (0,)), ((), ())),
                           preferred_element_type=jnp.float32)
    return (within + roff[:, :, None] - m3).reshape(_B, _N)


def _select_body(s_ref, out_ref):
    s = s_ref[...]
    imin = jnp.full((), -2147483648, jnp.int32)
    u = lax.bitcast_convert_type(s, jnp.int32)
    key = jnp.where(u >= 0, u, imin - u)

    def step(_, carry):
        lo, hi = carry
        active = lo < hi
        mid = (lo & hi) + ((lo ^ hi) >> 1)
        cnt = jnp.sum((key > mid).astype(jnp.int32), axis=1, keepdims=True)
        cond = cnt >= _K
        lo = jnp.where(active & cond, mid + 1, lo)
        hi = jnp.where(active & (~cond), mid, hi)
        return lo, hi

    lo0 = jnp.full((_B, 1), -2147483648, jnp.int32)
    hi0 = jnp.full((_B, 1), 2147483647, jnp.int32)
    T, _ = lax.fori_loop(0, 32, step, (lo0, hi0))

    gt = key > T
    eq = key == T
    cnt_gt = jnp.sum(gt.astype(jnp.int32), axis=1, keepdims=True)
    need_eq = _K - cnt_gt
    eq_rank = _excl_cumsum(eq.astype(jnp.float32)).astype(jnp.int32)
    keep = gt | (eq & (eq_rank < need_eq))
    pos = _excl_cumsum(keep.astype(jnp.float32)).astype(jnp.int32)
    out_ref[...] = jnp.where(keep, pos, jnp.int32(-1))


def _select(scores):
    return pl.pallas_call(
        _select_body,
        out_shape=jax.ShapeDtypeStruct((_B, _N), jnp.int32),
    )(scores)



def _compact_body(pose_hbm, kidx_hbm, pose_v, kidx_v):
    wid = lax.axis_index("s") * 2 + lax.axis_index("c")

    @pl.when(wid < _B)
    def _():
        b = wid
        pltpu.sync_copy(pose_hbm.at[pl.ds(b * _N, _N)], pose_v)

        def body(j, carry):
            base = j * 16
            pos = pose_v[pl.ds(base, 16)]
            g = base + lax.iota(jnp.int32, 16)
            posc = jnp.maximum(pos, 0)
            plsc.store_scatter(kidx_v, [posc], g, mask=pos >= 0)
            tail = pos >= _TAIL_START
            toff = posc - _TAIL_START + _TAIL_OFF
            plsc.store_scatter(kidx_v, [jnp.where(tail, toff, 0)], g, mask=tail)
            return carry

        lax.fori_loop(0, _N // 16, body, 0)
        pltpu.sync_copy(kidx_v, kidx_hbm.at[pl.ds(b * _KIDX_W, _KIDX_W)])


def _compact(pos_enc):
    mesh = plsc.VectorSubcoreMesh(core_axis_name="c", subcore_axis_name="s")
    f = pl.kernel(
        _compact_body,
        out_type=jax.ShapeDtypeStruct((_B * _KIDX_W,), jnp.int32),
        mesh=mesh,
        scratch_types=[
            pltpu.VMEM((_N,), jnp.int32),
            pltpu.VMEM((_KIDX_W,), jnp.int32),
        ],
        compiler_params=pltpu.CompilerParams(needs_layout_passes=False),
    )
    return f(pos_enc.reshape(_B * _N))



def _gather_body(x_hbm, kidx_hbm, out_hbm, idxall_v, opos0, opos1,
                 rows0, rows1, isem, gs0, gs1, ss0, ss1):
    wid = lax.axis_index("s") * 2 + lax.axis_index("c")

    def chunk_info(t):
        c = wid * _CPW + t
        b = c // _NCHUNK
        i = c - b * _NCHUNK
        is_main = i < _NMAIN
        src = b * _KIDX_W + jnp.where(is_main, i * _CH, _TAIL_OFF)
        dst = jnp.where(is_main, i * _CH, _TAIL_START)
        return b, src, dst

    handles = []
    binfo = []
    for t in range(_CPW):
        b, src, dst = chunk_info(t)
        binfo.append((b, dst))
        handles.append(pltpu.async_copy(
            kidx_hbm.at[pl.ds(src, _CH)],
            idxall_v.at[pl.ds(t * _CH, _CH)], isem))
    for h in handles:
        h.wait()

    rows = [rows0, rows1]
    opos = [opos0, opos1]
    gsem = [gs0, gs1]
    ssem = [ss0, ss1]
    gh = [None, None]
    sh = [None, None]

    def fill_opos(buf, dst):
        for jj in range(_CH // 16):
            buf[pl.ds(jj * 16, 16)] = dst + jj * 16 + lax.iota(jnp.int32, 16)

    for t in range(_CPW):
        bi = t % 2
        b, dst = binfo[t]
        if sh[bi] is not None:
            sh[bi].wait()
        gh[bi] = pltpu.async_copy(
            x_hbm.at[b].at[idxall_v.at[pl.ds(t * _CH, _CH)]], rows[bi], gsem[bi])
        if t >= 1:
            pi = 1 - bi
            pb, pdst = binfo[t - 1]
            fill_opos(opos[pi], pdst)
            gh[pi].wait()
            sh[pi] = pltpu.async_copy(rows[pi], out_hbm.at[pb].at[opos[pi]], ssem[pi])
    li = (_CPW - 1) % 2
    lb, ldst = binfo[_CPW - 1]
    fill_opos(opos[li], ldst)
    gh[li].wait()
    sh[li] = pltpu.async_copy(rows[li], out_hbm.at[lb].at[opos[li]], ssem[li])
    sh[li].wait()
    sh[1 - li].wait()


def _gather(x, kidx):
    mesh = plsc.VectorSubcoreMesh(core_axis_name="c", subcore_axis_name="s")
    f = pl.kernel(
        _gather_body,
        out_type=jax.ShapeDtypeStruct((_B, _K, _C), jnp.float32),
        mesh=mesh,
        scratch_types=[
            pltpu.VMEM((_CPW * _CH,), jnp.int32),
            pltpu.VMEM((_CH,), jnp.int32),
            pltpu.VMEM((_CH,), jnp.int32),
            pltpu.VMEM((_CH, _C), jnp.float32),
            pltpu.VMEM((_CH, _C), jnp.float32),
            pltpu.SemaphoreType.DMA,
            pltpu.SemaphoreType.DMA,
            pltpu.SemaphoreType.DMA,
            pltpu.SemaphoreType.DMA,
            pltpu.SemaphoreType.DMA,
        ],
        compiler_params=pltpu.CompilerParams(needs_layout_passes=False),
    )
    return f(x, kidx)



def kernel(x, keep_ratio, ln_w, ln_b, w, b):
    B, N, C = x.shape
    assert (B, N, C) == (_B, _N, _C)
    scores = _scores(x, ln_w, ln_b, w[0], b)
    pos_enc = _select(scores)
    kidx = _compact(pos_enc)
    return _gather(x, kidx)

# --- scband reference (transcript-rebuilt; emitter-appended) ---
"""Pipeline reference for scband-token-pruning-module-35450660061681 (READ-ONLY COPY).

The authoritative reference and input builder live on the scoring server;
editing this copy changes nothing except your own understanding.
"""

import jax, jax.numpy as jnp
import numpy as np


def setup_inputs(seed: int = 0) -> dict:
    key = jax.random.key(seed)
    ks = jax.random.split(key, 4)
    B, N, C = 4, 8192, 1024
    x = jax.random.normal(ks[0], (B, N, C), dtype=jnp.float32)
    # learned params of scorer = LayerNorm(dim) + Linear(dim, 1)
    ln_w = jnp.ones((C,), dtype=jnp.float32)
    ln_b = jnp.zeros((C,), dtype=jnp.float32)
    w = jax.random.normal(ks[1], (1, C), dtype=jnp.float32) / np.sqrt(C)
    b = jnp.zeros((1,), dtype=jnp.float32)
    return {"x": x, "keep_ratio": 0.7, "ln_w": ln_w, "ln_b": ln_b, "w": w, "b": b}


def reference(x, keep_ratio, ln_w, ln_b, w, b):
    B, N, C = x.shape
    num_keep = int(N * 0.7)
    if num_keep == N or N == 0:
        return x
    # scorer: LayerNorm (biased variance, eps=1e-5, matches torch) + Linear(C, 1)
    mu = jnp.mean(x, axis=-1, keepdims=True)
    var = jnp.var(x, axis=-1, keepdims=True)
    xn = (x - mu) / jnp.sqrt(var + 1e-5) * ln_w + ln_b
    scores = jnp.squeeze(xn @ w.T + b, axis=-1)  # (B, N)
    scores = scores + jnp.asarray(keep_ratio, dtype=scores.dtype) * 0
    _, keep_indices = jax.lax.top_k(scores, num_keep)  # (B, num_keep)
    keep_indices = jnp.sort(keep_indices, axis=-1)
    idx = jnp.broadcast_to(keep_indices[:, :, None], (B, num_keep, C))
    kept_tokens = jnp.take_along_axis(x, idx, axis=1)  # (B, num_keep, C)
    return kept_tokens

if __name__ == "__main__":
    import jax
    _d = setup_inputs()
    print(jax.jit(kernel)(*tuple(_d.values())))

</pallas_src>

<mosaic_0001>
#map = affine_map<(d0, d1) -> (0, 0, 0)>
#map1 = affine_map<(d0, d1) -> (0)>
module attributes {stable_mosaic.version = 14 : i64} {
  func.func @_gather_body(%arg0: i32, %arg1: i32, %arg2: memref<4x8192x1024xf32, #tpu.memory_space<hbm>>, %arg3: memref<23232xi32, #tpu.memory_space<hbm>>, %arg4: memref<4x5734x1024xf32, #tpu.memory_space<hbm>>, %arg5: memref<720xi32, #tpu.memory_space<vmem>>, %arg6: memref<48xi32, #tpu.memory_space<vmem>>, %arg7: memref<48xi32, #tpu.memory_space<vmem>>, %arg8: memref<48x1024xf32, #tpu.memory_space<vmem>>, %arg9: memref<48x1024xf32, #tpu.memory_space<vmem>>, %arg10: memref<!tpu.dma_semaphore, #tpu.memory_space<semaphore_mem>>, %arg11: memref<!tpu.dma_semaphore, #tpu.memory_space<semaphore_mem>>, %arg12: memref<!tpu.dma_semaphore, #tpu.memory_space<semaphore_mem>>, %arg13: memref<!tpu.dma_semaphore, #tpu.memory_space<semaphore_mem>>, %arg14: memref<!tpu.dma_semaphore, #tpu.memory_space<semaphore_mem>>) attributes {dimension_semantics = [#tpu.dimension_semantics<core_parallel>, #tpu.dimension_semantics<subcore_parallel>], iteration_bounds = array<i64: 2, 16>, scalar_prefetch = 0 : i64, scratch_operands = 10 : i64, tpu.core_type = #tpu.core_type<sc_vector_subcore>, window_params = [{transform_indices = #map}, {transform_indices = #map1}, {transform_indices = #map}]} {
    %mul3A = arith.constant 2 : i32
    %mul3A_0 = arith.muli %arg1, %mul3A : i32
    %add3A = arith.addi %mul3A_0, %arg0 : i32
    %mul3A_1 = arith.constant 15 : i32
    %mul3A_2 = arith.muli %add3A, %mul3A_1 : i32
    %add3A_3 = arith.constant 0 : i32
    %add3A_4 = arith.addi %mul3A_2, %add3A_3 : i32
    %jit3A = arith.constant 120 : i32
    %div3A = arith.divsi %add3A_4, %jit3A : i32
    %sign3A = arith.constant 0 : i32
    %sign3A_5 = arith.cmpi sgt, %add3A_4, %sign3A : i32
    %sign3A_6 = arith.extui %sign3A_5 : i1 to i32
    %sign3A_7 = arith.constant 0 : i32
    %sign3A_8 = arith.cmpi slt, %add3A_4, %sign3A_7 : i32
    %sign3A_9 = arith.extui %sign3A_8 : i1 to i32
    %sign3A_10 = arith.subi %sign3A_6, %sign3A_9 : i32
    %sign3A_11 = arith.constant 0 : i32
    %sign3A_12 = arith.cmpi sgt, %jit3A, %sign3A_11 : i32
    %sign3A_13 = arith.extui %sign3A_12 : i1 to i32
    %sign3A_14 = arith.constant 0 : i32
    %sign3A_15 = arith.cmpi slt, %jit3A, %sign3A_14 : i32
    %sign3A_16 = arith.extui %sign3A_15 : i1 to i32
    %sign3A_17 = arith.subi %sign3A_13, %sign3A_16 : i32
    %ne3A = arith.cmpi ne, %sign3A_10, %sign3A_17 : i32
    %rem3A = arith.remsi %add3A_4, %jit3A : i32
    %ne3A_18 = arith.constant 0 : i32
    %ne3A_19 = arith.cmpi ne, %rem3A, %ne3A_18 : i32
    %and3A = arith.andi %ne3A, %ne3A_19 : i1
    %sub3A = arith.constant 1 : i32
    %sub3A_20 = arith.subi %div3A, %sub3A : i32
    %select_n3A = arith.select %and3A, %sub3A_20, %div3A : i32
    %mul3A_21 = arith.constant 120 : i32
    %mul3A_22 = arith.muli %select_n3A, %mul3A_21 : i32
    %sub3A_23 = arith.subi %add3A_4, %mul3A_22 : i32
    %lt3A = arith.constant 119 : i32
    %lt3A_24 = arith.cmpi slt, %sub3A_23, %lt3A : i32
    %mul3A_25 = arith.constant 5808 : i32
    %mul3A_26 = arith.muli %select_n3A, %mul3A_25 : i32
    %mul3A_27 = arith.constant 48 : i32
    %mul3A_28 = arith.muli %sub3A_23, %mul3A_27 : i32
    %jit3A_29 = arith.constant 5760 : i32
    %select_n3A_30 = arith.select %lt3A_24, %mul3A_28, %jit3A_29 : i32
    %add3A_31 = arith.addi %mul3A_26, %select_n3A_30 : i32
    %mul3A_32 = arith.constant 48 : i32
    %mul3A_33 = arith.muli %sub3A_23, %mul3A_32 : i32
    %jit3A_34 = arith.constant 5686 : i32
    %select_n3A_35 = arith.select %lt3A_24, %mul3A_33, %jit3A_34 : i32
    %dma_start3A = arith.constant 0 : i32
    %dma_start3A_36 = tpu.memref_slice %arg5[%dma_start3A] : memref<720xi32, #tpu.memory_space<vmem>> -> memref<48xi32, #tpu.memory_space<vmem>>
    %dma_start3A_37 = tpu.memref_slice %arg3[%add3A_31] : memref<23232xi32, #tpu.memory_space<hbm>> -> memref<48xi32, #tpu.memory_space<hbm>>
    %dma_start3A_38 = arith.constant 0 : i32
    %dma_start3A_39 = tpu.memref_slice %arg5[%dma_start3A_38] : memref<720xi32, #tpu.memory_space<vmem>> -> memref<48xi32, #tpu.memory_space<vmem>>
    %dma_start3A_40 = tpu.memref_slice %arg3[%add3A_31] : memref<23232xi32, #tpu.memory_space<hbm>> -> memref<48xi32, #tpu.memory_space<hbm>>
    tpu.enqueue_dma source(%dma_start3A_40 : memref<48xi32, #tpu.memory_space<hbm>>) target(%dma_start3A_39 : memref<48xi32, #tpu.memory_space<vmem>>) target_semaphore(%arg10 : memref<!tpu.dma_semaphore, #tpu.memory_space<semaphore_mem>>)
    %mul3A_41 = arith.constant 15 : i32
    %mul3A_42 = arith.muli %add3A, %mul3A_41 : i32
    %add3A_43 = arith.constant 1 : i32
    %add3A_44 = arith.addi %mul3A_42, %add3A_43 : i32
    %jit3A_45 = arith.constant 120 : i32
    %div3A_46 = arith.divsi %add3A_44, %jit3A_45 : i32
    %sign3A_47 = arith.constant 0 : i32
    %sign3A_48 = arith.cmpi sgt, %add3A_44, %sign3A_47 : i32
    %sign3A_49 = arith.extui %sign3A_48 : i1 to i32
    %sign3A_50 = arith.constant 0 : i32
    %sign3A_51 = arith.cmpi slt, %add3A_44, %sign3A_50 : i32
    %sign3A_52 = arith.extui %sign3A_51 : i1 to i32
    %sign3A_53 = arith.subi %sign3A_49, %sign3A_52 : i32
    %sign3A_54 = arith.constant 0 : i32
    %sign3A_55 = arith.cmpi sgt, %jit3A_45, %sign3A_54 : i32
    %sign3A_56 = arith.extui %sign3A_55 : i1 to i32
    %sign3A_57 = arith.constant 0 : i32
    %sign3A_58 = arith.cmpi slt, %jit3A_45, %sign3A_57 : i32
    %sign3A_59 = arith.extui %sign3A_58 : i1 to i32
    %sign3A_60 = arith.subi %sign3A_56, %sign3A_59 : i32
    %ne3A_61 = arith.cmpi ne, %sign3A_53, %sign3A_60 : i32
    %rem3A_62 = arith.remsi %add3A_44, %jit3A_45 : i32
    %ne3A_63 = arith.constant 0 : i32
    %ne3A_64 = arith.cmpi ne, %rem3A_62, %ne3A_63 : i32
    %and3A_65 = arith.andi %ne3A_61, %ne3A_64 : i1
    %sub3A_66 = arith.constant 1 : i32
    %sub3A_67 = arith.subi %div3A_46, %sub3A_66 : i32
    %select_n3A_68 = arith.select %and3A_65, %sub3A_67, %div3A_46 : i32
    %mul3A_69 = arith.constant 120 : i32
    %mul3A_70 = arith.muli %select_n3A_68, %mul3A_69 : i32
    %sub3A_71 = arith.subi %add3A_44, %mul3A_70 : i32
    %lt3A_72 = arith.constant 119 : i32
    %lt3A_73 = arith.cmpi slt, %sub3A_71, %lt3A_72 : i32
    %mul3A_74 = arith.constant 5808 : i32
    %mul3A_75 = arith.muli %select_n3A_68, %mul3A_74 : i32
    %mul3A_76 = arith.constant 48 : i32
    %mul3A_77 = arith.muli %sub3A_71, %mul3A_76 : i32
    %jit3A_78 = arith.constant 5760 : i32
    %select_n3A_79 = arith.select %lt3A_73, %mul3A_77, %jit3A_78 : i32
    %add3A_80 = arith.addi %mul3A_75, %select_n3A_79 : i32
    %mul3A_81 = arith.constant 48 : i32
    %mul3A_82 = arith.muli %sub3A_71, %mul3A_81 : i32
    %jit3A_83 = arith.constant 5686 : i32
    %select_n3A_84 = arith.select %lt3A_73, %mul3A_82, %jit3A_83 : i32
    %dma_start3A_85 = arith.constant 48 : i32
    %dma_start3A_86 = tpu.memref_slice %arg5[%dma_start3A_85] : memref<720xi32, #tpu.memory_space<vmem>> -> memref<48xi32, #tpu.memory_space<vmem>>
    %dma_start3A_87 = tpu.memref_slice %arg3[%add3A_80] : memref<23232xi32, #tpu.memory_space<hbm>> -> memref<48xi32, #tpu.memory_space<hbm>>
    %dma_start3A_88 = arith.constant 48 : i32
    %dma_start3A_89 = tpu.memref_slice %arg5[%dma_start3A_88] : memref<720xi32, #tpu.memory_space<vmem>> -> memref<48xi32, #tpu.memory_space<vmem>>
    %dma_start3A_90 = tpu.memref_slice %arg3[%add3A_80] : memref<23232xi32, #tpu.memory_space<hbm>> -> memref<48xi32, #tpu.memory_space<hbm>>
    tpu.enqueue_dma source(%dma_start3A_90 : memref<48xi32, #tpu.memory_space<hbm>>) target(%dma_start3A_89 : memref<48xi32, #tpu.memory_space<vmem>>) target_semaphore(%arg10 : memref<!tpu.dma_semaphore, #tpu.memory_space<semaphore_mem>>)
    %mul3A_91 = arith.constant 15 : i32
    %mul3A_92 = arith.muli %add3A, %mul3A_91 : i32
    %add3A_93 = arith.constant 2 : i32
    %add3A_94 = arith.addi %mul3A_92, %add3A_93 : i32
    %jit3A_95 = arith.constant 120 : i32
    %div3A_96 = arith.divsi %add3A_94, %jit3A_95 : i32
    %sign3A_97 = arith.constant 0 : i32
    %sign3A_98 = arith.cmpi sgt, %add3A_94, %sign3A_97 : i32
    %sign3A_99 = arith.extui %sign3A_98 : i1 to i32
    %sign3A_100 = arith.constant 0 : i32
    %sign3A_101 = arith.cmpi slt, %add3A_94, %sign3A_100 : i32
    %sign3A_102 = arith.extui %sign3A_101 : i1 to i32
    %sign3A_103 = arith.subi %sign3A_99, %sign3A_102 : i32
    %sign3A_104 = arith.constant 0 : i32
    %sign3A_105 = arith.cmpi sgt, %jit3A_95, %sign3A_104 : i32
    %sign3A_106 = arith.extui %sign3A_105 : i1 to i32
    %sign3A_107 = arith.constant 0 : i32
    %sign3A_108 = arith.cmpi slt, %jit3A_95, %sign3A_107 : i32
    %sign3A_109 = arith.extui %sign3A_108 : i1 to i32
    %sign3A_110 = arith.subi %sign3A_106, %sign3A_109 : i32
    %ne3A_111 = arith.cmpi ne, %sign3A_103, %sign3A_110 : i32
    %rem3A_112 = arith.remsi %add3A_94, %jit3A_95 : i32
    %ne3A_113 = arith.constant 0 : i32
    %ne3A_114 = arith.cmpi ne, %rem3A_112, %ne3A_113 : i32
    %and3A_115 = arith.andi %ne3A_111, %ne3A_114 : i1
    %sub3A_116 = arith.constant 1 : i32
    %sub3A_117 = arith.subi %div3A_96, %sub3A_116 : i32
    %select_n3A_118 = arith.select %and3A_115, %sub3A_117, %div3A_96 : i32
    %mul3A_119 = arith.constant 120 : i32
    %mul3A_120 = arith.muli %select_n3A_118, %mul3A_119 : i32
    %sub3A_121 = arith.subi %add3A_94, %mul3A_120 : i32
    %lt3A_122 = arith.constant 119 : i32
    %lt3A_123 = arith.cmpi slt, %sub3A_121, %lt3A_122 : i32
    %mul3A_124 = arith.constant 5808 : i32
    %mul3A_125 = arith.muli %select_n3A_118, %mul3A_124 : i32
    %mul3A_126 = arith.constant 48 : i32
    %mul3A_127 = arith.muli %sub3A_121, %mul3A_126 : i32
    %jit3A_128 = arith.constant 5760 : i32
    %select_n3A_129 = arith.select %lt3A_123, %mul3A_127, %jit3A_128 : i32
    %add3A_130 = arith.addi %mul3A_125, %select_n3A_129 : i32
    %mul3A_131 = arith.constant 48 : i32
    %mul3A_132 = arith.muli %sub3A_121, %mul3A_131 : i32
    %jit3A_133 = arith.constant 5686 : i32
    %select_n3A_134 = arith.select %lt3A_123, %mul3A_132, %jit3A_133 : i32
    %dma_start3A_135 = arith.constant 96 : i32
    %dma_start3A_136 = tpu.memref_slice %arg5[%dma_start3A_135] : memref<720xi32, #tpu.memory_space<vmem>> -> memref<48xi32, #tpu.memory_space<vmem>>
    %dma_start3A_137 = tpu.memref_slice %arg3[%add3A_130] : memref<23232xi32, #tpu.memory_space<hbm>> -> memref<48xi32, #tpu.memory_space<hbm>>
    %dma_start3A_138 = arith.constant 96 : i32
    %dma_start3A_139 = tpu.memref_slice %arg5[%dma_start3A_138] : memref<720xi32, #tpu.memory_space<vmem>> -> memref<48xi32, #tpu.memory_space<vmem>>
    %dma_start3A_140 = tpu.memref_slice %arg3[%add3A_130] : memref<23232xi32, #tpu.memory_space<hbm>> -> memref<48xi32, #tpu.memory_space<hbm>>
    tpu.enqueue_dma source(%dma_start3A_140 : memref<48xi32, #tpu.memory_space<hbm>>) target(%dma_start3A_139 : memref<48xi32, #tpu.memory_space<vmem>>) target_semaphore(%arg10 : memref<!tpu.dma_semaphore, #tpu.memory_space<semaphore_mem>>)
    %mul3A_141 = arith.constant 15 : i32
    %mul3A_142 = arith.muli %add3A, %mul3A_141 : i32
    %add3A_143 = arith.constant 3 : i32
    %add3A_144 = arith.addi %mul3A_142, %add3A_143 : i32
    %jit3A_145 = arith.constant 120 : i32
    %div3A_146 = arith.divsi %add3A_144, %jit3A_145 : i32
    %sign3A_147 = arith.constant 0 : i32
    %sign3A_148 = arith.cmpi sgt, %add3A_144, %sign3A_147 : i32
    %sign3A_149 = arith.extui %sign3A_148 : i1 to i32
    %sign3A_150 = arith.constant 0 : i32
    %sign3A_151 = arith.cmpi slt, %add3A_144, %sign3A_150 : i32
    %sign3A_152 = arith.extui %sign3A_151 : i1 to i32
    %sign3A_153 = arith.subi %sign3A_149, %sign3A_152 : i32
    %sign3A_154 = arith.constant 0 : i32
    %sign3A_155 = arith.cmpi sgt, %jit3A_145, %sign3A_154 : i32
    %sign3A_156 = arith.extui %sign3A_155 : i1 to i32
    %sign3A_157 = arith.constant 0 : i32
    %sign3A_158 = arith.cmpi slt, %jit3A_145, %sign3A_157 : i32
    %sign3A_159 = arith.extui %sign3A_158 : i1 to i32
    %sign3A_160 = arith.subi %sign3A_156, %sign3A_159 : i32
    %ne3A_161 = arith.cmpi ne, %sign3A_153, %sign3A_160 : i32
    %rem3A_162 = arith.remsi %add3A_144, %jit3A_145 : i32
    %ne3A_163 = arith.constant 0 : i32
    %ne3A_164 = arith.cmpi ne, %rem3A_162, %ne3A_163 : i32
    %and3A_165 = arith.andi %ne3A_161, %ne3A_164 : i1
    %sub3A_166 = arith.constant 1 : i32
    %sub3A_167 = arith.subi %div3A_146, %sub3A_166 : i32
    %select_n3A_168 = arith.select %and3A_165, %sub3A_167, %div3A_146 : i32
    %mul3A_169 = arith.constant 120 : i32
    %mul3A_170 = arith.muli %select_n3A_168, %mul3A_169 : i32
    %sub3A_171 = arith.subi %add3A_144, %mul3A_170 : i32
    %lt3A_172 = arith.constant 119 : i32
    %lt3A_173 = arith.cmpi slt, %sub3A_171, %lt3A_172 : i32
    %mul3A_174 = arith.constant 5808 : i32
    %mul3A_175 = arith.muli %select_n3A_168, %mul3A_174 : i32
    %mul3A_176 = arith.constant 48 : i32
    %mul3A_177 = arith.muli %sub3A_171, %mul3A_176 : i32
    %jit3A_178 = arith.constant 5760 : i32
    %select_n3A_179 = arith.select %lt3A_173, %mul3A_177, %jit3A_178 : i32
    %add3A_180 = arith.addi %mul3A_175, %select_n3A_179 : i32
    %mul3A_181 = arith.constant 48 : i32
    %mul3A_182 = arith.muli %sub3A_171, %mul3A_181 : i32
    %jit3A_183 = arith.constant 5686 : i32
    %select_n3A_184 = arith.select %lt3A_173, %mul3A_182, %jit3A_183 : i32
    %dma_start3A_185 = arith.constant 144 : i32
    %dma_start3A_186 = tpu.memref_slice %arg5[%dma_start3A_185] : memref<720xi32, #tpu.memory_space<vmem>> -> memref<48xi32, #tpu.memory_space<vmem>>
    %dma_start3A_187 = tpu.memref_slice %arg3[%add3A_180] : memref<23232xi32, #tpu.memory_space<hbm>> -> memref<48xi32, #tpu.memory_space<hbm>>
    %dma_start3A_188 = arith.constant 144 : i32
    %dma_start3A_189 = tpu.memref_slice %arg5[%dma_start3A_188] : memref<720xi32, #tpu.memory_space<vmem>> -> memref<48xi32, #tpu.memory_space<vmem>>
    %dma_start3A_190 = tpu.memref_slice %arg3[%add3A_180] : memref<23232xi32, #tpu.memory_space<hbm>> -> memref<48xi32, #tpu.memory_space<hbm>>
    tpu.enqueue_dma source(%dma_start3A_190 : memref<48xi32, #tpu.memory_space<hbm>>) target(%dma_start3A_189 : memref<48xi32, #tpu.memory_space<vmem>>) target_semaphore(%arg10 : memref<!tpu.dma_semaphore, #tpu.memory_space<semaphore_mem>>)
    %mul3A_191 = arith.constant 15 : i32
    %mul3A_192 = arith.muli %add3A, %mul3A_191 : i32
    %add3A_193 = arith.constant 4 : i32
    %add3A_194 = arith.addi %mul3A_192, %add3A_193 : i32
    %jit3A_195 = arith.constant 120 : i32
    %div3A_196 = arith.divsi %add3A_194, %jit3A_195 : i32
    %sign3A_197 = arith.constant 0 : i32
    %sign3A_198 = arith.cmpi sgt, %add3A_194, %sign3A_197 : i32
    %sign3A_199 = arith.extui %sign3A_198 : i1 to i32
    %sign3A_200 = arith.constant 0 : i32
    %sign3A_201 = arith.cmpi slt, %add3A_194, %sign3A_200 : i32
    %sign3A_202 = arith.extui %sign3A_201 : i1 to i32
    %sign3A_203 = arith.subi %sign3A_199, %sign3A_202 : i32
    %sign3A_204 = arith.constant 0 : i32
    %sign3A_205 = arith.cmpi sgt, %jit3A_195, %sign3A_204 : i32
    %sign3A_206 = arith.extui %sign3A_205 : i1 to i32
    %sign3A_207 = arith.constant 0 : i32
    %sign3A_208 = arith.cmpi slt, %jit3A_195, %sign3A_207 : i32
    %sign3A_209 = arith.extui %sign3A_208 : i1 to i32
    %sign3A_210 = arith.subi %sign3A_206, %sign3A_209 : i32
    %ne3A_211 = arith.cmpi ne, %sign3A_203, %sign3A_210 : i32
    %rem3A_212 = arith.remsi %add3A_194, %jit3A_195 : i32
    %ne3A_213 = arith.constant 0 : i32
    %ne3A_214 = arith.cmpi ne, %rem3A_212, %ne3A_213 : i32
    %and3A_215 = arith.andi %ne3A_211, %ne3A_214 : i1
    %sub3A_216 = arith.constant 1 : i32
    %sub3A_217 = arith.subi %div3A_196, %sub3A_216 : i32
    %select_n3A_218 = arith.select %and3A_215, %sub3A_217, %div3A_196 : i32
    %mul3A_219 = arith.constant 120 : i32
    %mul3A_220 = arith.muli %select_n3A_218, %mul3A_219 : i32
    %sub3A_221 = arith.subi %add3A_194, %mul3A_220 : i32
    %lt3A_222 = arith.constant 119 : i32
    %lt3A_223 = arith.cmpi slt, %sub3A_221, %lt3A_222 : i32
    %mul3A_224 = arith.constant 5808 : i32
    %mul3A_225 = arith.muli %select_n3A_218, %mul3A_224 : i32
    %mul3A_226 = arith.constant 48 : i32
    %mul3A_227 = arith.muli %sub3A_221, %mul3A_226 : i32
    %jit3A_228 = arith.constant 5760 : i32
    %select_n3A_229 = arith.select %lt3A_223, %mul3A_227, %jit3A_228 : i32
    %add3A_230 = arith.addi %mul3A_225, %select_n3A_229 : i32
    %mul3A_231 = arith.constant 48 : i32
    %mul3A_232 = arith.muli %sub3A_221, %mul3A_231 : i32
    %jit3A_233 = arith.constant 5686 : i32
    %select_n3A_234 = arith.select %lt3A_223, %mul3A_232, %jit3A_233 : i32
    %dma_start3A_235 = arith.constant 192 : i32
    %dma_start3A_236 = tpu.memref_slice %arg5[%dma_start3A_235] : memref<720xi32, #tpu.memory_space<vmem>> -> memref<48xi32, #tpu.memory_space<vmem>>
    %dma_start3A_237 = tpu.memref_slice %arg3[%add3A_230] : memref<23232xi32, #tpu.memory_space<hbm>> -> memref<48xi32, #tpu.memory_space<hbm>>
    %dma_start3A_238 = arith.constant 192 : i32
    %dma_start3A_239 = tpu.memref_slice %arg5[%dma_start3A_238] : memref<720xi32, #tpu.memory_space<vmem>> -> memref<48xi32, #tpu.memory_space<vmem>>
    %dma_start3A_240 = tpu.memref_slice %arg3[%add3A_230] : memref<23232xi32, #tpu.memory_space<hbm>> -> memref<48xi32, #tpu.memory_space<hbm>>
    tpu.enqueue_dma source(%dma_start3A_240 : memref<48xi32, #tpu.memory_space<hbm>>) target(%dma_start3A_239 : memref<48xi32, #tpu.memory_space<vmem>>) target_semaphore(%arg10 : memref<!tpu.dma_semaphore, #tpu.memory_space<semaphore_mem>>)
    %mul3A_241 = arith.constant 15 : i32
    %mul3A_242 = arith.muli %add3A, %mul3A_241 : i32
    %add3A_243 = arith.constant 5 : i32
    %add3A_244 = arith.addi %mul3A_242, %add3A_243 : i32
    %jit3A_245 = arith.constant 120 : i32
    %div3A_246 = arith.divsi %add3A_244, %jit3A_245 : i32
    %sign3A_247 = arith.constant 0 : i32
    %sign3A_248 = arith.cmpi sgt, %add3A_244, %sign3A_247 : i32
    %sign3A_249 = arith.extui %sign3A_248 : i1 to i32
    %sign3A_250 = arith.constant 0 : i32
    %sign3A_251 = arith.cmpi slt, %add3A_244, %sign3A_250 : i32
    %sign3A_252 = arith.extui %sign3A_251 : i1 to i32
    %sign3A_253 = arith.subi %sign3A_249, %sign3A_252 : i32
    %sign3A_254 = arith.constant 0 : i32
    %sign3A_255 = arith.cmpi sgt, %jit3A_245, %sign3A_254 : i32
    %sign3A_256 = arith.extui %sign3A_255 : i1 to i32
    %sign3A_257 = arith.constant 0 : i32
    %sign3A_258 = arith.cmpi slt, %jit3A_245, %sign3A_257 : i32
    %sign3A_259 = arith.extui %sign3A_258 : i1 to i32
    %sign3A_260 = arith.subi %sign3A_256, %sign3A_259 : i32
    %ne3A_261 = arith.cmpi ne, %sign3A_253, %sign3A_260 : i32
    %rem3A_262 = arith.remsi %add3A_244, %jit3A_245 : i32
    %ne3A_263 = arith.constant 0 : i32
    %ne3A_264 = arith.cmpi ne, %rem3A_262, %ne3A_263 : i32
    %and3A_265 = arith.andi %ne3A_261, %ne3A_264 : i1
    %sub3A_266 = arith.constant 1 : i32
    %sub3A_267 = arith.subi %div3A_246, %sub3A_266 : i32
    %select_n3A_268 = arith.select %and3A_265, %sub3A_267, %div3A_246 : i32
    %mul3A_269 = arith.constant 120 : i32
    %mul3A_270 = arith.muli %select_n3A_268, %mul3A_269 : i32
    %sub3A_271 = arith.subi %add3A_244, %mul3A_270 : i32
    %lt3A_272 = arith.constant 119 : i32
    %lt3A_273 = arith.cmpi slt, %sub3A_271, %lt3A_272 : i32
    %mul3A_274 = arith.constant 5808 : i32
    %mul3A_275 = arith.muli %select_n3A_268, %mul3A_274 : i32
    %mul3A_276 = arith.constant 48 : i32
    %mul3A_277 = arith.muli %sub3A_271, %mul3A_276 : i32
    %jit3A_278 = arith.constant 5760 : i32
    %select_n3A_279 = arith.select %lt3A_273, %mul3A_277, %jit3A_278 : i32
    %add3A_280 = arith.addi %mul3A_275, %select_n3A_279 : i32
    %mul3A_281 = arith.constant 48 : i32
    %mul3A_282 = arith.muli %sub3A_271, %mul3A_281 : i32
    %jit3A_283 = arith.constant 5686 : i32
    %select_n3A_284 = arith.select %lt3A_273, %mul3A_282, %jit3A_283 : i32
    %dma_start3A_285 = arith.constant 240 : i32
    %dma_start3A_286 = tpu.memref_slice %arg5[%dma_start3A_285] : memref<720xi32, #tpu.memory_space<vmem>> -> memref<48xi32, #tpu.memory_space<vmem>>
    %dma_start3A_287 = tpu.memref_slice %arg3[%add3A_280] : memref<23232xi32, #tpu.memory_space<hbm>> -> memref<48xi32, #tpu.memory_space<hbm>>
    %dma_start3A_288 = arith.constant 240 : i32
    %dma_start3A_289 = tpu.memref_slice %arg5[%dma_start3A_288] : memref<720xi32, #tpu.memory_space<vmem>> -> memref<48xi32, #tpu.memory_space<vmem>>
    %dma_start3A_290 = tpu.memref_slice %arg3[%add3A_280] : memref<23232xi32, #tpu.memory_space<hbm>> -> memref<48xi32, #tpu.memory_space<hbm>>
    tpu.enqueue_dma source(%dma_start3A_290 : memref<48xi32, #tpu.memory_space<hbm>>) target(%dma_start3A_289 : memref<48xi32, #tpu.memory_space<vmem>>) target_semaphore(%arg10 : memref<!tpu.dma_semaphore, #tpu.memory_space<semaphore_mem>>)
    %mul3A_291 = arith.constant 15 : i32
    %mul3A_292 = arith.muli %add3A, %mul3A_291 : i32
    %add3A_293 = arith.constant 6 : i32
    %add3A_294 = arith.addi %mul3A_292, %add3A_293 : i32
    %jit3A_295 = arith.constant 120 : i32
    %div3A_296 = arith.divsi %add3A_294, %jit3A_295 : i32
    %sign3A_297 = arith.constant 0 : i32
    %sign3A_298 = arith.cmpi sgt, %add3A_294, %sign3A_297 : i32
    %sign3A_299 = arith.extui %sign3A_298 : i1 to i32
    %sign3A_300 = arith.constant 0 : i32
    %sign3A_301 = arith.cmpi slt, %add3A_294, %sign3A_300 : i32
    %sign3A_302 = arith.extui %sign3A_301 : i1 to i32
    %sign3A_303 = arith.subi %sign3A_299, %sign3A_302 : i32
    %sign3A_304 = arith.constant 0 : i32
    %sign3A_305 = arith.cmpi sgt, %jit3A_295, %sign3A_304 : i32
    %sign3A_306 = arith.extui %sign3A_305 : i1 to i32
    %sign3A_307 = arith.constant 0 : i32
    %sign3A_308 = arith.cmpi slt, %jit3A_295, %sign3A_307 : i32
    %sign3A_309 = arith.extui %sign3A_308 : i1 to i32
    %sign3A_310 = arith.subi %sign3A_306, %sign3A_309 : i32
    %ne3A_311 = arith.cmpi ne, %sign3A_303, %sign3A_310 : i32
    %rem3A_312 = arith.remsi %add3A_294, %jit3A_295 : i32
    %ne3A_313 = arith.constant 0 : i32
    %ne3A_314 = arith.cmpi ne, %rem3A_312, %ne3A_313 : i32
    %and3A_315 = arith.andi %ne3A_311, %ne3A_314 : i1
    %sub3A_316 = arith.constant 1 : i32
    %sub3A_317 = arith.subi %div3A_296, %sub3A_316 : i32
    %select_n3A_318 = arith.select %and3A_315, %sub3A_317, %div3A_296 : i32
    %mul3A_319 = arith.constant 120 : i32
    %mul3A_320 = arith.muli %select_n3A_318, %mul3A_319 : i32
    %sub3A_321 = arith.subi %add3A_294, %mul3A_320 : i32
    %lt3A_322 = arith.constant 119 : i32
    %lt3A_323 = arith.cmpi slt, %sub3A_321, %lt3A_322 : i32
    %mul3A_324 = arith.constant 5808 : i32
    %mul3A_325 = arith.muli %select_n3A_318, %mul3A_324 : i32
    %mul3A_326 = arith.constant 48 : i32
    %mul3A_327 = arith.muli %sub3A_321, %mul3A_326 : i32
    %jit3A_328 = arith.constant 5760 : i32
    %select_n3A_329 = arith.select %lt3A_323, %mul3A_327, %jit3A_328 : i32
    %add3A_330 = arith.addi %mul3A_325, %select_n3A_329 : i32
    %mul3A_331 = arith.constant 48 : i32
    %mul3A_332 = arith.muli %sub3A_321, %mul3A_331 : i32
    %jit3A_333 = arith.constant 5686 : i32
    %select_n3A_334 = arith.select %lt3A_323, %mul3A_332, %jit3A_333 : i32
    %dma_start3A_335 = arith.constant 288 : i32
    %dma_start3A_336 = tpu.memref_slice %arg5[%dma_start3A_335] : memref<720xi32, #tpu.memory_space<vmem>> -> memref<48xi32, #tpu.memory_space<vmem>>
    %dma_start3A_337 = tpu.memref_slice %arg3[%add3A_330] : memref<23232xi32, #tpu.memory_space<hbm>> -> memref<48xi32, #tpu.memory_space<hbm>>
    %dma_start3A_338 = arith.constant 288 : i32
    %dma_start3A_339 = tpu.memref_slice %arg5[%dma_start3A_338] : memref<720xi32, #tpu.memory_space<vmem>> -> memref<48xi32, #tpu.memory_space<vmem>>
    %dma_start3A_340 = tpu.memref_slice %arg3[%add3A_330] : memref<23232xi32, #tpu.memory_space<hbm>> -> memref<48xi32, #tpu.memory_space<hbm>>
    tpu.enqueue_dma source(%dma_start3A_340 : memref<48xi32, #tpu.memory_space<hbm>>) target(%dma_start3A_339 : memref<48xi32, #tpu.memory_space<vmem>>) target_semaphore(%arg10 : memref<!tpu.dma_semaphore, #tpu.memory_space<semaphore_mem>>)
    %mul3A_341 = arith.constant 15 : i32
    %mul3A_342 = arith.muli %add3A, %mul3A_341 : i32
    %add3A_343 = arith.constant 7 : i32
    %add3A_344 = arith.addi %mul3A_342, %add3A_343 : i32
    %jit3A_345 = arith.constant 120 : i32
    %div3A_346 = arith.divsi %add3A_344, %jit3A_345 : i32
    %sign3A_347 = arith.constant 0 : i32
    %sign3A_348 = arith.cmpi sgt, %add3A_344, %sign3A_347 : i32
    %sign3A_349 = arith.extui %sign3A_348 : i1 to i32
    %sign3A_350 = arith.constant 0 : i32
    %sign3A_351 = arith.cmpi slt, %add3A_344, %sign3A_350 : i32
    %sign3A_352 = arith.extui %sign3A_351 : i1 to i32
    %sign3A_353 = arith.subi %sign3A_349, %sign3A_352 : i32
    %sign3A_354 = arith.constant 0 : i32
    %sign3A_355 = arith.cmpi sgt, %jit3A_345, %sign3A_354 : i32
    %sign3A_356 = arith.extui %sign3A_355 : i1 to i32
    %sign3A_357 = arith.constant 0 : i32
    %sign3A_358 = arith.cmpi slt, %jit3A_345, %sign3A_357 : i32
    %sign3A_359 = arith.extui %sign3A_358 : i1 to i32
    %sign3A_360 = arith.subi %sign3A_356, %sign3A_359 : i32
    %ne3A_361 = arith.cmpi ne, %sign3A_353, %sign3A_360 : i32
    %rem3A_362 = arith.remsi %add3A_344, %jit3A_345 : i32
    %ne3A_363 = arith.constant 0 : i32
    %ne3A_364 = arith.cmpi ne, %rem3A_362, %ne3A_363 : i32
    %and3A_365 = arith.andi %ne3A_361, %ne3A_364 : i1
    %sub3A_366 = arith.constant 1 : i32
    %sub3A_367 = arith.subi %div3A_346, %sub3A_366 : i32
    %select_n3A_368 = arith.select %and3A_365, %sub3A_367, %div3A_346 : i32
    %mul3A_369 = arith.constant 120 : i32
    %mul3A_370 = arith.muli %select_n3A_368, %mul3A_369 : i32
    %sub3A_371 = arith.subi %add3A_344, %mul3A_370 : i32
    %lt3A_372 = arith.constant 119 : i32
    %lt3A_373 = arith.cmpi slt, %sub3A_371, %lt3A_372 : i32
    %mul3A_374 = arith.constant 5808 : i32
    %mul3A_375 = arith.muli %select_n3A_368, %mul3A_374 : i32
    %mul3A_376 = arith.constant 48 : i32
    %mul3A_377 = arith.muli %sub3A_371, %mul3A_376 : i32
    %jit3A_378 = arith.constant 5760 : i32
    %select_n3A_379 = arith.select %lt3A_373, %mul3A_377, %jit3A_378 : i32
    %add3A_380 = arith.addi %mul3A_375, %select_n3A_379 : i32
    %mul3A_381 = arith.constant 48 : i32
    %mul3A_382 = arith.muli %sub3A_371, %mul3A_381 : i32
    %jit3A_383 = arith.constant 5686 : i32
    %select_n3A_384 = arith.select %lt3A_373, %mul3A_382, %jit3A_383 : i32
    %dma_start3A_385 = arith.constant 336 : i32
    %dma_start3A_386 = tpu.memref_slice %arg5[%dma_start3A_385] : memref<720xi32, #tpu.memory_space<vmem>> -> memref<48xi32, #tpu.memory_space<vmem>>
    %dma_start3A_387 = tpu.memref_slice %arg3[%add3A_380] : memref<23232xi32, #tpu.memory_space<hbm>> -> memref<48xi32, #tpu.memory_space<hbm>>
    %dma_start3A_388 = arith.constant 336 : i32
    %dma_start3A_389 = tpu.memref_slice %arg5[%dma_start3A_388] : memref<720xi32, #tpu.memory_space<vmem>> -> memref<48xi32, #tpu.memory_space<vmem>>
    %dma_start3A_390 = tpu.memref_slice %arg3[%add3A_380] : memref<23232xi32, #tpu.memory_space<hbm>> -> memref<48xi32, #tpu.memory_space<hbm>>
    tpu.enqueue_dma source(%dma_start3A_390 : memref<48xi32, #tpu.memory_space<hbm>>) target(%dma_start3A_389 : memref<48xi32, #tpu.memory_space<vmem>>) target_semaphore(%arg10 : memref<!tpu.dma_semaphore, #tpu.memory_space<semaphore_mem>>)
    %mul3A_391 = arith.constant 15 : i32
    %mul3A_392 = arith.muli %add3A, %mul3A_391 : i32
    %add3A_393 = arith.constant 8 : i32
    %add3A_394 = arith.addi %mul3A_392, %add3A_393 : i32
    %jit3A_395 = arith.constant 120 : i32
    %div3A_396 = arith.divsi %add3A_394, %jit3A_395 : i32
    %sign3A_397 = arith.constant 0 : i32
    %sign3A_398 = arith.cmpi sgt, %add3A_394, %sign3A_397 : i32
    %sign3A_399 = arith.extui %sign3A_398 : i1 to i32
    %sign3A_400 = arith.constant 0 : i32
    %sign3A_401 = arith.cmpi slt, %add3A_394, %sign3A_400 : i32
    %sign3A_402 = arith.extui %sign3A_401 : i1 to i32
    %sign3A_403 = arith.subi %sign3A_399, %sign3A_402 : i32
    %sign3A_404 = arith.constant 0 : i32
    %sign3A_405 = arith.cmpi sgt, %jit3A_395, %sign3A_404 : i32
    %sign3A_406 = arith.extui %sign3A_405 : i1 to i32
    %sign3A_407 = arith.constant 0 : i32
    %sign3A_408 = arith.cmpi slt, %jit3A_395, %sign3A_407 : i32
    %sign3A_409 = arith.extui %sign3A_408 : i1 to i32
    %sign3A_410 = arith.subi %sign3A_406, %sign3A_409 : i32
    %ne3A_411 = arith.cmpi ne, %sign3A_403, %sign3A_410 : i32
    %rem3A_412 = arith.remsi %add3A_394, %jit3A_395 : i32
    %ne3A_413 = arith.constant 0 : i32
    %ne3A_414 = arith.cmpi ne, %rem3A_412, %ne3A_413 : i32
    %and3A_415 = arith.andi %ne3A_411, %ne3A_414 : i1
    %sub3A_416 = arith.constant 1 : i32
    %sub3A_417 = arith.subi %div3A_396, %sub3A_416 : i32
    %select_n3A_418 = arith.select %and3A_415, %sub3A_417, %div3A_396 : i32
    %mul3A_419 = arith.constant 120 : i32
    %mul3A_420 = arith.muli %select_n3A_418, %mul3A_419 : i32
    %sub3A_421 = arith.subi %add3A_394, %mul3A_420 : i32
    %lt3A_422 = arith.constant 119 : i32
    %lt3A_423 = arith.cmpi slt, %sub3A_421, %lt3A_422 : i32
    %mul3A_424 = arith.constant 5808 : i32
    %mul3A_425 = arith.muli %select_n3A_418, %mul3A_424 : i32
    %mul3A_426 = arith.constant 48 : i32
    %mul3A_427 = arith.muli %sub3A_421, %mul3A_426 : i32
    %jit3A_428 = arith.constant 5760 : i32
    %select_n3A_429 = arith.select %lt3A_423, %mul3A_427, %jit3A_428 : i32
    %add3A_430 = arith.addi %mul3A_425, %select_n3A_429 : i32
    %mul3A_431 = arith.constant 48 : i32
    %mul3A_432 = arith.muli %sub3A_421, %mul3A_431 : i32
    %jit3A_433 = arith.constant 5686 : i32
    %select_n3A_434 = arith.select %lt3A_423, %mul3A_432, %jit3A_433 : i32
    %dma_start3A_435 = arith.constant 384 : i32
    %dma_start3A_436 = tpu.memref_slice %arg5[%dma_start3A_435] : memref<720xi32, #tpu.memory_space<vmem>> -> memref<48xi32, #tpu.memory_space<vmem>>
    %dma_start3A_437 = tpu.memref_slice %arg3[%add3A_430] : memref<23232xi32, #tpu.memory_space<hbm>> -> memref<48xi32, #tpu.memory_space<hbm>>
    %dma_start3A_438 = arith.constant 384 : i32
    %dma_start3A_439 = tpu.memref_slice %arg5[%dma_start3A_438] : memref<720xi32, #tpu.memory_space<vmem>> -> memref<48xi32, #tpu.memory_space<vmem>>
    %dma_start3A_440 = tpu.memref_slice %arg3[%add3A_430] : memref<23232xi32, #tpu.memory_space<hbm>> -> memref<48xi32, #tpu.memory_space<hbm>>
    tpu.enqueue_dma source(%dma_start3A_440 : memref<48xi32, #tpu.memory_space<hbm>>) target(%dma_start3A_439 : memref<48xi32, #tpu.memory_space<vmem>>) target_semaphore(%arg10 : memref<!tpu.dma_semaphore, #tpu.memory_space<semaphore_mem>>)
    %mul3A_441 = arith.constant 15 : i32
    %mul3A_442 = arith.muli %add3A, %mul3A_441 : i32
    %add3A_443 = arith.constant 9 : i32
    %add3A_444 = arith.addi %mul3A_442, %add3A_443 : i32
    %jit3A_445 = arith.constant 120 : i32
    %div3A_446 = arith.divsi %add3A_444, %jit3A_445 : i32
    %sign3A_447 = arith.constant 0 : i32
    %sign3A_448 = arith.cmpi sgt, %add3A_444, %sign3A_447 : i32
    %sign3A_449 = arith.extui %sign3A_448 : i1 to i32
    %sign3A_450 = arith.constant 0 : i32
    %sign3A_451 = arith.cmpi slt, %add3A_444, %sign3A_450 : i32
    %sign3A_452 = arith.extui %sign3A_451 : i1 to i32
    %sign3A_453 = arith.subi %sign3A_449, %sign3A_452 : i32
    %sign3A_454 = arith.constant 0 : i32
    %sign3A_455 = arith.cmpi sgt, %jit3A_445, %sign3A_454 : i32
    %sign3A_456 = arith.extui %sign3A_455 : i1 to i32
    %sign3A_457 = arith.constant 0 : i32
    %sign3A_458 = arith.cmpi slt, %jit3A_445, %sign3A_457 : i32
    %sign3A_459 = arith.extui %sign3A_458 : i1 to i32
    %sign3A_460 = arith.subi %sign3A_456, %sign3A_459 : i32
    %ne3A_461 = arith.cmpi ne, %sign3A_453, %sign3A_460 : i32
    %rem3A_462 = arith.remsi %add3A_444, %jit3A_445 : i32
    %ne3A_463 = arith.constant 0 : i32
    %ne3A_464 = arith.cmpi ne, %rem3A_462, %ne3A_463 : i32
    %and3A_465 = arith.andi %ne3A_461, %ne3A_464 : i1
    %sub3A_466 = arith.constant 1 : i32
    %sub3A_467 = arith.subi %div3A_446, %sub3A_466 : i32
    %select_n3A_468 = arith.select %and3A_465, %sub3A_467, %div3A_446 : i32
    %mul3A_469 = arith.constant 120 : i32
    %mul3A_470 = arith.muli %select_n3A_468, %mul3A_469 : i32
    %sub3A_471 = arith.subi %add3A_444, %mul3A_470 : i32
    %lt3A_472 = arith.constant 119 : i32
    %lt3A_473 = arith.cmpi slt, %sub3A_471, %lt3A_472 : i32
    %mul3A_474 = arith.constant 5808 : i32
    %mul3A_475 = arith.muli %select_n3A_468, %mul3A_474 : i32
    %mul3A_476 = arith.constant 48 : i32
    %mul3A_477 = arith.muli %sub3A_471, %mul3A_476 : i32
    %jit3A_478 = arith.constant 5760 : i32
    %select_n3A_479 = arith.select %lt3A_473, %mul3A_477, %jit3A_478 : i32
    %add3A_480 = arith.addi %mul3A_475, %select_n3A_479 : i32
    %mul3A_481 = arith.constant 48 : i32
    %mul3A_482 = arith.muli %sub3A_471, %mul3A_481 : i32
    %jit3A_483 = arith.constant 5686 : i32
    %select_n3A_484 = arith.select %lt3A_473, %mul3A_482, %jit3A_483 : i32
    %dma_start3A_485 = arith.constant 432 : i32
    %dma_start3A_486 = tpu.memref_slice %arg5[%dma_start3A_485] : memref<720xi32, #tpu.memory_space<vmem>> -> memref<48xi32, #tpu.memory_space<vmem>>
    %dma_start3A_487 = tpu.memref_slice %arg3[%add3A_480] : memref<23232xi32, #tpu.memory_space<hbm>> -> memref<48xi32, #tpu.memory_space<hbm>>
    %dma_start3A_488 = arith.constant 432 : i32
    %dma_start3A_489 = tpu.memref_slice %arg5[%dma_start3A_488] : memref<720xi32, #tpu.memory_space<vmem>> -> memref<48xi32, #tpu.memory_space<vmem>>
    %dma_start3A_490 = tpu.memref_slice %arg3[%add3A_480] : memref<23232xi32, #tpu.memory_space<hbm>> -> memref<48xi32, #tpu.memory_space<hbm>>
    tpu.enqueue_dma source(%dma_start3A_490 : memref<48xi32, #tpu.memory_space<hbm>>) target(%dma_start3A_489 : memref<48xi32, #tpu.memory_space<vmem>>) target_semaphore(%arg10 : memref<!tpu.dma_semaphore, #tpu.memory_space<semaphore_mem>>)
    %mul3A_491 = arith.constant 15 : i32
    %mul3A_492 = arith.muli %add3A, %mul3A_491 : i32
    %add3A_493 = arith.constant 10 : i32
    %add3A_494 = arith.addi %mul3A_492, %add3A_493 : i32
    %jit3A_495 = arith.constant 120 : i32
    %div3A_496 = arith.divsi %add3A_494, %jit3A_495 : i32
    %sign3A_497 = arith.constant 0 : i32
    %sign3A_498 = arith.cmpi sgt, %add3A_494, %sign3A_497 : i32
    %sign3A_499 = arith.extui %sign3A_498 : i1 to i32
    %sign3A_500 = arith.constant 0 : i32
    %sign3A_501 = arith.cmpi slt, %add3A_494, %sign3A_500 : i32
    %sign3A_502 = arith.extui %sign3A_501 : i1 to i32
    %sign3A_503 = arith.subi %sign3A_499, %sign3A_502 : i32
    %sign3A_504 = arith.constant 0 : i32
    %sign3A_505 = arith.cmpi sgt, %jit3A_495, %sign3A_504 : i32
    %sign3A_506 = arith.extui %sign3A_505 : i1 to i32
    %sign3A_507 = arith.constant 0 : i32
    %sign3A_508 = arith.cmpi slt, %jit3A_495, %sign3A_507 : i32
    %sign3A_509 = arith.extui %sign3A_508 : i1 to i32
    %sign3A_510 = arith.subi %sign3A_506, %sign3A_509 : i32
    %ne3A_511 = arith.cmpi ne, %sign3A_503, %sign3A_510 : i32
    %rem3A_512 = arith.remsi %add3A_494, %jit3A_495 : i32
    %ne3A_513 = arith.constant 0 : i32
    %ne3A_514 = arith.cmpi ne, %rem3A_512, %ne3A_513 : i32
    %and3A_515 = arith.andi %ne3A_511, %ne3A_514 : i1
    %sub3A_516 = arith.constant 1 : i32
    %sub3A_517 = arith.subi %div3A_496, %sub3A_516 : i32
    %select_n3A_518 = arith.select %and3A_515, %sub3A_517, %div3A_496 : i32
    %mul3A_519 = arith.constant 120 : i32
    %mul3A_520 = arith.muli %select_n3A_518, %mul3A_519 : i32
    %sub3A_521 = arith.subi %add3A_494, %mul3A_520 : i32
    %lt3A_522 = arith.constant 119 : i32
    %lt3A_523 = arith.cmpi slt, %sub3A_521, %lt3A_522 : i32
    %mul3A_524 = arith.constant 5808 : i32
    %mul3A_525 = arith.muli %select_n3A_518, %mul3A_524 : i32
    %mul3A_526 = arith.constant 48 : i32
    %mul3A_527 = arith.muli %sub3A_521, %mul3A_526 : i32
    %jit3A_528 = arith.constant 5760 : i32
    %select_n3A_529 = arith.select %lt3A_523, %mul3A_527, %jit3A_528 : i32
    %add3A_530 = arith.addi %mul3A_525, %select_n3A_529 : i32
    %mul3A_531 = arith.constant 48 : i32
    %mul3A_532 = arith.muli %sub3A_521, %mul3A_531 : i32
    %jit3A_533 = arith.constant 5686 : i32
    %select_n3A_534 = arith.select %lt3A_523, %mul3A_532, %jit3A_533 : i32
    %dma_start3A_535 = arith.constant 480 : i32
    %dma_start3A_536 = tpu.memref_slice %arg5[%dma_start3A_535] : memref<720xi32, #tpu.memory_space<vmem>> -> memref<48xi32, #tpu.memory_space<vmem>>
    %dma_start3A_537 = tpu.memref_slice %arg3[%add3A_530] : memref<23232xi32, #tpu.memory_space<hbm>> -> memref<48xi32, #tpu.memory_space<hbm>>
    %dma_start3A_538 = arith.constant 480 : i32
    %dma_start3A_539 = tpu.memref_slice %arg5[%dma_start3A_538] : memref<720xi32, #tpu.memory_space<vmem>> -> memref<48xi32, #tpu.memory_space<vmem>>
    %dma_start3A_540 = tpu.memref_slice %arg3[%add3A_530] : memref<23232xi32, #tpu.memory_space<hbm>> -> memref<48xi32, #tpu.memory_space<hbm>>
    tpu.enqueue_dma source(%dma_start3A_540 : memref<48xi32, #tpu.memory_space<hbm>>) target(%dma_start3A_539 : memref<48xi32, #tpu.memory_space<vmem>>) target_semaphore(%arg10 : memref<!tpu.dma_semaphore, #tpu.memory_space<semaphore_mem>>)
    %mul3A_541 = arith.constant 15 : i32
    %mul3A_542 = arith.muli %add3A, %mul3A_541 : i32
    %add3A_543 = arith.constant 11 : i32
    %add3A_544 = arith.addi %mul3A_542, %add3A_543 : i32
    %jit3A_545 = arith.constant 120 : i32
    %div3A_546 = arith.divsi %add3A_544, %jit3A_545 : i32
    %sign3A_547 = arith.constant 0 : i32
    %sign3A_548 = arith.cmpi sgt, %add3A_544, %sign3A_547 : i32
    %sign3A_549 = arith.extui %sign3A_548 : i1 to i32
    %sign3A_550 = arith.constant 0 : i32
    %sign3A_551 = arith.cmpi slt, %add3A_544, %sign3A_550 : i32
    %sign3A_552 = arith.extui %sign3A_551 : i1 to i32
    %sign3A_553 = arith.subi %sign3A_549, %sign3A_552 : i32
    %sign3A_554 = arith.constant 0 : i32
    %sign3A_555 = arith.cmpi sgt, %jit3A_545, %sign3A_554 : i32
    %sign3A_556 = arith.extui %sign3A_555 : i1 to i32
    %sign3A_557 = arith.constant 0 : i32
    %sign3A_558 = arith.cmpi slt, %jit3A_545, %sign3A_557 : i32
    %sign3A_559 = arith.extui %sign3A_558 : i1 to i32
    %sign3A_560 = arith.subi %sign3A_556, %sign3A_559 : i32
    %ne3A_561 = arith.cmpi ne, %sign3A_553, %sign3A_560 : i32
    %rem3A_562 = arith.remsi %add3A_544, %jit3A_545 : i32
    %ne3A_563 = arith.constant 0 : i32
    %ne3A_564 = arith.cmpi ne, %rem3A_562, %ne3A_563 : i32
    %and3A_565 = arith.andi %ne3A_561, %ne3A_564 : i1
    %sub3A_566 = arith.constant 1 : i32
    %sub3A_567 = arith.subi %div3A_546, %sub3A_566 : i32
    %select_n3A_568 = arith.select %and3A_565, %sub3A_567, %div3A_546 : i32
    %mul3A_569 = arith.constant 120 : i32
    %mul3A_570 = arith.muli %select_n3A_568, %mul3A_569 : i32
    %sub3A_571 = arith.subi %add3A_544, %mul3A_570 : i32
    %lt3A_572 = arith.constant 119 : i32
    %lt3A_573 = arith.cmpi slt, %sub3A_571, %lt3A_572 : i32
    %mul3A_574 = arith.constant 5808 : i32
    %mul3A_575 = arith.muli %select_n3A_568, %mul3A_574 : i32
    %mul3A_576 = arith.constant 48 : i32
    %mul3A_577 = arith.muli %sub3A_571, %mul3A_576 : i32
    %jit3A_578 = arith.constant 5760 : i32
    %select_n3A_579 = arith.select %lt3A_573, %mul3A_577, %jit3A_578 : i32
    %add3A_580 = arith.addi %mul3A_575, %select_n3A_579 : i32
    %mul3A_581 = arith.constant 48 : i32
    %mul3A_582 = arith.muli %sub3A_571, %mul3A_581 : i32
    %jit3A_583 = arith.constant 5686 : i32
    %select_n3A_584 = arith.select %lt3A_573, %mul3A_582, %jit3A_583 : i32
    %dma_start3A_585 = arith.constant 528 : i32
    %dma_start3A_586 = tpu.memref_slice %arg5[%dma_start3A_585] : memref<720xi32, #tpu.memory_space<vmem>> -> memref<48xi32, #tpu.memory_space<vmem>>
    %dma_start3A_587 = tpu.memref_slice %arg3[%add3A_580] : memref<23232xi32, #tpu.memory_space<hbm>> -> memref<48xi32, #tpu.memory_space<hbm>>
    %dma_start3A_588 = arith.constant 528 : i32
    %dma_start3A_589 = tpu.memref_slice %arg5[%dma_start3A_588] : memref<720xi32, #tpu.memory_space<vmem>> -> memref<48xi32, #tpu.memory_space<vmem>>
    %dma_start3A_590 = tpu.memref_slice %arg3[%add3A_580] : memref<23232xi32, #tpu.memory_space<hbm>> -> memref<48xi32, #tpu.memory_space<hbm>>
    tpu.enqueue_dma source(%dma_start3A_590 : memref<48xi32, #tpu.memory_space<hbm>>) target(%dma_start3A_589 : memref<48xi32, #tpu.memory_space<vmem>>) target_semaphore(%arg10 : memref<!tpu.dma_semaphore, #tpu.memory_space<semaphore_mem>>)
    %mul3A_591 = arith.constant 15 : i32
    %mul3A_592 = arith.muli %add3A, %mul3A_591 : i32
    %add3A_593 = arith.constant 12 : i32
    %add3A_594 = arith.addi %mul3A_592, %add3A_593 : i32
    %jit3A_595 = arith.constant 120 : i32
    %div3A_596 = arith.divsi %add3A_594, %jit3A_595 : i32
    %sign3A_597 = arith.constant 0 : i32
    %sign3A_598 = arith.cmpi sgt, %add3A_594, %sign3A_597 : i32
    %sign3A_599 = arith.extui %sign3A_598 : i1 to i32
    %sign3A_600 = arith.constant 0 : i32
    %sign3A_601 = arith.cmpi slt, %add3A_594, %sign3A_600 : i32
    %sign3A_602 = arith.extui %sign3A_601 : i1 to i32
    %sign3A_603 = arith.subi %sign3A_599, %sign3A_602 : i32
    %sign3A_604 = arith.constant 0 : i32
    %sign3A_605 = arith.cmpi sgt, %jit3A_595, %sign3A_604 : i32
    %sign3A_606 = arith.extui %sign3A_605 : i1 to i32
    %sign3A_607 = arith.constant 0 : i32
    %sign3A_608 = arith.cmpi slt, %jit3A_595, %sign3A_607 : i32
    %sign3A_609 = arith.extui %sign3A_608 : i1 to i32
    %sign3A_610 = arith.subi %sign3A_606, %sign3A_609 : i32
    %ne3A_611 = arith.cmpi ne, %sign3A_603, %sign3A_610 : i32
    %rem3A_612 = arith.remsi %add3A_594, %jit3A_595 : i32
    %ne3A_613 = arith.constant 0 : i32
    %ne3A_614 = arith.cmpi ne, %rem3A_612, %ne3A_613 : i32
    %and3A_615 = arith.andi %ne3A_611, %ne3A_614 : i1
    %sub3A_616 = arith.constant 1 : i32
    %sub3A_617 = arith.subi %div3A_596, %sub3A_616 : i32
    %select_n3A_618 = arith.select %and3A_615, %sub3A_617, %div3A_596 : i32
    %mul3A_619 = arith.constant 120 : i32
    %mul3A_620 = arith.muli %select_n3A_618, %mul3A_619 : i32
    %sub3A_621 = arith.subi %add3A_594, %mul3A_620 : i32
    %lt3A_622 = arith.constant 119 : i32
    %lt3A_623 = arith.cmpi slt, %sub3A_621, %lt3A_622 : i32
    %mul3A_624 = arith.constant 5808 : i32
    %mul3A_625 = arith.muli %select_n3A_618, %mul3A_624 : i32
    %mul3A_626 = arith.constant 48 : i32
    %mul3A_627 = arith.muli %sub3A_621, %mul3A_626 : i32
    %jit3A_628 = arith.constant 5760 : i32
    %select_n3A_629 = arith.select %lt3A_623, %mul3A_627, %jit3A_628 : i32
    %add3A_630 = arith.addi %mul3A_625, %select_n3A_629 : i32
    %mul3A_631 = arith.constant 48 : i32
    %mul3A_632 = arith.muli %sub3A_621, %mul3A_631 : i32
    %jit3A_633 = arith.constant 5686 : i32
    %select_n3A_634 = arith.select %lt3A_623, %mul3A_632, %jit3A_633 : i32
    %dma_start3A_635 = arith.constant 576 : i32
    %dma_start3A_636 = tpu.memref_slice %arg5[%dma_start3A_635] : memref<720xi32, #tpu.memory_space<vmem>> -> memref<48xi32, #tpu.memory_space<vmem>>
    %dma_start3A_637 = tpu.memref_slice %arg3[%add3A_630] : memref<23232xi32, #tpu.memory_space<hbm>> -> memref<48xi32, #tpu.memory_space<hbm>>
    %dma_start3A_638 = arith.constant 576 : i32
    %dma_start3A_639 = tpu.memref_slice %arg5[%dma_start3A_638] : memref<720xi32, #tpu.memory_space<vmem>> -> memref<48xi32, #tpu.memory_space<vmem>>
    %dma_start3A_640 = tpu.memref_slice %arg3[%add3A_630] : memref<23232xi32, #tpu.memory_space<hbm>> -> memref<48xi32, #tpu.memory_space<hbm>>
    tpu.enqueue_dma source(%dma_start3A_640 : memref<48xi32, #tpu.memory_space<hbm>>) target(%dma_start3A_639 : memref<48xi32, #tpu.memory_space<vmem>>) target_semaphore(%arg10 : memref<!tpu.dma_semaphore, #tpu.memory_space<semaphore_mem>>)
    %mul3A_641 = arith.constant 15 : i32
    %mul3A_642 = arith.muli %add3A, %mul3A_641 : i32
    %add3A_643 = arith.constant 13 : i32
    %add3A_644 = arith.addi %mul3A_642, %add3A_643 : i32
    %jit3A_645 = arith.constant 120 : i32
    %div3A_646 = arith.divsi %add3A_644, %jit3A_645 : i32
    %sign3A_647 = arith.constant 0 : i32
    %sign3A_648 = arith.cmpi sgt, %add3A_644, %sign3A_647 : i32
    %sign3A_649 = arith.extui %sign3A_648 : i1 to i32
    %sign3A_650 = arith.constant 0 : i32
    %sign3A_651 = arith.cmpi slt, %add3A_644, %sign3A_650 : i32
    %sign3A_652 = arith.extui %sign3A_651 : i1 to i32
    %sign3A_653 = arith.subi %sign3A_649, %sign3A_652 : i32
    %sign3A_654 = arith.constant 0 : i32
    %sign3A_655 = arith.cmpi sgt, %jit3A_645, %sign3A_654 : i32
    %sign3A_656 = arith.extui %sign3A_655 : i1 to i32
    %sign3A_657 = arith.constant 0 : i32
    %sign3A_658 = arith.cmpi slt, %jit3A_645, %sign3A_657 : i32
    %sign3A_659 = arith.extui %sign3A_658 : i1 to i32
    %sign3A_660 = arith.subi %sign3A_656, %sign3A_659 : i32
    %ne3A_661 = arith.cmpi ne, %sign3A_653, %sign3A_660 : i32
    %rem3A_662 = arith.remsi %add3A_644, %jit3A_645 : i32
    %ne3A_663 = arith.constant 0 : i32
    %ne3A_664 = arith.cmpi ne, %rem3A_662, %ne3A_663 : i32
    %and3A_665 = arith.andi %ne3A_661, %ne3A_664 : i1
    %sub3A_666 = arith.constant 1 : i32
    %sub3A_667 = arith.subi %div3A_646, %sub3A_666 : i32
    %select_n3A_668 = arith.select %and3A_665, %sub3A_667, %div3A_646 : i32
    %mul3A_669 = arith.constant 120 : i32
    %mul3A_670 = arith.muli %select_n3A_668, %mul3A_669 : i32
    %sub3A_671 = arith.subi %add3A_644, %mul3A_670 : i32
    %lt3A_672 = arith.constant 119 : i32
    %lt3A_673 = arith.cmpi slt, %sub3A_671, %lt3A_672 : i32
    %mul3A_674 = arith.constant 5808 : i32
    %mul3A_675 = arith.muli %select_n3A_668, %mul3A_674 : i32
    %mul3A_676 = arith.constant 48 : i32
    %mul3A_677 = arith.muli %sub3A_671, %mul3A_676 : i32
    %jit3A_678 = arith.constant 5760 : i32
    %select_n3A_679 = arith.select %lt3A_673, %mul3A_677, %jit3A_678 : i32
    %add3A_680 = arith.addi %mul3A_675, %select_n3A_679 : i32
    %mul3A_681 = arith.constant 48 : i32
    %mul3A_682 = arith.muli %sub3A_671, %mul3A_681 : i32
    %jit3A_683 = arith.constant 5686 : i32
    %select_n3A_684 = arith.select %lt3A_673, %mul3A_682, %jit3A_683 : i32
    %dma_start3A_685 = arith.constant 624 : i32
    %dma_start3A_686 = tpu.memref_slice %arg5[%dma_start3A_685] : memref<720xi32, #tpu.memory_space<vmem>> -> memref<48xi32, #tpu.memory_space<vmem>>
    %dma_start3A_687 = tpu.memref_slice %arg3[%add3A_680] : memref<23232xi32, #tpu.memory_space<hbm>> -> memref<48xi32, #tpu.memory_space<hbm>>
    %dma_start3A_688 = arith.constant 624 : i32
    %dma_start3A_689 = tpu.memref_slice %arg5[%dma_start3A_688] : memref<720xi32, #tpu.memory_space<vmem>> -> memref<48xi32, #tpu.memory_space<vmem>>
    %dma_start3A_690 = tpu.memref_slice %arg3[%add3A_680] : memref<23232xi32, #tpu.memory_space<hbm>> -> memref<48xi32, #tpu.memory_space<hbm>>
    tpu.enqueue_dma source(%dma_start3A_690 : memref<48xi32, #tpu.memory_space<hbm>>) target(%dma_start3A_689 : memref<48xi32, #tpu.memory_space<vmem>>) target_semaphore(%arg10 : memref<!tpu.dma_semaphore, #tpu.memory_space<semaphore_mem>>)
    %mul3A_691 = arith.constant 15 : i32
    %mul3A_692 = arith.muli %add3A, %mul3A_691 : i32
    %add3A_693 = arith.constant 14 : i32
    %add3A_694 = arith.addi %mul3A_692, %add3A_693 : i32
    %jit3A_695 = arith.constant 120 : i32
    %div3A_696 = arith.divsi %add3A_694, %jit3A_695 : i32
    %sign3A_697 = arith.constant 0 : i32
    %sign3A_698 = arith.cmpi sgt, %add3A_694, %sign3A_697 : i32
    %sign3A_699 = arith.extui %sign3A_698 : i1 to i32
    %sign3A_700 = arith.constant 0 : i32
    %sign3A_701 = arith.cmpi slt, %add3A_694, %sign3A_700 : i32
    %sign3A_702 = arith.extui %sign3A_701 : i1 to i32
    %sign3A_703 = arith.subi %sign3A_699, %sign3A_702 : i32
    %sign3A_704 = arith.constant 0 : i32
    %sign3A_705 = arith.cmpi sgt, %jit3A_695, %sign3A_704 : i32
    %sign3A_706 = arith.extui %sign3A_705 : i1 to i32
    %sign3A_707 = arith.constant 0 : i32
    %sign3A_708 = arith.cmpi slt, %jit3A_695, %sign3A_707 : i32
    %sign3A_709 = arith.extui %sign3A_708 : i1 to i32
    %sign3A_710 = arith.subi %sign3A_706, %sign3A_709 : i32
    %ne3A_711 = arith.cmpi ne, %sign3A_703, %sign3A_710 : i32
    %rem3A_712 = arith.remsi %add3A_694, %jit3A_695 : i32
    %ne3A_713 = arith.constant 0 : i32
    %ne3A_714 = arith.cmpi ne, %rem3A_712, %ne3A_713 : i32
    %and3A_715 = arith.andi %ne3A_711, %ne3A_714 : i1
    %sub3A_716 = arith.constant 1 : i32
    %sub3A_717 = arith.subi %div3A_696, %sub3A_716 : i32
    %select_n3A_718 = arith.select %and3A_715, %sub3A_717, %div3A_696 : i32
    %mul3A_719 = arith.constant 120 : i32
    %mul3A_720 = arith.muli %select_n3A_718, %mul3A_719 : i32
    %sub3A_721 = arith.subi %add3A_694, %mul3A_720 : i32
    %lt3A_722 = arith.constant 119 : i32
    %lt3A_723 = arith.cmpi slt, %sub3A_721, %lt3A_722 : i32
    %mul3A_724 = arith.constant 5808 : i32
    %mul3A_725 = arith.muli %select_n3A_718, %mul3A_724 : i32
    %mul3A_726 = arith.constant 48 : i32
    %mul3A_727 = arith.muli %sub3A_721, %mul3A_726 : i32
    %jit3A_728 = arith.constant 5760 : i32
    %select_n3A_729 = arith.select %lt3A_723, %mul3A_727, %jit3A_728 : i32
    %add3A_730 = arith.addi %mul3A_725, %select_n3A_729 : i32
    %mul3A_731 = arith.constant 48 : i32
    %mul3A_732 = arith.muli %sub3A_721, %mul3A_731 : i32
    %jit3A_733 = arith.constant 5686 : i32
    %select_n3A_734 = arith.select %lt3A_723, %mul3A_732, %jit3A_733 : i32
    %dma_start3A_735 = arith.constant 672 : i32
    %dma_start3A_736 = tpu.memref_slice %arg5[%dma_start3A_735] : memref<720xi32, #tpu.memory_space<vmem>> -> memref<48xi32, #tpu.memory_space<vmem>>
    %dma_start3A_737 = tpu.memref_slice %arg3[%add3A_730] : memref<23232xi32, #tpu.memory_space<hbm>> -> memref<48xi32, #tpu.memory_space<hbm>>
    %dma_start3A_738 = arith.constant 672 : i32
    %dma_start3A_739 = tpu.memref_slice %arg5[%dma_start3A_738] : memref<720xi32, #tpu.memory_space<vmem>> -> memref<48xi32, #tpu.memory_space<vmem>>
    %dma_start3A_740 = tpu.memref_slice %arg3[%add3A_730] : memref<23232xi32, #tpu.memory_space<hbm>> -> memref<48xi32, #tpu.memory_space<hbm>>
    tpu.enqueue_dma source(%dma_start3A_740 : memref<48xi32, #tpu.memory_space<hbm>>) target(%dma_start3A_739 : memref<48xi32, #tpu.memory_space<vmem>>) target_semaphore(%arg10 : memref<!tpu.dma_semaphore, #tpu.memory_space<semaphore_mem>>)
    %dma_wait3A = arith.constant 0 : i32
    %dma_wait3A_741 = tpu.memref_slice %arg5[%dma_wait3A] : memref<720xi32, #tpu.memory_space<vmem>> -> memref<48xi32, #tpu.memory_space<vmem>>
    %dma_wait3A_742 = tpu.memref_slice %arg3[%add3A_31] : memref<23232xi32, #tpu.memory_space<hbm>> -> memref<48xi32, #tpu.memory_space<hbm>>
    %dma_wait3A_743 = arith.constant 0 : i32
    %dma_wait3A_744 = tpu.memref_slice %arg5[%dma_wait3A_743] : memref<720xi32, #tpu.memory_space<vmem>> -> memref<48xi32, #tpu.memory_space<vmem>>
    %dma_wait3A_745 = tpu.memref_slice %arg3[%add3A_31] : memref<23232xi32, #tpu.memory_space<hbm>> -> memref<48xi32, #tpu.memory_space<hbm>>
    tpu.wait_dma2 semaphore(%arg10 : memref<!tpu.dma_semaphore, #tpu.memory_space<semaphore_mem>>) src(%dma_wait3A_745 : memref<48xi32, #tpu.memory_space<hbm>>) dst(%dma_wait3A_744 : memref<48xi32, #tpu.memory_space<vmem>>)
    %dma_wait3A_746 = arith.constant 48 : i32
    %dma_wait3A_747 = tpu.memref_slice %arg5[%dma_wait3A_746] : memref<720xi32, #tpu.memory_space<vmem>> -> memref<48xi32, #tpu.memory_space<vmem>>
    %dma_wait3A_748 = tpu.memref_slice %arg3[%add3A_80] : memref<23232xi32, #tpu.memory_space<hbm>> -> memref<48xi32, #tpu.memory_space<hbm>>
    %dma_wait3A_749 = arith.constant 48 : i32
    %dma_wait3A_750 = tpu.memref_slice %arg5[%dma_wait3A_749] : memref<720xi32, #tpu.memory_space<vmem>> -> memref<48xi32, #tpu.memory_space<vmem>>
    %dma_wait3A_751 = tpu.memref_slice %arg3[%add3A_80] : memref<23232xi32, #tpu.memory_space<hbm>> -> memref<48xi32, #tpu.memory_space<hbm>>
    tpu.wait_dma2 semaphore(%arg10 : memref<!tpu.dma_semaphore, #tpu.memory_space<semaphore_mem>>) src(%dma_wait3A_751 : memref<48xi32, #tpu.memory_space<hbm>>) dst(%dma_wait3A_750 : memref<48xi32, #tpu.memory_space<vmem>>)
    %dma_wait3A_752 = arith.constant 96 : i32
    %dma_wait3A_753 = tpu.memref_slice %arg5[%dma_wait3A_752] : memref<720xi32, #tpu.memory_space<vmem>> -> memref<48xi32, #tpu.memory_space<vmem>>
    %dma_wait3A_754 = tpu.memref_slice %arg3[%add3A_130] : memref<23232xi32, #tpu.memory_space<hbm>> -> memref<48xi32, #tpu.memory_space<hbm>>
    %dma_wait3A_755 = arith.constant 96 : i32
    %dma_wait3A_756 = tpu.memref_slice %arg5[%dma_wait3A_755] : memref<720xi32, #tpu.memory_space<vmem>> -> memref<48xi32, #tpu.memory_space<vmem>>
    %dma_wait3A_757 = tpu.memref_slice %arg3[%add3A_130] : memref<23232xi32, #tpu.memory_space<hbm>> -> memref<48xi32, #tpu.memory_space<hbm>>
    tpu.wait_dma2 semaphore(%arg10 : memref<!tpu.dma_semaphore, #tpu.memory_space<semaphore_mem>>) src(%dma_wait3A_757 : memref<48xi32, #tpu.memory_space<hbm>>) dst(%dma_wait3A_756 : memref<48xi32, #tpu.memory_space<vmem>>)
    %dma_wait3A_758 = arith.constant 144 : i32
    %dma_wait3A_759 = tpu.memref_slice %arg5[%dma_wait3A_758] : memref<720xi32, #tpu.memory_space<vmem>> -> memref<48xi32, #tpu.memory_space<vmem>>
    %dma_wait3A_760 = tpu.memref_slice %arg3[%add3A_180] : memref<23232xi32, #tpu.memory_space<hbm>> -> memref<48xi32, #tpu.memory_space<hbm>>
    %dma_wait3A_761 = arith.constant 144 : i32
    %dma_wait3A_762 = tpu.memref_slice %arg5[%dma_wait3A_761] : memref<720xi32, #tpu.memory_space<vmem>> -> memref<48xi32, #tpu.memory_space<vmem>>
    %dma_wait3A_763 = tpu.memref_slice %arg3[%add3A_180] : memref<23232xi32, #tpu.memory_space<hbm>> -> memref<48xi32, #tpu.memory_space<hbm>>
    tpu.wait_dma2 semaphore(%arg10 : memref<!tpu.dma_semaphore, #tpu.memory_space<semaphore_mem>>) src(%dma_wait3A_763 : memref<48xi32, #tpu.memory_space<hbm>>) dst(%dma_wait3A_762 : memref<48xi32, #tpu.memory_space<vmem>>)
    %dma_wait3A_764 = arith.constant 192 : i32
    %dma_wait3A_765 = tpu.memref_slice %arg5[%dma_wait3A_764] : memref<720xi32, #tpu.memory_space<vmem>> -> memref<48xi32, #tpu.memory_space<vmem>>
    %dma_wait3A_766 = tpu.memref_slice %arg3[%add3A_230] : memref<23232xi32, #tpu.memory_space<hbm>> -> memref<48xi32, #tpu.memory_space<hbm>>
    %dma_wait3A_767 = arith.constant 192 : i32
    %dma_wait3A_768 = tpu.memref_slice %arg5[%dma_wait3A_767] : memref<720xi32, #tpu.memory_space<vmem>> -> memref<48xi32, #tpu.memory_space<vmem>>
    %dma_wait3A_769 = tpu.memref_slice %arg3[%add3A_230] : memref<23232xi32, #tpu.memory_space<hbm>> -> memref<48xi32, #tpu.memory_space<hbm>>
    tpu.wait_dma2 semaphore(%arg10 : memref<!tpu.dma_semaphore, #tpu.memory_space<semaphore_mem>>) src(%dma_wait3A_769 : memref<48xi32, #tpu.memory_space<hbm>>) dst(%dma_wait3A_768 : memref<48xi32, #tpu.memory_space<vmem>>)
    %dma_wait3A_770 = arith.constant 240 : i32
    %dma_wait3A_771 = tpu.memref_slice %arg5[%dma_wait3A_770] : memref<720xi32, #tpu.memory_space<vmem>> -> memref<48xi32, #tpu.memory_space<vmem>>
    %dma_wait3A_772 = tpu.memref_slice %arg3[%add3A_280] : memref<23232xi32, #tpu.memory_space<hbm>> -> memref<48xi32, #tpu.memory_space<hbm>>
    %dma_wait3A_773 = arith.constant 240 : i32
    %dma_wait3A_774 = tpu.memref_slice %arg5[%dma_wait3A_773] : memref<720xi32, #tpu.memory_space<vmem>> -> memref<48xi32, #tpu.memory_space<vmem>>
    %dma_wait3A_775 = tpu.memref_slice %arg3[%add3A_280] : memref<23232xi32, #tpu.memory_space<hbm>> -> memref<48xi32, #tpu.memory_space<hbm>>
    tpu.wait_dma2 semaphore(%arg10 : memref<!tpu.dma_semaphore, #tpu.memory_space<semaphore_mem>>) src(%dma_wait3A_775 : memref<48xi32, #tpu.memory_space<hbm>>) dst(%dma_wait3A_774 : memref<48xi32, #tpu.memory_space<vmem>>)
    %dma_wait3A_776 = arith.constant 288 : i32
    %dma_wait3A_777 = tpu.memref_slice %arg5[%dma_wait3A_776] : memref<720xi32, #tpu.memory_space<vmem>> -> memref<48xi32, #tpu.memory_space<vmem>>
    %dma_wait3A_778 = tpu.memref_slice %arg3[%add3A_330] : memref<23232xi32, #tpu.memory_space<hbm>> -> memref<48xi32, #tpu.memory_space<hbm>>
    %dma_wait3A_779 = arith.constant 288 : i32
    %dma_wait3A_780 = tpu.memref_slice %arg5[%dma_wait3A_779] : memref<720xi32, #tpu.memory_space<vmem>> -> memref<48xi32, #tpu.memory_space<vmem>>
    %dma_wait3A_781 = tpu.memref_slice %arg3[%add3A_330] : memref<23232xi32, #tpu.memory_space<hbm>> -> memref<48xi32, #tpu.memory_space<hbm>>
    tpu.wait_dma2 semaphore(%arg10 : memref<!tpu.dma_semaphore, #tpu.memory_space<semaphore_mem>>) src(%dma_wait3A_781 : memref<48xi32, #tpu.memory_space<hbm>>) dst(%dma_wait3A_780 : memref<48xi32, #tpu.memory_space<vmem>>)
    %dma_wait3A_782 = arith.constant 336 : i32
    %dma_wait3A_783 = tpu.memref_slice %arg5[%dma_wait3A_782] : memref<720xi32, #tpu.memory_space<vmem>> -> memref<48xi32, #tpu.memory_space<vmem>>
    %dma_wait3A_784 = tpu.memref_slice %arg3[%add3A_380] : memref<23232xi32, #tpu.memory_space<hbm>> -> memref<48xi32, #tpu.memory_space<hbm>>
    %dma_wait3A_785 = arith.constant 336 : i32
    %dma_wait3A_786 = tpu.memref_slice %arg5[%dma_wait3A_785] : memref<720xi32, #tpu.memory_space<vmem>> -> memref<48xi32, #tpu.memory_space<vmem>>
    %dma_wait3A_787 = tpu.memref_slice %arg3[%add3A_380] : memref<23232xi32, #tpu.memory_space<hbm>> -> memref<48xi32, #tpu.memory_space<hbm>>
    tpu.wait_dma2 semaphore(%arg10 : memref<!tpu.dma_semaphore, #tpu.memory_space<semaphore_mem>>) src(%dma_wait3A_787 : memref<48xi32, #tpu.memory_space<hbm>>) dst(%dma_wait3A_786 : memref<48xi32, #tpu.memory_space<vmem>>)
    %dma_wait3A_788 = arith.constant 384 : i32
    %dma_wait3A_789 = tpu.memref_slice %arg5[%dma_wait3A_788] : memref<720xi32, #tpu.memory_space<vmem>> -> memref<48xi32, #tpu.memory_space<vmem>>
    %dma_wait3A_790 = tpu.memref_slice %arg3[%add3A_430] : memref<23232xi32, #tpu.memory_space<hbm>> -> memref<48xi32, #tpu.memory_space<hbm>>
    %dma_wait3A_791 = arith.constant 384 : i32
    %dma_wait3A_792 = tpu.memref_slice %arg5[%dma_wait3A_791] : memref<720xi32, #tpu.memory_space<vmem>> -> memref<48xi32, #tpu.memory_space<vmem>>
    %dma_wait3A_793 = tpu.memref_slice %arg3[%add3A_430] : memref<23232xi32, #tpu.memory_space<hbm>> -> memref<48xi32, #tpu.memory_space<hbm>>
    tpu.wait_dma2 semaphore(%arg10 : memref<!tpu.dma_semaphore, #tpu.memory_space<semaphore_mem>>) src(%dma_wait3A_793 : memref<48xi32, #tpu.memory_space<hbm>>) dst(%dma_wait3A_792 : memref<48xi32, #tpu.memory_space<vmem>>)
    %dma_wait3A_794 = arith.constant 432 : i32
    %dma_wait3A_795 = tpu.memref_slice %arg5[%dma_wait3A_794] : memref<720xi32, #tpu.memory_space<vmem>> -> memref<48xi32, #tpu.memory_space<vmem>>
    %dma_wait3A_796 = tpu.memref_slice %arg3[%add3A_480] : memref<23232xi32, #tpu.memory_space<hbm>> -> memref<48xi32, #tpu.memory_space<hbm>>
    %dma_wait3A_797 = arith.constant 432 : i32
    %dma_wait3A_798 = tpu.memref_slice %arg5[%dma_wait3A_797] : memref<720xi32, #tpu.memory_space<vmem>> -> memref<48xi32, #tpu.memory_space<vmem>>
    %dma_wait3A_799 = tpu.memref_slice %arg3[%add3A_480] : memref<23232xi32, #tpu.memory_space<hbm>> -> memref<48xi32, #tpu.memory_space<hbm>>
    tpu.wait_dma2 semaphore(%arg10 : memref<!tpu.dma_semaphore, #tpu.memory_space<semaphore_mem>>) src(%dma_wait3A_799 : memref<48xi32, #tpu.memory_space<hbm>>) dst(%dma_wait3A_798 : memref<48xi32, #tpu.memory_space<vmem>>)
    %dma_wait3A_800 = arith.constant 480 : i32
    %dma_wait3A_801 = tpu.memref_slice %arg5[%dma_wait3A_800] : memref<720xi32, #tpu.memory_space<vmem>> -> memref<48xi32, #tpu.memory_space<vmem>>
    %dma_wait3A_802 = tpu.memref_slice %arg3[%add3A_530] : memref<23232xi32, #tpu.memory_space<hbm>> -> memref<48xi32, #tpu.memory_space<hbm>>
    %dma_wait3A_803 = arith.constant 480 : i32
    %dma_wait3A_804 = tpu.memref_slice %arg5[%dma_wait3A_803] : memref<720xi32, #tpu.memory_space<vmem>> -> memref<48xi32, #tpu.memory_space<vmem>>
    %dma_wait3A_805 = tpu.memref_slice %arg3[%add3A_530] : memref<23232xi32, #tpu.memory_space<hbm>> -> memref<48xi32, #tpu.memory_space<hbm>>
    tpu.wait_dma2 semaphore(%arg10 : memref<!tpu.dma_semaphore, #tpu.memory_space<semaphore_mem>>) src(%dma_wait3A_805 : memref<48xi32, #tpu.memory_space<hbm>>) dst(%dma_wait3A_804 : memref<48xi32, #tpu.memory_space<vmem>>)
    %dma_wait3A_806 = arith.constant 528 : i32
    %dma_wait3A_807 = tpu.memref_slice %arg5[%dma_wait3A_806] : memref<720xi32, #tpu.memory_space<vmem>> -> memref<48xi32, #tpu.memory_space<vmem>>
    %dma_wait3A_808 = tpu.memref_slice %arg3[%add3A_580] : memref<23232xi32, #tpu.memory_space<hbm>> -> memref<48xi32, #tpu.memory_space<hbm>>
    %dma_wait3A_809 = arith.constant 528 : i32
    %dma_wait3A_810 = tpu.memref_slice %arg5[%dma_wait3A_809] : memref<720xi32, #tpu.memory_space<vmem>> -> memref<48xi32, #tpu.memory_space<vmem>>
    %dma_wait3A_811 = tpu.memref_slice %arg3[%add3A_580] : memref<23232xi32, #tpu.memory_space<hbm>> -> memref<48xi32, #tpu.memory_space<hbm>>
    tpu.wait_dma2 semaphore(%arg10 : memref<!tpu.dma_semaphore, #tpu.memory_space<semaphore_mem>>) src(%dma_wait3A_811 : memref<48xi32, #tpu.memory_space<hbm>>) dst(%dma_wait3A_810 : memref<48xi32, #tpu.memory_space<vmem>>)
    %dma_wait3A_812 = arith.constant 576 : i32
    %dma_wait3A_813 = tpu.memref_slice %arg5[%dma_wait3A_812] : memref<720xi32, #tpu.memory_space<vmem>> -> memref<48xi32, #tpu.memory_space<vmem>>
    %dma_wait3A_814 = tpu.memref_slice %arg3[%add3A_630] : memref<23232xi32, #tpu.memory_space<hbm>> -> memref<48xi32, #tpu.memory_space<hbm>>
    %dma_wait3A_815 = arith.constant 576 : i32
    %dma_wait3A_816 = tpu.memref_slice %arg5[%dma_wait3A_815] : memref<720xi32, #tpu.memory_space<vmem>> -> memref<48xi32, #tpu.memory_space<vmem>>
    %dma_wait3A_817 = tpu.memref_slice %arg3[%add3A_630] : memref<23232xi32, #tpu.memory_space<hbm>> -> memref<48xi32, #tpu.memory_space<hbm>>
    tpu.wait_dma2 semaphore(%arg10 : memref<!tpu.dma_semaphore, #tpu.memory_space<semaphore_mem>>) src(%dma_wait3A_817 : memref<48xi32, #tpu.memory_space<hbm>>) dst(%dma_wait3A_816 : memref<48xi32, #tpu.memory_space<vmem>>)
    %dma_wait3A_818 = arith.constant 624 : i32
    %dma_wait3A_819 = tpu.memref_slice %arg5[%dma_wait3A_818] : memref<720xi32, #tpu.memory_space<vmem>> -> memref<48xi32, #tpu.memory_space<vmem>>
    %dma_wait3A_820 = tpu.memref_slice %arg3[%add3A_680] : memref<23232xi32, #tpu.memory_space<hbm>> -> memref<48xi32, #tpu.memory_space<hbm>>
    %dma_wait3A_821 = arith.constant 624 : i32
    %dma_wait3A_822 = tpu.memref_slice %arg5[%dma_wait3A_821] : memref<720xi32, #tpu.memory_space<vmem>> -> memref<48xi32, #tpu.memory_space<vmem>>
    %dma_wait3A_823 = tpu.memref_slice %arg3[%add3A_680] : memref<23232xi32, #tpu.memory_space<hbm>> -> memref<48xi32, #tpu.memory_space<hbm>>
    tpu.wait_dma2 semaphore(%arg10 : memref<!tpu.dma_semaphore, #tpu.memory_space<semaphore_mem>>) src(%dma_wait3A_823 : memref<48xi32, #tpu.memory_space<hbm>>) dst(%dma_wait3A_822 : memref<48xi32, #tpu.memory_space<vmem>>)
    %dma_wait3A_824 = arith.constant 672 : i32
    %dma_wait3A_825 = tpu.memref_slice %arg5[%dma_wait3A_824] : memref<720xi32, #tpu.memory_space<vmem>> -> memref<48xi32, #tpu.memory_space<vmem>>
    %dma_wait3A_826 = tpu.memref_slice %arg3[%add3A_730] : memref<23232xi32, #tpu.memory_space<hbm>> -> memref<48xi32, #tpu.memory_space<hbm>>
    %dma_wait3A_827 = arith.constant 672 : i32
    %dma_wait3A_828 = tpu.memref_slice %arg5[%dma_wait3A_827] : memref<720xi32, #tpu.memory_space<vmem>> -> memref<48xi32, #tpu.memory_space<vmem>>
    %dma_wait3A_829 = tpu.memref_slice %arg3[%add3A_730] : memref<23232xi32, #tpu.memory_space<hbm>> -> memref<48xi32, #tpu.memory_space<hbm>>
    tpu.wait_dma2 semaphore(%arg10 : memref<!tpu.dma_semaphore, #tpu.memory_space<semaphore_mem>>) src(%dma_wait3A_829 : memref<48xi32, #tpu.memory_space<hbm>>) dst(%dma_wait3A_828 : memref<48xi32, #tpu.memory_space<vmem>>)
    %dma_start3A_830 = arith.constant 0 : i32
    %dma_start3A_831 = tpu.memref_slice %arg5[%dma_start3A_830] : memref<720xi32, #tpu.memory_space<vmem>> -> memref<48xi32, #tpu.memory_space<vmem>>
    %dma_start3A_832 = arith.constant 0 : i32
    %dma_start3A_833 = arith.constant 0 : i32
    %dma_start3A_834 = tpu.memref_slice %arg2[%select_n3A, %dma_start3A_832, %dma_start3A_833] : memref<4x8192x1024xf32, #tpu.memory_space<hbm>> -> memref<1x8192x1024xf32, #tpu.memory_space<hbm>>
    %dma_start3A_835 = tpu.memref_squeeze %dma_start3A_834 : memref<1x8192x1024xf32, #tpu.memory_space<hbm>> -> memref<8192x1024xf32, #tpu.memory_space<hbm>>
    %dma_start3A_836 = arith.constant 0 : i32
    %dma_start3A_837 = arith.constant 0 : i32
    %dma_start3A_838 = tpu.memref_slice %dma_start3A_835[%dma_start3A_836, %dma_start3A_837] : memref<8192x1024xf32, #tpu.memory_space<hbm>> -> memref<8192x1024xf32, #tpu.memory_space<hbm>>
    tpu.enqueue_indirect_dma source(%dma_start3A_838 : memref<8192x1024xf32, #tpu.memory_space<hbm>>) target(%arg8 : memref<48x1024xf32, #tpu.memory_space<vmem>>) offsets(%dma_start3A_831 : memref<48xi32, #tpu.memory_space<vmem>>) semaphore(%arg11 : memref<!tpu.dma_semaphore, #tpu.memory_space<semaphore_mem>>)
    %dma_start3A_839 = arith.constant 48 : i32
    %dma_start3A_840 = tpu.memref_slice %arg5[%dma_start3A_839] : memref<720xi32, #tpu.memory_space<vmem>> -> memref<48xi32, #tpu.memory_space<vmem>>
    %dma_start3A_841 = arith.constant 0 : i32
    %dma_start3A_842 = arith.constant 0 : i32
    %dma_start3A_843 = tpu.memref_slice %arg2[%select_n3A_68, %dma_start3A_841, %dma_start3A_842] : memref<4x8192x1024xf32, #tpu.memory_space<hbm>> -> memref<1x8192x1024xf32, #tpu.memory_space<hbm>>
    %dma_start3A_844 = tpu.memref_squeeze %dma_start3A_843 : memref<1x8192x1024xf32, #tpu.memory_space<hbm>> -> memref<8192x1024xf32, #tpu.memory_space<hbm>>
    %dma_start3A_845 = arith.constant 0 : i32
    %dma_start3A_846 = arith.constant 0 : i32
    %dma_start3A_847 = tpu.memref_slice %dma_start3A_844[%dma_start3A_845, %dma_start3A_846] : memref<8192x1024xf32, #tpu.memory_space<hbm>> -> memref<8192x1024xf32, #tpu.memory_space<hbm>>
    tpu.enqueue_indirect_dma source(%dma_start3A_847 : memref<8192x1024xf32, #tpu.memory_space<hbm>>) target(%arg9 : memref<48x1024xf32, #tpu.memory_space<vmem>>) offsets(%dma_start3A_840 : memref<48xi32, #tpu.memory_space<vmem>>) semaphore(%arg12 : memref<!tpu.dma_semaphore, #tpu.memory_space<semaphore_mem>>)
    %add3A_848 = arith.constant 0 : i32
    %add3A_849 = arith.addi %select_n3A_35, %add3A_848 : i32
    %iota3A = tpu.iota {dimensions = array<i32: 0>} : vector<16xi32>
    %add3A_850 = vector.broadcast %add3A_849 : i32 to vector<16xi32>
    %add3A_851 = arith.addi %add3A_850, %iota3A : vector<16xi32>
    %swap3A = arith.constant 0 : index
    %swap3A_852 = tpu.vector_load %arg6[%swap3A] {strides = array<i32>} : memref<48xi32, #tpu.memory_space<vmem>>, vector<16xi32>,
    tpu.vector_store %arg6[%swap3A], %add3A_851 {strides = array<i32>} : memref<48xi32, #tpu.memory_space<vmem>>, vector<16xi32>,
    %add3A_853 = arith.constant 16 : i32
    %add3A_854 = arith.addi %select_n3A_35, %add3A_853 : i32
    %iota3A_855 = tpu.iota {dimensions = array<i32: 0>} : vector<16xi32>
    %add3A_856 = vector.broadcast %add3A_854 : i32 to vector<16xi32>
    %add3A_857 = arith.addi %add3A_856, %iota3A_855 : vector<16xi32>
    %swap3A_858 = arith.constant 16 : index
    %swap3A_859 = tpu.vector_load %arg6[%swap3A_858] {strides = array<i32>} : memref<48xi32, #tpu.memory_space<vmem>>, vector<16xi32>,
    tpu.vector_store %arg6[%swap3A_858], %add3A_857 {strides = array<i32>} : memref<48xi32, #tpu.memory_space<vmem>>, vector<16xi32>,
    %add3A_860 = arith.constant 32 : i32
    %add3A_861 = arith.addi %select_n3A_35, %add3A_860 : i32
    %iota3A_862 = tpu.iota {dimensions = array<i32: 0>} : vector<16xi32>
    %add3A_863 = vector.broadcast %add3A_861 : i32 to vector<16xi32>
    %add3A_864 = arith.addi %add3A_863, %iota3A_862 : vector<16xi32>
    %swap3A_865 = arith.constant 32 : index
    %swap3A_866 = tpu.vector_load %arg6[%swap3A_865] {strides = array<i32>} : memref<48xi32, #tpu.memory_space<vmem>>, vector<16xi32>,
    tpu.vector_store %arg6[%swap3A_865], %add3A_864 {strides = array<i32>} : memref<48xi32, #tpu.memory_space<vmem>>, vector<16xi32>,
    %dma_wait3A_867 = arith.constant 0 : i32
    %dma_wait3A_868 = tpu.memref_slice %arg5[%dma_wait3A_867] : memref<720xi32, #tpu.memory_space<vmem>> -> memref<48xi32, #tpu.memory_space<vmem>>
    %dma_wait3A_869 = arith.constant 0 : i32
    %dma_wait3A_870 = arith.constant 0 : i32
    %dma_wait3A_871 = tpu.memref_slice %arg2[%select_n3A, %dma_wait3A_869, %dma_wait3A_870] : memref<4x8192x1024xf32, #tpu.memory_space<hbm>> -> memref<1x8192x1024xf32, #tpu.memory_space<hbm>>
    %dma_wait3A_872 = tpu.memref_squeeze %dma_wait3A_871 : memref<1x8192x1024xf32, #tpu.memory_space<hbm>> -> memref<8192x1024xf32, #tpu.memory_space<hbm>>
    %dma_wait3A_873 = arith.constant 0 : i32
    %dma_wait3A_874 = arith.constant 0 : i32
    %dma_wait3A_875 = tpu.memref_slice %dma_wait3A_872[%dma_wait3A_873, %dma_wait3A_874] : memref<8192x1024xf32, #tpu.memory_space<hbm>> -> memref<8192x1024xf32, #tpu.memory_space<hbm>>
    tpu.wait_indirect_dma semaphore(%arg11 : memref<!tpu.dma_semaphore, #tpu.memory_space<semaphore_mem>>) src(%dma_wait3A_875 : memref<8192x1024xf32, #tpu.memory_space<hbm>>) dst(%arg8 : memref<48x1024xf32, #tpu.memory_space<vmem>>)
    %dma_start3A_876 = arith.constant 0 : i32
    %dma_start3A_877 = arith.constant 0 : i32
    %dma_start3A_878 = tpu.memref_slice %arg4[%select_n3A, %dma_start3A_876, %dma_start3A_877] : memref<4x5734x1024xf32, #tpu.memory_space<hbm>> -> memref<1x5734x1024xf32, #tpu.memory_space<hbm>>
    %dma_start3A_879 = tpu.memref_squeeze %dma_start3A_878 : memref<1x5734x1024xf32, #tpu.memory_space<hbm>> -> memref<5734x1024xf32, #tpu.memory_space<hbm>>
    %dma_start3A_880 = arith.constant 0 : i32
    %dma_start3A_881 = arith.constant 0 : i32
    %dma_start3A_882 = tpu.memref_slice %dma_start3A_879[%dma_start3A_880, %dma_start3A_881] : memref<5734x1024xf32, #tpu.memory_space<hbm>> -> memref<5734x1024xf32, #tpu.memory_space<hbm>>
    tpu.enqueue_indirect_dma source(%arg8 : memref<48x1024xf32, #tpu.memory_space<vmem>>) target(%dma_start3A_882 : memref<5734x1024xf32, #tpu.memory_space<hbm>>) offsets(%arg6 : memref<48xi32, #tpu.memory_space<vmem>>) semaphore(%arg13 : memref<!tpu.dma_semaphore, #tpu.memory_space<semaphore_mem>>)
    %dma_wait3A_883 = arith.constant 0 : i32
    %dma_wait3A_884 = arith.constant 0 : i32
    %dma_wait3A_885 = tpu.memref_slice %arg4[%select_n3A, %dma_wait3A_883, %dma_wait3A_884] : memref<4x5734x1024xf32, #tpu.memory_space<hbm>> -> memref<1x5734x1024xf32, #tpu.memory_space<hbm>>
    %dma_wait3A_886 = tpu.memref_squeeze %dma_wait3A_885 : memref<1x5734x1024xf32, #tpu.memory_space<hbm>> -> memref<5734x1024xf32, #tpu.memory_space<hbm>>
    %dma_wait3A_887 = arith.constant 0 : i32
    %dma_wait3A_888 = arith.constant 0 : i32
    %dma_wait3A_889 = tpu.memref_slice %dma_wait3A_886[%dma_wait3A_887, %dma_wait3A_888] : memref<5734x1024xf32, #tpu.memory_space<hbm>> -> memref<5734x1024xf32, #tpu.memory_space<hbm>>
    tpu.wait_indirect_dma semaphore(%arg13 : memref<!tpu.dma_semaphore, #tpu.memory_space<semaphore_mem>>) src(%arg8 : memref<48x1024xf32, #tpu.memory_space<vmem>>) dst(%dma_wait3A_889 : memref<5734x1024xf32, #tpu.memory_space<hbm>>)
    %dma_start3A_890 = arith.constant 96 : i32
    %dma_start3A_891 = tpu.memref_slice %arg5[%dma_start3A_890] : memref<720xi32, #tpu.memory_space<vmem>> -> memref<48xi32, #tpu.memory_space<vmem>>
    %dma_start3A_892 = arith.constant 0 : i32
    %dma_start3A_893 = arith.constant 0 : i32
    %dma_start3A_894 = tpu.memref_slice %arg2[%select_n3A_118, %dma_start3A_892, %dma_start3A_893] : memref<4x8192x1024xf32, #tpu.memory_space<hbm>> -> memref<1x8192x1024xf32, #tpu.memory_space<hbm>>
    %dma_start3A_895 = tpu.memref_squeeze %dma_start3A_894 : memref<1x8192x1024xf32, #tpu.memory_space<hbm>> -> memref<8192x1024xf32, #tpu.memory_space<hbm>>
    %dma_start3A_896 = arith.constant 0 : i32
    %dma_start3A_897 = arith.constant 0 : i32
    %dma_start3A_898 = tpu.memref_slice %dma_start3A_895[%dma_start3A_896, %dma_start3A_897] : memref<8192x1024xf32, #tpu.memory_space<hbm>> -> memref<8192x1024xf32, #tpu.memory_space<hbm>>
    tpu.enqueue_indirect_dma source(%dma_start3A_898 : memref<8192x1024xf32, #tpu.memory_space<hbm>>) target(%arg8 : memref<48x1024xf32, #tpu.memory_space<vmem>>) offsets(%dma_start3A_891 : memref<48xi32, #tpu.memory_space<vmem>>) semaphore(%arg11 : memref<!tpu.dma_semaphore, #tpu.memory_space<semaphore_mem>>)
    %add3A_899 = arith.constant 0 : i32
    %add3A_900 = arith.addi %select_n3A_84, %add3A_899 : i32
    %iota3A_901 = tpu.iota {dimensions = array<i32: 0>} : vector<16xi32>
    %add3A_902 = vector.broadcast %add3A_900 : i32 to vector<16xi32>
    %add3A_903 = arith.addi %add3A_902, %iota3A_901 : vector<16xi32>
    %swap3A_904 = arith.constant 0 : index
    %swap3A_905 = tpu.vector_load %arg7[%swap3A_904] {strides = array<i32>} : memref<48xi32, #tpu.memory_space<vmem>>, vector<16xi32>,
    tpu.vector_store %arg7[%swap3A_904], %add3A_903 {strides = array<i32>} : memref<48xi32, #tpu.memory_space<vmem>>, vector<16xi32>,
    %add3A_906 = arith.constant 16 : i32
    %add3A_907 = arith.addi %select_n3A_84, %add3A_906 : i32
    %iota3A_908 = tpu.iota {dimensions = array<i32: 0>} : vector<16xi32>
    %add3A_909 = vector.broadcast %add3A_907 : i32 to vector<16xi32>
    %add3A_910 = arith.addi %add3A_909, %iota3A_908 : vector<16xi32>
    %swap3A_911 = arith.constant 16 : index
    %swap3A_912 = tpu.vector_load %arg7[%swap3A_911] {strides = array<i32>} : memref<48xi32, #tpu.memory_space<vmem>>, vector<16xi32>,
    tpu.vector_store %arg7[%swap3A_911], %add3A_910 {strides = array<i32>} : memref<48xi32, #tpu.memory_space<vmem>>, vector<16xi32>,
    %add3A_913 = arith.constant 32 : i32
    %add3A_914 = arith.addi %select_n3A_84, %add3A_913 : i32
    %iota3A_915 = tpu.iota {dimensions = array<i32: 0>} : vector<16xi32>
    %add3A_916 = vector.broadcast %add3A_914 : i32 to vector<16xi32>
    %add3A_917 = arith.addi %add3A_916, %iota3A_915 : vector<16xi32>
    %swap3A_918 = arith.constant 32 : index
    %swap3A_919 = tpu.vector_load %arg7[%swap3A_918] {strides = array<i32>} : memref<48xi32, #tpu.memory_space<vmem>>, vector<16xi32>,
    tpu.vector_store %arg7[%swap3A_918], %add3A_917 {strides = array<i32>} : memref<48xi32, #tpu.memory_space<vmem>>, vector<16xi32>,
    %dma_wait3A_920 = arith.constant 48 : i32
    %dma_wait3A_921 = tpu.memref_slice %arg5[%dma_wait3A_920] : memref<720xi32, #tpu.memory_space<vmem>> -> memref<48xi32, #tpu.memory_space<vmem>>
    %dma_wait3A_922 = arith.constant 0 : i32
    %dma_wait3A_923 = arith.constant 0 : i32
    %dma_wait3A_924 = tpu.memref_slice %arg2[%select_n3A_68, %dma_wait3A_922, %dma_wait3A_923] : memref<4x8192x1024xf32, #tpu.memory_space<hbm>> -> memref<1x8192x1024xf32, #tpu.memory_space<hbm>>
    %dma_wait3A_925 = tpu.memref_squeeze %dma_wait3A_924 : memref<1x8192x1024xf32, #tpu.memory_space<hbm>> -> memref<8192x1024xf32, #tpu.memory_space<hbm>>
    %dma_wait3A_926 = arith.constant 0 : i32
    %dma_wait3A_927 = arith.constant 0 : i32
    %dma_wait3A_928 = tpu.memref_slice %dma_wait3A_925[%dma_wait3A_926, %dma_wait3A_927] : memref<8192x1024xf32, #tpu.memory_space<hbm>> -> memref<8192x1024xf32, #tpu.memory_space<hbm>>
    tpu.wait_indirect_dma semaphore(%arg12 : memref<!tpu.dma_semaphore, #tpu.memory_space<semaphore_mem>>) src(%dma_wait3A_928 : memref<8192x1024xf32, #tpu.memory_space<hbm>>) dst(%arg9 : memref<48x1024xf32, #tpu.memory_space<vmem>>)
    %dma_start3A_929 = arith.constant 0 : i32
    %dma_start3A_930 = arith.constant 0 : i32
    %dma_start3A_931 = tpu.memref_slice %arg4[%select_n3A_68, %dma_start3A_929, %dma_start3A_930] : memref<4x5734x1024xf32, #tpu.memory_space<hbm>> -> memref<1x5734x1024xf32, #tpu.memory_space<hbm>>
    %dma_start3A_932 = tpu.memref_squeeze %dma_start3A_931 : memref<1x5734x1024xf32, #tpu.memory_space<hbm>> -> memref<5734x1024xf32, #tpu.memory_space<hbm>>
    %dma_start3A_933 = arith.constant 0 : i32
    %dma_start3A_934 = arith.constant 0 : i32
    %dma_start3A_935 = tpu.memref_slice %dma_start3A_932[%dma_start3A_933, %dma_start3A_934] : memref<5734x1024xf32, #tpu.memory_space<hbm>> -> memref<5734x1024xf32, #tpu.memory_space<hbm>>
    tpu.enqueue_indirect_dma source(%arg9 : memref<48x1024xf32, #tpu.memory_space<vmem>>) target(%dma_start3A_935 : memref<5734x1024xf32, #tpu.memory_space<hbm>>) offsets(%arg7 : memref<48xi32, #tpu.memory_space<vmem>>) semaphore(%arg14 : memref<!tpu.dma_semaphore, #tpu.memory_space<semaphore_mem>>)
    %dma_wait3A_936 = arith.constant 0 : i32
    %dma_wait3A_937 = arith.constant 0 : i32
    %dma_wait3A_938 = tpu.memref_slice %arg4[%select_n3A_68, %dma_wait3A_936, %dma_wait3A_937] : memref<4x5734x1024xf32, #tpu.memory_space<hbm>> -> memref<1x5734x1024xf32, #tpu.memory_space<hbm>>
    %dma_wait3A_939 = tpu.memref_squeeze %dma_wait3A_938 : memref<1x5734x1024xf32, #tpu.memory_space<hbm>> -> memref<5734x1024xf32, #tpu.memory_space<hbm>>
    %dma_wait3A_940 = arith.constant 0 : i32
    %dma_wait3A_941 = arith.constant 0 : i32
    %dma_wait3A_942 = tpu.memref_slice %dma_wait3A_939[%dma_wait3A_940, %dma_wait3A_941] : memref<5734x1024xf32, #tpu.memory_space<hbm>> -> memref<5734x1024xf32, #tpu.memory_space<hbm>>
    tpu.wait_indirect_dma semaphore(%arg14 : memref<!tpu.dma_semaphore, #tpu.memory_space<semaphore_mem>>) src(%arg9 : memref<48x1024xf32, #tpu.memory_space<vmem>>) dst(%dma_wait3A_942 : memref<5734x1024xf32, #tpu.memory_space<hbm>>)
    %dma_start3A_943 = arith.constant 144 : i32
    %dma_start3A_944 = tpu.memref_slice %arg5[%dma_start3A_943] : memref<720xi32, #tpu.memory_space<vmem>> -> memref<48xi32, #tpu.memory_space<vmem>>
    %dma_start3A_945 = arith.constant 0 : i32
    %dma_start3A_946 = arith.constant 0 : i32
    %dma_start3A_947 = tpu.memref_slice %arg2[%select_n3A_168, %dma_start3A_945, %dma_start3A_946] : memref<4x8192x1024xf32, #tpu.memory_space<hbm>> -> memref<1x8192x1024xf32, #tpu.memory_space<hbm>>
    %dma_start3A_948 = tpu.memref_squeeze %dma_start3A_947 : memref<1x8192x1024xf32, #tpu.memory_space<hbm>> -> memref<8192x1024xf32, #tpu.memory_space<hbm>>
    %dma_start3A_949 = arith.constant 0 : i32
    %dma_start3A_950 = arith.constant 0 : i32
    %dma_start3A_951 = tpu.memref_slice %dma_start3A_948[%dma_start3A_949, %dma_start3A_950] : memref<8192x1024xf32, #tpu.memory_space<hbm>> -> memref<8192x1024xf32, #tpu.memory_space<hbm>>
    tpu.enqueue_indirect_dma source(%dma_start3A_951 : memref<8192x1024xf32, #tpu.memory_space<hbm>>) target(%arg9 : memref<48x1024xf32, #tpu.memory_space<vmem>>) offsets(%dma_start3A_944 : memref<48xi32, #tpu.memory_space<vmem>>) semaphore(%arg12 : memref<!tpu.dma_semaphore, #tpu.memory_space<semaphore_mem>>)
    %add3A_952 = arith.constant 0 : i32
    %add3A_953 = arith.addi %select_n3A_134, %add3A_952 : i32
    %iota3A_954 = tpu.iota {dimensions = array<i32: 0>} : vector<16xi32>
    %add3A_955 = vector.broadcast %add3A_953 : i32 to vector<16xi32>
    %add3A_956 = arith.addi %add3A_955, %iota3A_954 : vector<16xi32>
    %swap3A_957 = arith.constant 0 : index
    %swap3A_958 = tpu.vector_load %arg6[%swap3A_957] {strides = array<i32>} : memref<48xi32, #tpu.memory_space<vmem>>, vector<16xi32>,
    tpu.vector_store %arg6[%swap3A_957], %add3A_956 {strides = array<i32>} : memref<48xi32, #tpu.memory_space<vmem>>, vector<16xi32>,
    %add3A_959 = arith.constant 16 : i32
    %add3A_960 = arith.addi %select_n3A_134, %add3A_959 : i32
    %iota3A_961 = tpu.iota {dimensions = array<i32: 0>} : vector<16xi32>
    %add3A_962 = vector.broadcast %add3A_960 : i32 to vector<16xi32>
    %add3A_963 = arith.addi %add3A_962, %iota3A_961 : vector<16xi32>
    %swap3A_964 = arith.constant 16 : index
    %swap3A_965 = tpu.vector_load %arg6[%swap3A_964] {strides = array<i32>} : memref<48xi32, #tpu.memory_space<vmem>>, vector<16xi32>,
    tpu.vector_store %arg6[%swap3A_964], %add3A_963 {strides = array<i32>} : memref<48xi32, #tpu.memory_space<vmem>>, vector<16xi32>,
    %add3A_966 = arith.constant 32 : i32
    %add3A_967 = arith.addi %select_n3A_134, %add3A_966 : i32
    %iota3A_968 = tpu.iota {dimensions = array<i32: 0>} : vector<16xi32>
    %add3A_969 = vector.broadcast %add3A_967 : i32 to vector<16xi32>
    %add3A_970 = arith.addi %add3A_969, %iota3A_968 : vector<16xi32>
    %swap3A_971 = arith.constant 32 : index
    %swap3A_972 = tpu.vector_load %arg6[%swap3A_971] {strides = array<i32>} : memref<48xi32, #tpu.memory_space<vmem>>, vector<16xi32>,
    tpu.vector_store %arg6[%swap3A_971], %add3A_970 {strides = array<i32>} : memref<48xi32, #tpu.memory_space<vmem>>, vector<16xi32>,
    %dma_wait3A_973 = arith.constant 96 : i32
    %dma_wait3A_974 = tpu.memref_slice %arg5[%dma_wait3A_973] : memref<720xi32, #tpu.memory_space<vmem>> -> memref<48xi32, #tpu.memory_space<vmem>>
    %dma_wait3A_975 = arith.constant 0 : i32
    %dma_wait3A_976 = arith.constant 0 : i32
    %dma_wait3A_977 = tpu.memref_slice %arg2[%select_n3A_118, %dma_wait3A_975, %dma_wait3A_976] : memref<4x8192x1024xf32, #tpu.memory_space<hbm>> -> memref<1x8192x1024xf32, #tpu.memory_space<hbm>>
    %dma_wait3A_978 = tpu.memref_squeeze %dma_wait3A_977 : memref<1x8192x1024xf32, #tpu.memory_space<hbm>> -> memref<8192x1024xf32, #tpu.memory_space<hbm>>
    %dma_wait3A_979 = arith.constant 0 : i32
    %dma_wait3A_980 = arith.constant 0 : i32
    %dma_wait3A_981 = tpu.memref_slice %dma_wait3A_978[%dma_wait3A_979, %dma_wait3A_980] : memref<8192x1024xf32, #tpu.memory_space<hbm>> -> memref<8192x1024xf32, #tpu.memory_space<hbm>>
    tpu.wait_indirect_dma semaphore(%arg11 : memref<!tpu.dma_semaphore, #tpu.memory_space<semaphore_mem>>) src(%dma_wait3A_981 : memref<8192x1024xf32, #tpu.memory_space<hbm>>) dst(%arg8 : memref<48x1024xf32, #tpu.memory_space<vmem>>)
    %dma_start3A_982 = arith.constant 0 : i32
    %dma_start3A_983 = arith.constant 0 : i32
    %dma_start3A_984 = tpu.memref_slice %arg4[%select_n3A_118, %dma_start3A_982, %dma_start3A_983] : memref<4x5734x1024xf32, #tpu.memory_space<hbm>> -> memref<1x5734x1024xf32, #tpu.memory_space<hbm>>
    %dma_start3A_985 = tpu.memref_squeeze %dma_start3A_984 : memref<1x5734x1024xf32, #tpu.memory_space<hbm>> -> memref<5734x1024xf32, #tpu.memory_space<hbm>>
    %dma_start3A_986 = arith.constant 0 : i32
    %dma_start3A_987 = arith.constant 0 : i32
    %dma_start3A_988 = tpu.memref_slice %dma_start3A_985[%dma_start3A_986, %dma_start3A_987] : memref<5734x1024xf32, #tpu.memory_space<hbm>> -> memref<5734x1024xf32, #tpu.memory_space<hbm>>
    tpu.enqueue_indirect_dma source(%arg8 : memref<48x1024xf32, #tpu.memory_space<vmem>>) target(%dma_start3A_988 : memref<5734x1024xf32, #tpu.memory_space<hbm>>) offsets(%arg6 : memref<48xi32, #tpu.memory_space<vmem>>) semaphore(%arg13 : memref<!tpu.dma_semaphore, #tpu.memory_space<semaphore_mem>>)
    %dma_wait3A_989 = arith.constant 0 : i32
    %dma_wait3A_990 = arith.constant 0 : i32
    %dma_wait3A_991 = tpu.memref_slice %arg4[%select_n3A_118, %dma_wait3A_989, %dma_wait3A_990] : memref<4x5734x1024xf32, #tpu.memory_space<hbm>> -> memref<1x5734x1024xf32, #tpu.memory_space<hbm>>
    %dma_wait3A_992 = tpu.memref_squeeze %dma_wait3A_991 : memref<1x5734x1024xf32, #tpu.memory_space<hbm>> -> memref<5734x1024xf32, #tpu.memory_space<hbm>>
    %dma_wait3A_993 = arith.constant 0 : i32
    %dma_wait3A_994 = arith.constant 0 : i32
    %dma_wait3A_995 = tpu.memref_slice %dma_wait3A_992[%dma_wait3A_993, %dma_wait3A_994] : memref<5734x1024xf32, #tpu.memory_space<hbm>> -> memref<5734x1024xf32, #tpu.memory_space<hbm>>
    tpu.wait_indirect_dma semaphore(%arg13 : memref<!tpu.dma_semaphore, #tpu.memory_space<semaphore_mem>>) src(%arg8 : memref<48x1024xf32, #tpu.memory_space<vmem>>) dst(%dma_wait3A_995 : memref<5734x1024xf32, #tpu.memory_space<hbm>>)
    %dma_start3A_996 = arith.constant 192 : i32
    %dma_start3A_997 = tpu.memref_slice %arg5[%dma_start3A_996] : memref<720xi32, #tpu.memory_space<vmem>> -> memref<48xi32, #tpu.memory_space<vmem>>
    %dma_start3A_998 = arith.constant 0 : i32
    %dma_start3A_999 = arith.constant 0 : i32
    %dma_start3A_1000 = tpu.memref_slice %arg2[%select_n3A_218, %dma_start3A_998, %dma_start3A_999] : memref<4x8192x1024xf32, #tpu.memory_space<hbm>> -> memref<1x8192x1024xf32, #tpu.memory_space<hbm>>
    %dma_start3A_1001 = tpu.memref_squeeze %dma_start3A_1000 : memref<1x8192x1024xf32, #tpu.memory_space<hbm>> -> memref<8192x1024xf32, #tpu.memory_space<hbm>>
    %dma_start3A_1002 = arith.constant 0 : i32
    %dma_start3A_1003 = arith.constant 0 : i32
    %dma_start3A_1004 = tpu.memref_slice %dma_start3A_1001[%dma_start3A_1002, %dma_start3A_1003] : memref<8192x1024xf32, #tpu.memory_space<hbm>> -> memref<8192x1024xf32, #tpu.memory_space<hbm>>
    tpu.enqueue_indirect_dma source(%dma_start3A_1004 : memref<8192x1024xf32, #tpu.memory_space<hbm>>) target(%arg8 : memref<48x1024xf32, #tpu.memory_space<vmem>>) offsets(%dma_start3A_997 : memref<48xi32, #tpu.memory_space<vmem>>) semaphore(%arg11 : memref<!tpu.dma_semaphore, #tpu.memory_space<semaphore_mem>>)
    %add3A_1005 = arith.constant 0 : i32
    %add3A_1006 = arith.addi %select_n3A_184, %add3A_1005 : i32
    %iota3A_1007 = tpu.iota {dimensions = array<i32: 0>} : vector<16xi32>
    %add3A_1008 = vector.broadcast %add3A_1006 : i32 to vector<16xi32>
    %add3A_1009 = arith.addi %add3A_1008, %iota3A_1007 : vector<16xi32>
    %swap3A_1010 = arith.constant 0 : index
    %swap3A_1011 = tpu.vector_load %arg7[%swap3A_1010] {strides = array<i32>} : memref<48xi32, #tpu.memory_space<vmem>>, vector<16xi32>,
    tpu.vector_store %arg7[%swap3A_1010], %add3A_1009 {strides = array<i32>} : memref<48xi32, #tpu.memory_space<vmem>>, vector<16xi32>,
    %add3A_1012 = arith.constant 16 : i32
    %add3A_1013 = arith.addi %select_n3A_184, %add3A_1012 : i32
    %iota3A_1014 = tpu.iota {dimensions = array<i32: 0>} : vector<16xi32>
    %add3A_1015 = vector.broadcast %add3A_1013 : i32 to vector<16xi32>
    %add3A_1016 = arith.addi %add3A_1015, %iota3A_1014 : vector<16xi32>
    %swap3A_1017 = arith.constant 16 : index
    %swap3A_1018 = tpu.vector_load %arg7[%swap3A_1017] {strides = array<i32>} : memref<48xi32, #tpu.memory_space<vmem>>, vector<16xi32>,
    tpu.vector_store %arg7[%swap3A_1017], %add3A_1016 {strides = array<i32>} : memref<48xi32, #tpu.memory_space<vmem>>, vector<16xi32>,
    %add3A_1019 = arith.constant 32 : i32
    %add3A_1020 = arith.addi %select_n3A_184, %add3A_1019 : i32
    %iota3A_1021 = tpu.iota {dimensions = array<i32: 0>} : vector<16xi32>
    %add3A_1022 = vector.broadcast %add3A_1020 : i32 to vector<16xi32>
    %add3A_1023 = arith.addi %add3A_1022, %iota3A_1021 : vector<16xi32>
    %swap3A_1024 = arith.constant 32 : index
    %swap3A_1025 = tpu.vector_load %arg7[%swap3A_1024] {strides = array<i32>} : memref<48xi32, #tpu.memory_space<vmem>>, vector<16xi32>,
    tpu.vector_store %arg7[%swap3A_1024], %add3A_1023 {strides = array<i32>} : memref<48xi32, #tpu.memory_space<vmem>>, vector<16xi32>,
    %dma_wait3A_1026 = arith.constant 144 : i32
    %dma_wait3A_1027 = tpu.memref_slice %arg5[%dma_wait3A_1026] : memref<720xi32, #tpu.memory_space<vmem>> -> memref<48xi32, #tpu.memory_space<vmem>>
    %dma_wait3A_1028 = arith.constant 0 : i32
    %dma_wait3A_1029 = arith.constant 0 : i32
    %dma_wait3A_1030 = tpu.memref_slice %arg2[%select_n3A_168, %dma_wait3A_1028, %dma_wait3A_1029] : memref<4x8192x1024xf32, #tpu.memory_space<hbm>> -> memref<1x8192x1024xf32, #tpu.memory_space<hbm>>
    %dma_wait3A_1031 = tpu.memref_squeeze %dma_wait3A_1030 : memref<1x8192x1024xf32, #tpu.memory_space<hbm>> -> memref<8192x1024xf32, #tpu.memory_space<hbm>>
    %dma_wait3A_1032 = arith.constant 0 : i32
    %dma_wait3A_1033 = arith.constant 0 : i32
    %dma_wait3A_1034 = tpu.memref_slice %dma_wait3A_1031[%dma_wait3A_1032, %dma_wait3A_1033] : memref<8192x1024xf32, #tpu.memory_space<hbm>> -> memref<8192x1024xf32, #tpu.memory_space<hbm>>
    tpu.wait_indirect_dma semaphore(%arg12 : memref<!tpu.dma_semaphore, #tpu.memory_space<semaphore_mem>>) src(%dma_wait3A_1034 : memref<8192x1024xf32, #tpu.memory_space<hbm>>) dst(%arg9 : memref<48x1024xf32, #tpu.memory_space<vmem>>)
    %dma_start3A_1035 = arith.constant 0 : i32
    %dma_start3A_1036 = arith.constant 0 : i32
    %dma_start3A_1037 = tpu.memref_slice %arg4[%select_n3A_168, %dma_start3A_1035, %dma_start3A_1036] : memref<4x5734x1024xf32, #tpu.memory_space<hbm>> -> memref<1x5734x1024xf32, #tpu.memory_space<hbm>>
    %dma_start3A_1038 = tpu.memref_squeeze %dma_start3A_1037 : memref<1x5734x1024xf32, #tpu.memory_space<hbm>> -> memref<5734x1024xf32, #tpu.memory_space<hbm>>
    %dma_start3A_1039 = arith.constant 0 : i32
    %dma_start3A_1040 = arith.constant 0 : i32
    %dma_start3A_1041 = tpu.memref_slice %dma_start3A_1038[%dma_start3A_1039, %dma_start3A_1040] : memref<5734x1024xf32, #tpu.memory_space<hbm>> -> memref<5734x1024xf32, #tpu.memory_space<hbm>>
    tpu.enqueue_indirect_dma source(%arg9 : memref<48x1024xf32, #tpu.memory_space<vmem>>) target(%dma_start3A_1041 : memref<5734x1024xf32, #tpu.memory_space<hbm>>) offsets(%arg7 : memref<48xi32, #tpu.memory_space<vmem>>) semaphore(%arg14 : memref<!tpu.dma_semaphore, #tpu.memory_space<semaphore_mem>>)
    %dma_wait3A_1042 = arith.constant 0 : i32
    %dma_wait3A_1043 = arith.constant 0 : i32
    %dma_wait3A_1044 = tpu.memref_slice %arg4[%select_n3A_168, %dma_wait3A_1042, %dma_wait3A_1043] : memref<4x5734x1024xf32, #tpu.memory_space<hbm>> -> memref<1x5734x1024xf32, #tpu.memory_space<hbm>>
    %dma_wait3A_1045 = tpu.memref_squeeze %dma_wait3A_1044 : memref<1x5734x1024xf32, #tpu.memory_space<hbm>> -> memref<5734x1024xf32, #tpu.memory_space<hbm>>
    %dma_wait3A_1046 = arith.constant 0 : i32
    %dma_wait3A_1047 = arith.constant 0 : i32
    %dma_wait3A_1048 = tpu.memref_slice %dma_wait3A_1045[%dma_wait3A_1046, %dma_wait3A_1047] : memref<5734x1024xf32, #tpu.memory_space<hbm>> -> memref<5734x1024xf32, #tpu.memory_space<hbm>>
    tpu.wait_indirect_dma semaphore(%arg14 : memref<!tpu.dma_semaphore, #tpu.memory_space<semaphore_mem>>) src(%arg9 : memref<48x1024xf32, #tpu.memory_space<vmem>>) dst(%dma_wait3A_1048 : memref<5734x1024xf32, #tpu.memory_space<hbm>>)
    %dma_start3A_1049 = arith.constant 240 : i32
    %dma_start3A_1050 = tpu.memref_slice %arg5[%dma_start3A_1049] : memref<720xi32, #tpu.memory_space<vmem>> -> memref<48xi32, #tpu.memory_space<vmem>>
    %dma_start3A_1051 = arith.constant 0 : i32
    %dma_start3A_1052 = arith.constant 0 : i32
    %dma_start3A_1053 = tpu.memref_slice %arg2[%select_n3A_268, %dma_start3A_1051, %dma_start3A_1052] : memref<4x8192x1024xf32, #tpu.memory_space<hbm>> -> memref<1x8192x1024xf32, #tpu.memory_space<hbm>>
    %dma_start3A_1054 = tpu.memref_squeeze %dma_start3A_1053 : memref<1x8192x1024xf32, #tpu.memory_space<hbm>> -> memref<8192x1024xf32, #tpu.memory_space<hbm>>
    %dma_start3A_1055 = arith.constant 0 : i32
    %dma_start3A_1056 = arith.constant 0 : i32
    %dma_start3A_1057 = tpu.memref_slice %dma_start3A_1054[%dma_start3A_1055, %dma_start3A_1056] : memref<8192x1024xf32, #tpu.memory_space<hbm>> -> memref<8192x1024xf32, #tpu.memory_space<hbm>>
    tpu.enqueue_indirect_dma source(%dma_start3A_1057 : memref<8192x1024xf32, #tpu.memory_space<hbm>>) target(%arg9 : memref<48x1024xf32, #tpu.memory_space<vmem>>) offsets(%dma_start3A_1050 : memref<48xi32, #tpu.memory_space<vmem>>) semaphore(%arg12 : memref<!tpu.dma_semaphore, #tpu.memory_space<semaphore_mem>>)
    %add3A_1058 = arith.constant 0 : i32
    %add3A_1059 = arith.addi %select_n3A_234, %add3A_1058 : i32
    %iota3A_1060 = tpu.iota {dimensions = array<i32: 0>} : vector<16xi32>
    %add3A_1061 = vector.broadcast %add3A_1059 : i32 to vector<16xi32>
    %add3A_1062 = arith.addi %add3A_1061, %iota3A_1060 : vector<16xi32>
    %swap3A_1063 = arith.constant 0 : index
    %swap3A_1064 = tpu.vector_load %arg6[%swap3A_1063] {strides = array<i32>} : memref<48xi32, #tpu.memory_space<vmem>>, vector<16xi32>,
    tpu.vector_store %arg6[%swap3A_1063], %add3A_1062 {strides = array<i32>} : memref<48xi32, #tpu.memory_space<vmem>>, vector<16xi32>,
    %add3A_1065 = arith.constant 16 : i32
    %add3A_1066 = arith.addi %select_n3A_234, %add3A_1065 : i32
    %iota3A_1067 = tpu.iota {dimensions = array<i32: 0>} : vector<16xi32>
    %add3A_1068 = vector.broadcast %add3A_1066 : i32 to vector<16xi32>
    %add3A_1069 = arith.addi %add3A_1068, %iota3A_1067 : vector<16xi32>
    %swap3A_1070 = arith.constant 16 : index
    %swap3A_1071 = tpu.vector_load %arg6[%swap3A_1070] {strides = array<i32>} : memref<48xi32, #tpu.memory_space<vmem>>, vector<16xi32>,
    tpu.vector_store %arg6[%swap3A_1070], %add3A_1069 {strides = array<i32>} : memref<48xi32, #tpu.memory_space<vmem>>, vector<16xi32>,
    %add3A_1072 = arith.constant 32 : i32
    %add3A_1073 = arith.addi %select_n3A_234, %add3A_1072 : i32
    %iota3A_1074 = tpu.iota {dimensions = array<i32: 0>} : vector<16xi32>
    %add3A_1075 = vector.broadcast %add3A_1073 : i32 to vector<16xi32>
    %add3A_1076 = arith.addi %add3A_1075, %iota3A_1074 : vector<16xi32>
    %swap3A_1077 = arith.constant 32 : index
    %swap3A_1078 = tpu.vector_load %arg6[%swap3A_1077] {strides = array<i32>} : memref<48xi32, #tpu.memory_space<vmem>>, vector<16xi32>,
    tpu.vector_store %arg6[%swap3A_1077], %add3A_1076 {strides = array<i32>} : memref<48xi32, #tpu.memory_space<vmem>>, vector<16xi32>,
    %dma_wait3A_1079 = arith.constant 192 : i32
    %dma_wait3A_1080 = tpu.memref_slice %arg5[%dma_wait3A_1079] : memref<720xi32, #tpu.memory_space<vmem>> -> memref<48xi32, #tpu.memory_space<vmem>>
    %dma_wait3A_1081 = arith.constant 0 : i32
    %dma_wait3A_1082 = arith.constant 0 : i32
    %dma_wait3A_1083 = tpu.memref_slice %arg2[%select_n3A_218, %dma_wait3A_1081, %dma_wait3A_1082] : memref<4x8192x1024xf32, #tpu.memory_space<hbm>> -> memref<1x8192x1024xf32, #tpu.memory_space<hbm>>
    %dma_wait3A_1084 = tpu.memref_squeeze %dma_wait3A_1083 : memref<1x8192x1024xf32, #tpu.memory_space<hbm>> -> memref<8192x1024xf32, #tpu.memory_space<hbm>>
    %dma_wait3A_1085 = arith.constant 0 : i32
    %dma_wait3A_1086 = arith.constant 0 : i32
    %dma_wait3A_1087 = tpu.memref_slice %dma_wait3A_1084[%dma_wait3A_1085, %dma_wait3A_1086] : memref<8192x1024xf32, #tpu.memory_space<hbm>> -> memref<8192x1024xf32, #tpu.memory_space<hbm>>
    tpu.wait_indirect_dma semaphore(%arg11 : memref<!tpu.dma_semaphore, #tpu.memory_space<semaphore_mem>>) src(%dma_wait3A_1087 : memref<8192x1024xf32, #tpu.memory_space<hbm>>) dst(%arg8 : memref<48x1024xf32, #tpu.memory_space<vmem>>)
    %dma_start3A_1088 = arith.constant 0 : i32
    %dma_start3A_1089 = arith.constant 0 : i32
    %dma_start3A_1090 = tpu.memref_slice %arg4[%select_n3A_218, %dma_start3A_1088, %dma_start3A_1089] : memref<4x5734x1024xf32, #tpu.memory_space<hbm>> -> memref<1x5734x1024xf32, #tpu.memory_space<hbm>>
    %dma_start3A_1091 = tpu.memref_squeeze %dma_start3A_1090 : memref<1x5734x1024xf32, #tpu.memory_space<hbm>> -> memref<5734x1024xf32, #tpu.memory_space<hbm>>
    %dma_start3A_1092 = arith.constant 0 : i32
    %dma_start3A_1093 = arith.constant 0 : i32
    %dma_start3A_1094 = tpu.memref_slice %dma_start3A_1091[%dma_start3A_1092, %dma_start3A_1093] : memref<5734x1024xf32, #tpu.memory_space<hbm>> -> memref<5734x1024xf32, #tpu.memory_space<hbm>>
    tpu.enqueue_indirect_dma source(%arg8 : memref<48x1024xf32, #tpu.memory_space<vmem>>) target(%dma_start3A_1094 : memref<5734x1024xf32, #tpu.memory_space<hbm>>) offsets(%arg6 : memref<48xi32, #tpu.memory_space<vmem>>) semaphore(%arg13 : memref<!tpu.dma_semaphore, #tpu.memory_space<semaphore_mem>>)
    %dma_wait3A_1095 = arith.constant 0 : i32
    %dma_wait3A_1096 = arith.constant 0 : i32
    %dma_wait3A_1097 = tpu.memref_slice %arg4[%select_n3A_218, %dma_wait3A_1095, %dma_wait3A_1096] : memref<4x5734x1024xf32, #tpu.memory_space<hbm>> -> memref<1x5734x1024xf32, #tpu.memory_space<hbm>>
    %dma_wait3A_1098 = tpu.memref_squeeze %dma_wait3A_1097 : memref<1x5734x1024xf32, #tpu.memory_space<hbm>> -> memref<5734x1024xf32, #tpu.memory_space<hbm>>
    %dma_wait3A_1099 = arith.constant 0 : i32
    %dma_wait3A_1100 = arith.constant 0 : i32
    %dma_wait3A_1101 = tpu.memref_slice %dma_wait3A_1098[%dma_wait3A_1099, %dma_wait3A_1100] : memref<5734x1024xf32, #tpu.memory_space<hbm>> -> memref<5734x1024xf32, #tpu.memory_space<hbm>>
    tpu.wait_indirect_dma semaphore(%arg13 : memref<!tpu.dma_semaphore, #tpu.memory_space<semaphore_mem>>) src(%arg8 : memref<48x1024xf32, #tpu.memory_space<vmem>>) dst(%dma_wait3A_1101 : memref<5734x1024xf32, #tpu.memory_space<hbm>>)
    %dma_start3A_1102 = arith.constant 288 : i32
    %dma_start3A_1103 = tpu.memref_slice %arg5[%dma_start3A_1102] : memref<720xi32, #tpu.memory_space<vmem>> -> memref<48xi32, #tpu.memory_space<vmem>>
    %dma_start3A_1104 = arith.constant 0 : i32
    %dma_start3A_1105 = arith.constant 0 : i32
    %dma_start3A_1106 = tpu.memref_slice %arg2[%select_n3A_318, %dma_start3A_1104, %dma_start3A_1105] : memref<4x8192x1024xf32, #tpu.memory_space<hbm>> -> memref<1x8192x1024xf32, #tpu.memory_space<hbm>>
    %dma_start3A_1107 = tpu.memref_squeeze %dma_start3A_1106 : memref<1x8192x1024xf32, #tpu.memory_space<hbm>> -> memref<8192x1024xf32, #tpu.memory_space<hbm>>
    %dma_start3A_1108 = arith.constant 0 : i32
    %dma_start3A_1109 = arith.constant 0 : i32
    %dma_start3A_1110 = tpu.memref_slice %dma_start3A_1107[%dma_start3A_1108, %dma_start3A_1109] : memref<8192x1024xf32, #tpu.memory_space<hbm>> -> memref<8192x1024xf32, #tpu.memory_space<hbm>>
    tpu.enqueue_indirect_dma source(%dma_start3A_1110 : memref<8192x1024xf32, #tpu.memory_space<hbm>>) target(%arg8 : memref<48x1024xf32, #tpu.memory_space<vmem>>) offsets(%dma_start3A_1103 : memref<48xi32, #tpu.memory_space<vmem>>) semaphore(%arg11 : memref<!tpu.dma_semaphore, #tpu.memory_space<semaphore_mem>>)
    %add3A_1111 = arith.constant 0 : i32
    %add3A_1112 = arith.addi %select_n3A_284, %add3A_1111 : i32
    %iota3A_1113 = tpu.iota {dimensions = array<i32: 0>} : vector<16xi32>
    %add3A_1114 = vector.broadcast %add3A_1112 : i32 to vector<16xi32>
    %add3A_1115 = arith.addi %add3A_1114, %iota3A_1113 : vector<16xi32>
    %swap3A_1116 = arith.constant 0 : index
    %swap3A_1117 = tpu.vector_load %arg7[%swap3A_1116] {strides = array<i32>} : memref<48xi32, #tpu.memory_space<vmem>>, vector<16xi32>,
    tpu.vector_store %arg7[%swap3A_1116], %add3A_1115 {strides = array<i32>} : memref<48xi32, #tpu.memory_space<vmem>>, vector<16xi32>,
    %add3A_1118 = arith.constant 16 : i32
    %add3A_1119 = arith.addi %select_n3A_284, %add3A_1118 : i32
    %iota3A_1120 = tpu.iota {dimensions = array<i32: 0>} : vector<16xi32>
    %add3A_1121 = vector.broadcast %add3A_1119 : i32 to vector<16xi32>
    %add3A_1122 = arith.addi %add3A_1121, %iota3A_1120 : vector<16xi32>
    %swap3A_1123 = arith.constant 16 : index
    %swap3A_1124 = tpu.vector_load %arg7[%swap3A_1123] {strides = array<i32>} : memref<48xi32, #tpu.memory_space<vmem>>, vector<16xi32>,
    tpu.vector_store %arg7[%swap3A_1123], %add3A_1122 {strides = array<i32>} : memref<48xi32, #tpu.memory_space<vmem>>, vector<16xi32>,
    %add3A_1125 = arith.constant 32 : i32
    %add3A_1126 = arith.addi %select_n3A_284, %add3A_1125 : i32
    %iota3A_1127 = tpu.iota {dimensions = array<i32: 0>} : vector<16xi32>
    %add3A_1128 = vector.broadcast %add3A_1126 : i32 to vector<16xi32>
    %add3A_1129 = arith.addi %add3A_1128, %iota3A_1127 : vector<16xi32>
    %swap3A_1130 = arith.constant 32 : index
    %swap3A_1131 = tpu.vector_load %arg7[%swap3A_1130] {strides = array<i32>} : memref<48xi32, #tpu.memory_space<vmem>>, vector<16xi32>,
    tpu.vector_store %arg7[%swap3A_1130], %add3A_1129 {strides = array<i32>} : memref<48xi32, #tpu.memory_space<vmem>>, vector<16xi32>,
    %dma_wait3A_1132 = arith.constant 240 : i32
    %dma_wait3A_1133 = tpu.memref_slice %arg5[%dma_wait3A_1132] : memref<720xi32, #tpu.memory_space<vmem>> -> memref<48xi32, #tpu.memory_space<vmem>>
    %dma_wait3A_1134 = arith.constant 0 : i32
    %dma_wait3A_1135 = arith.constant 0 : i32
    %dma_wait3A_1136 = tpu.memref_slice %arg2[%select_n3A_268, %dma_wait3A_1134, %dma_wait3A_1135] : memref<4x8192x1024xf32, #tpu.memory_space<hbm>> -> memref<1x8192x1024xf32, #tpu.memory_space<hbm>>
    %dma_wait3A_1137 = tpu.memref_squeeze %dma_wait3A_1136 : memref<1x8192x1024xf32, #tpu.memory_space<hbm>> -> memref<8192x1024xf32, #tpu.memory_space<hbm>>
    %dma_wait3A_1138 = arith.constant 0 : i32
    %dma_wait3A_1139 = arith.constant 0 : i32
    %dma_wait3A_1140 = tpu.memref_slice %dma_wait3A_1137[%dma_wait3A_1138, %dma_wait3A_1139] : memref<8192x1024xf32, #tpu.memory_space<hbm>> -> memref<8192x1024xf32, #tpu.memory_space<hbm>>
    tpu.wait_indirect_dma semaphore(%arg12 : memref<!tpu.dma_semaphore, #tpu.memory_space<semaphore_mem>>) src(%dma_wait3A_1140 : memref<8192x1024xf32, #tpu.memory_space<hbm>>) dst(%arg9 : memref<48x1024xf32, #tpu.memory_space<vmem>>)
    %dma_start3A_1141 = arith.constant 0 : i32
    %dma_start3A_1142 = arith.constant 0 : i32
    %dma_start3A_1143 = tpu.memref_slice %arg4[%select_n3A_268, %dma_start3A_1141, %dma_start3A_1142] : memref<4x5734x1024xf32, #tpu.memory_space<hbm>> -> memref<1x5734x1024xf32, #tpu.memory_space<hbm>>
    %dma_start3A_1144 = tpu.memref_squeeze %dma_start3A_1143 : memref<1x5734x1024xf32, #tpu.memory_space<hbm>> -> memref<5734x1024xf32, #tpu.memory_space<hbm>>
    %dma_start3A_1145 = arith.constant 0 : i32
    %dma_start3A_1146 = arith.constant 0 : i32
    %dma_start3A_1147 = tpu.memref_slice %dma_start3A_1144[%dma_start3A_1145, %dma_start3A_1146] : memref<5734x1024xf32, #tpu.memory_space<hbm>> -> memref<5734x1024xf32, #tpu.memory_space<hbm>>
    tpu.enqueue_indirect_dma source(%arg9 : memref<48x1024xf32, #tpu.memory_space<vmem>>) target(%dma_start3A_1147 : memref<5734x1024xf32, #tpu.memory_space<hbm>>) offsets(%arg7 : memref<48xi32, #tpu.memory_space<vmem>>) semaphore(%arg14 : memref<!tpu.dma_semaphore, #tpu.memory_space<semaphore_mem>>)
    %dma_wait3A_1148 = arith.constant 0 : i32
    %dma_wait3A_1149 = arith.constant 0 : i32
    %dma_wait3A_1150 = tpu.memref_slice %arg4[%select_n3A_268, %dma_wait3A_1148, %dma_wait3A_1149] : memref<4x5734x1024xf32, #tpu.memory_space<hbm>> -> memref<1x5734x1024xf32, #tpu.memory_space<hbm>>
    %dma_wait3A_1151 = tpu.memref_squeeze %dma_wait3A_1150 : memref<1x5734x1024xf32, #tpu.memory_space<hbm>> -> memref<5734x1024xf32, #tpu.memory_space<hbm>>
    %dma_wait3A_1152 = arith.constant 0 : i32
    %dma_wait3A_1153 = arith.constant 0 : i32
    %dma_wait3A_1154 = tpu.memref_slice %dma_wait3A_1151[%dma_wait3A_1152, %dma_wait3A_1153] : memref<5734x1024xf32, #tpu.memory_space<hbm>> -> memref<5734x1024xf32, #tpu.memory_space<hbm>>
    tpu.wait_indirect_dma semaphore(%arg14 : memref<!tpu.dma_semaphore, #tpu.memory_space<semaphore_mem>>) src(%arg9 : memref<48x1024xf32, #tpu.memory_space<vmem>>) dst(%dma_wait3A_1154 : memref<5734x1024xf32, #tpu.memory_space<hbm>>)
    %dma_start3A_1155 = arith.constant 336 : i32
    %dma_start3A_1156 = tpu.memref_slice %arg5[%dma_start3A_1155] : memref<720xi32, #tpu.memory_space<vmem>> -> memref<48xi32, #tpu.memory_space<vmem>>
    %dma_start3A_1157 = arith.constant 0 : i32
    %dma_start3A_1158 = arith.constant 0 : i32
    %dma_start3A_1159 = tpu.memref_slice %arg2[%select_n3A_368, %dma_start3A_1157, %dma_start3A_1158] : memref<4x8192x1024xf32, #tpu.memory_space<hbm>> -> memref<1x8192x1024xf32, #tpu.memory_space<hbm>>
    %dma_start3A_1160 = tpu.memref_squeeze %dma_start3A_1159 : memref<1x8192x1024xf32, #tpu.memory_space<hbm>> -> memref<8192x1024xf32, #tpu.memory_space<hbm>>
    %dma_start3A_1161 = arith.constant 0 : i32
    %dma_start3A_1162 = arith.constant 0 : i32
    %dma_start3A_1163 = tpu.memref_slice %dma_start3A_1160[%dma_start3A_1161, %dma_start3A_1162] : memref<8192x1024xf32, #tpu.memory_space<hbm>> -> memref<8192x1024xf32, #tpu.memory_space<hbm>>
    tpu.enqueue_indirect_dma source(%dma_start3A_1163 : memref<8192x1024xf32, #tpu.memory_space<hbm>>) target(%arg9 : memref<48x1024xf32, #tpu.memory_space<vmem>>) offsets(%dma_start3A_1156 : memref<48xi32, #tpu.memory_space<vmem>>) semaphore(%arg12 : memref<!tpu.dma_semaphore, #tpu.memory_space<semaphore_mem>>)
    %add3A_1164 = arith.constant 0 : i32
    %add3A_1165 = arith.addi %select_n3A_334, %add3A_1164 : i32
    %iota3A_1166 = tpu.iota {dimensions = array<i32: 0>} : vector<16xi32>
    %add3A_1167 = vector.broadcast %add3A_1165 : i32 to vector<16xi32>
    %add3A_1168 = arith.addi %add3A_1167, %iota3A_1166 : vector<16xi32>
    %swap3A_1169 = arith.constant 0 : index
    %swap3A_1170 = tpu.vector_load %arg6[%swap3A_1169] {strides = array<i32>} : memref<48xi32, #tpu.memory_space<vmem>>, vector<16xi32>,
    tpu.vector_store %arg6[%swap3A_1169], %add3A_1168 {strides = array<i32>} : memref<48xi32, #tpu.memory_space<vmem>>, vector<16xi32>,
    %add3A_1171 = arith.constant 16 : i32
    %add3A_1172 = arith.addi %select_n3A_334, %add3A_1171 : i32
    %iota3A_1173 = tpu.iota {dimensions = array<i32: 0>} : vector<16xi32>
    %add3A_1174 = vector.broadcast %add3A_1172 : i32 to vector<16xi32>
    %add3A_1175 = arith.addi %add3A_1174, %iota3A_1173 : vector<16xi32>
    %swap3A_1176 = arith.constant 16 : index
    %swap3A_1177 = tpu.vector_load %arg6[%swap3A_1176] {strides = array<i32>} : memref<48xi32, #tpu.memory_space<vmem>>, vector<16xi32>,
    tpu.vector_store %arg6[%swap3A_1176], %add3A_1175 {strides = array<i32>} : memref<48xi32, #tpu.memory_space<vmem>>, vector<16xi32>,
    %add3A_1178 = arith.constant 32 : i32
    %add3A_1179 = arith.addi %select_n3A_334, %add3A_1178 : i32
    %iota3A_1180 = tpu.iota {dimensions = array<i32: 0>} : vector<16xi32>
    %add3A_1181 = vector.broadcast %add3A_1179 : i32 to vector<16xi32>
    %add3A_1182 = arith.addi %add3A_1181, %iota3A_1180 : vector<16xi32>
    %swap3A_1183 = arith.constant 32 : index
    %swap3A_1184 = tpu.vector_load %arg6[%swap3A_1183] {strides = array<i32>} : memref<48xi32, #tpu.memory_space<vmem>>, vector<16xi32>,
    tpu.vector_store %arg6[%swap3A_1183], %add3A_1182 {strides = array<i32>} : memref<48xi32, #tpu.memory_space<vmem>>, vector<16xi32>,
    %dma_wait3A_1185 = arith.constant 288 : i32
    %dma_wait3A_1186 = tpu.memref_slice %arg5[%dma_wait3A_1185] : memref<720xi32, #tpu.memory_space<vmem>> -> memref<48xi32, #tpu.memory_space<vmem>>
    %dma_wait3A_1187 = arith.constant 0 : i32
    %dma_wait3A_1188 = arith.constant 0 : i32
    %dma_wait3A_1189 = tpu.memref_slice %arg2[%select_n3A_318, %dma_wait3A_1187, %dma_wait3A_1188] : memref<4x8192x1024xf32, #tpu.memory_space<hbm>> -> memref<1x8192x1024xf32, #tpu.memory_space<hbm>>
    %dma_wait3A_1190 = tpu.memref_squeeze %dma_wait3A_1189 : memref<1x8192x1024xf32, #tpu.memory_space<hbm>> -> memref<8192x1024xf32, #tpu.memory_space<hbm>>
    %dma_wait3A_1191 = arith.constant 0 : i32
    %dma_wait3A_1192 = arith.constant 0 : i32
    %dma_wait3A_1193 = tpu.memref_slice %dma_wait3A_1190[%dma_wait3A_1191, %dma_wait3A_1192] : memref<8192x1024xf32, #tpu.memory_space<hbm>> -> memref<8192x1024xf32, #tpu.memory_space<hbm>>
    tpu.wait_indirect_dma semaphore(%arg11 : memref<!tpu.dma_semaphore, #tpu.memory_space<semaphore_mem>>) src(%dma_wait3A_1193 : memref<8192x1024xf32, #tpu.memory_space<hbm>>) dst(%arg8 : memref<48x1024xf32, #tpu.memory_space<vmem>>)
    %dma_start3A_1194 = arith.constant 0 : i32
    %dma_start3A_1195 = arith.constant 0 : i32
    %dma_start3A_1196 = tpu.memref_slice %arg4[%select_n3A_318, %dma_start3A_1194, %dma_start3A_1195] : memref<4x5734x1024xf32, #tpu.memory_space<hbm>> -> memref<1x5734x1024xf32, #tpu.memory_space<hbm>>
    %dma_start3A_1197 = tpu.memref_squeeze %dma_start3A_1196 : memref<1x5734x1024xf32, #tpu.memory_space<hbm>> -> memref<5734x1024xf32, #tpu.memory_space<hbm>>
    %dma_start3A_1198 = arith.constant 0 : i32
    %dma_start3A_1199 = arith.constant 0 : i32
    %dma_start3A_1200 = tpu.memref_slice %dma_start3A_1197[%dma_start3A_1198, %dma_start3A_1199] : memref<5734x1024xf32, #tpu.memory_space<hbm>> -> memref<5734x1024xf32, #tpu.memory_space<hbm>>
    tpu.enqueue_indirect_dma source(%arg8 : memref<48x1024xf32, #tpu.memory_space<vmem>>) target(%dma_start3A_1200 : memref<5734x1024xf32, #tpu.memory_space<hbm>>) offsets(%arg6 : memref<48xi32, #tpu.memory_space<vmem>>) semaphore(%arg13 : memref<!tpu.dma_semaphore, #tpu.memory_space<semaphore_mem>>)
    %dma_wait3A_1201 = arith.constant 0 : i32
    %dma_wait3A_1202 = arith.constant 0 : i32
    %dma_wait3A_1203 = tpu.memref_slice %arg4[%select_n3A_318, %dma_wait3A_1201, %dma_wait3A_1202] : memref<4x5734x1024xf32, #tpu.memory_space<hbm>> -> memref<1x5734x1024xf32, #tpu.memory_space<hbm>>
    %dma_wait3A_1204 = tpu.memref_squeeze %dma_wait3A_1203 : memref<1x5734x1024xf32, #tpu.memory_space<hbm>> -> memref<5734x1024xf32, #tpu.memory_space<hbm>>
    %dma_wait3A_1205 = arith.constant 0 : i32
    %dma_wait3A_1206 = arith.constant 0 : i32
    %dma_wait3A_1207 = tpu.memref_slice %dma_wait3A_1204[%dma_wait3A_1205, %dma_wait3A_1206] : memref<5734x1024xf32, #tpu.memory_space<hbm>> -> memref<5734x1024xf32, #tpu.memory_space<hbm>>
    tpu.wait_indirect_dma semaphore(%arg13 : memref<!tpu.dma_semaphore, #tpu.memory_space<semaphore_mem>>) src(%arg8 : memref<48x1024xf32, #tpu.memory_space<vmem>>) dst(%dma_wait3A_1207 : memref<5734x1024xf32, #tpu.memory_space<hbm>>)
    %dma_start3A_1208 = arith.constant 384 : i32
    %dma_start3A_1209 = tpu.memref_slice %arg5[%dma_start3A_1208] : memref<720xi32, #tpu.memory_space<vmem>> -> memref<48xi32, #tpu.memory_space<vmem>>
    %dma_start3A_1210 = arith.constant 0 : i32
    %dma_start3A_1211 = arith.constant 0 : i32
    %dma_start3A_1212 = tpu.memref_slice %arg2[%select_n3A_418, %dma_start3A_1210, %dma_start3A_1211] : memref<4x8192x1024xf32, #tpu.memory_space<hbm>> -> memref<1x8192x1024xf32, #tpu.memory_space<hbm>>
    %dma_start3A_1213 = tpu.memref_squeeze %dma_start3A_1212 : memref<1x8192x1024xf32, #tpu.memory_space<hbm>> -> memref<8192x1024xf32, #tpu.memory_space<hbm>>
    %dma_start3A_1214 = arith.constant 0 : i32
    %dma_start3A_1215 = arith.constant 0 : i32
    %dma_start3A_1216 = tpu.memref_slice %dma_start3A_1213[%dma_start3A_1214, %dma_start3A_1215] : memref<8192x1024xf32, #tpu.memory_space<hbm>> -> memref<8192x1024xf32, #tpu.memory_space<hbm>>
    tpu.enqueue_indirect_dma source(%dma_start3A_1216 : memref<8192x1024xf32, #tpu.memory_space<hbm>>) target(%arg8 : memref<48x1024xf32, #tpu.memory_space<vmem>>) offsets(%dma_start3A_1209 : memref<48xi32, #tpu.memory_space<vmem>>) semaphore(%arg11 : memref<!tpu.dma_semaphore, #tpu.memory_space<semaphore_mem>>)
    %add3A_1217 = arith.constant 0 : i32
    %add3A_1218 = arith.addi %select_n3A_384, %add3A_1217 : i32
    %iota3A_1219 = tpu.iota {dimensions = array<i32: 0>} : vector<16xi32>
    %add3A_1220 = vector.broadcast %add3A_1218 : i32 to vector<16xi32>
    %add3A_1221 = arith.addi %add3A_1220, %iota3A_1219 : vector<16xi32>
    %swap3A_1222 = arith.constant 0 : index
    %swap3A_1223 = tpu.vector_load %arg7[%swap3A_1222] {strides = array<i32>} : memref<48xi32, #tpu.memory_space<vmem>>, vector<16xi32>,
    tpu.vector_store %arg7[%swap3A_1222], %add3A_1221 {strides = array<i32>} : memref<48xi32, #tpu.memory_space<vmem>>, vector<16xi32>,
    %add3A_1224 = arith.constant 16 : i32
    %add3A_1225 = arith.addi %select_n3A_384, %add3A_1224 : i32
    %iota3A_1226 = tpu.iota {dimensions = array<i32: 0>} : vector<16xi32>
    %add3A_1227 = vector.broadcast %add3A_1225 : i32 to vector<16xi32>
    %add3A_1228 = arith.addi %add3A_1227, %iota3A_1226 : vector<16xi32>
    %swap3A_1229 = arith.constant 16 : index
    %swap3A_1230 = tpu.vector_load %arg7[%swap3A_1229] {strides = array<i32>} : memref<48xi32, #tpu.memory_space<vmem>>, vector<16xi32>,
    tpu.vector_store %arg7[%swap3A_1229], %add3A_1228 {strides = array<i32>} : memref<48xi32, #tpu.memory_space<vmem>>, vector<16xi32>,
    %add3A_1231 = arith.constant 32 : i32
    %add3A_1232 = arith.addi %select_n3A_384, %add3A_1231 : i32
    %iota3A_1233 = tpu.iota {dimensions = array<i32: 0>} : vector<16xi32>
    %add3A_1234 = vector.broadcast %add3A_1232 : i32 to vector<16xi32>
    %add3A_1235 = arith.addi %add3A_1234, %iota3A_1233 : vector<16xi32>
    %swap3A_1236 = arith.constant 32 : index
    %swap3A_1237 = tpu.vector_load %arg7[%swap3A_1236] {strides = array<i32>} : memref<48xi32, #tpu.memory_space<vmem>>, vector<16xi32>,
    tpu.vector_store %arg7[%swap3A_1236], %add3A_1235 {strides = array<i32>} : memref<48xi32, #tpu.memory_space<vmem>>, vector<16xi32>,
    %dma_wait3A_1238 = arith.constant 336 : i32
    %dma_wait3A_1239 = tpu.memref_slice %arg5[%dma_wait3A_1238] : memref<720xi32, #tpu.memory_space<vmem>> -> memref<48xi32, #tpu.memory_space<vmem>>
    %dma_wait3A_1240 = arith.constant 0 : i32
    %dma_wait3A_1241 = arith.constant 0 : i32
    %dma_wait3A_1242 = tpu.memref_slice %arg2[%select_n3A_368, %dma_wait3A_1240, %dma_wait3A_1241] : memref<4x8192x1024xf32, #tpu.memory_space<hbm>> -> memref<1x8192x1024xf32, #tpu.memory_space<hbm>>
    %dma_wait3A_1243 = tpu.memref_squeeze %dma_wait3A_1242 : memref<1x8192x1024xf32, #tpu.memory_space<hbm>> -> memref<8192x1024xf32, #tpu.memory_space<hbm>>
    %dma_wait3A_1244 = arith.constant 0 : i32
    %dma_wait3A_1245 = arith.constant 0 : i32
    %dma_wait3A_1246 = tpu.memref_slice %dma_wait3A_1243[%dma_wait3A_1244, %dma_wait3A_1245] : memref<8192x1024xf32, #tpu.memory_space<hbm>> -> memref<8192x1024xf32, #tpu.memory_space<hbm>>
    tpu.wait_indirect_dma semaphore(%arg12 : memref<!tpu.dma_semaphore, #tpu.memory_space<semaphore_mem>>) src(%dma_wait3A_1246 : memref<8192x1024xf32, #tpu.memory_space<hbm>>) dst(%arg9 : memref<48x1024xf32, #tpu.memory_space<vmem>>)
    %dma_start3A_1247 = arith.constant 0 : i32
    %dma_start3A_1248 = arith.constant 0 : i32
    %dma_start3A_1249 = tpu.memref_slice %arg4[%select_n3A_368, %dma_start3A_1247, %dma_start3A_1248] : memref<4x5734x1024xf32, #tpu.memory_space<hbm>> -> memref<1x5734x1024xf32, #tpu.memory_space<hbm>>
    %dma_start3A_1250 = tpu.memref_squeeze %dma_start3A_1249 : memref<1x5734x1024xf32, #tpu.memory_space<hbm>> -> memref<5734x1024xf32, #tpu.memory_space<hbm>>
    %dma_start3A_1251 = arith.constant 0 : i32
    %dma_start3A_1252 = arith.constant 0 : i32
    %dma_start3A_1253 = tpu.memref_slice %dma_start3A_1250[%dma_start3A_1251, %dma_start3A_1252] : memref<5734x1024xf32, #tpu.memory_space<hbm>> -> memref<5734x1024xf32, #tpu.memory_space<hbm>>
    tpu.enqueue_indirect_dma source(%arg9 : memref<48x1024xf32, #tpu.memory_space<vmem>>) target(%dma_start3A_1253 : memref<5734x1024xf32, #tpu.memory_space<hbm>>) offsets(%arg7 : memref<48xi32, #tpu.memory_space<vmem>>) semaphore(%arg14 : memref<!tpu.dma_semaphore, #tpu.memory_space<semaphore_mem>>)
    %dma_wait3A_1254 = arith.constant 0 : i32
    %dma_wait3A_1255 = arith.constant 0 : i32
    %dma_wait3A_1256 = tpu.memref_slice %arg4[%select_n3A_368, %dma_wait3A_1254, %dma_wait3A_1255] : memref<4x5734x1024xf32, #tpu.memory_space<hbm>> -> memref<1x5734x1024xf32, #tpu.memory_space<hbm>>
    %dma_wait3A_1257 = tpu.memref_squeeze %dma_wait3A_1256 : memref<1x5734x1024xf32, #tpu.memory_space<hbm>> -> memref<5734x1024xf32, #tpu.memory_space<hbm>>
    %dma_wait3A_1258 = arith.constant 0 : i32
    %dma_wait3A_1259 = arith.constant 0 : i32
    %dma_wait3A_1260 = tpu.memref_slice %dma_wait3A_1257[%dma_wait3A_1258, %dma_wait3A_1259] : memref<5734x1024xf32, #tpu.memory_space<hbm>> -> memref<5734x1024xf32, #tpu.memory_space<hbm>>
    tpu.wait_indirect_dma semaphore(%arg14 : memref<!tpu.dma_semaphore, #tpu.memory_space<semaphore_mem>>) src(%arg9 : memref<48x1024xf32, #tpu.memory_space<vmem>>) dst(%dma_wait3A_1260 : memref<5734x1024xf32, #tpu.memory_space<hbm>>)
    %dma_start3A_1261 = arith.constant 432 : i32
    %dma_start3A_1262 = tpu.memref_slice %arg5[%dma_start3A_1261] : memref<720xi32, #tpu.memory_space<vmem>> -> memref<48xi32, #tpu.memory_space<vmem>>
    %dma_start3A_1263 = arith.constant 0 : i32
    %dma_start3A_1264 = arith.constant 0 : i32
    %dma_start3A_1265 = tpu.memref_slice %arg2[%select_n3A_468, %dma_start3A_1263, %dma_start3A_1264] : memref<4x8192x1024xf32, #tpu.memory_space<hbm>> -> memref<1x8192x1024xf32, #tpu.memory_space<hbm>>
    %dma_start3A_1266 = tpu.memref_squeeze %dma_start3A_1265 : memref<1x8192x1024xf32, #tpu.memory_space<hbm>> -> memref<8192x1024xf32, #tpu.memory_space<hbm>>
    %dma_start3A_1267 = arith.constant 0 : i32
    %dma_start3A_1268 = arith.constant 0 : i32
    %dma_start3A_1269 = tpu.memref_slice %dma_start3A_1266[%dma_start3A_1267, %dma_start3A_1268] : memref<8192x1024xf32, #tpu.memory_space<hbm>> -> memref<8192x1024xf32, #tpu.memory_space<hbm>>
    tpu.enqueue_indirect_dma source(%dma_start3A_1269 : memref<8192x1024xf32, #tpu.memory_space<hbm>>) target(%arg9 : memref<48x1024xf32, #tpu.memory_space<vmem>>) offsets(%dma_start3A_1262 : memref<48xi32, #tpu.memory_space<vmem>>) semaphore(%arg12 : memref<!tpu.dma_semaphore, #tpu.memory_space<semaphore_mem>>)
    %add3A_1270 = arith.constant 0 : i32
    %add3A_1271 = arith.addi %select_n3A_434, %add3A_1270 : i32
    %iota3A_1272 = tpu.iota {dimensions = array<i32: 0>} : vector<16xi32>
    %add3A_1273 = vector.broadcast %add3A_1271 : i32 to vector<16xi32>
    %add3A_1274 = arith.addi %add3A_1273, %iota3A_1272 : vector<16xi32>
    %swap3A_1275 = arith.constant 0 : index
    %swap3A_1276 = tpu.vector_load %arg6[%swap3A_1275] {strides = array<i32>} : memref<48xi32, #tpu.memory_space<vmem>>, vector<16xi32>,
    tpu.vector_store %arg6[%swap3A_1275], %add3A_1274 {strides = array<i32>} : memref<48xi32, #tpu.memory_space<vmem>>, vector<16xi32>,
    %add3A_1277 = arith.constant 16 : i32
    %add3A_1278 = arith.addi %select_n3A_434, %add3A_1277 : i32
    %iota3A_1279 = tpu.iota {dimensions = array<i32: 0>} : vector<16xi32>
    %add3A_1280 = vector.broadcast %add3A_1278 : i32 to vector<16xi32>
    %add3A_1281 = arith.addi %add3A_1280, %iota3A_1279 : vector<16xi32>
    %swap3A_1282 = arith.constant 16 : index
    %swap3A_1283 = tpu.vector_load %arg6[%swap3A_1282] {strides = array<i32>} : memref<48xi32, #tpu.memory_space<vmem>>, vector<16xi32>,
    tpu.vector_store %arg6[%swap3A_1282], %add3A_1281 {strides = array<i32>} : memref<48xi32, #tpu.memory_space<vmem>>, vector<16xi32>,
    %add3A_1284 = arith.constant 32 : i32
    %add3A_1285 = arith.addi %select_n3A_434, %add3A_1284 : i32
    %iota3A_1286 = tpu.iota {dimensions = array<i32: 0>} : vector<16xi32>
    %add3A_1287 = vector.broadcast %add3A_1285 : i32 to vector<16xi32>
    %add3A_1288 = arith.addi %add3A_1287, %iota3A_1286 : vector<16xi32>
    %swap3A_1289 = arith.constant 32 : index
    %swap3A_1290 = tpu.vector_load %arg6[%swap3A_1289] {strides = array<i32>} : memref<48xi32, #tpu.memory_space<vmem>>, vector<16xi32>,
    tpu.vector_store %arg6[%swap3A_1289], %add3A_1288 {strides = array<i32>} : memref<48xi32, #tpu.memory_space<vmem>>, vector<16xi32>,
    %dma_wait3A_1291 = arith.constant 384 : i32
    %dma_wait3A_1292 = tpu.memref_slice %arg5[%dma_wait3A_1291] : memref<720xi32, #tpu.memory_space<vmem>> -> memref<48xi32, #tpu.memory_space<vmem>>
    %dma_wait3A_1293 = arith.constant 0 : i32
    %dma_wait3A_1294 = arith.constant 0 : i32
    %dma_wait3A_1295 = tpu.memref_slice %arg2[%select_n3A_418, %dma_wait3A_1293, %dma_wait3A_1294] : memref<4x8192x1024xf32, #tpu.memory_space<hbm>> -> memref<1x8192x1024xf32, #tpu.memory_space<hbm>>
    %dma_wait3A_1296 = tpu.memref_squeeze %dma_wait3A_1295 : memref<1x8192x1024xf32, #tpu.memory_space<hbm>> -> memref<8192x1024xf32, #tpu.memory_space<hbm>>
    %dma_wait3A_1297 = arith.constant 0 : i32
    %dma_wait3A_1298 = arith.constant 0 : i32
    %dma_wait3A_1299 = tpu.memref_slice %dma_wait3A_1296[%dma_wait3A_1297, %dma_wait3A_1298] : memref<8192x1024xf32, #tpu.memory_space<hbm>> -> memref<8192x1024xf32, #tpu.memory_space<hbm>>
    tpu.wait_indirect_dma semaphore(%arg11 : memref<!tpu.dma_semaphore, #tpu.memory_space<semaphore_mem>>) src(%dma_wait3A_1299 : memref<8192x1024xf32, #tpu.memory_space<hbm>>) dst(%arg8 : memref<48x1024xf32, #tpu.memory_space<vmem>>)
    %dma_start3A_1300 = arith.constant 0 : i32
    %dma_start3A_1301 = arith.constant 0 : i32
    %dma_start3A_1302 = tpu.memref_slice %arg4[%select_n3A_418, %dma_start3A_1300, %dma_start3A_1301] : memref<4x5734x1024xf32, #tpu.memory_space<hbm>> -> memref<1x5734x1024xf32, #tpu.memory_space<hbm>>
    %dma_start3A_1303 = tpu.memref_squeeze %dma_start3A_1302 : memref<1x5734x1024xf32, #tpu.memory_space<hbm>> -> memref<5734x1024xf32, #tpu.memory_space<hbm>>
    %dma_start3A_1304 = arith.constant 0 : i32
    %dma_start3A_1305 = arith.constant 0 : i32
    %dma_start3A_1306 = tpu.memref_slice %dma_start3A_1303[%dma_start3A_1304, %dma_start3A_1305] : memref<5734x1024xf32, #tpu.memory_space<hbm>> -> memref<5734x1024xf32, #tpu.memory_space<hbm>>
    tpu.enqueue_indirect_dma source(%arg8 : memref<48x1024xf32, #tpu.memory_space<vmem>>) target(%dma_start3A_1306 : memref<5734x1024xf32, #tpu.memory_space<hbm>>) offsets(%arg6 : memref<48xi32, #tpu.memory_space<vmem>>) semaphore(%arg13 : memref<!tpu.dma_semaphore, #tpu.memory_space<semaphore_mem>>)
    %dma_wait3A_1307 = arith.constant 0 : i32
    %dma_wait3A_1308 = arith.constant 0 : i32
    %dma_wait3A_1309 = tpu.memref_slice %arg4[%select_n3A_418, %dma_wait3A_1307, %dma_wait3A_1308] : memref<4x5734x1024xf32, #tpu.memory_space<hbm>> -> memref<1x5734x1024xf32, #tpu.memory_space<hbm>>
    %dma_wait3A_1310 = tpu.memref_squeeze %dma_wait3A_1309 : memref<1x5734x1024xf32, #tpu.memory_space<hbm>> -> memref<5734x1024xf32, #tpu.memory_space<hbm>>
    %dma_wait3A_1311 = arith.constant 0 : i32
    %dma_wait3A_1312 = arith.constant 0 : i32
    %dma_wait3A_1313 = tpu.memref_slice %dma_wait3A_1310[%dma_wait3A_1311, %dma_wait3A_1312] : memref<5734x1024xf32, #tpu.memory_space<hbm>> -> memref<5734x1024xf32, #tpu.memory_space<hbm>>
    tpu.wait_indirect_dma semaphore(%arg13 : memref<!tpu.dma_semaphore, #tpu.memory_space<semaphore_mem>>) src(%arg8 : memref<48x1024xf32, #tpu.memory_space<vmem>>) dst(%dma_wait3A_1313 : memref<5734x1024xf32, #tpu.memory_space<hbm>>)
    %dma_start3A_1314 = arith.constant 480 : i32
    %dma_start3A_1315 = tpu.memref_slice %arg5[%dma_start3A_1314] : memref<720xi32, #tpu.memory_space<vmem>> -> memref<48xi32, #tpu.memory_space<vmem>>
    %dma_start3A_1316 = arith.constant 0 : i32
    %dma_start3A_1317 = arith.constant 0 : i32
    %dma_start3A_1318 = tpu.memref_slice %arg2[%select_n3A_518, %dma_start3A_1316, %dma_start3A_1317] : memref<4x8192x1024xf32, #tpu.memory_space<hbm>> -> memref<1x8192x1024xf32, #tpu.memory_space<hbm>>
    %dma_start3A_1319 = tpu.memref_squeeze %dma_start3A_1318 : memref<1x8192x1024xf32, #tpu.memory_space<hbm>> -> memref<8192x1024xf32, #tpu.memory_space<hbm>>
    %dma_start3A_1320 = arith.constant 0 : i32
    %dma_start3A_1321 = arith.constant 0 : i32
    %dma_start3A_1322 = tpu.memref_slice %dma_start3A_1319[%dma_start3A_1320, %dma_start3A_1321] : memref<8192x1024xf32, #tpu.memory_space<hbm>> -> memref<8192x1024xf32, #tpu.memory_space<hbm>>
    tpu.enqueue_indirect_dma source(%dma_start3A_1322 : memref<8192x1024xf32, #tpu.memory_space<hbm>>) target(%arg8 : memref<48x1024xf32, #tpu.memory_space<vmem>>) offsets(%dma_start3A_1315 : memref<48xi32, #tpu.memory_space<vmem>>) semaphore(%arg11 : memref<!tpu.dma_semaphore, #tpu.memory_space<semaphore_mem>>)
    %add3A_1323 = arith.constant 0 : i32
    %add3A_1324 = arith.addi %select_n3A_484, %add3A_1323 : i32
    %iota3A_1325 = tpu.iota {dimensions = array<i32: 0>} : vector<16xi32>
    %add3A_1326 = vector.broadcast %add3A_1324 : i32 to vector<16xi32>
    %add3A_1327 = arith.addi %add3A_1326, %iota3A_1325 : vector<16xi32>
    %swap3A_1328 = arith.constant 0 : index
    %swap3A_1329 = tpu.vector_load %arg7[%swap3A_1328] {strides = array<i32>} : memref<48xi32, #tpu.memory_space<vmem>>, vector<16xi32>,
    tpu.vector_store %arg7[%swap3A_1328], %add3A_1327 {strides = array<i32>} : memref<48xi32, #tpu.memory_space<vmem>>, vector<16xi32>,
    %add3A_1330 = arith.constant 16 : i32
    %add3A_1331 = arith.addi %select_n3A_484, %add3A_1330 : i32
    %iota3A_1332 = tpu.iota {dimensions = array<i32: 0>} : vector<16xi32>
    %add3A_1333 = vector.broadcast %add3A_1331 : i32 to vector<16xi32>
    %add3A_1334 = arith.addi %add3A_1333, %iota3A_1332 : vector<16xi32>
    %swap3A_1335 = arith.constant 16 : index
    %swap3A_1336 = tpu.vector_load %arg7[%swap3A_1335] {strides = array<i32>} : memref<48xi32, #tpu.memory_space<vmem>>, vector<16xi32>,
    tpu.vector_store %arg7[%swap3A_1335], %add3A_1334 {strides = array<i32>} : memref<48xi32, #tpu.memory_space<vmem>>, vector<16xi32>,
    %add3A_1337 = arith.constant 32 : i32
    %add3A_1338 = arith.addi %select_n3A_484, %add3A_1337 : i32
    %iota3A_1339 = tpu.iota {dimensions = array<i32: 0>} : vector<16xi32>
    %add3A_1340 = vector.broadcast %add3A_1338 : i32 to vector<16xi32>
    %add3A_1341 = arith.addi %add3A_1340, %iota3A_1339 : vector<16xi32>
    %swap3A_1342 = arith.constant 32 : index
    %swap3A_1343 = tpu.vector_load %arg7[%swap3A_1342] {strides = array<i32>} : memref<48xi32, #tpu.memory_space<vmem>>, vector<16xi32>,
    tpu.vector_store %arg7[%swap3A_1342], %add3A_1341 {strides = array<i32>} : memref<48xi32, #tpu.memory_space<vmem>>, vector<16xi32>,
    %dma_wait3A_1344 = arith.constant 432 : i32
    %dma_wait3A_1345 = tpu.memref_slice %arg5[%dma_wait3A_1344] : memref<720xi32, #tpu.memory_space<vmem>> -> memref<48xi32, #tpu.memory_space<vmem>>
    %dma_wait3A_1346 = arith.constant 0 : i32
    %dma_wait3A_1347 = arith.constant 0 : i32
    %dma_wait3A_1348 = tpu.memref_slice %arg2[%select_n3A_468, %dma_wait3A_1346, %dma_wait3A_1347] : memref<4x8192x1024xf32, #tpu.memory_space<hbm>> -> memref<1x8192x1024xf32, #tpu.memory_space<hbm>>
    %dma_wait3A_1349 = tpu.memref_squeeze %dma_wait3A_1348 : memref<1x8192x1024xf32, #tpu.memory_space<hbm>> -> memref<8192x1024xf32, #tpu.memory_space<hbm>>
    %dma_wait3A_1350 = arith.constant 0 : i32
    %dma_wait3A_1351 = arith.constant 0 : i32
    %dma_wait3A_1352 = tpu.memref_slice %dma_wait3A_1349[%dma_wait3A_1350, %dma_wait3A_1351] : memref<8192x1024xf32, #tpu.memory_space<hbm>> -> memref<8192x1024xf32, #tpu.memory_space<hbm>>
    tpu.wait_indirect_dma semaphore(%arg12 : memref<!tpu.dma_semaphore, #tpu.memory_space<semaphore_mem>>) src(%dma_wait3A_1352 : memref<8192x1024xf32, #tpu.memory_space<hbm>>) dst(%arg9 : memref<48x1024xf32, #tpu.memory_space<vmem>>)
    %dma_start3A_1353 = arith.constant 0 : i32
    %dma_start3A_1354 = arith.constant 0 : i32
    %dma_start3A_1355 = tpu.memref_slice %arg4[%select_n3A_468, %dma_start3A_1353, %dma_start3A_1354] : memref<4x5734x1024xf32, #tpu.memory_space<hbm>> -> memref<1x5734x1024xf32, #tpu.memory_space<hbm>>
    %dma_start3A_1356 = tpu.memref_squeeze %dma_start3A_1355 : memref<1x5734x1024xf32, #tpu.memory_space<hbm>> -> memref<5734x1024xf32, #tpu.memory_space<hbm>>
    %dma_start3A_1357 = arith.constant 0 : i32
    %dma_start3A_1358 = arith.constant 0 : i32
    %dma_start3A_1359 = tpu.memref_slice %dma_start3A_1356[%dma_start3A_1357, %dma_start3A_1358] : memref<5734x1024xf32, #tpu.memory_space<hbm>> -> memref<5734x1024xf32, #tpu.memory_space<hbm>>
    tpu.enqueue_indirect_dma source(%arg9 : memref<48x1024xf32, #tpu.memory_space<vmem>>) target(%dma_start3A_1359 : memref<5734x1024xf32, #tpu.memory_space<hbm>>) offsets(%arg7 : memref<48xi32, #tpu.memory_space<vmem>>) semaphore(%arg14 : memref<!tpu.dma_semaphore, #tpu.memory_space<semaphore_mem>>)
    %dma_wait3A_1360 = arith.constant 0 : i32
    %dma_wait3A_1361 = arith.constant 0 : i32
    %dma_wait3A_1362 = tpu.memref_slice %arg4[%select_n3A_468, %dma_wait3A_1360, %dma_wait3A_1361] : memref<4x5734x1024xf32, #tpu.memory_space<hbm>> -> memref<1x5734x1024xf32, #tpu.memory_space<hbm>>
    %dma_wait3A_1363 = tpu.memref_squeeze %dma_wait3A_1362 : memref<1x5734x1024xf32, #tpu.memory_space<hbm>> -> memref<5734x1024xf32, #tpu.memory_space<hbm>>
    %dma_wait3A_1364 = arith.constant 0 : i32
    %dma_wait3A_1365 = arith.constant 0 : i32
    %dma_wait3A_1366 = tpu.memref_slice %dma_wait3A_1363[%dma_wait3A_1364, %dma_wait3A_1365] : memref<5734x1024xf32, #tpu.memory_space<hbm>> -> memref<5734x1024xf32, #tpu.memory_space<hbm>>
    tpu.wait_indirect_dma semaphore(%arg14 : memref<!tpu.dma_semaphore, #tpu.memory_space<semaphore_mem>>) src(%arg9 : memref<48x1024xf32, #tpu.memory_space<vmem>>) dst(%dma_wait3A_1366 : memref<5734x1024xf32, #tpu.memory_space<hbm>>)
    %dma_start3A_1367 = arith.constant 528 : i32
    %dma_start3A_1368 = tpu.memref_slice %arg5[%dma_start3A_1367] : memref<720xi32, #tpu.memory_space<vmem>> -> memref<48xi32, #tpu.memory_space<vmem>>
    %dma_start3A_1369 = arith.constant 0 : i32
    %dma_start3A_1370 = arith.constant 0 : i32
    %dma_start3A_1371 = tpu.memref_slice %arg2[%select_n3A_568, %dma_start3A_1369, %dma_start3A_1370] : memref<4x8192x1024xf32, #tpu.memory_space<hbm>> -> memref<1x8192x1024xf32, #tpu.memory_space<hbm>>
    %dma_start3A_1372 = tpu.memref_squeeze %dma_start3A_1371 : memref<1x8192x1024xf32, #tpu.memory_space<hbm>> -> memref<8192x1024xf32, #tpu.memory_space<hbm>>
    %dma_start3A_1373 = arith.constant 0 : i32
    %dma_start3A_1374 = arith.constant 0 : i32
    %dma_start3A_1375 = tpu.memref_slice %dma_start3A_1372[%dma_start3A_1373, %dma_start3A_1374] : memref<8192x1024xf32, #tpu.memory_space<hbm>> -> memref<8192x1024xf32, #tpu.memory_space<hbm>>
    tpu.enqueue_indirect_dma source(%dma_start3A_1375 : memref<8192x1024xf32, #tpu.memory_space<hbm>>) target(%arg9 : memref<48x1024xf32, #tpu.memory_space<vmem>>) offsets(%dma_start3A_1368 : memref<48xi32, #tpu.memory_space<vmem>>) semaphore(%arg12 : memref<!tpu.dma_semaphore, #tpu.memory_space<semaphore_mem>>)
    %add3A_1376 = arith.constant 0 : i32
    %add3A_1377 = arith.addi %select_n3A_534, %add3A_1376 : i32
    %iota3A_1378 = tpu.iota {dimensions = array<i32: 0>} : vector<16xi32>
    %add3A_1379 = vector.broadcast %add3A_1377 : i32 to vector<16xi32>
    %add3A_1380 = arith.addi %add3A_1379, %iota3A_1378 : vector<16xi32>
    %swap3A_1381 = arith.constant 0 : index
    %swap3A_1382 = tpu.vector_load %arg6[%swap3A_1381] {strides = array<i32>} : memref<48xi32, #tpu.memory_space<vmem>>, vector<16xi32>,
    tpu.vector_store %arg6[%swap3A_1381], %add3A_1380 {strides = array<i32>} : memref<48xi32, #tpu.memory_space<vmem>>, vector<16xi32>,
    %add3A_1383 = arith.constant 16 : i32
    %add3A_1384 = arith.addi %select_n3A_534, %add3A_1383 : i32
    %iota3A_1385 = tpu.iota {dimensions = array<i32: 0>} : vector<16xi32>
    %add3A_1386 = vector.broadcast %add3A_1384 : i32 to vector<16xi32>
    %add3A_1387 = arith.addi %add3A_1386, %iota3A_1385 : vector<16xi32>
    %swap3A_1388 = arith.constant 16 : index
    %swap3A_1389 = tpu.vector_load %arg6[%swap3A_1388] {strides = array<i32>} : memref<48xi32, #tpu.memory_space<vmem>>, vector<16xi32>,
    tpu.vector_store %arg6[%swap3A_1388], %add3A_1387 {strides = array<i32>} : memref<48xi32, #tpu.memory_space<vmem>>, vector<16xi32>,
    %add3A_1390 = arith.constant 32 : i32
    %add3A_1391 = arith.addi %select_n3A_534, %add3A_1390 : i32
    %iota3A_1392 = tpu.iota {dimensions = array<i32: 0>} : vector<16xi32>
    %add3A_1393 = vector.broadcast %add3A_1391 : i32 to vector<16xi32>
    %add3A_1394 = arith.addi %add3A_1393, %iota3A_1392 : vector<16xi32>
    %swap3A_1395 = arith.constant 32 : index
    %swap3A_1396 = tpu.vector_load %arg6[%swap3A_1395] {strides = array<i32>} : memref<48xi32, #tpu.memory_space<vmem>>, vector<16xi32>,
    tpu.vector_store %arg6[%swap3A_1395], %add3A_1394 {strides = array<i32>} : memref<48xi32, #tpu.memory_space<vmem>>, vector<16xi32>,
    %dma_wait3A_1397 = arith.constant 480 : i32
    %dma_wait3A_1398 = tpu.memref_slice %arg5[%dma_wait3A_1397] : memref<720xi32, #tpu.memory_space<vmem>> -> memref<48xi32, #tpu.memory_space<vmem>>
    %dma_wait3A_1399 = arith.constant 0 : i32
    %dma_wait3A_1400 = arith.constant 0 : i32
    %dma_wait3A_1401 = tpu.memref_slice %arg2[%select_n3A_518, %dma_wait3A_1399, %dma_wait3A_1400] : memref<4x8192x1024xf32, #tpu.memory_space<hbm>> -> memref<1x8192x1024xf32, #tpu.memory_space<hbm>>
    %dma_wait3A_1402 = tpu.memref_squeeze %dma_wait3A_1401 : memref<1x8192x1024xf32, #tpu.memory_space<hbm>> -> memref<8192x1024xf32, #tpu.memory_space<hbm>>
    %dma_wait3A_1403 = arith.constant 0 : i32
    %dma_wait3A_1404 = arith.constant 0 : i32
    %dma_wait3A_1405 = tpu.memref_slice %dma_wait3A_1402[%dma_wait3A_1403, %dma_wait3A_1404] : memref<8192x1024xf32, #tpu.memory_space<hbm>> -> memref<8192x1024xf32, #tpu.memory_space<hbm>>
    tpu.wait_indirect_dma semaphore(%arg11 : memref<!tpu.dma_semaphore, #tpu.memory_space<semaphore_mem>>) src(%dma_wait3A_1405 : memref<8192x1024xf32, #tpu.memory_space<hbm>>) dst(%arg8 : memref<48x1024xf32, #tpu.memory_space<vmem>>)
    %dma_start3A_1406 = arith.constant 0 : i32
    %dma_start3A_1407 = arith.constant 0 : i32
    %dma_start3A_1408 = tpu.memref_slice %arg4[%select_n3A_518, %dma_start3A_1406, %dma_start3A_1407] : memref<4x5734x1024xf32, #tpu.memory_space<hbm>> -> memref<1x5734x1024xf32, #tpu.memory_space<hbm>>
    %dma_start3A_1409 = tpu.memref_squeeze %dma_start3A_1408 : memref<1x5734x1024xf32, #tpu.memory_space<hbm>> -> memref<5734x1024xf32, #tpu.memory_space<hbm>>
    %dma_start3A_1410 = arith.constant 0 : i32
    %dma_start3A_1411 = arith.constant 0 : i32
    %dma_start3A_1412 = tpu.memref_slice %dma_start3A_1409[%dma_start3A_1410, %dma_start3A_1411] : memref<5734x1024xf32, #tpu.memory_space<hbm>> -> memref<5734x1024xf32, #tpu.memory_space<hbm>>
    tpu.enqueue_indirect_dma source(%arg8 : memref<48x1024xf32, #tpu.memory_space<vmem>>) target(%dma_start3A_1412 : memref<5734x1024xf32, #tpu.memory_space<hbm>>) offsets(%arg6 : memref<48xi32, #tpu.memory_space<vmem>>) semaphore(%arg13 : memref<!tpu.dma_semaphore, #tpu.memory_space<semaphore_mem>>)
    %dma_wait3A_1413 = arith.constant 0 : i32
    %dma_wait3A_1414 = arith.constant 0 : i32
    %dma_wait3A_1415 = tpu.memref_slice %arg4[%select_n3A_518, %dma_wait3A_1413, %dma_wait3A_1414] : memref<4x5734x1024xf32, #tpu.memory_space<hbm>> -> memref<1x5734x1024xf32, #tpu.memory_space<hbm>>
    %dma_wait3A_1416 = tpu.memref_squeeze %dma_wait3A_1415 : memref<1x5734x1024xf32, #tpu.memory_space<hbm>> -> memref<5734x1024xf32, #tpu.memory_space<hbm>>
    %dma_wait3A_1417 = arith.constant 0 : i32
    %dma_wait3A_1418 = arith.constant 0 : i32
    %dma_wait3A_1419 = tpu.memref_slice %dma_wait3A_1416[%dma_wait3A_1417, %dma_wait3A_1418] : memref<5734x1024xf32, #tpu.memory_space<hbm>> -> memref<5734x1024xf32, #tpu.memory_space<hbm>>
    tpu.wait_indirect_dma semaphore(%arg13 : memref<!tpu.dma_semaphore, #tpu.memory_space<semaphore_mem>>) src(%arg8 : memref<48x1024xf32, #tpu.memory_space<vmem>>) dst(%dma_wait3A_1419 : memref<5734x1024xf32, #tpu.memory_space<hbm>>)
    %dma_start3A_1420 = arith.constant 576 : i32
    %dma_start3A_1421 = tpu.memref_slice %arg5[%dma_start3A_1420] : memref<720xi32, #tpu.memory_space<vmem>> -> memref<48xi32, #tpu.memory_space<vmem>>
    %dma_start3A_1422 = arith.constant 0 : i32
    %dma_start3A_1423 = arith.constant 0 : i32
    %dma_start3A_1424 = tpu.memref_slice %arg2[%select_n3A_618, %dma_start3A_1422, %dma_start3A_1423] : memref<4x8192x1024xf32, #tpu.memory_space<hbm>> -> memref<1x8192x1024xf32, #tpu.memory_space<hbm>>
    %dma_start3A_1425 = tpu.memref_squeeze %dma_start3A_1424 : memref<1x8192x1024xf32, #tpu.memory_space<hbm>> -> memref<8192x1024xf32, #tpu.memory_space<hbm>>
    %dma_start3A_1426 = arith.constant 0 : i32
    %dma_start3A_1427 = arith.constant 0 : i32
    %dma_start3A_1428 = tpu.memref_slice %dma_start3A_1425[%dma_start3A_1426, %dma_start3A_1427] : memref<8192x1024xf32, #tpu.memory_space<hbm>> -> memref<8192x1024xf32, #tpu.memory_space<hbm>>
    tpu.enqueue_indirect_dma source(%dma_start3A_1428 : memref<8192x1024xf32, #tpu.memory_space<hbm>>) target(%arg8 : memref<48x1024xf32, #tpu.memory_space<vmem>>) offsets(%dma_start3A_1421 : memref<48xi32, #tpu.memory_space<vmem>>) semaphore(%arg11 : memref<!tpu.dma_semaphore, #tpu.memory_space<semaphore_mem>>)
    %add3A_1429 = arith.constant 0 : i32
    %add3A_1430 = arith.addi %select_n3A_584, %add3A_1429 : i32
    %iota3A_1431 = tpu.iota {dimensions = array<i32: 0>} : vector<16xi32>
    %add3A_1432 = vector.broadcast %add3A_1430 : i32 to vector<16xi32>
    %add3A_1433 = arith.addi %add3A_1432, %iota3A_1431 : vector<16xi32>
    %swap3A_1434 = arith.constant 0 : index
    %swap3A_1435 = tpu.vector_load %arg7[%swap3A_1434] {strides = array<i32>} : memref<48xi32, #tpu.memory_space<vmem>>, vector<16xi32>,
    tpu.vector_store %arg7[%swap3A_1434], %add3A_1433 {strides = array<i32>} : memref<48xi32, #tpu.memory_space<vmem>>, vector<16xi32>,
    %add3A_1436 = arith.constant 16 : i32
    %add3A_1437 = arith.addi %select_n3A_584, %add3A_1436 : i32
    %iota3A_1438 = tpu.iota {dimensions = array<i32: 0>} : vector<16xi32>
    %add3A_1439 = vector.broadcast %add3A_1437 : i32 to vector<16xi32>
    %add3A_1440 = arith.addi %add3A_1439, %iota3A_1438 : vector<16xi32>
    %swap3A_1441 = arith.constant 16 : index
    %swap3A_1442 = tpu.vector_load %arg7[%swap3A_1441] {strides = array<i32>} : memref<48xi32, #tpu.memory_space<vmem>>, vector<16xi32>,
    tpu.vector_store %arg7[%swap3A_1441], %add3A_1440 {strides = array<i32>} : memref<48xi32, #tpu.memory_space<vmem>>, vector<16xi32>,
    %add3A_1443 = arith.constant 32 : i32
    %add3A_1444 = arith.addi %select_n3A_584, %add3A_1443 : i32
    %iota3A_1445 = tpu.iota {dimensions = array<i32: 0>} : vector<16xi32>
    %add3A_1446 = vector.broadcast %add3A_1444 : i32 to vector<16xi32>
    %add3A_1447 = arith.addi %add3A_1446, %iota3A_1445 : vector<16xi32>
    %swap3A_1448 = arith.constant 32 : index
    %swap3A_1449 = tpu.vector_load %arg7[%swap3A_1448] {strides = array<i32>} : memref<48xi32, #tpu.memory_space<vmem>>, vector<16xi32>,
    tpu.vector_store %arg7[%swap3A_1448], %add3A_1447 {strides = array<i32>} : memref<48xi32, #tpu.memory_space<vmem>>, vector<16xi32>,
    %dma_wait3A_1450 = arith.constant 528 : i32
    %dma_wait3A_1451 = tpu.memref_slice %arg5[%dma_wait3A_1450] : memref<720xi32, #tpu.memory_space<vmem>> -> memref<48xi32, #tpu.memory_space<vmem>>
    %dma_wait3A_1452 = arith.constant 0 : i32
    %dma_wait3A_1453 = arith.constant 0 : i32
    %dma_wait3A_1454 = tpu.memref_slice %arg2[%select_n3A_568, %dma_wait3A_1452, %dma_wait3A_1453] : memref<4x8192x1024xf32, #tpu.memory_space<hbm>> -> memref<1x8192x1024xf32, #tpu.memory_space<hbm>>
    %dma_wait3A_1455 = tpu.memref_squeeze %dma_wait3A_1454 : memref<1x8192x1024xf32, #tpu.memory_space<hbm>> -> memref<8192x1024xf32, #tpu.memory_space<hbm>>
    %dma_wait3A_1456 = arith.constant 0 : i32
    %dma_wait3A_1457 = arith.constant 0 : i32
    %dma_wait3A_1458 = tpu.memref_slice %dma_wait3A_1455[%dma_wait3A_1456, %dma_wait3A_1457] : memref<8192x1024xf32, #tpu.memory_space<hbm>> -> memref<8192x1024xf32, #tpu.memory_space<hbm>>
    tpu.wait_indirect_dma semaphore(%arg12 : memref<!tpu.dma_semaphore, #tpu.memory_space<semaphore_mem>>) src(%dma_wait3A_1458 : memref<8192x1024xf32, #tpu.memory_space<hbm>>) dst(%arg9 : memref<48x1024xf32, #tpu.memory_space<vmem>>)
    %dma_start3A_1459 = arith.constant 0 : i32
    %dma_start3A_1460 = arith.constant 0 : i32
    %dma_start3A_1461 = tpu.memref_slice %arg4[%select_n3A_568, %dma_start3A_1459, %dma_start3A_1460] : memref<4x5734x1024xf32, #tpu.memory_space<hbm>> -> memref<1x5734x1024xf32, #tpu.memory_space<hbm>>
    %dma_start3A_1462 = tpu.memref_squeeze %dma_start3A_1461 : memref<1x5734x1024xf32, #tpu.memory_space<hbm>> -> memref<5734x1024xf32, #tpu.memory_space<hbm>>
    %dma_start3A_1463 = arith.constant 0 : i32
    %dma_start3A_1464 = arith.constant 0 : i32
    %dma_start3A_1465 = tpu.memref_slice %dma_start3A_1462[%dma_start3A_1463, %dma_start3A_1464] : memref<5734x1024xf32, #tpu.memory_space<hbm>> -> memref<5734x1024xf32, #tpu.memory_space<hbm>>
    tpu.enqueue_indirect_dma source(%arg9 : memref<48x1024xf32, #tpu.memory_space<vmem>>) target(%dma_start3A_1465 : memref<5734x1024xf32, #tpu.memory_space<hbm>>) offsets(%arg7 : memref<48xi32, #tpu.memory_space<vmem>>) semaphore(%arg14 : memref<!tpu.dma_semaphore, #tpu.memory_space<semaphore_mem>>)
    %dma_wait3A_1466 = arith.constant 0 : i32
    %dma_wait3A_1467 = arith.constant 0 : i32
    %dma_wait3A_1468 = tpu.memref_slice %arg4[%select_n3A_568, %dma_wait3A_1466, %dma_wait3A_1467] : memref<4x5734x1024xf32, #tpu.memory_space<hbm>> -> memref<1x5734x1024xf32, #tpu.memory_space<hbm>>
    %dma_wait3A_1469 = tpu.memref_squeeze %dma_wait3A_1468 : memref<1x5734x1024xf32, #tpu.memory_space<hbm>> -> memref<5734x1024xf32, #tpu.memory_space<hbm>>
    %dma_wait3A_1470 = arith.constant 0 : i32
    %dma_wait3A_1471 = arith.constant 0 : i32
    %dma_wait3A_1472 = tpu.memref_slice %dma_wait3A_1469[%dma_wait3A_1470, %dma_wait3A_1471] : memref<5734x1024xf32, #tpu.memory_space<hbm>> -> memref<5734x1024xf32, #tpu.memory_space<hbm>>
    tpu.wait_indirect_dma semaphore(%arg14 : memref<!tpu.dma_semaphore, #tpu.memory_space<semaphore_mem>>) src(%arg9 : memref<48x1024xf32, #tpu.memory_space<vmem>>) dst(%dma_wait3A_1472 : memref<5734x1024xf32, #tpu.memory_space<hbm>>)
    %dma_start3A_1473 = arith.constant 624 : i32
    %dma_start3A_1474 = tpu.memref_slice %arg5[%dma_start3A_1473] : memref<720xi32, #tpu.memory_space<vmem>> -> memref<48xi32, #tpu.memory_space<vmem>>
    %dma_start3A_1475 = arith.constant 0 : i32
    %dma_start3A_1476 = arith.constant 0 : i32
    %dma_start3A_1477 = tpu.memref_slice %arg2[%select_n3A_668, %dma_start3A_1475, %dma_start3A_1476] : memref<4x8192x1024xf32, #tpu.memory_space<hbm>> -> memref<1x8192x1024xf32, #tpu.memory_space<hbm>>
    %dma_start3A_1478 = tpu.memref_squeeze %dma_start3A_1477 : memref<1x8192x1024xf32, #tpu.memory_space<hbm>> -> memref<8192x1024xf32, #tpu.memory_space<hbm>>
    %dma_start3A_1479 = arith.constant 0 : i32
    %dma_start3A_1480 = arith.constant 0 : i32
    %dma_start3A_1481 = tpu.memref_slice %dma_start3A_1478[%dma_start3A_1479, %dma_start3A_1480] : memref<8192x1024xf32, #tpu.memory_space<hbm>> -> memref<8192x1024xf32, #tpu.memory_space<hbm>>
    tpu.enqueue_indirect_dma source(%dma_start3A_1481 : memref<8192x1024xf32, #tpu.memory_space<hbm>>) target(%arg9 : memref<48x1024xf32, #tpu.memory_space<vmem>>) offsets(%dma_start3A_1474 : memref<48xi32, #tpu.memory_space<vmem>>) semaphore(%arg12 : memref<!tpu.dma_semaphore, #tpu.memory_space<semaphore_mem>>)
    %add3A_1482 = arith.constant 0 : i32
    %add3A_1483 = arith.addi %select_n3A_634, %add3A_1482 : i32
    %iota3A_1484 = tpu.iota {dimensions = array<i32: 0>} : vector<16xi32>
    %add3A_1485 = vector.broadcast %add3A_1483 : i32 to vector<16xi32>
    %add3A_1486 = arith.addi %add3A_1485, %iota3A_1484 : vector<16xi32>
    %swap3A_1487 = arith.constant 0 : index
    %swap3A_1488 = tpu.vector_load %arg6[%swap3A_1487] {strides = array<i32>} : memref<48xi32, #tpu.memory_space<vmem>>, vector<16xi32>,
    tpu.vector_store %arg6[%swap3A_1487], %add3A_1486 {strides = array<i32>} : memref<48xi32, #tpu.memory_space<vmem>>, vector<16xi32>,
    %add3A_1489 = arith.constant 16 : i32
    %add3A_1490 = arith.addi %select_n3A_634, %add3A_1489 : i32
    %iota3A_1491 = tpu.iota {dimensions = array<i32: 0>} : vector<16xi32>
    %add3A_1492 = vector.broadcast %add3A_1490 : i32 to vector<16xi32>
    %add3A_1493 = arith.addi %add3A_1492, %iota3A_1491 : vector<16xi32>
    %swap3A_1494 = arith.constant 16 : index
    %swap3A_1495 = tpu.vector_load %arg6[%swap3A_1494] {strides = array<i32>} : memref<48xi32, #tpu.memory_space<vmem>>, vector<16xi32>,
    tpu.vector_store %arg6[%swap3A_1494], %add3A_1493 {strides = array<i32>} : memref<48xi32, #tpu.memory_space<vmem>>, vector<16xi32>,
    %add3A_1496 = arith.constant 32 : i32
    %add3A_1497 = arith.addi %select_n3A_634, %add3A_1496 : i32
    %iota3A_1498 = tpu.iota {dimensions = array<i32: 0>} : vector<16xi32>
    %add3A_1499 = vector.broadcast %add3A_1497 : i32 to vector<16xi32>
    %add3A_1500 = arith.addi %add3A_1499, %iota3A_1498 : vector<16xi32>
    %swap3A_1501 = arith.constant 32 : index
    %swap3A_1502 = tpu.vector_load %arg6[%swap3A_1501] {strides = array<i32>} : memref<48xi32, #tpu.memory_space<vmem>>, vector<16xi32>,
    tpu.vector_store %arg6[%swap3A_1501], %add3A_1500 {strides = array<i32>} : memref<48xi32, #tpu.memory_space<vmem>>, vector<16xi32>,
    %dma_wait3A_1503 = arith.constant 576 : i32
    %dma_wait3A_1504 = tpu.memref_slice %arg5[%dma_wait3A_1503] : memref<720xi32, #tpu.memory_space<vmem>> -> memref<48xi32, #tpu.memory_space<vmem>>
    %dma_wait3A_1505 = arith.constant 0 : i32
    %dma_wait3A_1506 = arith.constant 0 : i32
    %dma_wait3A_1507 = tpu.memref_slice %arg2[%select_n3A_618, %dma_wait3A_1505, %dma_wait3A_1506] : memref<4x8192x1024xf32, #tpu.memory_space<hbm>> -> memref<1x8192x1024xf32, #tpu.memory_space<hbm>>
    %dma_wait3A_1508 = tpu.memref_squeeze %dma_wait3A_1507 : memref<1x8192x1024xf32, #tpu.memory_space<hbm>> -> memref<8192x1024xf32, #tpu.memory_space<hbm>>
    %dma_wait3A_1509 = arith.constant 0 : i32
    %dma_wait3A_1510 = arith.constant 0 : i32
    %dma_wait3A_1511 = tpu.memref_slice %dma_wait3A_1508[%dma_wait3A_1509, %dma_wait3A_1510] : memref<8192x1024xf32, #tpu.memory_space<hbm>> -> memref<8192x1024xf32, #tpu.memory_space<hbm>>
    tpu.wait_indirect_dma semaphore(%arg11 : memref<!tpu.dma_semaphore, #tpu.memory_space<semaphore_mem>>) src(%dma_wait3A_1511 : memref<8192x1024xf32, #tpu.memory_space<hbm>>) dst(%arg8 : memref<48x1024xf32, #tpu.memory_space<vmem>>)
    %dma_start3A_1512 = arith.constant 0 : i32
    %dma_start3A_1513 = arith.constant 0 : i32
    %dma_start3A_1514 = tpu.memref_slice %arg4[%select_n3A_618, %dma_start3A_1512, %dma_start3A_1513] : memref<4x5734x1024xf32, #tpu.memory_space<hbm>> -> memref<1x5734x1024xf32, #tpu.memory_space<hbm>>
    %dma_start3A_1515 = tpu.memref_squeeze %dma_start3A_1514 : memref<1x5734x1024xf32, #tpu.memory_space<hbm>> -> memref<5734x1024xf32, #tpu.memory_space<hbm>>
    %dma_start3A_1516 = arith.constant 0 : i32
    %dma_start3A_1517 = arith.constant 0 : i32
    %dma_start3A_1518 = tpu.memref_slice %dma_start3A_1515[%dma_start3A_1516, %dma_start3A_1517] : memref<5734x1024xf32, #tpu.memory_space<hbm>> -> memref<5734x1024xf32, #tpu.memory_space<hbm>>
    tpu.enqueue_indirect_dma source(%arg8 : memref<48x1024xf32, #tpu.memory_space<vmem>>) target(%dma_start3A_1518 : memref<5734x1024xf32, #tpu.memory_space<hbm>>) offsets(%arg6 : memref<48xi32, #tpu.memory_space<vmem>>) semaphore(%arg13 : memref<!tpu.dma_semaphore, #tpu.memory_space<semaphore_mem>>)
    %dma_wait3A_1519 = arith.constant 0 : i32
    %dma_wait3A_1520 = arith.constant 0 : i32
    %dma_wait3A_1521 = tpu.memref_slice %arg4[%select_n3A_618, %dma_wait3A_1519, %dma_wait3A_1520] : memref<4x5734x1024xf32, #tpu.memory_space<hbm>> -> memref<1x5734x1024xf32, #tpu.memory_space<hbm>>
    %dma_wait3A_1522 = tpu.memref_squeeze %dma_wait3A_1521 : memref<1x5734x1024xf32, #tpu.memory_space<hbm>> -> memref<5734x1024xf32, #tpu.memory_space<hbm>>
    %dma_wait3A_1523 = arith.constant 0 : i32
    %dma_wait3A_1524 = arith.constant 0 : i32
    %dma_wait3A_1525 = tpu.memref_slice %dma_wait3A_1522[%dma_wait3A_1523, %dma_wait3A_1524] : memref<5734x1024xf32, #tpu.memory_space<hbm>> -> memref<5734x1024xf32, #tpu.memory_space<hbm>>
    tpu.wait_indirect_dma semaphore(%arg13 : memref<!tpu.dma_semaphore, #tpu.memory_space<semaphore_mem>>) src(%arg8 : memref<48x1024xf32, #tpu.memory_space<vmem>>) dst(%dma_wait3A_1525 : memref<5734x1024xf32, #tpu.memory_space<hbm>>)
    %dma_start3A_1526 = arith.constant 672 : i32
    %dma_start3A_1527 = tpu.memref_slice %arg5[%dma_start3A_1526] : memref<720xi32, #tpu.memory_space<vmem>> -> memref<48xi32, #tpu.memory_space<vmem>>
    %dma_start3A_1528 = arith.constant 0 : i32
    %dma_start3A_1529 = arith.constant 0 : i32
    %dma_start3A_1530 = tpu.memref_slice %arg2[%select_n3A_718, %dma_start3A_1528, %dma_start3A_1529] : memref<4x8192x1024xf32, #tpu.memory_space<hbm>> -> memref<1x8192x1024xf32, #tpu.memory_space<hbm>>
    %dma_start3A_1531 = tpu.memref_squeeze %dma_start3A_1530 : memref<1x8192x1024xf32, #tpu.memory_space<hbm>> -> memref<8192x1024xf32, #tpu.memory_space<hbm>>
    %dma_start3A_1532 = arith.constant 0 : i32
    %dma_start3A_1533 = arith.constant 0 : i32
    %dma_start3A_1534 = tpu.memref_slice %dma_start3A_1531[%dma_start3A_1532, %dma_start3A_1533] : memref<8192x1024xf32, #tpu.memory_space<hbm>> -> memref<8192x1024xf32, #tpu.memory_space<hbm>>
    tpu.enqueue_indirect_dma source(%dma_start3A_1534 : memref<8192x1024xf32, #tpu.memory_space<hbm>>) target(%arg8 : memref<48x1024xf32, #tpu.memory_space<vmem>>) offsets(%dma_start3A_1527 : memref<48xi32, #tpu.memory_space<vmem>>) semaphore(%arg11 : memref<!tpu.dma_semaphore, #tpu.memory_space<semaphore_mem>>)
    %add3A_1535 = arith.constant 0 : i32
    %add3A_1536 = arith.addi %select_n3A_684, %add3A_1535 : i32
    %iota3A_1537 = tpu.iota {dimensions = array<i32: 0>} : vector<16xi32>
    %add3A_1538 = vector.broadcast %add3A_1536 : i32 to vector<16xi32>
    %add3A_1539 = arith.addi %add3A_1538, %iota3A_1537 : vector<16xi32>
    %swap3A_1540 = arith.constant 0 : index
    %swap3A_1541 = tpu.vector_load %arg7[%swap3A_1540] {strides = array<i32>} : memref<48xi32, #tpu.memory_space<vmem>>, vector<16xi32>,
    tpu.vector_store %arg7[%swap3A_1540], %add3A_1539 {strides = array<i32>} : memref<48xi32, #tpu.memory_space<vmem>>, vector<16xi32>,
    %add3A_1542 = arith.constant 16 : i32
    %add3A_1543 = arith.addi %select_n3A_684, %add3A_1542 : i32
    %iota3A_1544 = tpu.iota {dimensions = array<i32: 0>} : vector<16xi32>
    %add3A_1545 = vector.broadcast %add3A_1543 : i32 to vector<16xi32>
    %add3A_1546 = arith.addi %add3A_1545, %iota3A_1544 : vector<16xi32>
    %swap3A_1547 = arith.constant 16 : index
    %swap3A_1548 = tpu.vector_load %arg7[%swap3A_1547] {strides = array<i32>} : memref<48xi32, #tpu.memory_space<vmem>>, vector<16xi32>,
    tpu.vector_store %arg7[%swap3A_1547], %add3A_1546 {strides = array<i32>} : memref<48xi32, #tpu.memory_space<vmem>>, vector<16xi32>,
    %add3A_1549 = arith.constant 32 : i32
    %add3A_1550 = arith.addi %select_n3A_684, %add3A_1549 : i32
    %iota3A_1551 = tpu.iota {dimensions = array<i32: 0>} : vector<16xi32>
    %add3A_1552 = vector.broadcast %add3A_1550 : i32 to vector<16xi32>
    %add3A_1553 = arith.addi %add3A_1552, %iota3A_1551 : vector<16xi32>
    %swap3A_1554 = arith.constant 32 : index
    %swap3A_1555 = tpu.vector_load %arg7[%swap3A_1554] {strides = array<i32>} : memref<48xi32, #tpu.memory_space<vmem>>, vector<16xi32>,
    tpu.vector_store %arg7[%swap3A_1554], %add3A_1553 {strides = array<i32>} : memref<48xi32, #tpu.memory_space<vmem>>, vector<16xi32>,
    %dma_wait3A_1556 = arith.constant 624 : i32
    %dma_wait3A_1557 = tpu.memref_slice %arg5[%dma_wait3A_1556] : memref<720xi32, #tpu.memory_space<vmem>> -> memref<48xi32, #tpu.memory_space<vmem>>
    %dma_wait3A_1558 = arith.constant 0 : i32
    %dma_wait3A_1559 = arith.constant 0 : i32
    %dma_wait3A_1560 = tpu.memref_slice %arg2[%select_n3A_668, %dma_wait3A_1558, %dma_wait3A_1559] : memref<4x8192x1024xf32, #tpu.memory_space<hbm>> -> memref<1x8192x1024xf32, #tpu.memory_space<hbm>>
    %dma_wait3A_1561 = tpu.memref_squeeze %dma_wait3A_1560 : memref<1x8192x1024xf32, #tpu.memory_space<hbm>> -> memref<8192x1024xf32, #tpu.memory_space<hbm>>
    %dma_wait3A_1562 = arith.constant 0 : i32
    %dma_wait3A_1563 = arith.constant 0 : i32
    %dma_wait3A_1564 = tpu.memref_slice %dma_wait3A_1561[%dma_wait3A_1562, %dma_wait3A_1563] : memref<8192x1024xf32, #tpu.memory_space<hbm>> -> memref<8192x1024xf32, #tpu.memory_space<hbm>>
    tpu.wait_indirect_dma semaphore(%arg12 : memref<!tpu.dma_semaphore, #tpu.memory_space<semaphore_mem>>) src(%dma_wait3A_1564 : memref<8192x1024xf32, #tpu.memory_space<hbm>>) dst(%arg9 : memref<48x1024xf32, #tpu.memory_space<vmem>>)
    %dma_start3A_1565 = arith.constant 0 : i32
    %dma_start3A_1566 = arith.constant 0 : i32
    %dma_start3A_1567 = tpu.memref_slice %arg4[%select_n3A_668, %dma_start3A_1565, %dma_start3A_1566] : memref<4x5734x1024xf32, #tpu.memory_space<hbm>> -> memref<1x5734x1024xf32, #tpu.memory_space<hbm>>
    %dma_start3A_1568 = tpu.memref_squeeze %dma_start3A_1567 : memref<1x5734x1024xf32, #tpu.memory_space<hbm>> -> memref<5734x1024xf32, #tpu.memory_space<hbm>>
    %dma_start3A_1569 = arith.constant 0 : i32
    %dma_start3A_1570 = arith.constant 0 : i32
    %dma_start3A_1571 = tpu.memref_slice %dma_start3A_1568[%dma_start3A_1569, %dma_start3A_1570] : memref<5734x1024xf32, #tpu.memory_space<hbm>> -> memref<5734x1024xf32, #tpu.memory_space<hbm>>
    tpu.enqueue_indirect_dma source(%arg9 : memref<48x1024xf32, #tpu.memory_space<vmem>>) target(%dma_start3A_1571 : memref<5734x1024xf32, #tpu.memory_space<hbm>>) offsets(%arg7 : memref<48xi32, #tpu.memory_space<vmem>>) semaphore(%arg14 : memref<!tpu.dma_semaphore, #tpu.memory_space<semaphore_mem>>)
    %add3A_1572 = arith.constant 0 : i32
    %add3A_1573 = arith.addi %select_n3A_734, %add3A_1572 : i32
    %iota3A_1574 = tpu.iota {dimensions = array<i32: 0>} : vector<16xi32>
    %add3A_1575 = vector.broadcast %add3A_1573 : i32 to vector<16xi32>
    %add3A_1576 = arith.addi %add3A_1575, %iota3A_1574 : vector<16xi32>
    %swap3A_1577 = arith.constant 0 : index
    %swap3A_1578 = tpu.vector_load %arg6[%swap3A_1577] {strides = array<i32>} : memref<48xi32, #tpu.memory_space<vmem>>, vector<16xi32>,
    tpu.vector_store %arg6[%swap3A_1577], %add3A_1576 {strides = array<i32>} : memref<48xi32, #tpu.memory_space<vmem>>, vector<16xi32>,
    %add3A_1579 = arith.constant 16 : i32
    %add3A_1580 = arith.addi %select_n3A_734, %add3A_1579 : i32
    %iota3A_1581 = tpu.iota {dimensions = array<i32: 0>} : vector<16xi32>
    %add3A_1582 = vector.broadcast %add3A_1580 : i32 to vector<16xi32>
    %add3A_1583 = arith.addi %add3A_1582, %iota3A_1581 : vector<16xi32>
    %swap3A_1584 = arith.constant 16 : index
    %swap3A_1585 = tpu.vector_load %arg6[%swap3A_1584] {strides = array<i32>} : memref<48xi32, #tpu.memory_space<vmem>>, vector<16xi32>,
    tpu.vector_store %arg6[%swap3A_1584], %add3A_1583 {strides = array<i32>} : memref<48xi32, #tpu.memory_space<vmem>>, vector<16xi32>,
    %add3A_1586 = arith.constant 32 : i32
    %add3A_1587 = arith.addi %select_n3A_734, %add3A_1586 : i32
    %iota3A_1588 = tpu.iota {dimensions = array<i32: 0>} : vector<16xi32>
    %add3A_1589 = vector.broadcast %add3A_1587 : i32 to vector<16xi32>
    %add3A_1590 = arith.addi %add3A_1589, %iota3A_1588 : vector<16xi32>
    %swap3A_1591 = arith.constant 32 : index
    %swap3A_1592 = tpu.vector_load %arg6[%swap3A_1591] {strides = array<i32>} : memref<48xi32, #tpu.memory_space<vmem>>, vector<16xi32>,
    tpu.vector_store %arg6[%swap3A_1591], %add3A_1590 {strides = array<i32>} : memref<48xi32, #tpu.memory_space<vmem>>, vector<16xi32>,
    %dma_wait3A_1593 = arith.constant 672 : i32
    %dma_wait3A_1594 = tpu.memref_slice %arg5[%dma_wait3A_1593] : memref<720xi32, #tpu.memory_space<vmem>> -> memref<48xi32, #tpu.memory_space<vmem>>
    %dma_wait3A_1595 = arith.constant 0 : i32
    %dma_wait3A_1596 = arith.constant 0 : i32
    %dma_wait3A_1597 = tpu.memref_slice %arg2[%select_n3A_718, %dma_wait3A_1595, %dma_wait3A_1596] : memref<4x8192x1024xf32, #tpu.memory_space<hbm>> -> memref<1x8192x1024xf32, #tpu.memory_space<hbm>>
    %dma_wait3A_1598 = tpu.memref_squeeze %dma_wait3A_1597 : memref<1x8192x1024xf32, #tpu.memory_space<hbm>> -> memref<8192x1024xf32, #tpu.memory_space<hbm>>
    %dma_wait3A_1599 = arith.constant 0 : i32
    %dma_wait3A_1600 = arith.constant 0 : i32
    %dma_wait3A_1601 = tpu.memref_slice %dma_wait3A_1598[%dma_wait3A_1599, %dma_wait3A_1600] : memref<8192x1024xf32, #tpu.memory_space<hbm>> -> memref<8192x1024xf32, #tpu.memory_space<hbm>>
    tpu.wait_indirect_dma semaphore(%arg11 : memref<!tpu.dma_semaphore, #tpu.memory_space<semaphore_mem>>) src(%dma_wait3A_1601 : memref<8192x1024xf32, #tpu.memory_space<hbm>>) dst(%arg8 : memref<48x1024xf32, #tpu.memory_space<vmem>>)
    %dma_start3A_1602 = arith.constant 0 : i32
    %dma_start3A_1603 = arith.constant 0 : i32
    %dma_start3A_1604 = tpu.memref_slice %arg4[%select_n3A_718, %dma_start3A_1602, %dma_start3A_1603] : memref<4x5734x1024xf32, #tpu.memory_space<hbm>> -> memref<1x5734x1024xf32, #tpu.memory_space<hbm>>
    %dma_start3A_1605 = tpu.memref_squeeze %dma_start3A_1604 : memref<1x5734x1024xf32, #tpu.memory_space<hbm>> -> memref<5734x1024xf32, #tpu.memory_space<hbm>>
    %dma_start3A_1606 = arith.constant 0 : i32
    %dma_start3A_1607 = arith.constant 0 : i32
    %dma_start3A_1608 = tpu.memref_slice %dma_start3A_1605[%dma_start3A_1606, %dma_start3A_1607] : memref<5734x1024xf32, #tpu.memory_space<hbm>> -> memref<5734x1024xf32, #tpu.memory_space<hbm>>
    tpu.enqueue_indirect_dma source(%arg8 : memref<48x1024xf32, #tpu.memory_space<vmem>>) target(%dma_start3A_1608 : memref<5734x1024xf32, #tpu.memory_space<hbm>>) offsets(%arg6 : memref<48xi32, #tpu.memory_space<vmem>>) semaphore(%arg13 : memref<!tpu.dma_semaphore, #tpu.memory_space<semaphore_mem>>)
    %dma_wait3A_1609 = arith.constant 0 : i32
    %dma_wait3A_1610 = arith.constant 0 : i32
    %dma_wait3A_1611 = tpu.memref_slice %arg4[%select_n3A_718, %dma_wait3A_1609, %dma_wait3A_1610] : memref<4x5734x1024xf32, #tpu.memory_space<hbm>> -> memref<1x5734x1024xf32, #tpu.memory_space<hbm>>
    %dma_wait3A_1612 = tpu.memref_squeeze %dma_wait3A_1611 : memref<1x5734x1024xf32, #tpu.memory_space<hbm>> -> memref<5734x1024xf32, #tpu.memory_space<hbm>>
    %dma_wait3A_1613 = arith.constant 0 : i32
    %dma_wait3A_1614 = arith.constant 0 : i32
    %dma_wait3A_1615 = tpu.memref_slice %dma_wait3A_1612[%dma_wait3A_1613, %dma_wait3A_1614] : memref<5734x1024xf32, #tpu.memory_space<hbm>> -> memref<5734x1024xf32, #tpu.memory_space<hbm>>
    tpu.wait_indirect_dma semaphore(%arg13 : memref<!tpu.dma_semaphore, #tpu.memory_space<semaphore_mem>>) src(%arg8 : memref<48x1024xf32, #tpu.memory_space<vmem>>) dst(%dma_wait3A_1615 : memref<5734x1024xf32, #tpu.memory_space<hbm>>)
    %dma_wait3A_1616 = arith.constant 0 : i32
    %dma_wait3A_1617 = arith.constant 0 : i32
    %dma_wait3A_1618 = tpu.memref_slice %arg4[%select_n3A_668, %dma_wait3A_1616, %dma_wait3A_1617] : memref<4x5734x1024xf32, #tpu.memory_space<hbm>> -> memref<1x5734x1024xf32, #tpu.memory_space<hbm>>
    %dma_wait3A_1619 = tpu.memref_squeeze %dma_wait3A_1618 : memref<1x5734x1024xf32, #tpu.memory_space<hbm>> -> memref<5734x1024xf32, #tpu.memory_space<hbm>>
    %dma_wait3A_1620 = arith.constant 0 : i32
    %dma_wait3A_1621 = arith.constant 0 : i32
    %dma_wait3A_1622 = tpu.memref_slice %dma_wait3A_1619[%dma_wait3A_1620, %dma_wait3A_1621] : memref<5734x1024xf32, #tpu.memory_space<hbm>> -> memref<5734x1024xf32, #tpu.memory_space<hbm>>
    tpu.wait_indirect_dma semaphore(%arg14 : memref<!tpu.dma_semaphore, #tpu.memory_space<semaphore_mem>>) src(%arg9 : memref<48x1024xf32, #tpu.memory_space<vmem>>) dst(%dma_wait3A_1622 : memref<5734x1024xf32, #tpu.memory_space<hbm>>)
    return
  }
}

#map = affine_map<(d0, d1) -> (0)>
module attributes {stable_mosaic.version = 14 : i64} {
  func.func @_compact_body(%arg0: i32, %arg1: i32, %arg2: memref<32768xi32, #tpu.memory_space<hbm>>, %arg3: memref<23232xi32, #tpu.memory_space<hbm>>, %arg4: memref<8192xi32, #tpu.memory_space<vmem>>, %arg5: memref<5808xi32, #tpu.memory_space<vmem>>) attributes {dimension_semantics = [#tpu.dimension_semantics<core_parallel>, #tpu.dimension_semantics<subcore_parallel>], iteration_bounds = array<i64: 2, 16>, scalar_prefetch = 0 : i64, scratch_operands = 2 : i64, tpu.core_type = #tpu.core_type<sc_vector_subcore>, window_params = [{transform_indices = #map}, {transform_indices = #map}]} {
    %mul3A = arith.constant 2 : i32
    %mul3A_0 = arith.muli %arg1, %mul3A : i32
    %add3A = arith.addi %mul3A_0, %arg0 : i32
    %lt3A = arith.constant 4 : i32
    %lt3A_1 = arith.cmpi slt, %add3A, %lt3A : i32
    %convert_element_type3A = arith.extui %lt3A_1 : i1 to i32
    %cond3A = arith.constant 0 : i32
    %cond3A_2 = arith.cmpi ne, %convert_element_type3A, %cond3A : i32
    scf.if %cond3A_2 {
      %mul3A_3 = arith.constant 8192 : i32
      %mul3A_4 = arith.muli %add3A, %mul3A_3 : i32
      "tpu.region"() ({
        %run_scoped3A = tpu.sem_alloc : memref<!tpu.dma_semaphore, #tpu.memory_space<semaphore_mem>>
        %dma_start3A = tpu.memref_slice %arg2[%mul3A_4] : memref<32768xi32, #tpu.memory_space<hbm>> -> memref<8192xi32, #tpu.memory_space<hbm>>
        %dma_start3A_12 = tpu.memref_slice %arg2[%mul3A_4] : memref<32768xi32, #tpu.memory_space<hbm>> -> memref<8192xi32, #tpu.memory_space<hbm>>
        tpu.enqueue_dma source(%dma_start3A_12 : memref<8192xi32, #tpu.memory_space<hbm>>) target(%arg4 : memref<8192xi32, #tpu.memory_space<vmem>>) target_semaphore(%run_scoped3A : memref<!tpu.dma_semaphore, #tpu.memory_space<semaphore_mem>>)
        %dma_wait3A = tpu.memref_slice %arg2[%mul3A_4] : memref<32768xi32, #tpu.memory_space<hbm>> -> memref<8192xi32, #tpu.memory_space<hbm>>
        %dma_wait3A_13 = tpu.memref_slice %arg2[%mul3A_4] : memref<32768xi32, #tpu.memory_space<hbm>> -> memref<8192xi32, #tpu.memory_space<hbm>>
        tpu.wait_dma2 semaphore(%run_scoped3A : memref<!tpu.dma_semaphore, #tpu.memory_space<semaphore_mem>>) src(%dma_wait3A_13 : memref<8192xi32, #tpu.memory_space<hbm>>) dst(%arg4 : memref<8192xi32, #tpu.memory_space<vmem>>)
        tpu.yield
      }) : () -> ()
      %scan3A = arith.constant 0 : i32
      %scan3A_5 = arith.constant 0 : i32
      %scan3A_6 = arith.constant 512 : i32
      %scan3A_7 = arith.addi %scan3A_5, %scan3A_6 : i32
      %scan3A_8 = arith.constant 1 : i32
      scf.for %scan3A_12 = %scan3A_5 to %scan3A_7 step %scan3A_8  : i32 {
        %mul3A_13 = arith.constant 16 : i32
        %mul3A_14 = arith.muli %scan3A_12, %mul3A_13 : i32
        %get3A = arith.index_cast %mul3A_14 : i32 to index
        %get3A_15 = tpu.vector_load %arg4[%get3A] {strides = array<i32>} : memref<8192xi32, #tpu.memory_space<vmem>>, vector<16xi32>,
        %iota3A = tpu.iota {dimensions = array<i32: 0>} : vector<16xi32>
        %add3A_16 = vector.broadcast %mul3A_14 : i32 to vector<16xi32>
        %add3A_17 = arith.addi %add3A_16, %iota3A : vector<16xi32>
        %max3A = arith.constant 0 : i32
        %max3A_18 = vector.broadcast %max3A : i32 to vector<16xi32>
        %max3A_19 = arith.maxsi %get3A_15, %max3A_18 : vector<16xi32>
        %ge3A = arith.constant 0 : i32
        %ge3A_20 = vector.broadcast %ge3A : i32 to vector<16xi32>
        %ge3A_21 = arith.cmpi sge, %get3A_15, %ge3A_20 : vector<16xi32>
        tpu.vector_store_idx %arg5[%max3A_19], %add3A_17 masked %ge3A_21 : memref<5808xi32, #tpu.memory_space<vmem>>[vector<16xi32>], vector<16xi32>, vector<16xi1>
        %ge3A_22 = arith.constant 5686 : i32
        %ge3A_23 = vector.broadcast %ge3A_22 : i32 to vector<16xi32>
        %ge3A_24 = arith.cmpi sge, %get3A_15, %ge3A_23 : vector<16xi32>
        %sub3A = arith.constant 5686 : i32
        %sub3A_25 = vector.broadcast %sub3A : i32 to vector<16xi32>
        %sub3A_26 = arith.subi %max3A_19, %sub3A_25 : vector<16xi32>
        %add3A_27 = arith.constant 5760 : i32
        %add3A_28 = vector.broadcast %add3A_27 : i32 to vector<16xi32>
        %add3A_29 = arith.addi %sub3A_26, %add3A_28 : vector<16xi32>
        %jit3A = arith.constant 0 : i32
        %broadcast_in_dim3A = vector.broadcast %jit3A : i32 to vector<16xi32>
        %select_n3A = arith.select %ge3A_24, %add3A_29, %broadcast_in_dim3A : vector<16xi1>, vector<16xi32>
        tpu.vector_store_idx %arg5[%select_n3A], %add3A_17 masked %ge3A_24 : memref<5808xi32, #tpu.memory_space<vmem>>[vector<16xi32>], vector<16xi32>, vector<16xi1>
      }
      %scan3A_9 = arith.constant 512 : i32
      %mul3A_10 = arith.constant 5808 : i32
      %mul3A_11 = arith.muli %add3A, %mul3A_10 : i32
      "tpu.region"() ({
        %run_scoped3A = tpu.sem_alloc : memref<!tpu.dma_semaphore, #tpu.memory_space<semaphore_mem>>
        %dma_start3A = tpu.memref_slice %arg3[%mul3A_11] : memref<23232xi32, #tpu.memory_space<hbm>> -> memref<5808xi32, #tpu.memory_space<hbm>>
        %dma_start3A_12 = tpu.memref_slice %arg3[%mul3A_11] : memref<23232xi32, #tpu.memory_space<hbm>> -> memref<5808xi32, #tpu.memory_space<hbm>>
        tpu.enqueue_dma source(%arg5 : memref<5808xi32, #tpu.memory_space<vmem>>) target(%dma_start3A_12 : memref<5808xi32, #tpu.memory_space<hbm>>) target_semaphore(%run_scoped3A : memref<!tpu.dma_semaphore, #tpu.memory_space<semaphore_mem>>)
        %dma_wait3A = tpu.memref_slice %arg3[%mul3A_11] : memref<23232xi32, #tpu.memory_space<hbm>> -> memref<5808xi32, #tpu.memory_space<hbm>>
        %dma_wait3A_13 = tpu.memref_slice %arg3[%mul3A_11] : memref<23232xi32, #tpu.memory_space<hbm>> -> memref<5808xi32, #tpu.memory_space<hbm>>
        tpu.wait_dma2 semaphore(%run_scoped3A : memref<!tpu.dma_semaphore, #tpu.memory_space<semaphore_mem>>) src(%arg5 : memref<5808xi32, #tpu.memory_space<vmem>>) dst(%dma_wait3A_13 : memref<5808xi32, #tpu.memory_space<hbm>>)
        tpu.yield
      }) : () -> ()
    } else {
    }
    return
  }
}

module attributes {stable_mosaic.version = 14 : i64} {
  func.func @_scores_body(%arg0: i32, %arg1: i32, %arg2: memref<1x512x1024xf32, #tpu.memory_space<vmem>>, %arg3: memref<1x1024xf32, #tpu.memory_space<vmem>>, %arg4: memref<1x1024xf32, #tpu.memory_space<vmem>>, %arg5: memref<1x1024xbf16, #tpu.memory_space<vmem>>, %arg6: memref<1x1xf32, #tpu.memory_space<vmem>>, %arg7: memref<1x1x1x512xf32, #tpu.memory_space<vmem>>) attributes {dimension_semantics = [#tpu.dimension_semantics<parallel>, #tpu.dimension_semantics<parallel>], iteration_bounds = array<i64: 4, 16>, scalar_prefetch = 0 : i64, scratch_operands = 0 : i64, tpu.core_type = #tpu.core_type<tc>, window_params = [{transform_indices = @transform_0, window_bounds = array<i64: 1, 512, 1024>}, {pipeline_mode = #tpu.pipeline_mode<synchronous>, transform_indices = @transform_1, window_bounds = array<i64: 1, 1024>}, {pipeline_mode = #tpu.pipeline_mode<synchronous>, transform_indices = @transform_2, window_bounds = array<i64: 1, 1024>}, {pipeline_mode = #tpu.pipeline_mode<synchronous>, transform_indices = @transform_3, window_bounds = array<i64: 1, 1024>}, {pipeline_mode = #tpu.pipeline_mode<synchronous>, transform_indices = @transform_4, window_bounds = array<i64: 1, 1>}, {transform_indices = @transform_5, window_bounds = array<i64: 1, 1, 1, 512>}]} {
    %get3A = arith.constant 0 : index
    %get3A_0 = arith.constant 0 : index
    %get3A_1 = arith.constant 0 : index
    %get3A_2 = vector.load %arg2[%get3A, %get3A_0, %get3A_1] : memref<1x512x1024xf32, #tpu.memory_space<vmem>>, vector<1x512x1024xf32>
    %get3A_3 = vector.shape_cast %get3A_2 : vector<1x512x1024xf32> to vector<512x1024xf32>
    %reduce_sum3A = arith.constant dense<0.000000e+00> : vector<512xf32>
    %reduce_sum3A_4 = vector.multi_reduction <add>, %get3A_3, %reduce_sum3A [1] : vector<512x1024xf32> to vector<512xf32>
    %broadcast_in_dim3A = vector.shape_cast %reduce_sum3A_4 : vector<512xf32> to vector<512x1xf32>
    %div3A = arith.constant 1.024000e+03 : f32
    %div3A_5 = vector.broadcast %div3A : f32 to vector<512x1xf32>
    %div3A_6 = arith.divf %broadcast_in_dim3A, %div3A_5 : vector<512x1xf32>
    %sub3A = vector.broadcast %div3A_6 : vector<512x1xf32> to vector<512x1024xf32>
    %sub3A_7 = arith.subf %get3A_3, %sub3A : vector<512x1024xf32>
    %mul3A = arith.mulf %sub3A_7, %sub3A_7 : vector<512x1024xf32>
    %reduce_sum3A_8 = arith.constant dense<0.000000e+00> : vector<512xf32>
    %reduce_sum3A_9 = vector.multi_reduction <add>, %mul3A, %reduce_sum3A_8 [1] : vector<512x1024xf32> to vector<512xf32>
    %broadcast_in_dim3A_10 = vector.shape_cast %reduce_sum3A_9 : vector<512xf32> to vector<512x1xf32>
    %div3A_11 = arith.constant 1.024000e+03 : f32
    %div3A_12 = vector.broadcast %div3A_11 : f32 to vector<512x1xf32>
    %div3A_13 = arith.divf %broadcast_in_dim3A_10, %div3A_12 : vector<512x1xf32>
    %add3A = arith.constant 9.99999974E-6 : f32
    %add3A_14 = vector.broadcast %add3A : f32 to vector<512x1xf32>
    %add3A_15 = arith.addf %div3A_13, %add3A_14 : vector<512x1xf32>
    %sqrt3A = math.sqrt %add3A_15 : vector<512x1xf32>
    %div3A_16 = vector.broadcast %sqrt3A : vector<512x1xf32> to vector<512x1024xf32>
    %div3A_17 = arith.divf %sub3A_7, %div3A_16 : vector<512x1024xf32>
    %get3A_18 = arith.constant 0 : index
    %get3A_19 = arith.constant 0 : index
    %get3A_20 = vector.load %arg3[%get3A_18, %get3A_19] : memref<1x1024xf32, #tpu.memory_space<vmem>>, vector<1x1024xf32>
    %get3A_21 = vector.shape_cast %get3A_20 : vector<1x1024xf32> to vector<1024xf32>
    %broadcast_in_dim3A_22 = vector.shape_cast %get3A_21 : vector<1024xf32> to vector<1x1024xf32>
    %mul3A_23 = vector.broadcast %broadcast_in_dim3A_22 : vector<1x1024xf32> to vector<512x1024xf32>
    %mul3A_24 = arith.mulf %div3A_17, %mul3A_23 : vector<512x1024xf32>
    %get3A_25 = arith.constant 0 : index
    %get3A_26 = arith.constant 0 : index
    %get3A_27 = vector.load %arg4[%get3A_25, %get3A_26] : memref<1x1024xf32, #tpu.memory_space<vmem>>, vector<1x1024xf32>
    %get3A_28 = vector.shape_cast %get3A_27 : vector<1x1024xf32> to vector<1024xf32>
    %broadcast_in_dim3A_29 = vector.shape_cast %get3A_28 : vector<1024xf32> to vector<1x1024xf32>
    %add3A_30 = vector.broadcast %broadcast_in_dim3A_29 : vector<1x1024xf32> to vector<512x1024xf32>
    %add3A_31 = arith.addf %mul3A_24, %add3A_30 : vector<512x1024xf32>
    %convert_element_type3A = arith.truncf %add3A_31 : vector<512x1024xf32> to vector<512x1024xbf16>
    %convert_element_type3A_32 = arith.extf %convert_element_type3A : vector<512x1024xbf16> to vector<512x1024xf32>
    %get3A_33 = arith.constant 0 : index
    %get3A_34 = arith.constant 0 : index
    %get3A_35 = vector.load %arg5[%get3A_33, %get3A_34] : memref<1x1024xbf16, #tpu.memory_space<vmem>>, vector<1x1024xbf16>
    %get3A_36 = vector.shape_cast %get3A_35 : vector<1x1024xbf16> to vector<1024xbf16>
    %convert_element_type3A_37 = arith.extf %get3A_36 : vector<1024xbf16> to vector<1024xf32>
    %broadcast_in_dim3A_38 = vector.shape_cast %convert_element_type3A_37 : vector<1024xf32> to vector<1x1024xf32>
    %mul3A_39 = vector.broadcast %broadcast_in_dim3A_38 : vector<1x1024xf32> to vector<512x1024xf32>
    %mul3A_40 = arith.mulf %convert_element_type3A_32, %mul3A_39 : vector<512x1024xf32>
    %reduce_sum3A_41 = arith.constant dense<0.000000e+00> : vector<512xf32>
    %reduce_sum3A_42 = vector.multi_reduction <add>, %mul3A_40, %reduce_sum3A_41 [1] : vector<512x1024xf32> to vector<512xf32>
    %get3A_43 = arith.constant 0 : index
    %get3A_44 = arith.constant 0 : index
    %get3A_45 = vector.load %arg6[%get3A_43, %get3A_44] : memref<1x1xf32, #tpu.memory_space<vmem>>, vector<1x1xf32>
    %get3A_46 = vector.extract %get3A_45[0, 0] : f32 from vector<1x1xf32>
    %add3A_47 = vector.broadcast %get3A_46 : f32 to vector<512xf32>
    %add3A_48 = arith.addf %reduce_sum3A_42, %add3A_47 : vector<512xf32>
    %swap3A = arith.constant 0 : index
    %swap3A_49 = arith.constant 0 : index
    %swap3A_50 = arith.constant 0 : index
    %swap3A_51 = arith.constant 0 : index
    %swap3A_52 = vector.load %arg7[%swap3A, %swap3A_49, %swap3A_50, %swap3A_51] : memref<1x1x1x512xf32, #tpu.memory_space<vmem>>, vector<1x1x1x512xf32>
    %swap3A_53 = vector.shape_cast %swap3A_52 : vector<1x1x1x512xf32> to vector<512xf32>
    %swap3A_54 = vector.shape_cast %add3A_48 : vector<512xf32> to vector<1x1x1x512xf32>
    tpu.vector_store %arg7[%swap3A, %swap3A_49, %swap3A_50, %swap3A_51], %swap3A_54 {strides = array<i32>} : memref<1x1x1x512xf32, #tpu.memory_space<vmem>>, vector<1x1x1x512xf32>,
    return
  }
  func.func @transform_0(%arg0: i32, %arg1: i32) -> (i32, i32, i32) {
    %c0_i32 = arith.constant 0 : i32
    %c0_i32_0 = arith.constant 0 : i32
    return %arg0, %arg1, %c0_i32 : i32, i32, i32
  }
  func.func @transform_1(%arg0: i32, %arg1: i32) -> (i32, i32) {
    %c0_i32 = arith.constant 0 : i32
    %c0_i32_0 = arith.constant 0 : i32
    %c0_i32_1 = arith.constant 0 : i32
    return %c0_i32, %c0_i32_0 : i32, i32
  }
  func.func @transform_2(%arg0: i32, %arg1: i32) -> (i32, i32) {
    %c0_i32 = arith.constant 0 : i32
    %c0_i32_0 = arith.constant 0 : i32
    %c0_i32_1 = arith.constant 0 : i32
    return %c0_i32, %c0_i32_0 : i32, i32
  }
  func.func @transform_3(%arg0: i32, %arg1: i32) -> (i32, i32) {
    %c0_i32 = arith.constant 0 : i32
    %c0_i32_0 = arith.constant 0 : i32
    %c0_i32_1 = arith.constant 0 : i32
    return %c0_i32, %c0_i32_0 : i32, i32
  }
  func.func @transform_4(%arg0: i32, %arg1: i32) -> (i32, i32) {
    %c0_i32 = arith.constant 0 : i32
    %c0_i32_0 = arith.constant 0 : i32
    %c0_i32_1 = arith.constant 0 : i32
    return %c0_i32, %c0_i32_0 : i32, i32
  }
  func.func @transform_5(%arg0: i32, %arg1: i32) -> (i32, i32, i32, i32) {
    %c0_i32 = arith.constant 0 : i32
    %c0_i32_0 = arith.constant 0 : i32
    %c0_i32_1 = arith.constant 0 : i32
    return %arg0, %arg1, %c0_i32, %c0_i32_0 : i32, i32, i32, i32
  }
}

module attributes {stable_mosaic.version = 14 : i64} {
  func.func @_select_body(%arg0: memref<4x8192xf32, #tpu.memory_space<vmem>>, %arg1: memref<4x8192xi32, #tpu.memory_space<vmem>>) attributes {dimension_semantics = [], scalar_prefetch = 0 : i64, scratch_operands = 0 : i64, tpu.core_type = #tpu.core_type<tc>} {
    %get3A = arith.constant 0 : index
    %get3A_0 = arith.constant 0 : index
    %get3A_1 = vector.load %arg0[%get3A, %get3A_0] : memref<4x8192xf32, #tpu.memory_space<vmem>>, vector<4x8192xf32>
    %bitcast_convert_type3A = tpu.bitcast %get3A_1 : vector<4x8192xf32> -> vector<4x8192xi32>
    %ge3A = arith.constant 0 : i32
    %ge3A_2 = vector.broadcast %ge3A : i32 to vector<4x8192xi32>
    %ge3A_3 = arith.cmpi sge, %bitcast_convert_type3A, %ge3A_2 : vector<4x8192xi32>
    %sub3A = arith.constant -2147483648 : i32
    %sub3A_4 = vector.broadcast %sub3A : i32 to vector<4x8192xi32>
    %sub3A_5 = arith.subi %sub3A_4, %bitcast_convert_type3A : vector<4x8192xi32>
    %select_n3A = arith.select %ge3A_3, %bitcast_convert_type3A, %sub3A_5 : vector<4x8192xi1>, vector<4x8192xi32>
    %broadcast_in_dim3A = arith.constant -2147483648 : i32
    %broadcast_in_dim3A_6 = vector.broadcast %broadcast_in_dim3A : i32 to vector<4x1xi32>
    %broadcast_in_dim3A_7 = arith.constant 2147483647 : i32
    %broadcast_in_dim3A_8 = vector.broadcast %broadcast_in_dim3A_7 : i32 to vector<4x1xi32>
    %scan3A = arith.constant 0 : i32
    %scan3A_9 = arith.constant 32 : i32
    %scan3A_10 = arith.addi %scan3A, %scan3A_9 : i32
    %scan3A_11 = arith.constant 1 : i32
    %scan3A_12:2 = scf.for %scan3A_72 = %scan3A to %scan3A_10 step %scan3A_11 iter_args(%scan3A_73 = %broadcast_in_dim3A_6, %scan3A_74 = %broadcast_in_dim3A_8) -> (vector<4x1xi32>, vector<4x1xi32>)  : i32 {
      %lt3A_75 = arith.cmpi slt, %scan3A_73, %scan3A_74 : vector<4x1xi32>
      %and3A_76 = arith.andi %scan3A_73, %scan3A_74 : vector<4x1xi32>
      %xor3A = arith.xori %scan3A_73, %scan3A_74 : vector<4x1xi32>
      %shift_right_arithmetic3A = arith.constant 1 : i32
      %shift_right_arithmetic3A_77 = vector.broadcast %shift_right_arithmetic3A : i32 to vector<4x1xi32>
      %shift_right_arithmetic3A_78 = arith.shrsi %xor3A, %shift_right_arithmetic3A_77 : vector<4x1xi32>
      %add3A_79 = arith.addi %and3A_76, %shift_right_arithmetic3A_78 : vector<4x1xi32>
      %gt3A_80 = vector.broadcast %add3A_79 : vector<4x1xi32> to vector<4x8192xi32>
      %gt3A_81 = arith.cmpi sgt, %select_n3A, %gt3A_80 : vector<4x8192xi32>
      %convert_element_type3A_82 = arith.extui %gt3A_81 : vector<4x8192xi1> to vector<4x8192xi32>
      %reduce_sum3A_83 = arith.constant dense<0> : vector<4xi32>
      %reduce_sum3A_84 = vector.multi_reduction <add>, %convert_element_type3A_82, %reduce_sum3A_83 [1] : vector<4x8192xi32> to vector<4xi32>
      %broadcast_in_dim3A_85 = vector.shape_cast %reduce_sum3A_84 : vector<4xi32> to vector<4x1xi32>
      %ge3A_86 = arith.constant 5734 : i32
      %ge3A_87 = vector.broadcast %ge3A_86 : i32 to vector<4x1xi32>
      %ge3A_88 = arith.cmpi sge, %broadcast_in_dim3A_85, %ge3A_87 : vector<4x1xi32>
      %and3A_89 = arith.andi %lt3A_75, %ge3A_88 : vector<4x1xi1>
      %add3A_90 = arith.constant 1 : i32
      %add3A_91 = vector.broadcast %add3A_90 : i32 to vector<4x1xi32>
      %add3A_92 = arith.addi %add3A_79, %add3A_91 : vector<4x1xi32>
      %select_n3A_93 = arith.select %and3A_89, %add3A_92, %scan3A_73 : vector<4x1xi1>, vector<4x1xi32>
      %not3A = arith.constant dense<true> : vector<4x1xi1>
      %not3A_94 = arith.xori %ge3A_88, %not3A : vector<4x1xi1>
      %and3A_95 = arith.andi %lt3A_75, %not3A_94 : vector<4x1xi1>
      %select_n3A_96 = arith.select %and3A_95, %add3A_79, %scan3A_74 : vector<4x1xi1>, vector<4x1xi32>
      scf.yield %select_n3A_93, %select_n3A_96 : vector<4x1xi32>, vector<4x1xi32>
    }
    %gt3A = vector.broadcast %scan3A_12#0 : vector<4x1xi32> to vector<4x8192xi32>
    %gt3A_13 = arith.cmpi sgt, %select_n3A, %gt3A : vector<4x8192xi32>
    %eq3A = vector.broadcast %scan3A_12#0 : vector<4x1xi32> to vector<4x8192xi32>
    %eq3A_14 = arith.cmpi eq, %select_n3A, %eq3A : vector<4x8192xi32>
    %convert_element_type3A = arith.extui %gt3A_13 : vector<4x8192xi1> to vector<4x8192xi32>
    %reduce_sum3A = arith.constant dense<0> : vector<4xi32>
    %reduce_sum3A_15 = vector.multi_reduction <add>, %convert_element_type3A, %reduce_sum3A [1] : vector<4x8192xi32> to vector<4xi32>
    %broadcast_in_dim3A_16 = vector.shape_cast %reduce_sum3A_15 : vector<4xi32> to vector<4x1xi32>
    %sub3A_17 = arith.constant 5734 : i32
    %sub3A_18 = vector.broadcast %sub3A_17 : i32 to vector<4x1xi32>
    %sub3A_19 = arith.subi %sub3A_18, %broadcast_in_dim3A_16 : vector<4x1xi32>
    %convert_element_type3A_20 = arith.extui %eq3A_14 : vector<4x8192xi1> to vector<4x8192xi32>
    %convert_element_type3A_21 = arith.sitofp %convert_element_type3A_20 : vector<4x8192xi32> to vector<4x8192xf32>
    %reshape3A = vector.shape_cast %convert_element_type3A_21 : vector<4x8192xf32> to vector<4x64x128xf32>
    %iota3A = tpu.iota {dimensions = array<i32: 0>} : vector<128x128xi32>
    %iota3A_22 = tpu.iota {dimensions = array<i32: 1>} : vector<128x128xi32>
    %le3A = arith.cmpi sle, %iota3A, %iota3A_22 : vector<128x128xi32>
    %convert_element_type3A_23 = arith.extui %le3A : vector<128x128xi1> to vector<128x128xi32>
    %convert_element_type3A_24 = arith.sitofp %convert_element_type3A_23 : vector<128x128xi32> to vector<128x128xf32>
    %reshape3A_25 = vector.shape_cast %reshape3A : vector<4x64x128xf32> to vector<256x128xf32>
    %dot_general3A = arith.constant dense<0.000000e+00> : vector<256x128xf32>
    %dot_general3A_26 = tpu.matmul %reshape3A_25, %convert_element_type3A_24, %dot_general3A {dimension_numbers = #tpu.dot_dimension_numbers<[1], [0], [0], [1], [0, 0, 1, 1], [], []>, transpose_lhs_hint = false} : vector<256x128xf32>, vector<128x128xf32>, vector<256x128xf32> -> vector<256x128xf32>
    %reshape3A_27 = vector.shape_cast %dot_general3A_26 : vector<256x128xf32> to vector<4x64x128xf32>
    %slice3A = vector.extract_strided_slice %reshape3A_27 {offsets = [0, 0, 127], sizes = [4, 64, 1], strides = [1, 1, 1]} : vector<4x64x128xf32> to vector<4x64x1xf32>
    %squeeze3A = vector.shape_cast %slice3A : vector<4x64x1xf32> to vector<4x64xf32>
    %iota3A_28 = tpu.iota {dimensions = array<i32: 0>} : vector<64x64xi32>
    %iota3A_29 = tpu.iota {dimensions = array<i32: 1>} : vector<64x64xi32>
    %lt3A = arith.cmpi slt, %iota3A_28, %iota3A_29 : vector<64x64xi32>
    %convert_element_type3A_30 = arith.extui %lt3A : vector<64x64xi1> to vector<64x64xi32>
    %convert_element_type3A_31 = arith.sitofp %convert_element_type3A_30 : vector<64x64xi32> to vector<64x64xf32>
    %dot_general3A_32 = arith.constant dense<0.000000e+00> : vector<4x64xf32>
    %dot_general3A_33 = tpu.matmul %squeeze3A, %convert_element_type3A_31, %dot_general3A_32 {dimension_numbers = #tpu.dot_dimension_numbers<[1], [0], [0], [1], [0, 0, 1, 1], [], []>, transpose_lhs_hint = false} : vector<4x64xf32>, vector<64x64xf32>, vector<4x64xf32> -> vector<4x64xf32>
    %broadcast_in_dim3A_34 = vector.shape_cast %dot_general3A_33 : vector<4x64xf32> to vector<4x64x1xf32>
    %add3A = vector.broadcast %broadcast_in_dim3A_34 : vector<4x64x1xf32> to vector<4x64x128xf32>
    %add3A_35 = arith.addf %reshape3A_27, %add3A : vector<4x64x128xf32>
    %sub3A_36 = arith.subf %add3A_35, %reshape3A : vector<4x64x128xf32>
    %reshape3A_37 = vector.shape_cast %sub3A_36 : vector<4x64x128xf32> to vector<4x8192xf32>
    %convert_element_type3A_38 = arith.fptosi %reshape3A_37 : vector<4x8192xf32> to vector<4x8192xi32>
    %lt3A_39 = vector.broadcast %sub3A_19 : vector<4x1xi32> to vector<4x8192xi32>
    %lt3A_40 = arith.cmpi slt, %convert_element_type3A_38, %lt3A_39 : vector<4x8192xi32>
    %and3A = arith.andi %eq3A_14, %lt3A_40 : vector<4x8192xi1>
    %or3A = arith.ori %gt3A_13, %and3A : vector<4x8192xi1>
    %convert_element_type3A_41 = arith.extui %or3A : vector<4x8192xi1> to vector<4x8192xi32>
    %convert_element_type3A_42 = arith.sitofp %convert_element_type3A_41 : vector<4x8192xi32> to vector<4x8192xf32>
    %reshape3A_43 = vector.shape_cast %convert_element_type3A_42 : vector<4x8192xf32> to vector<4x64x128xf32>
    %iota3A_44 = tpu.iota {dimensions = array<i32: 0>} : vector<128x128xi32>
    %iota3A_45 = tpu.iota {dimensions = array<i32: 1>} : vector<128x128xi32>
    %le3A_46 = arith.cmpi sle, %iota3A_44, %iota3A_45 : vector<128x128xi32>
    %convert_element_type3A_47 = arith.extui %le3A_46 : vector<128x128xi1> to vector<128x128xi32>
    %convert_element_type3A_48 = arith.sitofp %convert_element_type3A_47 : vector<128x128xi32> to vector<128x128xf32>
    %reshape3A_49 = vector.shape_cast %reshape3A_43 : vector<4x64x128xf32> to vector<256x128xf32>
    %dot_general3A_50 = arith.constant dense<0.000000e+00> : vector<256x128xf32>
    %dot_general3A_51 = tpu.matmul %reshape3A_49, %convert_element_type3A_48, %dot_general3A_50 {dimension_numbers = #tpu.dot_dimension_numbers<[1], [0], [0], [1], [0, 0, 1, 1], [], []>, transpose_lhs_hint = false} : vector<256x128xf32>, vector<128x128xf32>, vector<256x128xf32> -> vector<256x128xf32>
    %reshape3A_52 = vector.shape_cast %dot_general3A_51 : vector<256x128xf32> to vector<4x64x128xf32>
    %slice3A_53 = vector.extract_strided_slice %reshape3A_52 {offsets = [0, 0, 127], sizes = [4, 64, 1], strides = [1, 1, 1]} : vector<4x64x128xf32> to vector<4x64x1xf32>
    %squeeze3A_54 = vector.shape_cast %slice3A_53 : vector<4x64x1xf32> to vector<4x64xf32>
    %iota3A_55 = tpu.iota {dimensions = array<i32: 0>} : vector<64x64xi32>
    %iota3A_56 = tpu.iota {dimensions = array<i32: 1>} : vector<64x64xi32>
    %lt3A_57 = arith.cmpi slt, %iota3A_55, %iota3A_56 : vector<64x64xi32>
    %convert_element_type3A_58 = arith.extui %lt3A_57 : vector<64x64xi1> to vector<64x64xi32>
    %convert_element_type3A_59 = arith.sitofp %convert_element_type3A_58 : vector<64x64xi32> to vector<64x64xf32>
    %dot_general3A_60 = arith.constant dense<0.000000e+00> : vector<4x64xf32>
    %dot_general3A_61 = tpu.matmul %squeeze3A_54, %convert_element_type3A_59, %dot_general3A_60 {dimension_numbers = #tpu.dot_dimension_numbers<[1], [0], [0], [1], [0, 0, 1, 1], [], []>, transpose_lhs_hint = false} : vector<4x64xf32>, vector<64x64xf32>, vector<4x64xf32> -> vector<4x64xf32>
    %broadcast_in_dim3A_62 = vector.shape_cast %dot_general3A_61 : vector<4x64xf32> to vector<4x64x1xf32>
    %add3A_63 = vector.broadcast %broadcast_in_dim3A_62 : vector<4x64x1xf32> to vector<4x64x128xf32>
    %add3A_64 = arith.addf %reshape3A_52, %add3A_63 : vector<4x64x128xf32>
    %sub3A_65 = arith.subf %add3A_64, %reshape3A_43 : vector<4x64x128xf32>
    %reshape3A_66 = vector.shape_cast %sub3A_65 : vector<4x64x128xf32> to vector<4x8192xf32>
    %convert_element_type3A_67 = arith.fptosi %reshape3A_66 : vector<4x8192xf32> to vector<4x8192xi32>
    %jit3A = arith.constant -1 : i32
    %broadcast_in_dim3A_68 = vector.broadcast %jit3A : i32 to vector<4x8192xi32>
    %select_n3A_69 = arith.select %or3A, %convert_element_type3A_67, %broadcast_in_dim3A_68 : vector<4x8192xi1>, vector<4x8192xi32>
    %swap3A = arith.constant 0 : index
    %swap3A_70 = arith.constant 0 : index
    %swap3A_71 = vector.load %arg1[%swap3A, %swap3A_70] : memref<4x8192xi32, #tpu.memory_space<vmem>>, vector<4x8192xi32>
    tpu.vector_store %arg1[%swap3A, %swap3A_70], %select_n3A_69 {strides = array<i32>} : memref<4x8192xi32, #tpu.memory_space<vmem>>, vector<4x8192xi32>,
    return
  }
}

</mosaic_0001>

<sc_bundles>
// kernel: kernel.6.cloned.1.call-start
scs
__scs_entry_jumppad:
0x0: {  	(pc) =	sbr.rel $0x88, $3  }
0x1: {  	(tag) =	ssettag $0x0;
	lr =	simm.s32 $0x1  }
0x2: {  	[smem:$0x3F9C] =	sst lr;
	_ =	strace $0xD0000000  }
0x3: {  	_ = 	snop  }
0x4: {  	_ = 	snop  }
0x5: {  	_ = 	snop  }
0x6: {  	_ = 	snop  }
0x7: {  	_ = 	snop  }
__scs_overlays_trampoline_lowered:
0x8: {  	[smem:$0x3FAB] =	sst s0  }
0x9: {  	[smem:$0x3FAC] =	sst s1  }
0xa: {  	[smem:$0x3FAD] =	sst s2  }
0xb: {  	[smem:$0x3FAE] =	sst s3  }
0xc: {  	[smem:$0x3FAF] =	sst s4  }
0xd: {  	[smem:$0x3FB0] =	sst s5  }
0xe: {  	[smem:$0x3FB1] =	sst s6  }
0xf: {  	[smem:$0x3FB2] =	sst s7  }
0x10: {  	[smem:$0x3FB3] =	sst s8  }
0x11: {  	[smem:$0x3FB4] =	sst s9;
	s0 =	simm.s32 @!p0 $0x0  }
0x12: {  	s1 =	sld [smem:$0x3F9A];
	s0 =	simm.s32 @p0 $0x1  }
0x13: {  	[smem:$0x3FB5] =	sst s0;
	s0 =	simm.s32 @!p1 $0x0  }
0x14: {  	s2 =	sld [smem:$0x3F99];
	s0 =	simm.s32 @p1 $0x1  }
0x15: {  	[smem:$0x3FB6] =	sst s0;
	s0 =	simm.s32 @!p2 $0x0  }
0x16: {  	s3 =	sld [smem:$0x3FDB];
	s0 =	simm.s32 @p2 $0x1  }
0x17: {  	s4 =	simm.s32 $0x1BF5;
	[smem:$0x3FB8] =	sst s0  }
0x18: {  	s0 =	sld [smem:$0x3F9B];
	_ =	swait.ge [sflag:s4], $0x0  }
0x19: {  	s7 =	sld [smem:$0x3F9C]  }
0x1a: {  	s8 =	sadd.s32 $0xFFFFE003, lr  }
0x1b: {  	s9 =	sadd.s32 $0xFFFFFEF7, lr;
	s5 =	simm.s32 $0xFFFFFFFF;
	p2 =	slt.u32 s8, $0xFFFFF086  }
0x1c: {  	p1 =	slt.u32 s9, $0xF7A;
	s5 =	simm.s32 @!p2 $0x0  }
0x1d: {  	s5 =	simm.s32 @p1 $0x1;
	p0 =	seq.s32 s7, s2  }
0x1e: {  	s7 =	smul.u32 @!p0 $0xF7A, s2;
	p2 =	seq.s32 @!p0 s5, $0x0  }
0x1f: {  	s9 =	smul.u32 $0xF7A, s1;
	s8 =	simm.s32 @!p0 $0x1BF5;
	p2 =	por !p2, p0  }
0x20: {  	[sflag:s8] =	ssyncset.s32 @!p0 $0xFFFFF086;
	s6 =	sadd.s32 @!p0 s3, s7;
	s7 =	simm.s32 @!p0 $0x108  }
0x21: {  	s3 =	sadd.s32 s3, s9;
	s6 =	sadd.s32 @!p0 $0x88, s6;
	s7 =	simm.s32 @p2 $0x1082  }
0x22: {  	[simem:s7], [sflag:s8] =	dma.local @!p0 [hbm:s6], $0xF7A  }
0x23: {  	s9 =	sor.u32 $0xD0000000, s2;
	s6 =	simm.s32 $0x108;
	_ =	swait.ge @!p0 [sflag:s8], $0x0  }
0x24: {  	s3 =	sadd.s32 $0x88, s3;
	s6 =	simm.s32 @!p1 $0x1082;
	[sflag:s4] =	ssyncset.s32 $0xFFFFF086  }
0x25: {  	[simem:s6], [sflag:s4] =	dma.local [hbm:s3], $0xF7A  }
0x26: {  	[smem:$0x3F9C] =	sst s1;
	(tag) =	ssettag s2;
	_ =	strace s9  }
0x27: {  	s1 =	sld [smem:$0x3FAC]  }
0x28: {  	s2 =	sld [smem:$0x3FAD]  }
0x29: {  	s4 =	sld [smem:$0x3FAF]  }
0x2a: {  	p0 =	seq.s32 s5, $0x0;
	s5 =	sld [smem:$0x3FB0]  }
0x2b: {  	s6 =	sld [smem:$0x3FB1]  }
0x2c: {  	s7 =	sld [smem:$0x3FB2]  }
0x2d: {  	s3 =	simm.s32 $0x108;
	s8 =	sld [smem:$0x3FB3]  }
0x2e: {  	s3 =	simm.s32 @!p0 $0x1082;
	s9 =	sld [smem:$0x3FB4]  }
0x2f: {  	lr =	sadd.s32 s0, s3;
	s0 =	sld [smem:$0x3FAB]  }
0x30: {  	s3 =	sld [smem:$0x3FAE]  }
0x31: {  	[smem:$0x3FB7] =	sst s10  }
0x32: {  	s10 =	sld [smem:$0x3FB5];
	_ =	sdelay $0x3  }
0x33: {  	p0 =	seq.s32 s10, $0x1;
	s10 =	sld [smem:$0x3FB7];
	_ =	sdelay $0x3  }
0x34: {  	[smem:$0x3FB7] =	sst s10  }
0x35: {  	s10 =	sld [smem:$0x3FB6];
	_ =	sdelay $0x3  }
0x36: {  	p1 =	seq.s32 s10, $0x1;
	s10 =	sld [smem:$0x3FB7];
	_ =	sdelay $0x3  }
0x37: {  	[smem:$0x3FB7] =	sst s10  }
0x38: {  	s10 =	sld [smem:$0x3FB8]  }
0x39: {  	_ = 	snop;
	(pc) =	sbr.ind lr, $3  }
0x3a: {  	_ = 	snop  }
0x3b: {  	_ = 	snop  }
0x3c: {  	p2 =	seq.s32 s10, $0x1;
	s10 =	sld [smem:$0x3FB7]  }
0x3d: {  	_ =	shalt  }
0x3e: {  	_ =	shalt  }
0x3f: {  	_ =	shalt  }
0x40: {  	_ =	shalt  }
0x41: {  	_ =	shalt  }
0x42: {  	_ =	shalt  }
0x43: {  	_ =	shalt  }
0x44: {  	_ =	shalt  }
0x45: {  	_ =	shalt  }
0x46: {  	_ =	shalt  }
0x47: {  	_ =	shalt  }
0x48: {  	_ =	shalt  }
0x49: {  	_ =	shalt  }
0x4a: {  	_ =	shalt  }
0x4b: {  	_ =	shalt  }
0x4c: {  	_ =	shalt  }
0x4d: {  	_ =	shalt  }
0x4e: {  	_ =	shalt  }
0x4f: {  	_ =	shalt  }
0x50: {  	_ =	shalt  }
0x51: {  	_ =	shalt  }
0x52: {  	_ =	shalt  }
0x53: {  	_ =	shalt  }
0x54: {  	_ =	shalt  }
0x55: {  	_ =	shalt  }
0x56: {  	_ =	shalt  }
0x57: {  	_ =	shalt  }
0x58: {  	_ =	shalt  }
0x59: {  	_ =	shalt  }
0x5a: {  	_ =	shalt  }
0x5b: {  	_ =	shalt  }
0x5c: {  	_ =	shalt  }
0x5d: {  	_ =	shalt  }
0x5e: {  	_ =	shalt  }
0x5f: {  	_ =	shalt  }
0x60: {  	_ =	shalt  }
0x61: {  	_ =	shalt  }
0x62: {  	_ =	shalt  }
0x63: {  	_ =	shalt  }
0x64: {  	_ =	shalt  }
0x65: {  	_ =	shalt  }
0x66: {  	_ =	shalt  }
0x67: {  	_ =	shalt  }
0x68: {  	_ =	shalt  }
0x69: {  	_ =	shalt  }
0x6a: {  	_ =	shalt  }
0x6b: {  	_ =	shalt  }
0x6c: {  	_ =	shalt  }
0x6d: {  	_ =	shalt  }
0x6e: {  	_ =	shalt  }
0x6f: {  	_ =	shalt  }
0x70: {  	_ =	shalt  }
0x71: {  	_ =	shalt  }
0x72: {  	_ =	shalt  }
0x73: {  	_ =	shalt  }
0x74: {  	_ =	shalt  }
0x75: {  	_ =	shalt  }
0x76: {  	_ =	shalt  }
0x77: {  	_ =	shalt  }
0x78: {  	_ =	shalt  }
0x79: {  	_ =	shalt  }
0x7a: {  	_ =	shalt  }
0x7b: {  	_ =	shalt  }
0x7c: {  	_ =	shalt  }
0x7d: {  	_ =	shalt  }
0x7e: {  	_ =	shalt  }
0x7f: {  	_ =	shalt  }
0x80: {  	_ =	shalt  }
0x81: {  	_ =	shalt  }
0x82: {  	_ =	shalt  }
0x83: {  	_ =	shalt  }
0x84: {  	_ =	shalt  }
0x85: {  	_ =	shalt  }
0x86: {  	_ =	shalt  }
0x87: {  	_ =	shalt  }
.Lfunc_end0:
.L_simem_size_0:
called_computation_lowered:
.L_overlay_start_0:
0x88: {  	s2 =	sld [smem:$0x3FD9]  }
0x89: {  	s3 =	sld [smem:$0x3FFE];
	_ =	sdelay $0x1  }
0x8a: {  	s1 =	srdreg.scid  }
0x8b: {  	s0 =	sand.u32 $0x1, s1  }
0x8c: {  	s17 =	sshll.u32 s0, $0xA;
	s2 =	sadd.s32 s3, s2  }
0x8d: {  	s2 =	sadd.s32 s2, s17  }
0x8e: {  	[smem:$0x3FC3] =	sst s2  }
0x8f: {  	_ = 	snop  }
0x90: {  	s2 =	sld [smem:$0x3FD0];
	(tm) =	ssettm $0x1  }
0x91: {  	s18 =	sld [smem:$0x3FFB];
	_ =	sdelay $0x3  }
0x92: {  	_ =	strace s18  }
0x93: {  	s3 =	sld [smem:$0x3FFC];
	_ =	sdelay $0x3  }
0x94: {  	_ =	strace s3  }
0x95: {  	s3 =	sld [smem:$0x3FFD];
	_ =	sdelay $0x3  }
0x96: {  	_ =	strace s3  }
0x97: {  	_ =	strace $0x8FFFFFFF  }
0x98: {  	s19 =	sld [smem:$0x3FDB];
	_ =	sdelay $0x1  }
0x99: {  	s4 =	simm.s32 $_scs_section_size  }
0x9a: {  	s5 =	simm.s32 $_size__tile_overlayer_lowered;
	s6 =	simm.s32 $_tile_overlayer_lowered  }
0x9b: {  	s22 =	simm.s32 $0x1BFF;
	s21 =	sshll.u32 s6, $0x1;
	s3 =	sadd.s32 s4, s19  }
0x9c: {  	s7 =	simm.s32 $0x0;
	s20 =	sshll.u32 s5, $0x1;
	s5 =	sadd.s32 s21, s3  }
0x9d: {  	[timem:s7], [sflag:s22] =	dma.local [hbm:s5], s20  }
0x9e: {  	_ =	swait.ge [sflag:s22], s20  }
0x9f: {  	s4 =	ssub.s32 $0x0, s20;
	[sflag:s22] =	ssyncset.done $0x0  }
0xa0: {  	[sflag:s22] =	ssyncadd.s32 s4;
	_ =	sdelay $0x1  }
0xa1: {  	s23 =	simm.s32 $0x1B8B  }
0xa2: {  	_ =	swait.ge [sflag:s23], $0x1  }
0xa3: {  	[sflag:s23] =	ssyncset.done $0x0  }
0xa4: {  	s25 =	simm.s32 $0x1B8E;
	s24 =	sld [smem:$0x3FFE];
	[sflag:s23] =	ssyncadd.s32 $0xFFFFFFFF  }
0xa5: {  	s26 =	simm.s32 $execute0_lowered;
	[smem:$0x3FD2] =	sst s25  }
0xa6: {  	s5 =	sshll.u32 s26, $0x1;
	_ =	strace $0x80000046;
	[dreg:$0x1] =	wrdreg $0xFFFFFFFF  }
0xa7: {  	s28 =	simm.s32 $_size_execute0_lowered;
	s3 =	sadd.s32 s3, s5;
	[dreg:$0x0] =	wrdreg $0x0  }
0xa8: {  	s5 =	sshll.u32 s28, $0x1;
	[dreg:$0x2] =	wrdreg s3  }
0xa9: {  	[dreg:$0x3] =	wrdreg s5  }
0xaa: {  	[dreg:$0x4] =	wrdreg $0xC0  }
0xab: {  	_ =	task [dreg:s7], $0x5FFFF  }
0xac: {  	[dreg:$0x1] =	wrdreg $0xFFFFFFFF  }
0xad: {  	[dreg:$0x0] =	wrdreg $0x60  }
0xae: {  	[dreg:$0x2] =	wrdreg s2  }
0xaf: {  	[dreg:$0x3] =	wrdreg s24  }
0xb0: {  	[dreg:$0x4] =	wrdreg $0x9  }
0xb1: {  	_ =	task.clear_ibuf [dreg:s7], $0x5FFFF;
	_ =	strace $0x90000046  }
0xb2: {  	s29 =	simm.s32 $0x9;
	_ =	strace $0x80000048  }
0xb3: {  	_ =	swait.ge [sflag:s29], $0x1  }
0xb4: {  	[sflag:s29] =	ssyncadd.s32 $0xFFFFFFFF  }
0xb5: {  	_ =	strace $0x90000048  }
0xb6: {  	_ =	sfence  }
0xb7: {  	s30 =	sld [smem:$0x0];
	_ =	sdelay $0x2  }
0xb8: {  	s31 =	sshll.u32 s1, $0xD;
	s1 =	sshrl.u32 s1, $0x2  }
0xb9: {  	s3 =	sand.u32 $0x4000, s31;
	s1 =	sadd.s32 s1, s30  }
0xba: {  	s0 =	sor.u32 s3, s0;
	s1 =	sshll.u32 s1, $0x11  }
0xbb: {  	s0 =	sor.u32 s1, s0  }
0xbc: {  	s0 =	sadd.s32 $0x8F2B, s0  }
0xbd: {  	[sflag:s0] =	ssyncadd.remote.s32 $0x1  }
0xbe: {  	_ =	sfence.sel $0xFFFF  }
0xbf: {  	[dreg:$0x0] =	wrdreg $0xFFFFFFFF;
	(pc) =	sbr.abs _section_cstart, $3  }
0xc0: {  	[dreg:$0x1] =	wrdreg $0xFFFFFFFF  }
0xc1: {  	_ =	task.clear_ibuf [dreg:s7], $0x2FFFF;
	_ =	strace $0x9FFFFFFF  }
0xc2: {  	(tm) =	ssettm $0x7FFFFFFF  }
0xc3: {  	_ =	shalt  }
tec
execute0_lowered:
.L_overlay_start_1:
0x0: {  	(tag) =	ssettag $0x1  }
0x1: {  	s1 =	stileid.u32  }
0x2: {  	p0 =	sgt.u32 s1, $0x1  }
.Ltmp0:
0x3: {  	_ = 	snop;
	(pc) =	sbr.rel @p0 .LBB2_5-.Ltmp0, $4  }
0x4: {  	s4 =	rddreg [dreg:$0x0]  }
0x5: {  	s3 =	rddreg [dreg:$0x1];
	s2 =	simm.s32 $0x0  }
0x6: {  	[smem:$0x7FF] =	sst s2  }
0x7: {  	s0 =	rddreg [dreg:$0x2];
	_ =	strace $0x80000047  }
0x8: {  	s5 =	srdreg.scid  }
0x9: {  	s6 =	sshll.u32 s1, $0x1;
	s5 =	sand.u32 $0x1, s5  }
0xa: {  	s6 =	sor.u32 s5, s6;
	s5 =	ssub.s32 $0x2, s5  }
0xb: {  	s7 =	smul.u32 $0x2D6, s6;
	s8 =	sshrl.u32 s5, $0x1;
	s6 =	sshll.u32 s6, $0xA  }
0xc: {  	s5 =	ssub.s32 s5, s8;
	s4 =	sadd.s32 s4, s6  }
0xd: {  	s6 =	simm.s32 $0x1;
	s8 =	simm.s32 $0x0;
	s3 =	sadd.s32 s7, s3  }
0xe: {  	v0 =	vlaneseq.u32;
	s5 =	smax.u32 s5, $0x1;
	s7 =	simm.s32 $0x2000;
	s3 =	sadd.s32 $0x800, s3  }
.LBB2_2:
0xf: {  	s9 =	simm.s32 $0x0  }
0x10: {  	[tilespmem:s9], [sflag:$0x1] =	stream.linear.gather [hbm4b:s4+s9], $0x2000, $0x38;
	[tilespmem:$0x3700] =	vst v63  }
0x11: {  	_ =	swait.ge [sflag:s6], $0x2000  }
0x12: {  	[sflag:s6] =	ssyncset.done $0x0  }
0x13: {  	[sflag:s6] =	ssyncadd.s32 $0xFFFFE000  }
0x14: {  	s10 =	simm.s32 $0x10;
	s11 =	simm.s32 $0x0;
	v1 =	vld [tilespmem:s9+$0x0]  }
.LBB2_3:
0x15: {  	p0 =	sne.s32 s10, $0x1FF0;
	_ =	sdelay $0x3  }
0x16: {  	vm0 =	vgt.s32 v1, $0x0;
	vm1 =	vgt.s32 v1, $0xFFFFFFFF  }
0x17: {  	v2 =	vnsel vm0, $0x0, v1  }
0x18: {  	vm0 =	vgt.s32 v1, $0x1635;
	v1 =	vadd.s32 $0x4A, v2  }
0x19: {  	v1 =	vnsel vm0, $0x0, v1;
	_ =	sdelay $0x1  }
.Ltmp1:
0x1a: {  	v3 =	vor.u32 s9, v0;
	s9 =	smov.u32 s10;
	(pc) =	sbr.rel @p0 .LBB2_3-.Ltmp1, $3  }
0x1b: {  	[tilespmem:v2+s7+$0x0] =	vst.idx.msk vm1, v3;
	_ =	sdelay $0x1  }
0x1c: {  	s11 =	sadd.s32 $0x10, s11;
	[tilespmem:v1+s7+$0x0] =	vst.idx.msk vm0, v3  }
0x1d: {  	s10 =	sadd.s32 $0x10, s10;
	v1 =	vld [tilespmem:s11+$0x0]  }
0x1e: {  	_ =	sdelay $0x3  }
0x1f: {  	vm0 =	vgt.s32 v1, $0x0  }
0x20: {  	vm1 =	vgt.s32 v1, $0xFFFFFFFF;
	v2 =	vnsel vm0, $0x0, v1  }
0x21: {  	vm15 =	vgt.s32 v1, $0x1635;
	v1 =	vadd.s32 $0x4A, v2  }
0x22: {  	v1 =	vnsel vm15, $0x0, v1;
	_ =	sdelay $0x2  }
0x23: {  	v3 =	vor.u32 s9, v0;
	s8 =	sadd.s32 $0x1, s8  }
0x24: {  	p0 =	sne.s32 s8, s5;
	[tilespmem:v2+s7+$0x0] =	vst.idx.msk vm1, v3  }
.Ltmp2:
0x25: {  	[tilespmem:v1+s7+$0x0] =	vst.idx.msk vm15, v3;
	(pc) =	sbr.rel @p0 .LBB2_2-.Ltmp2, $4  }
0x26: {  	[hbm4b:s3+s2] =	stream.linear.scatter [tilespmem:s7], [sflag:$0x1], $0x16B0, $0x38;
	[tilespmem:$0x3700] =	vst v63  }
0x27: {  	_ =	swait.ge [sflag:s6], $0x16B0  }
0x28: {  	[sflag:s6] =	ssyncset.done $0x0  }
0x29: {  	[sflag:s6] =	ssyncadd.s32 $0xFFFFE950  }
.LBB2_5:
0x2a: {  	_ =	sfence.sel $0x180000  }
0x2b: {  	[bflag:$0x0] =	sbarrier.arrive $0xFFFF  }
0x2c: {  	p0 =	sne.s32 s1, $0x0;
	_ =	strace $0x90000047  }
0x2d: {  	s0 =	sadd.s32 @!p0 $0x100000, s0;
	[bflag:$0x2] =	sbarrier.arrive $0xFFFF  }
0x2e: {  	[sflag:s0] =	ssyncadd.tile.s32 @!p0 $0x1;
	_ =	shalt  }
.Lfunc_end2:
_tile_overlayer_lowered:
.L_overlay_start_2:
0x2f: {  	(tag) =	ssettag $0x2  }
0x30: {  	s0 =	rddreg [dreg:$0x0];
	s2 =	stileid.u32  }
0x31: {  	s1 =	rddreg [dreg:$0x1];
	p0 =	sne.s32 s2, $0x0  }
0x32: {  	s3 =	rddreg [dreg:$0x2];
	[bflag:$0x3] =	sbarrier.arrive $0xFFFF;
	s2 =	simm.s32 @!p0 $0x1C01  }
0x33: {  	[timem:s3], [sflag:s2] =	dma.local @!p0 [hbm:s0], s1  }
0x34: {  	s0 =	simm.s32 @!p0 $0x1  }
0x35: {  	_ =	swait.ge @!p0 [sflag:s0], s1  }
0x36: {  	s1 =	ssub.s32 @!p0 $0x0, s1;
	[sflag:s0] =	ssyncset.done @!p0 $0x0  }
0x37: {  	[sflag:s0] =	ssyncadd.s32 @!p0 s1  }
0x38: {  	[bflag:$0x3] =	sbarrier.arrive $0xFFFF  }
0x39: {  	_ =	shalt  }

// kernel: kernel.9.cloned.1.call-start
scs
__scs_entry_jumppad:
0x0: {  	(pc) =	sbr.rel $0x88, $3  }
0x1: {  	(tag) =	ssettag $0x0;
	lr =	simm.s32 $0x1  }
0x2: {  	[smem:$0x3F9C] =	sst lr;
	_ =	strace $0xD0000000  }
0x3: {  	_ = 	snop  }
0x4: {  	_ = 	snop  }
0x5: {  	_ = 	snop  }
0x6: {  	_ = 	snop  }
0x7: {  	_ = 	snop  }
__scs_overlays_trampoline_lowered:
0x8: {  	[smem:$0x3FAB] =	sst s0  }
0x9: {  	[smem:$0x3FAC] =	sst s1  }
0xa: {  	[smem:$0x3FAD] =	sst s2  }
0xb: {  	[smem:$0x3FAE] =	sst s3  }
0xc: {  	[smem:$0x3FAF] =	sst s4  }
0xd: {  	[smem:$0x3FB0] =	sst s5  }
0xe: {  	[smem:$0x3FB1] =	sst s6  }
0xf: {  	[smem:$0x3FB2] =	sst s7  }
0x10: {  	[smem:$0x3FB3] =	sst s8  }
0x11: {  	[smem:$0x3FB4] =	sst s9;
	s0 =	simm.s32 @!p0 $0x0  }
0x12: {  	s1 =	sld [smem:$0x3F9A];
	s0 =	simm.s32 @p0 $0x1  }
0x13: {  	[smem:$0x3FB5] =	sst s0;
	s0 =	simm.s32 @!p1 $0x0  }
0x14: {  	s2 =	sld [smem:$0x3F99];
	s0 =	simm.s32 @p1 $0x1  }
0x15: {  	[smem:$0x3FB6] =	sst s0;
	s0 =	simm.s32 @!p2 $0x0  }
0x16: {  	s3 =	sld [smem:$0x3FDB];
	s0 =	simm.s32 @p2 $0x1  }
0x17: {  	s4 =	simm.s32 $0x1BF5;
	[smem:$0x3FB8] =	sst s0  }
0x18: {  	s0 =	sld [smem:$0x3F9B];
	_ =	swait.ge [sflag:s4], $0x0  }
0x19: {  	s7 =	sld [smem:$0x3F9C]  }
0x1a: {  	s8 =	sadd.s32 $0xFFFFE003, lr  }
0x1b: {  	s9 =	sadd.s32 $0xFFFFFEF7, lr;
	s5 =	simm.s32 $0xFFFFFFFF;
	p2 =	slt.u32 s8, $0xFFFFF086  }
0x1c: {  	p1 =	slt.u32 s9, $0xF7A;
	s5 =	simm.s32 @!p2 $0x0  }
0x1d: {  	s5 =	simm.s32 @p1 $0x1;
	p0 =	seq.s32 s7, s2  }
0x1e: {  	s7 =	smul.u32 @!p0 $0xF7A, s2;
	p2 =	seq.s32 @!p0 s5, $0x0  }
0x1f: {  	s9 =	smul.u32 $0xF7A, s1;
	s8 =	simm.s32 @!p0 $0x1BF5;
	p2 =	por !p2, p0  }
0x20: {  	[sflag:s8] =	ssyncset.s32 @!p0 $0xFFFFF086;
	s6 =	sadd.s32 @!p0 s3, s7;
	s7 =	simm.s32 @!p0 $0x108  }
0x21: {  	s3 =	sadd.s32 s3, s9;
	s6 =	sadd.s32 @!p0 $0x88, s6;
	s7 =	simm.s32 @p2 $0x1082  }
0x22: {  	[simem:s7], [sflag:s8] =	dma.local @!p0 [hbm:s6], $0xF7A  }
0x23: {  	s9 =	sor.u32 $0xD0000000, s2;
	s6 =	simm.s32 $0x108;
	_ =	swait.ge @!p0 [sflag:s8], $0x0  }
0x24: {  	s3 =	sadd.s32 $0x88, s3;
	s6 =	simm.s32 @!p1 $0x1082;
	[sflag:s4] =	ssyncset.s32 $0xFFFFF086  }
0x25: {  	[simem:s6], [sflag:s4] =	dma.local [hbm:s3], $0xF7A  }
0x26: {  	[smem:$0x3F9C] =	sst s1;
	(tag) =	ssettag s2;
	_ =	strace s9  }
0x27: {  	s1 =	sld [smem:$0x3FAC]  }
0x28: {  	s2 =	sld [smem:$0x3FAD]  }
0x29: {  	s4 =	sld [smem:$0x3FAF]  }
0x2a: {  	p0 =	seq.s32 s5, $0x0;
	s5 =	sld [smem:$0x3FB0]  }
0x2b: {  	s6 =	sld [smem:$0x3FB1]  }
0x2c: {  	s7 =	sld [smem:$0x3FB2]  }
0x2d: {  	s3 =	simm.s32 $0x108;
	s8 =	sld [smem:$0x3FB3]  }
0x2e: {  	s3 =	simm.s32 @!p0 $0x1082;
	s9 =	sld [smem:$0x3FB4]  }
0x2f: {  	lr =	sadd.s32 s0, s3;
	s0 =	sld [smem:$0x3FAB]  }
0x30: {  	s3 =	sld [smem:$0x3FAE]  }
0x31: {  	[smem:$0x3FB7] =	sst s10  }
0x32: {  	s10 =	sld [smem:$0x3FB5];
	_ =	sdelay $0x3  }
0x33: {  	p0 =	seq.s32 s10, $0x1;
	s10 =	sld [smem:$0x3FB7];
	_ =	sdelay $0x3  }
0x34: {  	[smem:$0x3FB7] =	sst s10  }
0x35: {  	s10 =	sld [smem:$0x3FB6];
	_ =	sdelay $0x3  }
0x36: {  	p1 =	seq.s32 s10, $0x1;
	s10 =	sld [smem:$0x3FB7];
	_ =	sdelay $0x3  }
0x37: {  	[smem:$0x3FB7] =	sst s10  }
0x38: {  	s10 =	sld [smem:$0x3FB8]  }
0x39: {  	_ = 	snop;
	(pc) =	sbr.ind lr, $3  }
0x3a: {  	_ = 	snop  }
0x3b: {  	_ = 	snop  }
0x3c: {  	p2 =	seq.s32 s10, $0x1;
	s10 =	sld [smem:$0x3FB7]  }
0x3d: {  	_ =	shalt  }
0x3e: {  	_ =	shalt  }
0x3f: {  	_ =	shalt  }
0x40: {  	_ =	shalt  }
0x41: {  	_ =	shalt  }
0x42: {  	_ =	shalt  }
0x43: {  	_ =	shalt  }
0x44: {  	_ =	shalt  }
0x45: {  	_ =	shalt  }
0x46: {  	_ =	shalt  }
0x47: {  	_ =	shalt  }
0x48: {  	_ =	shalt  }
0x49: {  	_ =	shalt  }
0x4a: {  	_ =	shalt  }
0x4b: {  	_ =	shalt  }
0x4c: {  	_ =	shalt  }
0x4d: {  	_ =	shalt  }
0x4e: {  	_ =	shalt  }
0x4f: {  	_ =	shalt  }
0x50: {  	_ =	shalt  }
0x51: {  	_ =	shalt  }
0x52: {  	_ =	shalt  }
0x53: {  	_ =	shalt  }
0x54: {  	_ =	shalt  }
0x55: {  	_ =	shalt  }
0x56: {  	_ =	shalt  }
0x57: {  	_ =	shalt  }
0x58: {  	_ =	shalt  }
0x59: {  	_ =	shalt  }
0x5a: {  	_ =	shalt  }
0x5b: {  	_ =	shalt  }
0x5c: {  	_ =	shalt  }
0x5d: {  	_ =	shalt  }
0x5e: {  	_ =	shalt  }
0x5f: {  	_ =	shalt  }
0x60: {  	_ =	shalt  }
0x61: {  	_ =	shalt  }
0x62: {  	_ =	shalt  }
0x63: {  	_ =	shalt  }
0x64: {  	_ =	shalt  }
0x65: {  	_ =	shalt  }
0x66: {  	_ =	shalt  }
0x67: {  	_ =	shalt  }
0x68: {  	_ =	shalt  }
0x69: {  	_ =	shalt  }
0x6a: {  	_ =	shalt  }
0x6b: {  	_ =	shalt  }
0x6c: {  	_ =	shalt  }
0x6d: {  	_ =	shalt  }
0x6e: {  	_ =	shalt  }
0x6f: {  	_ =	shalt  }
0x70: {  	_ =	shalt  }
0x71: {  	_ =	shalt  }
0x72: {  	_ =	shalt  }
0x73: {  	_ =	shalt  }
0x74: {  	_ =	shalt  }
0x75: {  	_ =	shalt  }
0x76: {  	_ =	shalt  }
0x77: {  	_ =	shalt  }
0x78: {  	_ =	shalt  }
0x79: {  	_ =	shalt  }
0x7a: {  	_ =	shalt  }
0x7b: {  	_ =	shalt  }
0x7c: {  	_ =	shalt  }
0x7d: {  	_ =	shalt  }
0x7e: {  	_ =	shalt  }
0x7f: {  	_ =	shalt  }
0x80: {  	_ =	shalt  }
0x81: {  	_ =	shalt  }
0x82: {  	_ =	shalt  }
0x83: {  	_ =	shalt  }
0x84: {  	_ =	shalt  }
0x85: {  	_ =	shalt  }
0x86: {  	_ =	shalt  }
0x87: {  	_ =	shalt  }
.Lfunc_end0:
.L_simem_size_0:
called_computation.1_lowered:
.L_overlay_start_0:
0x88: {  	s2 =	sld [smem:$0x3FD9]  }
0x89: {  	s3 =	sld [smem:$0x3FFE];
	_ =	sdelay $0x1  }
0x8a: {  	s1 =	srdreg.scid  }
0x8b: {  	s0 =	sand.u32 $0x1, s1  }
0x8c: {  	s17 =	sshll.u32 s0, $0xA;
	s2 =	sadd.s32 s3, s2  }
0x8d: {  	s2 =	sadd.s32 s2, s17  }
0x8e: {  	[smem:$0x3FC3] =	sst s2  }
0x8f: {  	_ = 	snop  }
0x90: {  	s2 =	sld [smem:$0x3FC9];
	(tm) =	ssettm $0x1  }
0x91: {  	s18 =	sld [smem:$0x3FFB];
	_ =	sdelay $0x3  }
0x92: {  	_ =	strace s18  }
0x93: {  	s3 =	sld [smem:$0x3FFC];
	_ =	sdelay $0x3  }
0x94: {  	_ =	strace s3  }
0x95: {  	s3 =	sld [smem:$0x3FFD];
	_ =	sdelay $0x3  }
0x96: {  	_ =	strace s3  }
0x97: {  	_ =	strace $0x8FFFFFFF  }
0x98: {  	s19 =	sld [smem:$0x3FDB];
	_ =	sdelay $0x1  }
0x99: {  	s4 =	simm.s32 $_scs_section_size  }
0x9a: {  	s5 =	simm.s32 $_size__tile_overlayer_lowered;
	s6 =	simm.s32 $_tile_overlayer_lowered  }
0x9b: {  	s22 =	simm.s32 $0x1BFF;
	s21 =	sshll.u32 s6, $0x1;
	s3 =	sadd.s32 s4, s19  }
0x9c: {  	s7 =	simm.s32 $0x0;
	s20 =	sshll.u32 s5, $0x1;
	s5 =	sadd.s32 s21, s3  }
0x9d: {  	[timem:s7], [sflag:s22] =	dma.local [hbm:s5], s20  }
0x9e: {  	_ =	swait.ge [sflag:s22], s20  }
0x9f: {  	s4 =	ssub.s32 $0x0, s20;
	[sflag:s22] =	ssyncset.done $0x0  }
0xa0: {  	[sflag:s22] =	ssyncadd.s32 s4;
	_ =	sdelay $0x1  }
0xa1: {  	s23 =	simm.s32 $0x1B8B  }
0xa2: {  	_ =	swait.ge [sflag:s23], $0x1  }
0xa3: {  	[sflag:s23] =	ssyncset.done $0x0  }
0xa4: {  	s25 =	simm.s32 $0x1B8E;
	s24 =	sld [smem:$0x3FFE];
	[sflag:s23] =	ssyncadd.s32 $0xFFFFFFFF  }
0xa5: {  	s26 =	simm.s32 $execute0_lowered;
	[smem:$0x3FD2] =	sst s25  }
0xa6: {  	s5 =	sshll.u32 s26, $0x1;
	_ =	strace $0x80000049;
	[dreg:$0x1] =	wrdreg $0xFFFFFFFF  }
0xa7: {  	s28 =	simm.s32 $_size_execute0_lowered;
	s3 =	sadd.s32 s3, s5;
	[dreg:$0x0] =	wrdreg $0x0  }
0xa8: {  	s5 =	sshll.u32 s28, $0x1;
	[dreg:$0x2] =	wrdreg s3  }
0xa9: {  	[dreg:$0x3] =	wrdreg s5  }
0xaa: {  	[dreg:$0x4] =	wrdreg $0xC0  }
0xab: {  	_ =	task [dreg:s7], $0x5FFFF  }
0xac: {  	[dreg:$0x1] =	wrdreg $0xFFFFFFFF  }
0xad: {  	[dreg:$0x0] =	wrdreg $0x60  }
0xae: {  	[dreg:$0x2] =	wrdreg s2  }
0xaf: {  	[dreg:$0x3] =	wrdreg s24  }
0xb0: {  	[dreg:$0x4] =	wrdreg $0x9  }
0xb1: {  	_ =	task.clear_ibuf [dreg:s7], $0x5FFFF;
	_ =	strace $0x90000049  }
0xb2: {  	s29 =	simm.s32 $0x9;
	_ =	strace $0x8000004B  }
0xb3: {  	_ =	swait.ge [sflag:s29], $0x1  }
0xb4: {  	[sflag:s29] =	ssyncadd.s32 $0xFFFFFFFF  }
0xb5: {  	_ =	strace $0x9000004B  }
0xb6: {  	_ =	sfence  }
0xb7: {  	s30 =	sld [smem:$0x0];
	_ =	sdelay $0x2  }
0xb8: {  	s31 =	sshll.u32 s1, $0xD;
	s1 =	sshrl.u32 s1, $0x2  }
0xb9: {  	s3 =	sand.u32 $0x4000, s31;
	s1 =	sadd.s32 s1, s30  }
0xba: {  	s0 =	sor.u32 s3, s0;
	s1 =	sshll.u32 s1, $0x11  }
0xbb: {  	s0 =	sor.u32 s1, s0  }
0xbc: {  	s0 =	sadd.s32 $0x8F2B, s0  }
0xbd: {  	[sflag:s0] =	ssyncadd.remote.s32 $0x1  }
0xbe: {  	_ =	sfence.sel $0xFFFF  }
0xbf: {  	[dreg:$0x0] =	wrdreg $0xFFFFFFFF;
	(pc) =	sbr.abs _section_cstart, $3  }
0xc0: {  	[dreg:$0x1] =	wrdreg $0xFFFFFFFF  }
0xc1: {  	_ =	task.clear_ibuf [dreg:s7], $0x2FFFF;
	_ =	strace $0x9FFFFFFF  }
0xc2: {  	(tm) =	ssettm $0x7FFFFFFF  }
0xc3: {  	_ =	shalt  }
tec
execute0_lowered:
.L_overlay_start_1:
0x0: {  	(tag) =	ssettag $0x1  }
0x1: {  	s0 =	srdreg.scid;
	s2 =	stileid.u32  }
0x2: {  	s1 =	sand.u32 $0x1, s0;
	s18 =	sshll.u32 s2, $0x1  }
0x3: {  	[smem:$0x7C6] =	sst s1;
	s1 =	sor.u32 s1, s18  }
0x4: {  	s17 =	rddreg [dreg:$0x0];
	s8 =	smul.u32 $0xF, s1  }
0x5: {  	s19 =	rddreg [dreg:$0x1];
	s6 =	sshrl.u32 s2, $0x2;
	s1 =	smul.u32 $0x400B, s1  }
0x6: {  	s2 =	simm.s32 $0x0;
	s15 =	sadd.s32 $0x800, s19;
	[smem:$0x7CD] =	sst s6  }
0x7: {  	s3 =	smul.u32 $0xFFFFFF88, s6;
	[smem:$0x7FF] =	sst s2;
	s5 =	sadd.s32 $0x445, s1  }
0x8: {  	s20 =	smul.u32 $0x16B0, s6;
	[smem:$0x7CB] =	sst s5;
	s7 =	sshrl.u32 s5, $0x11  }
0x9: {  	s21 =	sadd.s32 $0x88A, s1;
	_ =	strace $0x8000004A;
	[smem:$0x7E3] =	sst s7  }
0xa: {  	s3 =	sadd.s32 s3, s8;
	s9 =	sshrl.u32 s21, $0x11;
	[smem:$0x7CC] =	sst s21  }
0xb: {  	s26 =	sadd.s32 $0xCCF, s1;
	s31 =	sadd.s32 $0x1114, s1;
	[smem:$0x7E4] =	sst s9  }
0xc: {  	s4 =	smul.u32 $0x30, s3;
	s10 =	sshrl.u32 s26, $0x11;
	[smem:$0x7D1] =	sst s26  }
0xd: {  	s12 =	sadd.s32 $0x1559, s1;
	s5 =	smul.u32 $0xFFFFFF88, s7;
	[smem:$0x7E6] =	sst s10  }
0xe: {  	s16 =	sadd.s32 $0x199E, s1;
	s23 =	smul.u32 $0xFFFFFF88, s9;
	[smem:$0x7D2] =	sst s31  }
0xf: {  	s13 =	sshrl.u32 s12, $0x11;
	s25 =	smul.u32 $0x16B0, s7;
	[smem:$0x7D3] =	sst s12  }
0x10: {  	p0 =	slt.s32 s3, $0x77;
	s29 =	smul.u32 $0xFFFFFF88, s10;
	[smem:$0x7EA] =	sst s13  }
0x11: {  	s19 =	sshrl.u32 s16, $0x11;
	s30 =	smul.u32 $0x16B0, s9;
	[smem:$0x7D7] =	sst s16  }
0x12: {  	s3 =	simm.s32 @!p0 $0x0;
	s11 =	smul.u32 $0x16B0, s10;
	[smem:$0x7ED] =	sst s19  }
0x13: {  	s14 =	smul.u32 $0xFFFFFF88, s13;
	s3 =	simm.s32 @p0 $0x1;
	[smem:$0x7C0] =	sst s4  }
0x14: {  	s26 =	smul.u32 $0x16B0, s19;
	s4 =	simm.s32 @!p0 $0x1680;
	[smem:$0x7C1] =	sst s3  }
0x15: {  	s5 =	sadd.s32 s5, s8;
	s3 =	sadd.s32 s20, s4;
	s24 =	sadd.s32 s23, s8  }
0x16: {  	s22 =	sadd.s32 $0x1, s5;
	s3 =	sshrl.u32 s3, $0x3;
	s4 =	sadd.s32 $0x2, s24  }
0x17: {  	s5 =	sadd.s32 s29, s8;
	s6 =	smul.u32 $0x30, s22;
	p0 =	slt.s32 s22, $0x77  }
0x18: {  	s3 =	sadd.s32 s15, s3;
	s7 =	smul.u32 $0x30, s4;
	s0 =	simm.s32 @!p0 $0x0  }
0x19: {  	s5 =	sadd.s32 $0x3, s5;
	[dreg:$0x3] =	wrdreg s3;
	s0 =	simm.s32 @p0 $0x1  }
0x1a: {  	[smem:$0x7C2] =	sst s6;
	s6 =	simm.s32 @!p0 $0x1680;
	p0 =	slt.s32 s4, $0x77  }
0x1b: {  	s20 =	smov.u32 s7;
	[smem:$0x7C3] =	sst s0;
	s28 =	sadd.s32 s25, s6  }
0x1c: {  	s0 =	simm.s32 @!p0 $0x0;
	s7 =	simm.s32 @!p0 $0x1680;
	s6 =	smul.u32 $0x30, s5  }
0x1d: {  	s25 =	smul.u32 $0x16B0, s13;
	s3 =	sshrl.u32 s28, $0x3;
	s0 =	simm.s32 @p0 $0x1  }
0x1e: {  	s4 =	sadd.s32 s30, s7;
	p0 =	slt.s32 s5, $0x77;
	[smem:$0x7C4] =	sst s0  }
0x1f: {  	s3 =	sadd.s32 s15, s3;
	s4 =	sshrl.u32 s4, $0x3;
	s0 =	sshrl.u32 s31, $0x11  }
0x20: {  	s21 =	smov.u32 s6;
	[dreg:$0x4] =	wrdreg s3;
	s7 =	sadd.s32 s15, s4  }
0x21: {  	s9 =	smul.u32 $0xFFFFFF88, s0;
	[smem:$0x7E9] =	sst s0;
	s3 =	simm.s32 @!p0 $0x0  }
0x22: {  	s18 =	smul.u32 $0x16B0, s0;
	[dreg:$0x5] =	wrdreg s7;
	s3 =	simm.s32 @p0 $0x1  }
0x23: {  	s6 =	simm.s32 @!p0 $0x1680;
	s7 =	smul.u32 $0xFFFFFF88, s19;
	[smem:$0x7C5] =	sst s3  }
0x24: {  	s4 =	sadd.s32 s9, s8;
	s3 =	sadd.s32 s11, s6;
	s11 =	sadd.s32 $0x1DE3, s1  }
0x25: {  	s4 =	sadd.s32 $0x4, s4;
	s3 =	sshrl.u32 s3, $0x3;
	s24 =	sadd.s32 s7, s8  }
0x26: {  	s28 =	sshrl.u32 s11, $0x11;
	s5 =	smul.u32 $0x30, s4;
	p0 =	slt.s32 s4, $0x77  }
0x27: {  	s3 =	sadd.s32 s15, s3;
	[smem:$0x7EE] =	sst s28;
	s4 =	simm.s32 @!p0 $0x0  }
0x28: {  	s29 =	smul.u32 $0xFFFFFF88, s28;
	[dreg:$0x6] =	wrdreg s3;
	s4 =	simm.s32 @p0 $0x1  }
0x29: {  	s10 =	smov.u32 s5;
	s5 =	simm.s32 @!p0 $0x1680;
	[smem:$0x7C7] =	sst s4  }
0x2a: {  	s4 =	sadd.s32 s14, s8;
	s23 =	sadd.s32 s18, s5;
	s5 =	sadd.s32 $0x6, s24  }
0x2b: {  	s14 =	smul.u32 $0x16B0, s28;
	s22 =	sadd.s32 $0x5, s4;
	s4 =	sshrl.u32 s23, $0x3  }
0x2c: {  	s9 =	smul.u32 $0x30, s5;
	p0 =	slt.s32 s5, $0x77;
	s4 =	sadd.s32 s15, s4  }
0x2d: {  	s6 =	smul.u32 $0x30, s22;
	p1 =	slt.s32 s22, $0x77;
	[dreg:$0x7] =	wrdreg s4  }
0x2e: {  	s3 =	simm.s32 @!p1 $0x0;
	s23 =	smov.u32 s9;
	s9 =	simm.s32 @!p0 $0x1680  }
0x2f: {  	s3 =	simm.s32 @p1 $0x1;
	s22 =	smov.u32 s6;
	s6 =	simm.s32 @!p1 $0x1680  }
0x30: {  	s4 =	sadd.s32 s26, s9;
	s9 =	sadd.s32 $0x2228, s1;
	[smem:$0x7C8] =	sst s3  }
0x31: {  	s3 =	simm.s32 @!p0 $0x0;
	s30 =	sadd.s32 s25, s6;
	s31 =	sshrl.u32 s9, $0x11  }
0x32: {  	s4 =	sshrl.u32 s4, $0x3;
	s3 =	simm.s32 @p0 $0x1;
	s5 =	sshrl.u32 s30, $0x3  }
0x33: {  	s12 =	smul.u32 $0xFFFFFF88, s31;
	[smem:$0x7EF] =	sst s31;
	s13 =	sadd.s32 s15, s4  }
0x34: {  	s19 =	smul.u32 $0x16B0, s31;
	[smem:$0x7C9] =	sst s3;
	s3 =	sadd.s32 s29, s8  }
0x35: {  	s5 =	sadd.s32 s15, s5;
	[dreg:$0x9] =	wrdreg s13;
	s13 =	sadd.s32 $0x2AB2, s1  }
0x36: {  	s3 =	sadd.s32 $0x7, s3;
	[dreg:$0x8] =	wrdreg s5;
	s16 =	sadd.s32 s12, s8  }
0x37: {  	s24 =	sshrl.u32 s13, $0x11;
	s6 =	smul.u32 $0x30, s3;
	p0 =	slt.s32 s3, $0x77  }
0x38: {  	s25 =	smul.u32 $0xFFFFFF88, s24;
	[smem:$0x7F1] =	sst s24;
	s3 =	simm.s32 @!p0 $0x0  }
0x39: {  	s7 =	smul.u32 $0x16B0, s24;
	s3 =	simm.s32 @p0 $0x1;
	s30 =	smov.u32 s6  }
0x3a: {  	s6 =	simm.s32 @!p0 $0x1680;
	s28 =	sadd.s32 s25, s8;
	[smem:$0x7CA] =	sst s3  }
0x3b: {  	s4 =	sadd.s32 s14, s6;
	s3 =	sadd.s32 $0x8, s16;
	s14 =	sadd.s32 $0x266D, s1  }
0x3c: {  	p4 =	slt.s32 s3, $0x77;
	s3 =	smul.u32 $0x30, s3;
	s12 =	sshrl.u32 s14, $0x11  }
0x3d: {  	s4 =	sshrl.u32 s4, $0x3;
	s18 =	smul.u32 $0xFFFFFF88, s12;
	[smem:$0x7F0] =	sst s12  }
0x3e: {  	s4 =	sadd.s32 s15, s4;
	s29 =	smov.u32 s3;
	s3 =	simm.s32 @!p4 $0x1680  }
0x3f: {  	[dreg:$0xa] =	wrdreg s4;
	s5 =	sadd.s32 s18, s8;
	s3 =	sadd.s32 s19, s3  }
0x40: {  	s18 =	smul.u32 $0x16B0, s12;
	s12 =	sadd.s32 $0x2EF7, s1;
	s26 =	sadd.s32 $0x9, s5  }
0x41: {  	s3 =	sshrl.u32 s3, $0x3;
	s5 =	sadd.s32 $0xA, s28;
	s16 =	smul.u32 $0x30, s26  }
0x42: {  	s6 =	sshrl.u32 s12, $0x11;
	s3 =	sadd.s32 s15, s3;
	s19 =	smul.u32 $0x30, s5  }
0x43: {  	p2 =	slt.s32 s26, $0x77;
	s31 =	smul.u32 $0xFFFFFF88, s6;
	[smem:$0x7F2] =	sst s6  }
0x44: {  	p0 =	slt.s32 s5, $0x77;
	s0 =	smul.u32 $0x16B0, s6;
	s6 =	sadd.s32 $0xE, s8  }
0x45: {  	[dreg:$0xb] =	wrdreg s3;
	s4 =	simm.s32 @!p0 $0x0;
	s25 =	smov.u32 s16  }
0x46: {  	s4 =	simm.s32 @p0 $0x1;
	s16 =	simm.s32 @!p2 $0x1680;
	s26 =	smov.u32 s19  }
0x47: {  	s19 =	simm.s32 @!p0 $0x1680;
	s3 =	sadd.s32 s31, s8;
	[smem:$0x7E1] =	sst s4  }
0x48: {  	s24 =	sadd.s32 s18, s16;
	s4 =	sadd.s32 s7, s19;
	s3 =	sadd.s32 $0xB, s3  }
0x49: {  	s19 =	sadd.s32 $0x333C, s1;
	s18 =	sadd.s32 $0x3781, s1;
	s16 =	smul.u32 $0x445, s6  }
0x4a: {  	s5 =	sshrl.u32 s24, $0x3;
	s4 =	sshrl.u32 s4, $0x3;
	s7 =	sshrl.u32 s19, $0x11  }
0x4b: {  	s31 =	smul.u32 $0x30, s3;
	s5 =	sadd.s32 s15, s5;
	[smem:$0x7F5] =	sst s7  }
0x4c: {  	s4 =	sadd.s32 s15, s4;
	s28 =	smul.u32 $0xFFFFFF88, s7;
	[dreg:$0xc] =	wrdreg s5  }
0x4d: {  	p5 =	slt.s32 s3, $0x77;
	s7 =	smul.u32 $0x16B0, s7;
	[dreg:$0xd] =	wrdreg s4  }
0x4e: {  	s24 =	smov.u32 s31;
	s31 =	simm.s32 @!p5 $0x1680;
	s3 =	sadd.s32 s28, s8  }
0x4f: {  	s28 =	sshrl.u32 s18, $0x11;
	s1 =	sadd.s32 s0, s31;
	s31 =	sshrl.u32 s16, $0x11  }
0x50: {  	s0 =	sadd.s32 $0xC, s3;
	s3 =	smul.u32 $0xFFFFFF88, s28;
	s1 =	sshrl.u32 s1, $0x3  }
0x51: {  	[smem:$0x7F7] =	sst s28;
	s4 =	smul.u32 $0x30, s0;
	s1 =	sadd.s32 s15, s1  }
0x52: {  	p3 =	slt.s32 s0, $0x77;
	s5 =	sadd.s32 s3, s8;
	s3 =	smul.u32 $0xFFFFFF88, s31  }
0x53: {  	[dreg:$0xe] =	wrdreg s1;
	s1 =	sadd.s32 $0xD, s5;
	s5 =	smul.u32 $0x16B0, s31  }
0x54: {  	s0 =	sadd.s32 s6, s3;
	s6 =	smov.u32 s4;
	s8 =	smul.u32 $0x30, s1  }
0x55: {  	s4 =	simm.s32 @!p3 $0x1680;
	p1 =	slt.s32 s1, $0x77;
	s1 =	smul.u32 $0x16B0, s28  }
0x56: {  	s3 =	smul.u32 $0x30, s0;
	s4 =	sadd.s32 s7, s4;
	p0 =	slt.s32 s0, $0x77  }
0x57: {  	s7 =	smov.u32 s8;
	s8 =	simm.s32 @!p1 $0x1680;
	s4 =	sshrl.u32 s4, $0x3  }
0x58: {  	s28 =	smov.u32 s3;
	s1 =	sadd.s32 s1, s8;
	s8 =	sadd.s32 s15, s4  }
0x59: {  	s3 =	simm.s32 @!p0 $0x1680;
	s4 =	simm.s32 $0x90;
	[dreg:$0xf] =	wrdreg s8  }
0x5a: {  	s0 =	sadd.s32 s5, s3;
	s3 =	simm.s32 $0x60;
	[dreg:$0x14] =	wrdreg s4  }
0x5b: {  	s5 =	simm.s32 $0xC0;
	[dreg:$0x13] =	wrdreg s3  }
0x5c: {  	s8 =	simm.s32 $0xF0;
	[dreg:$0x15] =	wrdreg s5  }
0x5d: {  	s4 =	simm.s32 $0x1B0;
	[dreg:$0x16] =	wrdreg s8  }
0x5e: {  	s1 =	sshrl.u32 s1, $0x3;
	[dreg:$0x1a] =	wrdreg s4  }
0x5f: {  	s1 =	sadd.s32 s15, s1;
	s4 =	sld [smem:$0x7C0]  }
0x60: {  	s3 =	simm.s32 $0x180;
	[dreg:$0x10] =	wrdreg s1  }
0x61: {  	s5 =	simm.s32 $0x1E0;
	[dreg:$0x19] =	wrdreg s3  }
0x62: {  	s8 =	simm.s32 $0x210;
	[dreg:$0x1b] =	wrdreg s5  }
0x63: {  	[dreg:$0x1c] =	wrdreg s8  }
0x64: {  	s3 =	sld [smem:$0x7C1]  }
0x65: {  	s0 =	sshrl.u32 s0, $0x3;
	s8 =	sld [smem:$0x7C2]  }
0x66: {  	s0 =	sadd.s32 s15, s0;
	s5 =	sld [smem:$0x7C3]  }
0x67: {  	s1 =	simm.s32 $0x30;
	[dreg:$0x11] =	wrdreg s0  }
0x68: {  	s15 =	simm.s32 $0x120;
	[dreg:$0x12] =	wrdreg s1  }
0x69: {  	[dreg:$0x17] =	wrdreg s15;
	s1 =	simm.s32 $0x150  }
0x6a: {  	s15 =	simm.s32 $0x240;
	[dreg:$0x18] =	wrdreg s1  }
0x6b: {  	[dreg:$0x1d] =	wrdreg s15  }
0x6c: {  	s1 =	simm.s32 $0x270;
	s15 =	sld [smem:$0x7C4]  }
0x6d: {  	[dreg:$0x1e] =	wrdreg s1  }
0x6e: {  	p6 =	seq.s32 s3, $0x1;
	s1 =	sld [smem:$0x7C5]  }
0x6f: {  	s4 =	simm.s32 @!p6 $0x1636;
	p6 =	seq.s32 s5, $0x1;
	s5 =	sld [smem:$0x7C7]  }
0x70: {  	s3 =	sld [smem:$0x7C6];
	s8 =	simm.s32 @!p6 $0x1636;
	p6 =	seq.s32 s15, $0x1  }
0x71: {  	s15 =	sld [smem:$0x7C8];
	s20 =	simm.s32 @!p6 $0x1636;
	p6 =	seq.s32 s1, $0x1  }
0x72: {  	s21 =	simm.s32 @!p6 $0x1636;
	p6 =	seq.s32 s5, $0x1;
	s5 =	sld [smem:$0x7C9]  }
0x73: {  	s0 =	ssub.s32 $0x2, s3;
	s1 =	sld [smem:$0x7CA]  }
0x74: {  	s3 =	sshrl.u32 s0, $0x1;
	s10 =	simm.s32 @!p6 $0x1636;
	p6 =	seq.s32 s15, $0x1  }
0x75: {  	s22 =	simm.s32 @!p6 $0x1636;
	p6 =	seq.s32 s5, $0x1;
	s5 =	sld [smem:$0x7CC]  }
0x76: {  	s15 =	ssub.s32 s0, s3;
	s3 =	sld [smem:$0x7CB]  }
0x77: {  	s23 =	simm.s32 @!p6 $0x1636  }
0x78: {  	p6 =	seq.s32 s1, $0x1;
	s1 =	sshll.u32 s5, $0x3;
	s5 =	sld [smem:$0x7CD]  }
0x79: {  	s0 =	sshll.u32 s3, $0x3  }
0x7a: {  	s0 =	sand.u32 $0x700000, s0  }
0x7b: {  	s0 =	sadd.s32 s17, s0;
	s3 =	sshll.u32 s5, $0x14  }
0x7c: {  	[smem:$0x7CF] =	sst s0;
	s3 =	sadd.s32 s17, s3  }
0x7d: {  	[smem:$0x7CE] =	sst s3  }
0x7e: {  	s3 =	sand.u32 $0x700000, s1;
	s1 =	sld [smem:$0x7D1]  }
0x7f: {  	s0 =	sadd.s32 s17, s3;
	s3 =	sld [smem:$0x7D2]  }
0x80: {  	s29 =	simm.s32 @!p4 $0x1636  }
0x81: {  	s12 =	sshll.u32 s12, $0x3;
	s25 =	simm.s32 @!p2 $0x1636;
	[smem:$0x7D0] =	sst s0  }
0x82: {  	s0 =	sshll.u32 s1, $0x3;
	s1 =	sshll.u32 s3, $0x3;
	s3 =	sld [smem:$0x7D3]  }
0x83: {  	s24 =	simm.s32 @!p5 $0x1636;
	s6 =	simm.s32 @!p3 $0x1636;
	s1 =	sand.u32 $0x700000, s1  }
0x84: {  	s7 =	simm.s32 @!p1 $0x1636;
	s28 =	simm.s32 @!p0 $0x1636;
	s1 =	sadd.s32 s17, s1  }
0x85: {  	s0 =	sand.u32 $0x700000, s0;
	s3 =	sshll.u32 s3, $0x3;
	[smem:$0x7D5] =	sst s1  }
0x86: {  	s0 =	sadd.s32 s17, s0;
	s1 =	sld [smem:$0x7D7];
	s3 =	sand.u32 $0x700000, s3  }
0x87: {  	s30 =	simm.s32 @!p6 $0x1636;
	[smem:$0x7D4] =	sst s0;
	s0 =	sadd.s32 s17, s3  }
0x88: {  	s3 =	sshll.u32 s11, $0x3;
	s11 =	sshll.u32 s9, $0x3;
	s9 =	sshll.u32 s14, $0x3  }
0x89: {  	[smem:$0x7D6] =	sst s0;
	s0 =	sshll.u32 s1, $0x3;
	s1 =	sand.u32 $0x700000, s3  }
0x8a: {  	s3 =	sand.u32 $0x700000, s11;
	s0 =	sand.u32 $0x700000, s0;
	s1 =	sadd.s32 s17, s1  }
0x8b: {  	s11 =	sshll.u32 s13, $0x3;
	s0 =	sadd.s32 s17, s0;
	[smem:$0x7D9] =	sst s1  }
0x8c: {  	s1 =	sand.u32 $0x700000, s11;
	[smem:$0x7D8] =	sst s0;
	s0 =	sadd.s32 s17, s3  }
0x8d: {  	s14 =	sand.u32 $0x700000, s12;
	s13 =	sadd.s32 s17, s1;
	[smem:$0x7DA] =	sst s0  }
0x8e: {  	s1 =	sshll.u32 s19, $0x3;
	s3 =	sshll.u32 s18, $0x3;
	[smem:$0x7DC] =	sst s13  }
0x8f: {  	v62 =	vlaneseq.u32;
	s19 =	sadd.s32 $0x20, s20;
	s0 =	sand.u32 $0x700000, s9;
	s13 =	sld [smem:$0x7E1]  }
0x90: {  	v25 =	vadd.s32 s29, v62;
	s9 =	sshll.u32 s16, $0x3;
	s16 =	rddreg [dreg:$0x1];
	v8 =	vadd.s32 s19, v62;
	s19 =	sadd.s32 $0x10, s30  }
0x91: {  	vm0 =	vmmov $0xffff;
	v54 =	vshll.u32 v25, $0x3;
	v28 =	vadd.s32 s25, v62;
	s0 =	sadd.s32 s17, s0;
	s12 =	sand.u32 $0x1FF00000, s9;
	s9 =	sadd.s32 $0x10, s4  }
0x92: {  	v54 =	vand.u32 $0xFFFFFFC0, v54;
	v55 =	vand.u32 $0x7, v28;
	v21 =	vadd.s32 s19, v62;
	s19 =	sadd.s32 $0x10, s28;
	[smem:$0x7DB] =	sst s0;
	s0 =	sadd.s32 s17, s14  }
0x93: {  	v34 =	vadd.s32 s24, v62;
	v37 =	vadd.s32 s6, v62;
	s14 =	smul.u32 $0xB3400, s5;
	v1 =	vadd.s32 s9, v62;
	s5 =	sadd.s32 $0x20, s21;
	s9 =	sadd.s32 $0x10, s10  }
0x94: {  	v40 =	vadd.s32 s7, v62;
	v3 =	vadd.s32 s8, v62;
	v13 =	vadd.s32 s10, v62;
	s10 =	sadd.s32 $0x20, s10;
	[smem:$0x7DD] =	sst s0;
	s0 =	sand.u32 $0x700000, s1  }
0x95: {  	v7 =	vadd.s32 s20, v62;
	v61 =	vshll.u32 v3, $0x3;
	s1 =	sand.u32 $0x700000, s3;
	v12 =	vadd.s32 s9, v62;
	s9 =	sld [smem:$0x7EF];
	s0 =	sadd.s32 s17, s0  }
0x96: {  	v47 =	vand.u32 $0x7, v3;
	v10 =	vadd.s32 s21, v62;
	v48 =	vshll.u32 v7, $0x3;
	p2 =	seq.s32 s13, $0x1;
	s11 =	sadd.s32 s17, s1;
	[smem:$0x7DE] =	sst s0  }
0x97: {  	v63 =	vand.u32 $0x7, v7;
	v48 =	vand.u32 $0xFFFFFFC0, v48;
	v49 =	vand.u32 $0x7, v10;
	s3 =	smov.u32 s4;
	s4 =	sadd.s32 $0x20, s4;
	[smem:$0x7DF] =	sst s11  }
0x98: {  	v50 =	vshll.u32 v10, $0x3;
	v16 =	vadd.s32 s22, v62;
	v51 =	vshll.u32 v13, $0x3;
	s13 =	sadd.s32 $0x10, s8;
	s0 =	sadd.s32 s17, s12;
	s17 =	sld [smem:$0x7E3]  }
0x99: {  	v50 =	vand.u32 $0xFFFFFFC0, v50;
	v52 =	vand.u32 $0x7, v13;
	v11 =	vadd.s32 s5, v62;
	s5 =	sadd.s32 $0x20, s25;
	[smem:$0x7E0] =	sst s0;
	s0 =	sadd.s32 $0x1400, s16  }
0x9a: {  	v51 =	vand.u32 $0xFFFFFFC0, v51;
	v56 =	vand.u32 $0x7, v16;
	v57 =	vshll.u32 v16, $0x3;
	s26 =	simm.s32 @!p2 $0x1636;
	s11 =	sld [smem:$0x7E4];
	s1 =	sadd.s32 s0, s14  }
0x9b: {  	v19 =	vadd.s32 s23, v62;
	v14 =	vadd.s32 s10, v62;
	v4 =	vadd.s32 s13, v62;
	s13 =	sadd.s32 $0x20, s22;
	s10 =	sadd.s32 $0x20, s26;
	[smem:$0x7E2] =	sst s1  }
0x9c: {  	v22 =	vadd.s32 s30, v62;
	v58 =	vshll.u32 v19, $0x3;
	v17 =	vadd.s32 s13, v62;
	s13 =	sadd.s32 $0x10, s6;
	s18 =	smul.u32 $0xB3400, s17;
	s17 =	sld [smem:$0x7E6]  }
0x9d: {  	v53 =	vand.u32 $0x7, v19;
	v59 =	vshll.u32 v22, $0x3;
	v60 =	vand.u32 $0x7, v22;
	s14 =	sadd.s32 $0x20, s8;
	s12 =	smul.u32 $0xB3400, s11;
	s11 =	sld [smem:$0x7E9]  }
0x9e: {  	v42 =	vadd.s32 s19, v62;
	v0 =	vadd.s32 s3, v62;
	s6 =	sadd.s32 $0x20, s6;
	v5 =	vadd.s32 s14, v62;
	s14 =	sld [smem:$0x7EA];
	s16 =	sadd.s32 s0, s18  }
0x9f: {  	v2 =	vadd.s32 s4, v62;
	v29 =	vadd.s32 s5, v62;
	v31 =	vadd.s32 s26, v62;
	s18 =	sadd.s32 $0x10, s20;
	s3 =	sadd.s32 s0, s12;
	[smem:$0x7E5] =	sst s16  }
0xa0: {  	v43 =	vshll.u32 v0, $0x3;
	v45 =	vand.u32 $0x7, v0;
	v32 =	vadd.s32 s10, v62;
	s20 =	sadd.s32 $0x10, s21;
	s12 =	sadd.s32 $0x10, s22;
	[smem:$0x7E7] =	sst s3  }
0xa1: {  	v36 =	vadd.s32 s13, v62;
	v38 =	vadd.s32 s6, v62;
	v6 =	vadd.s32 s18, v62;
	s16 =	sadd.s32 $0x10, s23;
	s18 =	sadd.s32 $0x20, s23;
	s23 =	sld [smem:$0x7ED]  }
0xa2: {  	v46 =	vand.u32 $0xFFFFFFC0, v43;
	v43 =	vadd.s32 s28, v62;
	s21 =	sadd.s32 $0x20, s30;
	s22 =	sadd.s32 $0x10, s29;
	v15 =	vadd.s32 s12, v62;
	s12 =	sld [smem:$0x7F0]  }
0xa3: {  	v45 =	vor.u32 v45, v46;
	v46 =	vand.u32 $0xFFFFFFC0, v61;
	s29 =	sadd.s32 $0x20, s29;
	s30 =	sadd.s32 $0x10, s25;
	v23 =	vadd.s32 s21, v62;
	s21 =	sld [smem:$0x7F5]  }
0xa4: {  	v61 =	vand.u32 $0x7, v25;
	s4 =	smul.u32 $0xB3400, s17;
	v27 =	vadd.s32 s30, v62;
	s30 =	simm.s32 $0x2A0;
	v20 =	vadd.s32 s18, v62;
	s18 =	sld [smem:$0x7F2]  }
0xa5: {  	v46 =	vor.u32 v47, v46;
	v47 =	vor.u32 v63, v48;
	v48 =	vor.u32 v49, v50;
	s3 =	smul.u32 $0xB3400, s11;
	s11 =	sadd.s32 $0x10, s24;
	[dreg:$0x1f] =	wrdreg s30  }
0xa6: {  	v49 =	vor.u32 v52, v51;
	v51 =	vand.u32 $0xFFFFFFC0, v57;
	v52 =	vand.u32 $0xFFFFFFC0, v58;
	s8 =	sadd.s32 s0, s4;
	s4 =	smul.u32 $0xB3400, s14;
	s14 =	sld [smem:$0x7F1]  }
0xa7: {  	v57 =	vshll.u32 v31, $0x3;
	v58 =	vand.u32 $0x7, v31;
	v63 =	vand.u32 $0x7, v34;
	s24 =	sadd.s32 $0x20, s24;
	s17 =	sadd.s32 s0, s3;
	[smem:$0x7E8] =	sst s8  }
0xa8: {  	v50 =	vor.u32 v56, v51;
	v51 =	vor.u32 v53, v52;
	v35 =	vadd.s32 s24, v62;
	s24 =	sadd.s32 $0x20, s28;
	s28 =	smul.u32 $0xB3400, s31;
	[smem:$0x7EB] =	sst s17  }
0xa9: {  	v52 =	vand.u32 $0xFFFFFFC0, v59;
	v56 =	vshll.u32 v28, $0x3;
	v57 =	vand.u32 $0xFFFFFFC0, v57;
	s1 =	smul.u32 $0xB3400, s23;
	s8 =	sadd.s32 $0x10, s26;
	s23 =	sld [smem:$0x7F7]  }
0xaa: {  	v53 =	vor.u32 v61, v54;
	v61 =	vshll.u32 v37, $0x3;
	v9 =	vadd.s32 s20, v62;
	s5 =	smul.u32 $0xB3400, s12;
	s20 =	sadd.s32 s0, s4;
	s4 =	sld [smem:$0x7EE]  }
0xab: {  	v59 =	vand.u32 $0x7, v37;
	v52 =	vor.u32 v60, v52;
	v56 =	vand.u32 $0xFFFFFFC0, v56;
	s6 =	smul.u32 $0xB3400, s18;
	[smem:$0x7EC] =	sst s20;
	s1 =	sadd.s32 s0, s1  }
0xac: {  	v60 =	vshll.u32 v34, $0x3;
	v24 =	vadd.s32 s22, v62;
	v18 =	vadd.s32 s16, v62;
	s16 =	smul.u32 $0xB3400, s14;
	s25 =	sadd.s32 s0, s5;
	[smem:$0x7F3] =	sst s1  }
0xad: {  	v26 =	vadd.s32 s29, v62;
	v54 =	vor.u32 v55, v56;
	v55 =	vor.u32 v58, v57;
	s1 =	smul.u32 $0xB3400, s21;
	[smem:$0x7F8] =	sst s25;
	s29 =	sadd.s32 s0, s6  }
0xae: {  	v57 =	vand.u32 $0xFFFFFFC0, v60;
	v58 =	vand.u32 $0xFFFFFFC0, v61;
	v60 =	vshll.u32 v43, $0x3;
	s3 =	smul.u32 $0xB3400, s4;
	s26 =	sadd.s32 s0, s16;
	[smem:$0x7FA] =	sst s29  }
0xaf: {  	v61 =	vshrl.u32 v62, $0x3;
	v33 =	vadd.s32 s11, v62;
	v56 =	vor.u32 v63, v57;
	s4 =	smul.u32 $0xB3400, s9;
	[smem:$0x7F9] =	sst s26;
	s1 =	sadd.s32 s0, s1  }
0xb0: {  	v57 =	vor.u32 v59, v58;
	v63 =	vshll.u32 v40, $0x3;
	v59 =	vand.u32 $0x7, v40;
	s20 =	sadd.s32 s0, s3;
	s3 =	smul.u32 $0xB3400, s23;
	[smem:$0x7FB] =	sst s1  }
0xb1: {  	v60 =	vand.u32 $0xFFFFFFC0, v60;
	v61 =	vmul.u32 $0x8, v61;
	v58 =	vand.u32 $0xFFFFFFC0, v63;
	s17 =	sadd.s32 $0x10, s7;
	s22 =	sadd.s32 s0, s4;
	[smem:$0x7F4] =	sst s20  }
0xb2: {  	v44 =	vadd.s32 s24, v62;
	s7 =	sadd.s32 $0x20, s7;
	v58 =	vor.u32 v59, v58;
	v59 =	vand.u32 $0x7, v43;
	[smem:$0x7F6] =	sst s22;
	s31 =	sadd.s32 s0, s3  }
0xb3: {  	v30 =	vadd.s32 s8, v62;
	v39 =	vadd.s32 s17, v62;
	v41 =	vadd.s32 s7, v62;
	s0 =	sadd.s32 s0, s28;
	[smem:$0x7FC] =	sst s31  }
0xb4: {  	[tilespmem:$0x1FFF0] =	vst v1;
	s8 =	smax.u32 s15, $0x1;
	v59 =	vor.u32 v59, v60;
	v60 =	vand.u32 $0x7, v62;
	v62 =	vor.u32 $0x8, v62;
	[smem:$0x7FD] =	sst s0  }
.LBB2_1:
0xb5: {  	[smem:$0x7BF] =	sst s8  }
0xb6: {  	s14 =	rddreg [dreg:$0x3]  }
0xb7: {  	s15 =	rddreg [dreg:$0x4]  }
0xb8: {  	s9 =	rddreg [dreg:$0x12]  }
0xb9: {  	s10 =	rddreg [dreg:$0x5]  }
0xba: {  	[tilespmem:s2], [sflag:$0x1] =	stream.linear.gather [hbm4b:s14+s2], $0x30, $0x38;
	[tilespmem:$0x18400] =	vst v63  }
0xbb: {  	s11 =	rddreg [dreg:$0x13]  }
0xbc: {  	[tilespmem:s9], [sflag:$0x1] =	stream.linear.gather [hbm4b:s15+s2], $0x30, $0x38;
	[tilespmem:$0x18400] =	vst v63  }
0xbd: {  	s8 =	rddreg [dreg:$0x6]  }
0xbe: {  	s9 =	rddreg [dreg:$0x14]  }
0xbf: {  	s16 =	rddreg [dreg:$0x7]  }
0xc0: {  	s17 =	rddreg [dreg:$0x15]  }
0xc1: {  	s18 =	rddreg [dreg:$0x8]  }
0xc2: {  	s19 =	rddreg [dreg:$0x16]  }
0xc3: {  	s20 =	rddreg [dreg:$0x9]  }
0xc4: {  	s21 =	rddreg [dreg:$0x17]  }
0xc5: {  	s22 =	rddreg [dreg:$0xa]  }
0xc6: {  	s23 =	rddreg [dreg:$0x18]  }
0xc7: {  	s24 =	rddreg [dreg:$0xb]  }
0xc8: {  	s25 =	rddreg [dreg:$0x19]  }
0xc9: {  	[tilespmem:s11], [sflag:$0x1] =	stream.linear.gather [hbm4b:s10+s2], $0x30, $0x38;
	[tilespmem:$0x18400] =	vst v63  }
0xca: {  	s26 =	rddreg [dreg:$0xc]  }
0xcb: {  	[tilespmem:s9], [sflag:$0x1] =	stream.linear.gather [hbm4b:s8+s2], $0x30, $0x38;
	[tilespmem:$0x18400] =	vst v63  }
0xcc: {  	s28 =	rddreg [dreg:$0x1a]  }
0xcd: {  	[tilespmem:s17], [sflag:$0x1] =	stream.linear.gather [hbm4b:s16+s2], $0x30, $0x38;
	[tilespmem:$0x18400] =	vst v63  }
0xce: {  	s29 =	rddreg [dreg:$0xd]  }
0xcf: {  	[tilespmem:s19], [sflag:$0x1] =	stream.linear.gather [hbm4b:s18+s2], $0x30, $0x38;
	[tilespmem:$0x18400] =	vst v63  }
0xd0: {  	s30 =	rddreg [dreg:$0x1b]  }
0xd1: {  	[tilespmem:s21], [sflag:$0x1] =	stream.linear.gather [hbm4b:s20+s2], $0x30, $0x38;
	[tilespmem:$0x18400] =	vst v63  }
0xd2: {  	s31 =	rddreg [dreg:$0xe]  }
0xd3: {  	[tilespmem:s23], [sflag:$0x1] =	stream.linear.gather [hbm4b:s22+s2], $0x30, $0x38;
	[tilespmem:$0x18400] =	vst v63  }
0xd4: {  	s0 =	rddreg [dreg:$0x1c]  }
0xd5: {  	[tilespmem:s25], [sflag:$0x1] =	stream.linear.gather [hbm4b:s24+s2], $0x30, $0x38;
	[tilespmem:$0x18400] =	vst v63  }
0xd6: {  	s1 =	rddreg [dreg:$0xf]  }
0xd7: {  	[tilespmem:s28], [sflag:$0x1] =	stream.linear.gather [hbm4b:s26+s2], $0x30, $0x38;
	[tilespmem:$0x18400] =	vst v63  }
0xd8: {  	s3 =	rddreg [dreg:$0x1d]  }
0xd9: {  	[tilespmem:s30], [sflag:$0x1] =	stream.linear.gather [hbm4b:s29+s2], $0x30, $0x38;
	[tilespmem:$0x18400] =	vst v63  }
0xda: {  	s4 =	rddreg [dreg:$0x10]  }
0xdb: {  	[tilespmem:s0], [sflag:$0x1] =	stream.linear.gather [hbm4b:s31+s2], $0x30, $0x38;
	[tilespmem:$0x18400] =	vst v63  }
0xdc: {  	s5 =	rddreg [dreg:$0x1e]  }
0xdd: {  	[tilespmem:s3], [sflag:$0x1] =	stream.linear.gather [hbm4b:s1+s2], $0x30, $0x38;
	[tilespmem:$0x18400] =	vst v63  }
0xde: {  	s6 =	rddreg [dreg:$0x11]  }
0xdf: {  	[tilespmem:s5], [sflag:$0x1] =	stream.linear.gather [hbm4b:s4+s2], $0x30, $0x38;
	[tilespmem:$0x18400] =	vst v63  }
0xe0: {  	s7 =	rddreg [dreg:$0x1f];
	s0 =	simm.s32 $0x1  }
0xe1: {  	[tilespmem:s7], [sflag:$0x1] =	stream.linear.gather [hbm4b:s6+s2], $0x30, $0x38;
	[tilespmem:$0x18400] =	vst v63  }
0xe2: {  	_ =	swait.ge [sflag:s0], $0x30  }
0xe3: {  	[sflag:s0] =	ssyncset.done $0x0  }
0xe4: {  	[sflag:s0] =	ssyncadd.s32 $0xFFFFFFD0  }
0xe5: {  	_ =	swait.ge [sflag:s0], $0x30  }
0xe6: {  	[sflag:s0] =	ssyncset.done $0x0  }
0xe7: {  	[sflag:s0] =	ssyncadd.s32 $0xFFFFFFD0  }
0xe8: {  	_ =	swait.ge [sflag:s0], $0x30  }
0xe9: {  	[sflag:s0] =	ssyncset.done $0x0  }
0xea: {  	[sflag:s0] =	ssyncadd.s32 $0xFFFFFFD0  }
0xeb: {  	_ =	swait.ge [sflag:s0], $0x30  }
0xec: {  	[sflag:s0] =	ssyncset.done $0x0  }
0xed: {  	[sflag:s0] =	ssyncadd.s32 $0xFFFFFFD0  }
0xee: {  	_ =	swait.ge [sflag:s0], $0x30  }
0xef: {  	[sflag:s0] =	ssyncset.done $0x0  }
0xf0: {  	[sflag:s0] =	ssyncadd.s32 $0xFFFFFFD0  }
0xf1: {  	_ =	swait.ge [sflag:s0], $0x30  }
0xf2: {  	[sflag:s0] =	ssyncset.done $0x0  }
0xf3: {  	[sflag:s0] =	ssyncadd.s32 $0xFFFFFFD0  }
0xf4: {  	_ =	swait.ge [sflag:s0], $0x30  }
0xf5: {  	[sflag:s0] =	ssyncset.done $0x0  }
0xf6: {  	[sflag:s0] =	ssyncadd.s32 $0xFFFFFFD0  }
0xf7: {  	_ =	swait.ge [sflag:s0], $0x30  }
0xf8: {  	[sflag:s0] =	ssyncset.done $0x0  }
0xf9: {  	[sflag:s0] =	ssyncadd.s32 $0xFFFFFFD0  }
0xfa: {  	_ =	swait.ge [sflag:s0], $0x30  }
0xfb: {  	[sflag:s0] =	ssyncset.done $0x0  }
0xfc: {  	[sflag:s0] =	ssyncadd.s32 $0xFFFFFFD0  }
0xfd: {  	_ =	swait.ge [sflag:s0], $0x30  }
0xfe: {  	[sflag:s0] =	ssyncset.done $0x0  }
0xff: {  	[sflag:s0] =	ssyncadd.s32 $0xFFFFFFD0  }
0x100: {  	_ =	swait.ge [sflag:s0], $0x30  }
0x101: {  	[sflag:s0] =	ssyncset.done $0x0  }
0x102: {  	[sflag:s0] =	ssyncadd.s32 $0xFFFFFFD0  }
0x103: {  	_ =	swait.ge [sflag:s0], $0x30  }
0x104: {  	[sflag:s0] =	ssyncset.done $0x0  }
0x105: {  	[sflag:s0] =	ssyncadd.s32 $0xFFFFFFD0  }
0x106: {  	_ =	swait.ge [sflag:s0], $0x30  }
0x107: {  	[sflag:s0] =	ssyncset.done $0x0  }
0x108: {  	[sflag:s0] =	ssyncadd.s32 $0xFFFFFFD0  }
0x109: {  	_ =	swait.ge [sflag:s0], $0x30  }
0x10a: {  	[sflag:s0] =	ssyncset.done $0x0  }
0x10b: {  	[sflag:s0] =	ssyncadd.s32 $0xFFFFFFD0  }
0x10c: {  	_ =	swait.ge [sflag:s0], $0x30  }
0x10d: {  	[sflag:s0] =	ssyncset.done $0x0  }
0x10e: {  	[sflag:s0] =	ssyncadd.s32 $0xFFFFFFD0  }
0x10f: {  	v63 =	vld [tilespmem:$0x0];
	_ =	sdelay $0x4  }
0x110: {  	v1 =	vshll.u32 v63, $0x3  }
0x111: {  	v63 =	vand.u32 $0x7, v63;
	v1 =	vand.u32 $0xFFFFFFC0, v1  }
0x112: {  	v1 =	vor.u32 v63, v1  }
0x113: {  	v63 =	vperm.xlane v1, v60;
	_ =	sdelay $0x1  }
0x114: {  	v63 =	vadd.s32 v61, v63;
	_ =	sdelay $0x1  }
0x115: {  	s8 =	sld [smem:$0x7CE];
	_ =	sdelay $0x1  }
0x116: {  	s9 =	simm.s32 $0x400  }
0x117: {  	[tilespmem:s9], [sflag:$0x2] =	stream.indirect_vreg.gather [hbm4b:s8+s2], $0x80, v63, vm0, $0xb8;
	[tilespmem:$0x18400] =	vst v63  }
0x118: {  	s28 =	simm.s32 $0xC00;
	s10 =	sadd.s32 $0x100, s8;
	v1 =	vperm.xlane v1, v62  }
0x119: {  	[tilespmem:s28], [sflag:$0x2] =	stream.indirect_vreg.gather [hbm4b:s10+s2], $0x80, v63, vm0, $0xb8;
	[tilespmem:$0x18400] =	vst v63  }
0x11a: {  	s30 =	simm.s32 $0x1400;
	s29 =	sadd.s32 $0x200, s8;
	v1 =	vadd.s32 v61, v1  }
0x11b: {  	[tilespmem:s30], [sflag:$0x2] =	stream.indirect_vreg.gather [hbm4b:s29+s2], $0x80, v63, vm0, $0xb8;
	[tilespmem:$0x18400] =	vst v63  }
0x11c: {  	s4 =	simm.s32 $0x1C00;
	s31 =	sadd.s32 $0x300, s8  }
0x11d: {  	[tilespmem:s4], [sflag:$0x2] =	stream.indirect_vreg.gather [hbm4b:s31+s2], $0x80, v63, vm0, $0xb8;
	[tilespmem:$0x18400] =	vst v63  }
0x11e: {  	s5 =	simm.s32 $0x2400  }
0x11f: {  	[tilespmem:s5], [sflag:$0x2] =	stream.indirect_vreg.gather [hbm4b:s8+s2], $0x80, v1, vm0, $0xb8;
	[tilespmem:$0x18400] =	vst v63  }
0x120: {  	s6 =	simm.s32 $0x2C00  }
0x121: {  	[tilespmem:s6], [sflag:$0x2] =	stream.indirect_vreg.gather [hbm4b:s10+s2], $0x80, v1, vm0, $0xb8;
	[tilespmem:$0x18400] =	vst v63  }
0x122: {  	s7 =	simm.s32 $0x3400  }
0x123: {  	[tilespmem:s7], [sflag:$0x2] =	stream.indirect_vreg.gather [hbm4b:s29+s2], $0x80, v1, vm0, $0xb8;
	[tilespmem:$0x18400] =	vst v63  }
0x124: {  	s12 =	simm.s32 $0x3C00  }
0x125: {  	[tilespmem:s12], [sflag:$0x2] =	stream.indirect_vreg.gather [hbm4b:s31+s2], $0x80, v1, vm0, $0xb8;
	[tilespmem:$0x18400] =	vst v63  }
0x126: {  	v1 =	vld [tilespmem:$0x10];
	_ =	sdelay $0x4  }
0x127: {  	v63 =	vshll.u32 v1, $0x3  }
0x128: {  	v1 =	vand.u32 $0x7, v1;
	v63 =	vand.u32 $0xFFFFFFC0, v63  }
0x129: {  	v1 =	vor.u32 v1, v63  }
0x12a: {  	v63 =	vperm.xlane v1, v60;
	_ =	sdelay $0x1  }
0x12b: {  	v63 =	vadd.s32 v61, v63;
	_ =	sdelay $0x3  }
0x12c: {  	s13 =	simm.s32 $0x4400  }
0x12d: {  	[tilespmem:s13], [sflag:$0x2] =	stream.indirect_vreg.gather [hbm4b:s8+s2], $0x80, v63, vm0, $0xb8;
	[tilespmem:$0x18400] =	vst v63  }
0x12e: {  	s14 =	simm.s32 $0x4C00;
	v1 =	vperm.xlane v1, v62  }
0x12f: {  	[tilespmem:s14], [sflag:$0x2] =	stream.indirect_vreg.gather [hbm4b:s10+s2], $0x80, v63, vm0, $0xb8;
	[tilespmem:$0x18400] =	vst v63  }
0x130: {  	s15 =	simm.s32 $0x5400;
	v1 =	vadd.s32 v61, v1  }
0x131: {  	[tilespmem:s15], [sflag:$0x2] =	stream.indirect_vreg.gather [hbm4b:s29+s2], $0x80, v63, vm0, $0xb8;
	[tilespmem:$0x18400] =	vst v63  }
0x132: {  	s16 =	simm.s32 $0x5C00  }
0x133: {  	[tilespmem:s16], [sflag:$0x2] =	stream.indirect_vreg.gather [hbm4b:s31+s2], $0x80, v63, vm0, $0xb8;
	[tilespmem:$0x18400] =	vst v63  }
0x134: {  	s17 =	simm.s32 $0x6400  }
0x135: {  	[tilespmem:s17], [sflag:$0x2] =	stream.indirect_vreg.gather [hbm4b:s8+s2], $0x80, v1, vm0, $0xb8;
	[tilespmem:$0x18400] =	vst v63  }
0x136: {  	s18 =	simm.s32 $0x6C00  }
0x137: {  	[tilespmem:s18], [sflag:$0x2] =	stream.indirect_vreg.gather [hbm4b:s10+s2], $0x80, v1, vm0, $0xb8;
	[tilespmem:$0x18400] =	vst v63  }
0x138: {  	s19 =	simm.s32 $0x7400  }
0x139: {  	[tilespmem:s19], [sflag:$0x2] =	stream.indirect_vreg.gather [hbm4b:s29+s2], $0x80, v1, vm0, $0xb8;
	[tilespmem:$0x18400] =	vst v63  }
0x13a: {  	s20 =	simm.s32 $0x7C00  }
0x13b: {  	[tilespmem:s20], [sflag:$0x2] =	stream.indirect_vreg.gather [hbm4b:s31+s2], $0x80, v1, vm0, $0xb8;
	[tilespmem:$0x18400] =	vst v63  }
0x13c: {  	v1 =	vld [tilespmem:$0x20];
	_ =	sdelay $0x4  }
0x13d: {  	v63 =	vshll.u32 v1, $0x3  }
0x13e: {  	v1 =	vand.u32 $0x7, v1;
	v63 =	vand.u32 $0xFFFFFFC0, v63  }
0x13f: {  	v1 =	vor.u32 v1, v63  }
0x140: {  	v63 =	vperm.xlane v1, v60;
	_ =	sdelay $0x1  }
0x141: {  	v63 =	vadd.s32 v61, v63;
	_ =	sdelay $0x3  }
0x142: {  	s21 =	simm.s32 $0x8400  }
0x143: {  	[tilespmem:s21], [sflag:$0x2] =	stream.indirect_vreg.gather [hbm4b:s8+s2], $0x80, v63, vm0, $0xb8;
	[tilespmem:$0x18400] =	vst v63  }
0x144: {  	s22 =	simm.s32 $0x8C00;
	v1 =	vperm.xlane v1, v62  }
0x145: {  	[tilespmem:s22], [sflag:$0x2] =	stream.indirect_vreg.gather [hbm4b:s10+s2], $0x80, v63, vm0, $0xb8;
	[tilespmem:$0x18400] =	vst v63  }
0x146: {  	s23 =	simm.s32 $0x9400;
	v1 =	vadd.s32 v61, v1  }
0x147: {  	[tilespmem:s23], [sflag:$0x2] =	stream.indirect_vreg.gather [hbm4b:s29+s2], $0x80, v63, vm0, $0xb8;
	[tilespmem:$0x18400] =	vst v63  }
0x148: {  	s24 =	simm.s32 $0x9C00  }
0x149: {  	[tilespmem:s24], [sflag:$0x2] =	stream.indirect_vreg.gather [hbm4b:s31+s2], $0x80, v63, vm0, $0xb8;
	[tilespmem:$0x18400] =	vst v63  }
0x14a: {  	s25 =	simm.s32 $0xA400  }
0x14b: {  	[tilespmem:s25], [sflag:$0x2] =	stream.indirect_vreg.gather [hbm4b:s8+s2], $0x80, v1, vm0, $0xb8;
	[tilespmem:$0x18400] =	vst v63  }
0x14c: {  	s26 =	simm.s32 $0xAC00  }
0x14d: {  	[tilespmem:s26], [sflag:$0x2] =	stream.indirect_vreg.gather [hbm4b:s10+s2], $0x80, v1, vm0, $0xb8;
	[tilespmem:$0x18400] =	vst v63  }
0x14e: {  	s28 =	simm.s32 $0xB400  }
0x14f: {  	[tilespmem:s28], [sflag:$0x2] =	stream.indirect_vreg.gather [hbm4b:s29+s2], $0x80, v1, vm0, $0xb8;
	[tilespmem:$0x18400] =	vst v63  }
0x150: {  	s29 =	simm.s32 $0xBC00  }
0x151: {  	[tilespmem:s29], [sflag:$0x2] =	stream.indirect_vreg.gather [hbm4b:s31+s2], $0x80, v1, vm0, $0xb8;
	[tilespmem:$0x18400] =	vst v63  }
0x152: {  	v1 =	vld [tilespmem:$0x30];
	_ =	sdelay $0x4  }
0x153: {  	v63 =	vshll.u32 v1, $0x3  }
0x154: {  	v1 =	vand.u32 $0x7, v1;
	v63 =	vand.u32 $0xFFFFFFC0, v63  }
0x155: {  	v1 =	vor.u32 v1, v63  }
0x156: {  	v63 =	vperm.xlane v1, v60;
	_ =	sdelay $0x1  }
0x157: {  	v63 =	vadd.s32 v61, v63;
	_ =	sdelay $0x1  }
0x158: {  	s11 =	sld [smem:$0x7CF];
	_ =	sdelay $0x1  }
0x159: {  	s4 =	simm.s32 $0xC400  }
0x15a: {  	[tilespmem:s4], [sflag:$0x3] =	stream.indirect_vreg.gather [hbm4b:s11+s2], $0x80, v63, vm0, $0xb8;
	[tilespmem:$0x18400] =	vst v63  }
0x15b: {  	s30 =	simm.s32 $0xCC00;
	s8 =	sadd.s32 $0x100, s11;
	v1 =	vperm.xlane v1, v62  }
0x15c: {  	[tilespmem:s30], [sflag:$0x3] =	stream.indirect_vreg.gather [hbm4b:s8+s2], $0x80, v63, vm0, $0xb8;
	[tilespmem:$0x18400] =	vst v63  }
0x15d: {  	s9 =	sadd.s32 $0x200, s11;
	s31 =	simm.s32 $0xD400;
	v1 =	vadd.s32 v61, v1  }
0x15e: {  	[tilespmem:s31], [sflag:$0x3] =	stream.indirect_vreg.gather [hbm4b:s9+s2], $0x80, v63, vm0, $0xb8;
	[tilespmem:$0x18400] =	vst v63  }
0x15f: {  	s0 =	simm.s32 $0xDC00;
	s10 =	sadd.s32 $0x300, s11  }
0x160: {  	[tilespmem:s0], [sflag:$0x3] =	stream.indirect_vreg.gather [hbm4b:s10+s2], $0x80, v63, vm0, $0xb8;
	[tilespmem:$0x18400] =	vst v63  }
0x161: {  	s7 =	simm.s32 $0xE400  }
0x162: {  	[tilespmem:s7], [sflag:$0x3] =	stream.indirect_vreg.gather [hbm4b:s11+s2], $0x80, v1, vm0, $0xb8;
	[tilespmem:$0x18400] =	vst v63  }
0x163: {  	s12 =	simm.s32 $0xEC00  }
0x164: {  	[tilespmem:s12], [sflag:$0x3] =	stream.indirect_vreg.gather [hbm4b:s8+s2], $0x80, v1, vm0, $0xb8;
	[tilespmem:$0x18400] =	vst v63  }
0x165: {  	s14 =	simm.s32 $0xF400  }
0x166: {  	[tilespmem:s14], [sflag:$0x3] =	stream.indirect_vreg.gather [hbm4b:s9+s2], $0x80, v1, vm0, $0xb8;
	[tilespmem:$0x18400] =	vst v63  }
0x167: {  	s15 =	simm.s32 $0xFC00  }
0x168: {  	[tilespmem:s15], [sflag:$0x3] =	stream.indirect_vreg.gather [hbm4b:s10+s2], $0x80, v1, vm0, $0xb8;
	[tilespmem:$0x18400] =	vst v63  }
0x169: {  	v1 =	vld [tilespmem:$0x40];
	_ =	sdelay $0x4  }
0x16a: {  	v63 =	vshll.u32 v1, $0x3  }
0x16b: {  	v1 =	vand.u32 $0x7, v1;
	v63 =	vand.u32 $0xFFFFFFC0, v63  }
0x16c: {  	v1 =	vor.u32 v1, v63  }
0x16d: {  	v63 =	vperm.xlane v1, v60;
	_ =	sdelay $0x1  }
0x16e: {  	v63 =	vadd.s32 v61, v63;
	_ =	sdelay $0x3  }
0x16f: {  	s16 =	simm.s32 $0x10400  }
0x170: {  	[tilespmem:s16], [sflag:$0x3] =	stream.indirect_vreg.gather [hbm4b:s11+s2], $0x80, v63, vm0, $0xb8;
	[tilespmem:$0x18400] =	vst v63  }
0x171: {  	s17 =	simm.s32 $0x10C00;
	v1 =	vperm.xlane v1, v62  }
0x172: {  	[tilespmem:s17], [sflag:$0x3] =	stream.indirect_vreg.gather [hbm4b:s8+s2], $0x80, v63, vm0, $0xb8;
	[tilespmem:$0x18400] =	vst v63  }
0x173: {  	s18 =	simm.s32 $0x11400;
	v1 =	vadd.s32 v61, v1  }
0x174: {  	[tilespmem:s18], [sflag:$0x3] =	stream.indirect_vreg.gather [hbm4b:s9+s2], $0x80, v63, vm0, $0xb8;
	[tilespmem:$0x18400] =	vst v63  }
0x175: {  	s19 =	simm.s32 $0x11C00  }
0x176: {  	[tilespmem:s19], [sflag:$0x3] =	stream.indirect_vreg.gather [hbm4b:s10+s2], $0x80, v63, vm0, $0xb8;
	[tilespmem:$0x18400] =	vst v63  }
0x177: {  	s20 =	simm.s32 $0x12400  }
0x178: {  	[tilespmem:s20], [sflag:$0x3] =	stream.indirect_vreg.gather [hbm4b:s11+s2], $0x80, v1, vm0, $0xb8;
	[tilespmem:$0x18400] =	vst v63  }
0x179: {  	s21 =	simm.s32 $0x12C00  }
0x17a: {  	[tilespmem:s21], [sflag:$0x3] =	stream.indirect_vreg.gather [hbm4b:s8+s2], $0x80, v1, vm0, $0xb8;
	[tilespmem:$0x18400] =	vst v63  }
0x17b: {  	s22 =	simm.s32 $0x13400  }
0x17c: {  	[tilespmem:s22], [sflag:$0x3] =	stream.indirect_vreg.gather [hbm4b:s9+s2], $0x80, v1, vm0, $0xb8;
	[tilespmem:$0x18400] =	vst v63  }
0x17d: {  	s23 =	simm.s32 $0x13C00  }
0x17e: {  	[tilespmem:s23], [sflag:$0x3] =	stream.indirect_vreg.gather [hbm4b:s10+s2], $0x80, v1, vm0, $0xb8;
	[tilespmem:$0x18400] =	vst v63  }
0x17f: {  	v1 =	vld [tilespmem:$0x50];
	_ =	sdelay $0x4  }
0x180: {  	v63 =	vshll.u32 v1, $0x3  }
0x181: {  	v1 =	vand.u32 $0x7, v1;
	v63 =	vand.u32 $0xFFFFFFC0, v63  }
0x182: {  	v1 =	vor.u32 v1, v63  }
0x183: {  	v63 =	vperm.xlane v1, v60;
	_ =	sdelay $0x1  }
0x184: {  	v63 =	vadd.s32 v61, v63;
	_ =	sdelay $0x3  }
0x185: {  	s24 =	simm.s32 $0x14400  }
0x186: {  	[tilespmem:s24], [sflag:$0x3] =	stream.indirect_vreg.gather [hbm4b:s11+s2], $0x80, v63, vm0, $0xb8;
	[tilespmem:$0x18400] =	vst v63  }
0x187: {  	s25 =	simm.s32 $0x14C00;
	v1 =	vperm.xlane v1, v62  }
0x188: {  	[tilespmem:s25], [sflag:$0x3] =	stream.indirect_vreg.gather [hbm4b:s8+s2], $0x80, v63, vm0, $0xb8;
	[tilespmem:$0x18400] =	vst v63  }
0x189: {  	s26 =	simm.s32 $0x15400;
	v1 =	vadd.s32 v61, v1  }
0x18a: {  	[tilespmem:s26], [sflag:$0x3] =	stream.indirect_vreg.gather [hbm4b:s9+s2], $0x80, v63, vm0, $0xb8;
	[tilespmem:$0x18400] =	vst v63  }
0x18b: {  	s28 =	simm.s32 $0x15C00  }
0x18c: {  	[tilespmem:s28], [sflag:$0x3] =	stream.indirect_vreg.gather [hbm4b:s10+s2], $0x80, v63, vm0, $0xb8;
	[tilespmem:$0x18400] =	vst v63  }
0x18d: {  	s29 =	simm.s32 $0x16400  }
0x18e: {  	[tilespmem:s29], [sflag:$0x3] =	stream.indirect_vreg.gather [hbm4b:s11+s2], $0x80, v1, vm0, $0xb8;
	[tilespmem:$0x18400] =	vst v63  }
0x18f: {  	s30 =	simm.s32 $0x16C00  }
0x190: {  	[tilespmem:s30], [sflag:$0x3] =	stream.indirect_vreg.gather [hbm4b:s8+s2], $0x80, v1, vm0, $0xb8;
	[tilespmem:$0x18400] =	vst v63  }
0x191: {  	s31 =	simm.s32 $0x17400;
	v63 =	vld [tilespmem:$0x1FFF0]  }
0x192: {  	[tilespmem:s31], [sflag:$0x3] =	stream.indirect_vreg.gather [hbm4b:s9+s2], $0x80, v1, vm0, $0xb8;
	[tilespmem:$0x18400] =	vst v63  }
0x193: {  	s0 =	simm.s32 $0x17C00  }
0x194: {  	[tilespmem:s0], [sflag:$0x3] =	stream.indirect_vreg.gather [hbm4b:s10+s2], $0x80, v1, vm0, $0xb8;
	[tilespmem:$0x18400] =	vst v63  }
0x195: {  	v1 =	vperm.xlane v45, v60;
	[tilespmem:$0x300] =	vst v0  }
0x196: {  	[tilespmem:$0x310] =	vst v63  }
0x197: {  	s7 =	simm.s32 $0x2;
	[tilespmem:$0x320] =	vst v2;
	v1 =	vadd.s32 v61, v1  }
0x198: {  	_ =	swait.ge [sflag:s7], $0xC000  }
0x199: {  	s8 =	sld [smem:$0x7E2]  }
0x19a: {  	[sflag:s7] =	ssyncset.done $0x0  }
0x19b: {  	s4 =	simm.s32 $0x400;
	[sflag:s7] =	ssyncadd.s32 $0xFFFF4000  }
0x19c: {  	[hbm4b:s8+s2] =	stream.indirect_vreg.scatter [tilespmem:s4], [sflag:$0x4], $0x80, v1, vm0, $0xb8;
	[tilespmem:$0x18400] =	vst v63  }
0x19d: {  	s19 =	simm.s32 $0xC00;
	v63 =	vperm.xlane v45, v62;
	s9 =	sadd.s32 $0x100, s8  }
0x19e: {  	[hbm4b:s9+s2] =	stream.indirect_vreg.scatter [tilespmem:s19], [sflag:$0x4], $0x80, v1, vm0, $0xb8;
	[tilespmem:$0x18400] =	vst v63  }
0x19f: {  	s20 =	simm.s32 $0x1400;
	v63 =	vadd.s32 v61, v63;
	s10 =	sadd.s32 $0x200, s8  }
0x1a0: {  	[hbm4b:s10+s2] =	stream.indirect_vreg.scatter [tilespmem:s20], [sflag:$0x4], $0x80, v1, vm0, $0xb8;
	[tilespmem:$0x18400] =	vst v63  }
0x1a1: {  	s15 =	simm.s32 $0x1C00;
	s14 =	sadd.s32 $0x300, s8  }
0x1a2: {  	[hbm4b:s14+s2] =	stream.indirect_vreg.scatter [tilespmem:s15], [sflag:$0x4], $0x80, v1, vm0, $0xb8;
	[tilespmem:$0x18400] =	vst v63  }
0x1a3: {  	s16 =	simm.s32 $0x2400  }
0x1a4: {  	[hbm4b:s8+s2] =	stream.indirect_vreg.scatter [tilespmem:s16], [sflag:$0x4], $0x80, v63, vm0, $0xb8;
	[tilespmem:$0x18400] =	vst v63  }
0x1a5: {  	s17 =	simm.s32 $0x2C00  }
0x1a6: {  	[hbm4b:s9+s2] =	stream.indirect_vreg.scatter [tilespmem:s17], [sflag:$0x4], $0x80, v63, vm0, $0xb8;
	[tilespmem:$0x18400] =	vst v63  }
0x1a7: {  	s18 =	simm.s32 $0x3400  }
0x1a8: {  	[hbm4b:s10+s2] =	stream.indirect_vreg.scatter [tilespmem:s18], [sflag:$0x4], $0x80, v63, vm0, $0xb8;
	[tilespmem:$0x18400] =	vst v63  }
0x1a9: {  	s21 =	simm.s32 $0x3C00  }
0x1aa: {  	[hbm4b:s14+s2] =	stream.indirect_vreg.scatter [tilespmem:s21], [sflag:$0x4], $0x80, v63, vm0, $0xb8;
	[tilespmem:$0x18400] =	vst v63  }
0x1ab: {  	v1 =	vld [tilespmem:$0x310];
	_ =	sdelay $0x4  }
0x1ac: {  	v63 =	vshll.u32 v1, $0x3  }
0x1ad: {  	v1 =	vand.u32 $0x7, v1;
	v63 =	vand.u32 $0xFFFFFFC0, v63  }
0x1ae: {  	v1 =	vor.u32 v1, v63  }
0x1af: {  	v63 =	vperm.xlane v1, v60;
	_ =	sdelay $0x1  }
0x1b0: {  	v63 =	vadd.s32 v61, v63;
	_ =	sdelay $0x3  }
0x1b1: {  	s28 =	simm.s32 $0x4400  }
0x1b2: {  	[hbm4b:s8+s2] =	stream.indirect_vreg.scatter [tilespmem:s28], [sflag:$0x4], $0x80, v63, vm0, $0xb8;
	[tilespmem:$0x18400] =	vst v63  }
0x1b3: {  	s29 =	simm.s32 $0x4C00;
	v1 =	vperm.xlane v1, v62  }
0x1b4: {  	[hbm4b:s9+s2] =	stream.indirect_vreg.scatter [tilespmem:s29], [sflag:$0x4], $0x80, v63, vm0, $0xb8;
	[tilespmem:$0x18400] =	vst v63  }
0x1b5: {  	s22 =	simm.s32 $0x5400;
	v1 =	vadd.s32 v61, v1  }
0x1b6: {  	[hbm4b:s10+s2] =	stream.indirect_vreg.scatter [tilespmem:s22], [sflag:$0x4], $0x80, v63, vm0, $0xb8;
	[tilespmem:$0x18400] =	vst v63  }
0x1b7: {  	s23 =	simm.s32 $0x5C00  }
0x1b8: {  	[hbm4b:s14+s2] =	stream.indirect_vreg.scatter [tilespmem:s23], [sflag:$0x4], $0x80, v63, vm0, $0xb8;
	[tilespmem:$0x18400] =	vst v63  }
0x1b9: {  	s24 =	simm.s32 $0x6400  }
0x1ba: {  	[hbm4b:s8+s2] =	stream.indirect_vreg.scatter [tilespmem:s24], [sflag:$0x4], $0x80, v1, vm0, $0xb8;
	[tilespmem:$0x18400] =	vst v63  }
0x1bb: {  	s25 =	simm.s32 $0x6C00  }
0x1bc: {  	[hbm4b:s9+s2] =	stream.indirect_vreg.scatter [tilespmem:s25], [sflag:$0x4], $0x80, v1, vm0, $0xb8;
	[tilespmem:$0x18400] =	vst v63  }
0x1bd: {  	s26 =	simm.s32 $0x7400  }
0x1be: {  	[hbm4b:s10+s2] =	stream.indirect_vreg.scatter [tilespmem:s26], [sflag:$0x4], $0x80, v1, vm0, $0xb8;
	[tilespmem:$0x18400] =	vst v63  }
0x1bf: {  	s30 =	simm.s32 $0x7C00  }
0x1c0: {  	[hbm4b:s14+s2] =	stream.indirect_vreg.scatter [tilespmem:s30], [sflag:$0x4], $0x80, v1, vm0, $0xb8;
	[tilespmem:$0x18400] =	vst v63  }
0x1c1: {  	v1 =	vld [tilespmem:$0x320];
	_ =	sdelay $0x4  }
0x1c2: {  	v63 =	vshll.u32 v1, $0x3  }
0x1c3: {  	v1 =	vand.u32 $0x7, v1;
	v63 =	vand.u32 $0xFFFFFFC0, v63  }
0x1c4: {  	v1 =	vor.u32 v1, v63  }
0x1c5: {  	v63 =	vperm.xlane v1, v60;
	_ =	sdelay $0x1  }
0x1c6: {  	v63 =	vadd.s32 v61, v63;
	_ =	sdelay $0x3  }
0x1c7: {  	s12 =	simm.s32 $0x8400  }
0x1c8: {  	[hbm4b:s8+s2] =	stream.indirect_vreg.scatter [tilespmem:s12], [sflag:$0x4], $0x80, v63, vm0, $0xb8;
	[tilespmem:$0x18400] =	vst v63  }
0x1c9: {  	s7 =	simm.s32 $0x8C00;
	v1 =	vperm.xlane v1, v62  }
0x1ca: {  	[hbm4b:s9+s2] =	stream.indirect_vreg.scatter [tilespmem:s7], [sflag:$0x4], $0x80, v63, vm0, $0xb8;
	[tilespmem:$0x18400] =	vst v63  }
0x1cb: {  	s31 =	simm.s32 $0x9400;
	v1 =	vadd.s32 v61, v1  }
0x1cc: {  	[hbm4b:s10+s2] =	stream.indirect_vreg.scatter [tilespmem:s31], [sflag:$0x4], $0x80, v63, vm0, $0xb8;
	[tilespmem:$0x18400] =	vst v63  }
0x1cd: {  	s3 =	simm.s32 $0x9C00  }
0x1ce: {  	[hbm4b:s14+s2] =	stream.indirect_vreg.scatter [tilespmem:s3], [sflag:$0x4], $0x80, v63, vm0, $0xb8;
	[tilespmem:$0x18400] =	vst v63  }
0x1cf: {  	s13 =	simm.s32 $0xA400  }
0x1d0: {  	[hbm4b:s8+s2] =	stream.indirect_vreg.scatter [tilespmem:s13], [sflag:$0x4], $0x80, v1, vm0, $0xb8;
	[tilespmem:$0x18400] =	vst v63  }
0x1d1: {  	s6 =	simm.s32 $0xAC00  }
0x1d2: {  	[hbm4b:s9+s2] =	stream.indirect_vreg.scatter [tilespmem:s6], [sflag:$0x4], $0x80, v1, vm0, $0xb8;
	[tilespmem:$0x18400] =	vst v63  }
0x1d3: {  	s1 =	simm.s32 $0xB400  }
0x1d4: {  	[hbm4b:s10+s2] =	stream.indirect_vreg.scatter [tilespmem:s1], [sflag:$0x4], $0x80, v1, vm0, $0xb8;
	[tilespmem:$0x18400] =	vst v63  }
0x1d5: {  	s5 =	simm.s32 $0xBC00;
	s9 =	simm.s32 $0x4  }
0x1d6: {  	[hbm4b:s14+s2] =	stream.indirect_vreg.scatter [tilespmem:s5], [sflag:$0x4], $0x80, v1, vm0, $0xb8;
	[tilespmem:$0x18400] =	vst v63  }
0x1d7: {  	_ =	swait.ge [sflag:s9], $0xC000  }
0x1d8: {  	[sflag:s9] =	ssyncset.done $0x0  }
0x1d9: {  	[sflag:s9] =	ssyncadd.s32 $0xFFFF4000  }
0x1da: {  	v1 =	vld [tilespmem:$0x60];
	_ =	sdelay $0x4  }
0x1db: {  	v63 =	vshll.u32 v1, $0x3  }
0x1dc: {  	v1 =	vand.u32 $0x7, v1;
	v63 =	vand.u32 $0xFFFFFFC0, v63  }
0x1dd: {  	v1 =	vor.u32 v1, v63  }
0x1de: {  	v63 =	vperm.xlane v1, v60;
	_ =	sdelay $0x1  }
0x1df: {  	v63 =	vadd.s32 v61, v63;
	_ =	sdelay $0x1  }
0x1e0: {  	s10 =	sld [smem:$0x7D0];
	_ =	sdelay $0x2  }
0x1e1: {  	[tilespmem:s4], [sflag:$0x2] =	stream.indirect_vreg.gather [hbm4b:s10+s2], $0x80, v63, vm0, $0xb8;
	[tilespmem:$0x18400] =	vst v63  }
0x1e2: {  	s14 =	sadd.s32 $0x100, s10;
	v1 =	vperm.xlane v1, v62  }
0x1e3: {  	[tilespmem:s19], [sflag:$0x2] =	stream.indirect_vreg.gather [hbm4b:s14+s2], $0x80, v63, vm0, $0xb8;
	[tilespmem:$0x18400] =	vst v63  }
0x1e4: {  	s1 =	sadd.s32 $0x200, s10;
	v1 =	vadd.s32 v61, v1  }
0x1e5: {  	[tilespmem:s20], [sflag:$0x2] =	stream.indirect_vreg.gather [hbm4b:s1+s2], $0x80, v63, vm0, $0xb8;
	[tilespmem:$0x18400] =	vst v63  }
0x1e6: {  	s4 =	sadd.s32 $0x300, s10  }
0x1e7: {  	[tilespmem:s15], [sflag:$0x2] =	stream.indirect_vreg.gather [hbm4b:s4+s2], $0x80, v63, vm0, $0xb8;
	[tilespmem:$0x18400] =	vst v63  }
0x1e8: {  	_ = 	snop  }
0x1e9: {  	[tilespmem:s16], [sflag:$0x2] =	stream.indirect_vreg.gather [hbm4b:s10+s2], $0x80, v1, vm0, $0xb8;
	[tilespmem:$0x18400] =	vst v63  }
0x1ea: {  	_ = 	snop  }
0x1eb: {  	[tilespmem:s17], [sflag:$0x2] =	stream.indirect_vreg.gather [hbm4b:s14+s2], $0x80, v1, vm0, $0xb8;
	[tilespmem:$0x18400] =	vst v63  }
0x1ec: {  	_ = 	snop  }
0x1ed: {  	[tilespmem:s18], [sflag:$0x2] =	stream.indirect_vreg.gather [hbm4b:s1+s2], $0x80, v1, vm0, $0xb8;
	[tilespmem:$0x18400] =	vst v63  }
0x1ee: {  	_ = 	snop  }
0x1ef: {  	[tilespmem:s21], [sflag:$0x2] =	stream.indirect_vreg.gather [hbm4b:s4+s2], $0x80, v1, vm0, $0xb8;
	[tilespmem:$0x18400] =	vst v63  }
0x1f0: {  	v1 =	vld [tilespmem:$0x70];
	_ =	sdelay $0x4  }
0x1f1: {  	v63 =	vshll.u32 v1, $0x3  }
0x1f2: {  	v1 =	vand.u32 $0x7, v1;
	v63 =	vand.u32 $0xFFFFFFC0, v63  }
0x1f3: {  	v1 =	vor.u32 v1, v63  }
0x1f4: {  	v63 =	vperm.xlane v1, v60;
	_ =	sdelay $0x1  }
0x1f5: {  	v63 =	vadd.s32 v61, v63;
	_ =	sdelay $0x4  }
0x1f6: {  	[tilespmem:s28], [sflag:$0x2] =	stream.indirect_vreg.gather [hbm4b:s10+s2], $0x80, v63, vm0, $0xb8;
	[tilespmem:$0x18400] =	vst v63  }
0x1f7: {  	v1 =	vperm.xlane v1, v62  }
0x1f8: {  	[tilespmem:s29], [sflag:$0x2] =	stream.indirect_vreg.gather [hbm4b:s14+s2], $0x80, v63, vm0, $0xb8;
	[tilespmem:$0x18400] =	vst v63  }
0x1f9: {  	v1 =	vadd.s32 v61, v1  }
0x1fa: {  	[tilespmem:s22], [sflag:$0x2] =	stream.indirect_vreg.gather [hbm4b:s1+s2], $0x80, v63, vm0, $0xb8;
	[tilespmem:$0x18400] =	vst v63  }
0x1fb: {  	_ = 	snop  }
0x1fc: {  	[tilespmem:s23], [sflag:$0x2] =	stream.indirect_vreg.gather [hbm4b:s4+s2], $0x80, v63, vm0, $0xb8;
	[tilespmem:$0x18400] =	vst v63  }
0x1fd: {  	_ = 	snop  }
0x1fe: {  	[tilespmem:s24], [sflag:$0x2] =	stream.indirect_vreg.gather [hbm4b:s10+s2], $0x80, v1, vm0, $0xb8;
	[tilespmem:$0x18400] =	vst v63  }
0x1ff: {  	_ = 	snop  }
0x200: {  	[tilespmem:s25], [sflag:$0x2] =	stream.indirect_vreg.gather [hbm4b:s14+s2], $0x80, v1, vm0, $0xb8;
	[tilespmem:$0x18400] =	vst v63  }
0x201: {  	_ = 	snop  }
0x202: {  	[tilespmem:s26], [sflag:$0x2] =	stream.indirect_vreg.gather [hbm4b:s1+s2], $0x80, v1, vm0, $0xb8;
	[tilespmem:$0x18400] =	vst v63  }
0x203: {  	_ = 	snop  }
0x204: {  	[tilespmem:s30], [sflag:$0x2] =	stream.indirect_vreg.gather [hbm4b:s4+s2], $0x80, v1, vm0, $0xb8;
	[tilespmem:$0x18400] =	vst v63  }
0x205: {  	v1 =	vld [tilespmem:$0x80];
	_ =	sdelay $0x4  }
0x206: {  	v63 =	vshll.u32 v1, $0x3  }
0x207: {  	v1 =	vand.u32 $0x7, v1;
	v63 =	vand.u32 $0xFFFFFFC0, v63  }
0x208: {  	v1 =	vor.u32 v1, v63  }
0x209: {  	v63 =	vperm.xlane v1, v60;
	_ =	sdelay $0x1  }
0x20a: {  	v63 =	vadd.s32 v61, v63;
	_ =	sdelay $0x4  }
0x20b: {  	[tilespmem:s12], [sflag:$0x2] =	stream.indirect_vreg.gather [hbm4b:s10+s2], $0x80, v63, vm0, $0xb8;
	[tilespmem:$0x18400] =	vst v63  }
0x20c: {  	v1 =	vperm.xlane v1, v62  }
0x20d: {  	[tilespmem:s7], [sflag:$0x2] =	stream.indirect_vreg.gather [hbm4b:s14+s2], $0x80, v63, vm0, $0xb8;
	[tilespmem:$0x18400] =	vst v63  }
0x20e: {  	v1 =	vadd.s32 v61, v1  }
0x20f: {  	[tilespmem:s31], [sflag:$0x2] =	stream.indirect_vreg.gather [hbm4b:s1+s2], $0x80, v63, vm0, $0xb8;
	[tilespmem:$0x18400] =	vst v63  }
0x210: {  	s0 =	simm.s32 $0x9C00  }
0x211: {  	[tilespmem:s0], [sflag:$0x2] =	stream.indirect_vreg.gather [hbm4b:s4+s2], $0x80, v63, vm0, $0xb8;
	[tilespmem:$0x18400] =	vst v63  }
0x212: {  	s3 =	simm.s32 $0xA400  }
0x213: {  	[tilespmem:s3], [sflag:$0x2] =	stream.indirect_vreg.gather [hbm4b:s10+s2], $0x80, v1, vm0, $0xb8;
	[tilespmem:$0x18400] =	vst v63  }
0x214: {  	s8 =	simm.s32 $0xAC00  }
0x215: {  	[tilespmem:s8], [sflag:$0x2] =	stream.indirect_vreg.gather [hbm4b:s14+s2], $0x80, v1, vm0, $0xb8;
	[tilespmem:$0x18400] =	vst v63  }
0x216: {  	s6 =	simm.s32 $0xB400  }
0x217: {  	[tilespmem:s6], [sflag:$0x2] =	stream.indirect_vreg.gather [hbm4b:s1+s2], $0x80, v1, vm0, $0xb8;
	[tilespmem:$0x18400] =	vst v63  }
0x218: {  	s5 =	simm.s32 $0xBC00  }
0x219: {  	[tilespmem:s5], [sflag:$0x2] =	stream.indirect_vreg.gather [hbm4b:s4+s2], $0x80, v1, vm0, $0xb8;
	[tilespmem:$0x18400] =	vst v63  }
0x21a: {  	v1 =	vperm.xlane v46, v60;
	[tilespmem:$0x380] =	vst v3  }
0x21b: {  	[tilespmem:$0x390] =	vst v4  }
0x21c: {  	s14 =	simm.s32 $0x3;
	[tilespmem:$0x3A0] =	vst v5;
	v1 =	vadd.s32 v61, v1  }
0x21d: {  	_ =	swait.ge [sflag:s14], $0xC000  }
0x21e: {  	s15 =	sld [smem:$0x7E5]  }
0x21f: {  	[sflag:s14] =	ssyncset.done $0x0  }
0x220: {  	s1 =	simm.s32 $0xC400;
	[sflag:s14] =	ssyncadd.s32 $0xFFFF4000  }
0x221: {  	[hbm4b:s15+s2] =	stream.indirect_vreg.scatter [tilespmem:s1], [sflag:$0x5], $0x80, v1, vm0, $0xb8;
	[tilespmem:$0x18400] =	vst v63  }
0x222: {  	s17 =	simm.s32 $0xCC00;
	v63 =	vperm.xlane v46, v62;
	s25 =	sadd.s32 $0x100, s15  }
0x223: {  	[hbm4b:s25+s2] =	stream.indirect_vreg.scatter [tilespmem:s17], [sflag:$0x5], $0x80, v1, vm0, $0xb8;
	[tilespmem:$0x18400] =	vst v63  }
0x224: {  	s18 =	simm.s32 $0xD400;
	v63 =	vadd.s32 v61, v63;
	s28 =	sadd.s32 $0x200, s15  }
0x225: {  	[hbm4b:s28+s2] =	stream.indirect_vreg.scatter [tilespmem:s18], [sflag:$0x5], $0x80, v1, vm0, $0xb8;
	[tilespmem:$0x18400] =	vst v63  }
0x226: {  	s16 =	simm.s32 $0xDC00;
	s29 =	sadd.s32 $0x300, s15  }
0x227: {  	[hbm4b:s29+s2] =	stream.indirect_vreg.scatter [tilespmem:s16], [sflag:$0x5], $0x80, v1, vm0, $0xb8;
	[tilespmem:$0x18400] =	vst v63  }
0x228: {  	s30 =	simm.s32 $0xE400  }
0x229: {  	[hbm4b:s15+s2] =	stream.indirect_vreg.scatter [tilespmem:s30], [sflag:$0x5], $0x80, v63, vm0, $0xb8;
	[tilespmem:$0x18400] =	vst v63  }
0x22a: {  	s31 =	simm.s32 $0xEC00  }
0x22b: {  	[hbm4b:s25+s2] =	stream.indirect_vreg.scatter [tilespmem:s31], [sflag:$0x5], $0x80, v63, vm0, $0xb8;
	[tilespmem:$0x18400] =	vst v63  }
0x22c: {  	s26 =	simm.s32 $0xF400  }
0x22d: {  	[hbm4b:s28+s2] =	stream.indirect_vreg.scatter [tilespmem:s26], [sflag:$0x5], $0x80, v63, vm0, $0xb8;
	[tilespmem:$0x18400] =	vst v63  }
0x22e: {  	s19 =	simm.s32 $0xFC00  }
0x22f: {  	[hbm4b:s29+s2] =	stream.indirect_vreg.scatter [tilespmem:s19], [sflag:$0x5], $0x80, v63, vm0, $0xb8;
	[tilespmem:$0x18400] =	vst v63  }
0x230: {  	v1 =	vld [tilespmem:$0x390];
	_ =	sdelay $0x4  }
0x231: {  	v63 =	vshll.u32 v1, $0x3  }
0x232: {  	v1 =	vand.u32 $0x7, v1;
	v63 =	vand.u32 $0xFFFFFFC0, v63  }
0x233: {  	v1 =	vor.u32 v1, v63  }
0x234: {  	v63 =	vperm.xlane v1, v60;
	_ =	sdelay $0x1  }
0x235: {  	v63 =	vadd.s32 v61, v63;
	_ =	sdelay $0x3  }
0x236: {  	s20 =	simm.s32 $0x10400  }
0x237: {  	[hbm4b:s15+s2] =	stream.indirect_vreg.scatter [tilespmem:s20], [sflag:$0x5], $0x80, v63, vm0, $0xb8;
	[tilespmem:$0x18400] =	vst v63  }
0x238: {  	s21 =	simm.s32 $0x10C00;
	v1 =	vperm.xlane v1, v62  }
0x239: {  	[hbm4b:s25+s2] =	stream.indirect_vreg.scatter [tilespmem:s21], [sflag:$0x5], $0x80, v63, vm0, $0xb8;
	[tilespmem:$0x18400] =	vst v63  }
0x23a: {  	s3 =	simm.s32 $0x11400;
	v1 =	vadd.s32 v61, v1  }
0x23b: {  	[hbm4b:s28+s2] =	stream.indirect_vreg.scatter [tilespmem:s3], [sflag:$0x5], $0x80, v63, vm0, $0xb8;
	[tilespmem:$0x18400] =	vst v63  }
0x23c: {  	s4 =	simm.s32 $0x11C00  }
0x23d: {  	[hbm4b:s29+s2] =	stream.indirect_vreg.scatter [tilespmem:s4], [sflag:$0x5], $0x80, v63, vm0, $0xb8;
	[tilespmem:$0x18400] =	vst v63  }
0x23e: {  	s5 =	simm.s32 $0x12400  }
0x23f: {  	[hbm4b:s15+s2] =	stream.indirect_vreg.scatter [tilespmem:s5], [sflag:$0x5], $0x80, v1, vm0, $0xb8;
	[tilespmem:$0x18400] =	vst v63  }
0x240: {  	s6 =	simm.s32 $0x12C00  }
0x241: {  	[hbm4b:s25+s2] =	stream.indirect_vreg.scatter [tilespmem:s6], [sflag:$0x5], $0x80, v1, vm0, $0xb8;
	[tilespmem:$0x18400] =	vst v63  }
0x242: {  	s7 =	simm.s32 $0x13400  }
0x243: {  	[hbm4b:s28+s2] =	stream.indirect_vreg.scatter [tilespmem:s7], [sflag:$0x5], $0x80, v1, vm0, $0xb8;
	[tilespmem:$0x18400] =	vst v63  }
0x244: {  	s22 =	simm.s32 $0x13C00  }
0x245: {  	[hbm4b:s29+s2] =	stream.indirect_vreg.scatter [tilespmem:s22], [sflag:$0x5], $0x80, v1, vm0, $0xb8;
	[tilespmem:$0x18400] =	vst v63  }
0x246: {  	v1 =	vld [tilespmem:$0x3A0];
	_ =	sdelay $0x4  }
0x247: {  	v63 =	vshll.u32 v1, $0x3  }
0x248: {  	v1 =	vand.u32 $0x7, v1;
	v63 =	vand.u32 $0xFFFFFFC0, v63  }
0x249: {  	v1 =	vor.u32 v1, v63  }
0x24a: {  	v63 =	vperm.xlane v1, v60;
	_ =	sdelay $0x1  }
0x24b: {  	v63 =	vadd.s32 v61, v63;
	_ =	sdelay $0x3  }
0x24c: {  	s23 =	simm.s32 $0x14400  }
0x24d: {  	[hbm4b:s15+s2] =	stream.indirect_vreg.scatter [tilespmem:s23], [sflag:$0x5], $0x80, v63, vm0, $0xb8;
	[tilespmem:$0x18400] =	vst v63  }
0x24e: {  	s24 =	simm.s32 $0x14C00;
	v1 =	vperm.xlane v1, v62  }
0x24f: {  	[hbm4b:s25+s2] =	stream.indirect_vreg.scatter [tilespmem:s24], [sflag:$0x5], $0x80, v63, vm0, $0xb8;
	[tilespmem:$0x18400] =	vst v63  }
0x250: {  	s12 =	simm.s32 $0x15400;
	v1 =	vadd.s32 v61, v1  }
0x251: {  	[hbm4b:s28+s2] =	stream.indirect_vreg.scatter [tilespmem:s12], [sflag:$0x5], $0x80, v63, vm0, $0xb8;
	[tilespmem:$0x18400] =	vst v63  }
0x252: {  	s13 =	simm.s32 $0x15C00  }
0x253: {  	[hbm4b:s29+s2] =	stream.indirect_vreg.scatter [tilespmem:s13], [sflag:$0x5], $0x80, v63, vm0, $0xb8;
	[tilespmem:$0x18400] =	vst v63  }
0x254: {  	s0 =	simm.s32 $0x16400  }
0x255: {  	[hbm4b:s15+s2] =	stream.indirect_vreg.scatter [tilespmem:s0], [sflag:$0x5], $0x80, v1, vm0, $0xb8;
	[tilespmem:$0x18400] =	vst v63  }
0x256: {  	s14 =	simm.s32 $0x16C00  }
0x257: {  	[hbm4b:s25+s2] =	stream.indirect_vreg.scatter [tilespmem:s14], [sflag:$0x5], $0x80, v1, vm0, $0xb8;
	[tilespmem:$0x18400] =	vst v63  }
0x258: {  	s15 =	simm.s32 $0x17400  }
0x259: {  	[hbm4b:s28+s2] =	stream.indirect_vreg.scatter [tilespmem:s15], [sflag:$0x5], $0x80, v1, vm0, $0xb8;
	[tilespmem:$0x18400] =	vst v63  }
0x25a: {  	s9 =	simm.s32 $0x5;
	s25 =	simm.s32 $0x17C00  }
0x25b: {  	[hbm4b:s29+s2] =	stream.indirect_vreg.scatter [tilespmem:s25], [sflag:$0x5], $0x80, v1, vm0, $0xb8;
	[tilespmem:$0x18400] =	vst v63  }
0x25c: {  	_ =	swait.ge [sflag:s9], $0xC000  }
0x25d: {  	[sflag:s9] =	ssyncset.done $0x0  }
0x25e: {  	[sflag:s9] =	ssyncadd.s32 $0xFFFF4000  }
0x25f: {  	v1 =	vld [tilespmem:$0x90];
	_ =	sdelay $0x4  }
0x260: {  	v63 =	vshll.u32 v1, $0x3  }
0x261: {  	v1 =	vand.u32 $0x7, v1;
	v63 =	vand.u32 $0xFFFFFFC0, v63  }
0x262: {  	v1 =	vor.u32 v1, v63  }
0x263: {  	v63 =	vperm.xlane v1, v60;
	_ =	sdelay $0x1  }
0x264: {  	v63 =	vadd.s32 v61, v63;
	_ =	sdelay $0x1  }
0x265: {  	s10 =	sld [smem:$0x7D4];
	_ =	sdelay $0x2  }
0x266: {  	[tilespmem:s1], [sflag:$0x3] =	stream.indirect_vreg.gather [hbm4b:s10+s2], $0x80, v63, vm0, $0xb8;
	[tilespmem:$0x18400] =	vst v63  }
0x267: {  	s28 =	sadd.s32 $0x100, s10;
	v1 =	vperm.xlane v1, v62  }
0x268: {  	[tilespmem:s17], [sflag:$0x3] =	stream.indirect_vreg.gather [hbm4b:s28+s2], $0x80, v63, vm0, $0xb8;
	[tilespmem:$0x18400] =	vst v63  }
0x269: {  	s29 =	sadd.s32 $0x200, s10;
	v1 =	vadd.s32 v61, v1  }
0x26a: {  	[tilespmem:s18], [sflag:$0x3] =	stream.indirect_vreg.gather [hbm4b:s29+s2], $0x80, v63, vm0, $0xb8;
	[tilespmem:$0x18400] =	vst v63  }
0x26b: {  	s1 =	sadd.s32 $0x300, s10  }
0x26c: {  	[tilespmem:s16], [sflag:$0x3] =	stream.indirect_vreg.gather [hbm4b:s1+s2], $0x80, v63, vm0, $0xb8;
	[tilespmem:$0x18400] =	vst v63  }
0x26d: {  	_ = 	snop  }
0x26e: {  	[tilespmem:s30], [sflag:$0x3] =	stream.indirect_vreg.gather [hbm4b:s10+s2], $0x80, v1, vm0, $0xb8;
	[tilespmem:$0x18400] =	vst v63  }
0x26f: {  	_ = 	snop  }
0x270: {  	[tilespmem:s31], [sflag:$0x3] =	stream.indirect_vreg.gather [hbm4b:s28+s2], $0x80, v1, vm0, $0xb8;
	[tilespmem:$0x18400] =	vst v63  }
0x271: {  	_ = 	snop  }
0x272: {  	[tilespmem:s26], [sflag:$0x3] =	stream.indirect_vreg.gather [hbm4b:s29+s2], $0x80, v1, vm0, $0xb8;
	[tilespmem:$0x18400] =	vst v63  }
0x273: {  	_ = 	snop  }
0x274: {  	[tilespmem:s19], [sflag:$0x3] =	stream.indirect_vreg.gather [hbm4b:s1+s2], $0x80, v1, vm0, $0xb8;
	[tilespmem:$0x18400] =	vst v63  }
0x275: {  	v1 =	vld [tilespmem:$0xA0];
	_ =	sdelay $0x4  }
0x276: {  	v63 =	vshll.u32 v1, $0x3  }
0x277: {  	v1 =	vand.u32 $0x7, v1;
	v63 =	vand.u32 $0xFFFFFFC0, v63  }
0x278: {  	v1 =	vor.u32 v1, v63  }
0x279: {  	v63 =	vperm.xlane v1, v60;
	_ =	sdelay $0x1  }
0x27a: {  	v63 =	vadd.s32 v61, v63;
	_ =	sdelay $0x4  }
0x27b: {  	[tilespmem:s20], [sflag:$0x3] =	stream.indirect_vreg.gather [hbm4b:s10+s2], $0x80, v63, vm0, $0xb8;
	[tilespmem:$0x18400] =	vst v63  }
0x27c: {  	v1 =	vperm.xlane v1, v62  }
0x27d: {  	[tilespmem:s21], [sflag:$0x3] =	stream.indirect_vreg.gather [hbm4b:s28+s2], $0x80, v63, vm0, $0xb8;
	[tilespmem:$0x18400] =	vst v63  }
0x27e: {  	v1 =	vadd.s32 v61, v1  }
0x27f: {  	[tilespmem:s3], [sflag:$0x3] =	stream.indirect_vreg.gather [hbm4b:s29+s2], $0x80, v63, vm0, $0xb8;
	[tilespmem:$0x18400] =	vst v63  }
0x280: {  	_ = 	snop  }
0x281: {  	[tilespmem:s4], [sflag:$0x3] =	stream.indirect_vreg.gather [hbm4b:s1+s2], $0x80, v63, vm0, $0xb8;
	[tilespmem:$0x18400] =	vst v63  }
0x282: {  	_ = 	snop  }
0x283: {  	[tilespmem:s5], [sflag:$0x3] =	stream.indirect_vreg.gather [hbm4b:s10+s2], $0x80, v1, vm0, $0xb8;
	[tilespmem:$0x18400] =	vst v63  }
0x284: {  	_ = 	snop  }
0x285: {  	[tilespmem:s6], [sflag:$0x3] =	stream.indirect_vreg.gather [hbm4b:s28+s2], $0x80, v1, vm0, $0xb8;
	[tilespmem:$0x18400] =	vst v63  }
0x286: {  	_ = 	snop  }
0x287: {  	[tilespmem:s7], [sflag:$0x3] =	stream.indirect_vreg.gather [hbm4b:s29+s2], $0x80, v1, vm0, $0xb8;
	[tilespmem:$0x18400] =	vst v63  }
0x288: {  	_ = 	snop  }
0x289: {  	[tilespmem:s22], [sflag:$0x3] =	stream.indirect_vreg.gather [hbm4b:s1+s2], $0x80, v1, vm0, $0xb8;
	[tilespmem:$0x18400] =	vst v63  }
0x28a: {  	v1 =	vld [tilespmem:$0xB0];
	_ =	sdelay $0x4  }
0x28b: {  	v63 =	vshll.u32 v1, $0x3  }
0x28c: {  	v1 =	vand.u32 $0x7, v1;
	v63 =	vand.u32 $0xFFFFFFC0, v63  }
0x28d: {  	v1 =	vor.u32 v1, v63  }
0x28e: {  	v63 =	vperm.xlane v1, v60;
	_ =	sdelay $0x1  }
0x28f: {  	v63 =	vadd.s32 v61, v63;
	_ =	sdelay $0x4  }
0x290: {  	[tilespmem:s23], [sflag:$0x3] =	stream.indirect_vreg.gather [hbm4b:s10+s2], $0x80, v63, vm0, $0xb8;
	[tilespmem:$0x18400] =	vst v63  }
0x291: {  	v1 =	vperm.xlane v1, v62  }
0x292: {  	[tilespmem:s24], [sflag:$0x3] =	stream.indirect_vreg.gather [hbm4b:s28+s2], $0x80, v63, vm0, $0xb8;
	[tilespmem:$0x18400] =	vst v63  }
0x293: {  	v1 =	vadd.s32 v61, v1  }
0x294: {  	[tilespmem:s12], [sflag:$0x3] =	stream.indirect_vreg.gather [hbm4b:s29+s2], $0x80, v63, vm0, $0xb8;
	[tilespmem:$0x18400] =	vst v63  }
0x295: {  	_ = 	snop  }
0x296: {  	[tilespmem:s13], [sflag:$0x3] =	stream.indirect_vreg.gather [hbm4b:s1+s2], $0x80, v63, vm0, $0xb8;
	[tilespmem:$0x18400] =	vst v63  }
0x297: {  	_ = 	snop  }
0x298: {  	[tilespmem:s0], [sflag:$0x3] =	stream.indirect_vreg.gather [hbm4b:s10+s2], $0x80, v1, vm0, $0xb8;
	[tilespmem:$0x18400] =	vst v63  }
0x299: {  	_ = 	snop  }
0x29a: {  	[tilespmem:s14], [sflag:$0x3] =	stream.indirect_vreg.gather [hbm4b:s28+s2], $0x80, v1, vm0, $0xb8;
	[tilespmem:$0x18400] =	vst v63  }
0x29b: {  	_ = 	snop  }
0x29c: {  	[tilespmem:s15], [sflag:$0x3] =	stream.indirect_vreg.gather [hbm4b:s29+s2], $0x80, v1, vm0, $0xb8;
	[tilespmem:$0x18400] =	vst v63  }
0x29d: {  	_ = 	snop  }
0x29e: {  	[tilespmem:s25], [sflag:$0x3] =	stream.indirect_vreg.gather [hbm4b:s1+s2], $0x80, v1, vm0, $0xb8;
	[tilespmem:$0x18400] =	vst v63  }
0x29f: {  	v1 =	vperm.xlane v47, v60;
	[tilespmem:$0x300] =	vst v7  }
0x2a0: {  	[tilespmem:$0x310] =	vst v6  }
0x2a1: {  	s8 =	simm.s32 $0x2;
	[tilespmem:$0x320] =	vst v8;
	v1 =	vadd.s32 v61, v1  }
0x2a2: {  	_ =	swait.ge [sflag:s8], $0xC000  }
0x2a3: {  	s9 =	sld [smem:$0x7E7]  }
0x2a4: {  	[sflag:s8] =	ssyncset.done $0x0  }
0x2a5: {  	s0 =	simm.s32 $0x400;
	[sflag:s8] =	ssyncadd.s32 $0xFFFF4000  }
0x2a6: {  	[hbm4b:s9+s2] =	stream.indirect_vreg.scatter [tilespmem:s0], [sflag:$0x4], $0x80, v1, vm0, $0xb8;
	[tilespmem:$0x18400] =	vst v63  }
0x2a7: {  	s12 =	simm.s32 $0xC00;
	v63 =	vperm.xlane v47, v62;
	s10 =	sadd.s32 $0x100, s9  }
0x2a8: {  	[hbm4b:s10+s2] =	stream.indirect_vreg.scatter [tilespmem:s12], [sflag:$0x4], $0x80, v1, vm0, $0xb8;
	[tilespmem:$0x18400] =	vst v63  }
0x2a9: {  	s13 =	simm.s32 $0x1400;
	v63 =	vadd.s32 v61, v63;
	s28 =	sadd.s32 $0x200, s9  }
0x2aa: {  	[hbm4b:s28+s2] =	stream.indirect_vreg.scatter [tilespmem:s13], [sflag:$0x4], $0x80, v1, vm0, $0xb8;
	[tilespmem:$0x18400] =	vst v63  }
0x2ab: {  	s4 =	simm.s32 $0x1C00;
	s29 =	sadd.s32 $0x300, s9  }
0x2ac: {  	[hbm4b:s29+s2] =	stream.indirect_vreg.scatter [tilespmem:s4], [sflag:$0x4], $0x80, v1, vm0, $0xb8;
	[tilespmem:$0x18400] =	vst v63  }
0x2ad: {  	s5 =	simm.s32 $0x2400  }
0x2ae: {  	[hbm4b:s9+s2] =	stream.indirect_vreg.scatter [tilespmem:s5], [sflag:$0x4], $0x80, v63, vm0, $0xb8;
	[tilespmem:$0x18400] =	vst v63  }
0x2af: {  	s6 =	simm.s32 $0x2C00  }
0x2b0: {  	[hbm4b:s10+s2] =	stream.indirect_vreg.scatter [tilespmem:s6], [sflag:$0x4], $0x80, v63, vm0, $0xb8;
	[tilespmem:$0x18400] =	vst v63  }
0x2b1: {  	s7 =	simm.s32 $0x3400  }
0x2b2: {  	[hbm4b:s28+s2] =	stream.indirect_vreg.scatter [tilespmem:s7], [sflag:$0x4], $0x80, v63, vm0, $0xb8;
	[tilespmem:$0x18400] =	vst v63  }
0x2b3: {  	s14 =	simm.s32 $0x3C00  }
0x2b4: {  	[hbm4b:s29+s2] =	stream.indirect_vreg.scatter [tilespmem:s14], [sflag:$0x4], $0x80, v63, vm0, $0xb8;
	[tilespmem:$0x18400] =	vst v63  }
0x2b5: {  	v1 =	vld [tilespmem:$0x310];
	_ =	sdelay $0x4  }
0x2b6: {  	v63 =	vshll.u32 v1, $0x3  }
0x2b7: {  	v1 =	vand.u32 $0x7, v1;
	v63 =	vand.u32 $0xFFFFFFC0, v63  }
0x2b8: {  	v1 =	vor.u32 v1, v63  }
0x2b9: {  	v63 =	vperm.xlane v1, v60;
	_ =	sdelay $0x1  }
0x2ba: {  	v63 =	vadd.s32 v61, v63;
	_ =	sdelay $0x3  }
0x2bb: {  	s22 =	simm.s32 $0x4400  }
0x2bc: {  	[hbm4b:s9+s2] =	stream.indirect_vreg.scatter [tilespmem:s22], [sflag:$0x4], $0x80, v63, vm0, $0xb8;
	[tilespmem:$0x18400] =	vst v63  }
0x2bd: {  	s23 =	simm.s32 $0x4C00;
	v1 =	vperm.xlane v1, v62  }
0x2be: {  	[hbm4b:s10+s2] =	stream.indirect_vreg.scatter [tilespmem:s23], [sflag:$0x4], $0x80, v63, vm0, $0xb8;
	[tilespmem:$0x18400] =	vst v63  }
0x2bf: {  	s17 =	simm.s32 $0x5400;
	v1 =	vadd.s32 v61, v1  }
0x2c0: {  	[hbm4b:s28+s2] =	stream.indirect_vreg.scatter [tilespmem:s17], [sflag:$0x4], $0x80, v63, vm0, $0xb8;
	[tilespmem:$0x18400] =	vst v63  }
0x2c1: {  	s18 =	simm.s32 $0x5C00  }
0x2c2: {  	[hbm4b:s29+s2] =	stream.indirect_vreg.scatter [tilespmem:s18], [sflag:$0x4], $0x80, v63, vm0, $0xb8;
	[tilespmem:$0x18400] =	vst v63  }
0x2c3: {  	s19 =	simm.s32 $0x6400  }
0x2c4: {  	[hbm4b:s9+s2] =	stream.indirect_vreg.scatter [tilespmem:s19], [sflag:$0x4], $0x80, v1, vm0, $0xb8;
	[tilespmem:$0x18400] =	vst v63  }
0x2c5: {  	s20 =	simm.s32 $0x6C00  }
0x2c6: {  	[hbm4b:s10+s2] =	stream.indirect_vreg.scatter [tilespmem:s20], [sflag:$0x4], $0x80, v1, vm0, $0xb8;
	[tilespmem:$0x18400] =	vst v63  }
0x2c7: {  	s21 =	simm.s32 $0x7400  }
0x2c8: {  	[hbm4b:s28+s2] =	stream.indirect_vreg.scatter [tilespmem:s21], [sflag:$0x4], $0x80, v1, vm0, $0xb8;
	[tilespmem:$0x18400] =	vst v63  }
0x2c9: {  	s24 =	simm.s32 $0x7C00  }
0x2ca: {  	[hbm4b:s29+s2] =	stream.indirect_vreg.scatter [tilespmem:s24], [sflag:$0x4], $0x80, v1, vm0, $0xb8;
	[tilespmem:$0x18400] =	vst v63  }
0x2cb: {  	v1 =	vld [tilespmem:$0x320];
	_ =	sdelay $0x4  }
0x2cc: {  	v63 =	vshll.u32 v1, $0x3  }
0x2cd: {  	v1 =	vand.u32 $0x7, v1;
	v63 =	vand.u32 $0xFFFFFFC0, v63  }
0x2ce: {  	v1 =	vor.u32 v1, v63  }
0x2cf: {  	v63 =	vperm.xlane v1, v60;
	_ =	sdelay $0x1  }
0x2d0: {  	v63 =	vadd.s32 v61, v63;
	_ =	sdelay $0x3  }
0x2d1: {  	s31 =	simm.s32 $0x8400  }
0x2d2: {  	[hbm4b:s9+s2] =	stream.indirect_vreg.scatter [tilespmem:s31], [sflag:$0x4], $0x80, v63, vm0, $0xb8;
	[tilespmem:$0x18400] =	vst v63  }
0x2d3: {  	s25 =	simm.s32 $0x8C00;
	v1 =	vperm.xlane v1, v62  }
0x2d4: {  	[hbm4b:s10+s2] =	stream.indirect_vreg.scatter [tilespmem:s25], [sflag:$0x4], $0x80, v63, vm0, $0xb8;
	[tilespmem:$0x18400] =	vst v63  }
0x2d5: {  	s26 =	simm.s32 $0x9400;
	v1 =	vadd.s32 v61, v1  }
0x2d6: {  	[hbm4b:s28+s2] =	stream.indirect_vreg.scatter [tilespmem:s26], [sflag:$0x4], $0x80, v63, vm0, $0xb8;
	[tilespmem:$0x18400] =	vst v63  }
0x2d7: {  	s3 =	simm.s32 $0x9C00  }
0x2d8: {  	[hbm4b:s29+s2] =	stream.indirect_vreg.scatter [tilespmem:s3], [sflag:$0x4], $0x80, v63, vm0, $0xb8;
	[tilespmem:$0x18400] =	vst v63  }
0x2d9: {  	s15 =	simm.s32 $0xA400  }
0x2da: {  	[hbm4b:s9+s2] =	stream.indirect_vreg.scatter [tilespmem:s15], [sflag:$0x4], $0x80, v1, vm0, $0xb8;
	[tilespmem:$0x18400] =	vst v63  }
0x2db: {  	s16 =	simm.s32 $0xAC00  }
0x2dc: {  	[hbm4b:s10+s2] =	stream.indirect_vreg.scatter [tilespmem:s16], [sflag:$0x4], $0x80, v1, vm0, $0xb8;
	[tilespmem:$0x18400] =	vst v63  }
0x2dd: {  	s1 =	simm.s32 $0xB400  }
0x2de: {  	[hbm4b:s28+s2] =	stream.indirect_vreg.scatter [tilespmem:s1], [sflag:$0x4], $0x80, v1, vm0, $0xb8;
	[tilespmem:$0x18400] =	vst v63  }
0x2df: {  	s28 =	simm.s32 $0xBC00  }
0x2e0: {  	[hbm4b:s29+s2] =	stream.indirect_vreg.scatter [tilespmem:s28], [sflag:$0x4], $0x80, v1, vm0, $0xb8;
	[tilespmem:$0x18400] =	vst v63  }
0x2e1: {  	s29 =	simm.s32 $0x4  }
0x2e2: {  	_ =	swait.ge [sflag:s29], $0xC000  }
0x2e3: {  	[sflag:s29] =	ssyncset.done $0x0  }
0x2e4: {  	[sflag:s29] =	ssyncadd.s32 $0xFFFF4000  }
0x2e5: {  	v1 =	vld [tilespmem:$0xC0];
	_ =	sdelay $0x4  }
0x2e6: {  	v63 =	vshll.u32 v1, $0x3  }
0x2e7: {  	v1 =	vand.u32 $0x7, v1;
	v63 =	vand.u32 $0xFFFFFFC0, v63  }
0x2e8: {  	v1 =	vor.u32 v1, v63  }
0x2e9: {  	v63 =	vperm.xlane v1, v60;
	_ =	sdelay $0x1  }
0x2ea: {  	v63 =	vadd.s32 v61, v63;
	_ =	sdelay $0x1  }
0x2eb: {  	s9 =	sld [smem:$0x7D5];
	_ =	sdelay $0x2  }
0x2ec: {  	[tilespmem:s0], [sflag:$0x2] =	stream.indirect_vreg.gather [hbm4b:s9+s2], $0x80, v63, vm0, $0xb8;
	[tilespmem:$0x18400] =	vst v63  }
0x2ed: {  	s10 =	sadd.s32 $0x100, s9;
	v1 =	vperm.xlane v1, v62  }
0x2ee: {  	[tilespmem:s12], [sflag:$0x2] =	stream.indirect_vreg.gather [hbm4b:s10+s2], $0x80, v63, vm0, $0xb8;
	[tilespmem:$0x18400] =	vst v63  }
0x2ef: {  	v1 =	vadd.s32 v61, v1;
	s12 =	sadd.s32 $0x200, s9  }
0x2f0: {  	[tilespmem:s13], [sflag:$0x2] =	stream.indirect_vreg.gather [hbm4b:s12+s2], $0x80, v63, vm0, $0xb8;
	[tilespmem:$0x18400] =	vst v63  }
0x2f1: {  	s13 =	sadd.s32 $0x300, s9  }
0x2f2: {  	[tilespmem:s4], [sflag:$0x2] =	stream.indirect_vreg.gather [hbm4b:s13+s2], $0x80, v63, vm0, $0xb8;
	[tilespmem:$0x18400] =	vst v63  }
0x2f3: {  	_ = 	snop  }
0x2f4: {  	[tilespmem:s5], [sflag:$0x2] =	stream.indirect_vreg.gather [hbm4b:s9+s2], $0x80, v1, vm0, $0xb8;
	[tilespmem:$0x18400] =	vst v63  }
0x2f5: {  	_ = 	snop  }
0x2f6: {  	[tilespmem:s6], [sflag:$0x2] =	stream.indirect_vreg.gather [hbm4b:s10+s2], $0x80, v1, vm0, $0xb8;
	[tilespmem:$0x18400] =	vst v63  }
0x2f7: {  	_ = 	snop  }
0x2f8: {  	[tilespmem:s7], [sflag:$0x2] =	stream.indirect_vreg.gather [hbm4b:s12+s2], $0x80, v1, vm0, $0xb8;
	[tilespmem:$0x18400] =	vst v63  }
0x2f9: {  	_ = 	snop  }
0x2fa: {  	[tilespmem:s14], [sflag:$0x2] =	stream.indirect_vreg.gather [hbm4b:s13+s2], $0x80, v1, vm0, $0xb8;
	[tilespmem:$0x18400] =	vst v63  }
0x2fb: {  	v1 =	vld [tilespmem:$0xD0];
	_ =	sdelay $0x4  }
0x2fc: {  	v63 =	vshll.u32 v1, $0x3  }
0x2fd: {  	v1 =	vand.u32 $0x7, v1;
	v63 =	vand.u32 $0xFFFFFFC0, v63  }
0x2fe: {  	v1 =	vor.u32 v1, v63  }
0x2ff: {  	v63 =	vperm.xlane v1, v60;
	_ =	sdelay $0x1  }
0x300: {  	v63 =	vadd.s32 v61, v63;
	_ =	sdelay $0x4  }
0x301: {  	[tilespmem:s22], [sflag:$0x2] =	stream.indirect_vreg.gather [hbm4b:s9+s2], $0x80, v63, vm0, $0xb8;
	[tilespmem:$0x18400] =	vst v63  }
0x302: {  	v1 =	vperm.xlane v1, v62  }
0x303: {  	[tilespmem:s23], [sflag:$0x2] =	stream.indirect_vreg.gather [hbm4b:s10+s2], $0x80, v63, vm0, $0xb8;
	[tilespmem:$0x18400] =	vst v63  }
0x304: {  	v1 =	vadd.s32 v61, v1  }
0x305: {  	[tilespmem:s17], [sflag:$0x2] =	stream.indirect_vreg.gather [hbm4b:s12+s2], $0x80, v63, vm0, $0xb8;
	[tilespmem:$0x18400] =	vst v63  }
0x306: {  	_ = 	snop  }
0x307: {  	[tilespmem:s18], [sflag:$0x2] =	stream.indirect_vreg.gather [hbm4b:s13+s2], $0x80, v63, vm0, $0xb8;
	[tilespmem:$0x18400] =	vst v63  }
0x308: {  	_ = 	snop  }
0x309: {  	[tilespmem:s19], [sflag:$0x2] =	stream.indirect_vreg.gather [hbm4b:s9+s2], $0x80, v1, vm0, $0xb8;
	[tilespmem:$0x18400] =	vst v63  }
0x30a: {  	_ = 	snop  }
0x30b: {  	[tilespmem:s20], [sflag:$0x2] =	stream.indirect_vreg.gather [hbm4b:s10+s2], $0x80, v1, vm0, $0xb8;
	[tilespmem:$0x18400] =	vst v63  }
0x30c: {  	_ = 	snop  }
0x30d: {  	[tilespmem:s21], [sflag:$0x2] =	stream.indirect_vreg.gather [hbm4b:s12+s2], $0x80, v1, vm0, $0xb8;
	[tilespmem:$0x18400] =	vst v63  }
0x30e: {  	_ = 	snop  }
0x30f: {  	[tilespmem:s24], [sflag:$0x2] =	stream.indirect_vreg.gather [hbm4b:s13+s2], $0x80, v1, vm0, $0xb8;
	[tilespmem:$0x18400] =	vst v63  }
0x310: {  	v1 =	vld [tilespmem:$0xE0];
	_ =	sdelay $0x4  }
0x311: {  	v63 =	vshll.u32 v1, $0x3  }
0x312: {  	v1 =	vand.u32 $0x7, v1;
	v63 =	vand.u32 $0xFFFFFFC0, v63  }
0x313: {  	v1 =	vor.u32 v1, v63  }
0x314: {  	v63 =	vperm.xlane v1, v60;
	_ =	sdelay $0x1  }
0x315: {  	v63 =	vadd.s32 v61, v63;
	_ =	sdelay $0x4  }
0x316: {  	[tilespmem:s31], [sflag:$0x2] =	stream.indirect_vreg.gather [hbm4b:s9+s2], $0x80, v63, vm0, $0xb8;
	[tilespmem:$0x18400] =	vst v63  }
0x317: {  	v1 =	vperm.xlane v1, v62  }
0x318: {  	[tilespmem:s25], [sflag:$0x2] =	stream.indirect_vreg.gather [hbm4b:s10+s2], $0x80, v63, vm0, $0xb8;
	[tilespmem:$0x18400] =	vst v63  }
0x319: {  	v1 =	vadd.s32 v61, v1  }
0x31a: {  	[tilespmem:s26], [sflag:$0x2] =	stream.indirect_vreg.gather [hbm4b:s12+s2], $0x80, v63, vm0, $0xb8;
	[tilespmem:$0x18400] =	vst v63  }
0x31b: {  	_ = 	snop  }
0x31c: {  	[tilespmem:s3], [sflag:$0x2] =	stream.indirect_vreg.gather [hbm4b:s13+s2], $0x80, v63, vm0, $0xb8;
	[tilespmem:$0x18400] =	vst v63  }
0x31d: {  	_ = 	snop  }
0x31e: {  	[tilespmem:s15], [sflag:$0x2] =	stream.indirect_vreg.gather [hbm4b:s9+s2], $0x80, v1, vm0, $0xb8;
	[tilespmem:$0x18400] =	vst v63  }
0x31f: {  	_ = 	snop  }
0x320: {  	[tilespmem:s16], [sflag:$0x2] =	stream.indirect_vreg.gather [hbm4b:s10+s2], $0x80, v1, vm0, $0xb8;
	[tilespmem:$0x18400] =	vst v63  }
0x321: {  	_ = 	snop  }
0x322: {  	[tilespmem:s1], [sflag:$0x2] =	stream.indirect_vreg.gather [hbm4b:s12+s2], $0x80, v1, vm0, $0xb8;
	[tilespmem:$0x18400] =	vst v63  }
0x323: {  	_ = 	snop  }
0x324: {  	[tilespmem:s28], [sflag:$0x2] =	stream.indirect_vreg.gather [hbm4b:s13+s2], $0x80, v1, vm0, $0xb8;
	[tilespmem:$0x18400] =	vst v63  }
0x325: {  	v1 =	vperm.xlane v48, v60;
	[tilespmem:$0x380] =	vst v10  }
0x326: {  	[tilespmem:$0x390] =	vst v9  }
0x327: {  	s15 =	simm.s32 $0x3;
	[tilespmem:$0x3A0] =	vst v11;
	v1 =	vadd.s32 v61, v1  }
0x328: {  	_ =	swait.ge [sflag:s15], $0xC000  }
0x329: {  	s16 =	sld [smem:$0x7E8]  }
0x32a: {  	[sflag:s15] =	ssyncset.done $0x0  }
0x32b: {  	s1 =	simm.s32 $0xC400;
	[sflag:s15] =	ssyncadd.s32 $0xFFFF4000  }
0x32c: {  	[hbm4b:s16+s2] =	stream.indirect_vreg.scatter [tilespmem:s1], [sflag:$0x5], $0x80, v1, vm0, $0xb8;
	[tilespmem:$0x18400] =	vst v63  }
0x32d: {  	s18 =	simm.s32 $0xCC00;
	v63 =	vperm.xlane v48, v62;
	s28 =	sadd.s32 $0x100, s16  }
0x32e: {  	[hbm4b:s28+s2] =	stream.indirect_vreg.scatter [tilespmem:s18], [sflag:$0x5], $0x80, v1, vm0, $0xb8;
	[tilespmem:$0x18400] =	vst v63  }
0x32f: {  	s19 =	simm.s32 $0xD400;
	v63 =	vadd.s32 v61, v63;
	s30 =	sadd.s32 $0x200, s16  }
0x330: {  	[hbm4b:s30+s2] =	stream.indirect_vreg.scatter [tilespmem:s19], [sflag:$0x5], $0x80, v1, vm0, $0xb8;
	[tilespmem:$0x18400] =	vst v63  }
0x331: {  	s25 =	simm.s32 $0xDC00;
	s31 =	sadd.s32 $0x300, s16  }
0x332: {  	[hbm4b:s31+s2] =	stream.indirect_vreg.scatter [tilespmem:s25], [sflag:$0x5], $0x80, v1, vm0, $0xb8;
	[tilespmem:$0x18400] =	vst v63  }
0x333: {  	s29 =	simm.s32 $0xE400  }
0x334: {  	[hbm4b:s16+s2] =	stream.indirect_vreg.scatter [tilespmem:s29], [sflag:$0x5], $0x80, v63, vm0, $0xb8;
	[tilespmem:$0x18400] =	vst v63  }
0x335: {  	s3 =	simm.s32 $0xEC00  }
0x336: {  	[hbm4b:s28+s2] =	stream.indirect_vreg.scatter [tilespmem:s3], [sflag:$0x5], $0x80, v63, vm0, $0xb8;
	[tilespmem:$0x18400] =	vst v63  }
0x337: {  	s4 =	simm.s32 $0xF400  }
0x338: {  	[hbm4b:s30+s2] =	stream.indirect_vreg.scatter [tilespmem:s4], [sflag:$0x5], $0x80, v63, vm0, $0xb8;
	[tilespmem:$0x18400] =	vst v63  }
0x339: {  	s20 =	simm.s32 $0xFC00  }
0x33a: {  	[hbm4b:s31+s2] =	stream.indirect_vreg.scatter [tilespmem:s20], [sflag:$0x5], $0x80, v63, vm0, $0xb8;
	[tilespmem:$0x18400] =	vst v63  }
0x33b: {  	v1 =	vld [tilespmem:$0x390];
	_ =	sdelay $0x4  }
0x33c: {  	v63 =	vshll.u32 v1, $0x3  }
0x33d: {  	v1 =	vand.u32 $0x7, v1;
	v63 =	vand.u32 $0xFFFFFFC0, v63  }
0x33e: {  	v1 =	vor.u32 v1, v63  }
0x33f: {  	v63 =	vperm.xlane v1, v60;
	_ =	sdelay $0x1  }
0x340: {  	v63 =	vadd.s32 v61, v63;
	_ =	sdelay $0x3  }
0x341: {  	s21 =	simm.s32 $0x10400  }
0x342: {  	[hbm4b:s16+s2] =	stream.indirect_vreg.scatter [tilespmem:s21], [sflag:$0x5], $0x80, v63, vm0, $0xb8;
	[tilespmem:$0x18400] =	vst v63  }
0x343: {  	s22 =	simm.s32 $0x10C00;
	v1 =	vperm.xlane v1, v62  }
0x344: {  	[hbm4b:s28+s2] =	stream.indirect_vreg.scatter [tilespmem:s22], [sflag:$0x5], $0x80, v63, vm0, $0xb8;
	[tilespmem:$0x18400] =	vst v63  }
0x345: {  	s5 =	simm.s32 $0x11400;
	v1 =	vadd.s32 v61, v1  }
0x346: {  	[hbm4b:s30+s2] =	stream.indirect_vreg.scatter [tilespmem:s5], [sflag:$0x5], $0x80, v63, vm0, $0xb8;
	[tilespmem:$0x18400] =	vst v63  }
0x347: {  	s6 =	simm.s32 $0x11C00  }
0x348: {  	[hbm4b:s31+s2] =	stream.indirect_vreg.scatter [tilespmem:s6], [sflag:$0x5], $0x80, v63, vm0, $0xb8;
	[tilespmem:$0x18400] =	vst v63  }
0x349: {  	s7 =	simm.s32 $0x12400  }
0x34a: {  	[hbm4b:s16+s2] =	stream.indirect_vreg.scatter [tilespmem:s7], [sflag:$0x5], $0x80, v1, vm0, $0xb8;
	[tilespmem:$0x18400] =	vst v63  }
0x34b: {  	s12 =	simm.s32 $0x12C00  }
0x34c: {  	[hbm4b:s28+s2] =	stream.indirect_vreg.scatter [tilespmem:s12], [sflag:$0x5], $0x80, v1, vm0, $0xb8;
	[tilespmem:$0x18400] =	vst v63  }
0x34d: {  	s13 =	simm.s32 $0x13400  }
0x34e: {  	[hbm4b:s30+s2] =	stream.indirect_vreg.scatter [tilespmem:s13], [sflag:$0x5], $0x80, v1, vm0, $0xb8;
	[tilespmem:$0x18400] =	vst v63  }
0x34f: {  	s23 =	simm.s32 $0x13C00  }
0x350: {  	[hbm4b:s31+s2] =	stream.indirect_vreg.scatter [tilespmem:s23], [sflag:$0x5], $0x80, v1, vm0, $0xb8;
	[tilespmem:$0x18400] =	vst v63  }
0x351: {  	v1 =	vld [tilespmem:$0x3A0];
	_ =	sdelay $0x4  }
0x352: {  	v63 =	vshll.u32 v1, $0x3  }
0x353: {  	v1 =	vand.u32 $0x7, v1;
	v63 =	vand.u32 $0xFFFFFFC0, v63  }
0x354: {  	v1 =	vor.u32 v1, v63  }
0x355: {  	v63 =	vperm.xlane v1, v60;
	_ =	sdelay $0x1  }
0x356: {  	v63 =	vadd.s32 v61, v63;
	_ =	sdelay $0x3  }
0x357: {  	s24 =	simm.s32 $0x14400  }
0x358: {  	[hbm4b:s16+s2] =	stream.indirect_vreg.scatter [tilespmem:s24], [sflag:$0x5], $0x80, v63, vm0, $0xb8;
	[tilespmem:$0x18400] =	vst v63  }
0x359: {  	s26 =	simm.s32 $0x14C00;
	v1 =	vperm.xlane v1, v62  }
0x35a: {  	[hbm4b:s28+s2] =	stream.indirect_vreg.scatter [tilespmem:s26], [sflag:$0x5], $0x80, v63, vm0, $0xb8;
	[tilespmem:$0x18400] =	vst v63  }
0x35b: {  	s14 =	simm.s32 $0x15400;
	v1 =	vadd.s32 v61, v1  }
0x35c: {  	[hbm4b:s30+s2] =	stream.indirect_vreg.scatter [tilespmem:s14], [sflag:$0x5], $0x80, v63, vm0, $0xb8;
	[tilespmem:$0x18400] =	vst v63  }
0x35d: {  	s17 =	simm.s32 $0x15C00  }
0x35e: {  	[hbm4b:s31+s2] =	stream.indirect_vreg.scatter [tilespmem:s17], [sflag:$0x5], $0x80, v63, vm0, $0xb8;
	[tilespmem:$0x18400] =	vst v63  }
0x35f: {  	s0 =	simm.s32 $0x16400  }
0x360: {  	[hbm4b:s16+s2] =	stream.indirect_vreg.scatter [tilespmem:s0], [sflag:$0x5], $0x80, v1, vm0, $0xb8;
	[tilespmem:$0x18400] =	vst v63  }
0x361: {  	s15 =	simm.s32 $0x16C00  }
0x362: {  	[hbm4b:s28+s2] =	stream.indirect_vreg.scatter [tilespmem:s15], [sflag:$0x5], $0x80, v1, vm0, $0xb8;
	[tilespmem:$0x18400] =	vst v63  }
0x363: {  	s16 =	simm.s32 $0x17400  }
0x364: {  	[hbm4b:s30+s2] =	stream.indirect_vreg.scatter [tilespmem:s16], [sflag:$0x5], $0x80, v1, vm0, $0xb8;
	[tilespmem:$0x18400] =	vst v63  }
0x365: {  	s9 =	simm.s32 $0x5;
	s28 =	simm.s32 $0x17C00  }
0x366: {  	[hbm4b:s31+s2] =	stream.indirect_vreg.scatter [tilespmem:s28], [sflag:$0x5], $0x80, v1, vm0, $0xb8;
	[tilespmem:$0x18400] =	vst v63  }
0x367: {  	_ =	swait.ge [sflag:s9], $0xC000  }
0x368: {  	[sflag:s9] =	ssyncset.done $0x0  }
0x369: {  	[sflag:s9] =	ssyncadd.s32 $0xFFFF4000  }
0x36a: {  	v1 =	vld [tilespmem:$0xF0];
	_ =	sdelay $0x4  }
0x36b: {  	v63 =	vshll.u32 v1, $0x3  }
0x36c: {  	v1 =	vand.u32 $0x7, v1;
	v63 =	vand.u32 $0xFFFFFFC0, v63  }
0x36d: {  	v1 =	vor.u32 v1, v63  }
0x36e: {  	v63 =	vperm.xlane v1, v60;
	_ =	sdelay $0x1  }
0x36f: {  	v63 =	vadd.s32 v61, v63;
	_ =	sdelay $0x1  }
0x370: {  	s10 =	sld [smem:$0x7D6];
	_ =	sdelay $0x2  }
0x371: {  	[tilespmem:s1], [sflag:$0x3] =	stream.indirect_vreg.gather [hbm4b:s10+s2], $0x80, v63, vm0, $0xb8;
	[tilespmem:$0x18400] =	vst v63  }
0x372: {  	s30 =	sadd.s32 $0x100, s10;
	v1 =	vperm.xlane v1, v62  }
0x373: {  	[tilespmem:s18], [sflag:$0x3] =	stream.indirect_vreg.gather [hbm4b:s30+s2], $0x80, v63, vm0, $0xb8;
	[tilespmem:$0x18400] =	vst v63  }
0x374: {  	s31 =	sadd.s32 $0x200, s10;
	v1 =	vadd.s32 v61, v1  }
0x375: {  	[tilespmem:s19], [sflag:$0x3] =	stream.indirect_vreg.gather [hbm4b:s31+s2], $0x80, v63, vm0, $0xb8;
	[tilespmem:$0x18400] =	vst v63  }
0x376: {  	s1 =	sadd.s32 $0x300, s10  }
0x377: {  	[tilespmem:s25], [sflag:$0x3] =	stream.indirect_vreg.gather [hbm4b:s1+s2], $0x80, v63, vm0, $0xb8;
	[tilespmem:$0x18400] =	vst v63  }
0x378: {  	_ = 	snop  }
0x379: {  	[tilespmem:s29], [sflag:$0x3] =	stream.indirect_vreg.gather [hbm4b:s10+s2], $0x80, v1, vm0, $0xb8;
	[tilespmem:$0x18400] =	vst v63  }
0x37a: {  	_ = 	snop  }
0x37b: {  	[tilespmem:s3], [sflag:$0x3] =	stream.indirect_vreg.gather [hbm4b:s30+s2], $0x80, v1, vm0, $0xb8;
	[tilespmem:$0x18400] =	vst v63  }
0x37c: {  	_ = 	snop  }
0x37d: {  	[tilespmem:s4], [sflag:$0x3] =	stream.indirect_vreg.gather [hbm4b:s31+s2], $0x80, v1, vm0, $0xb8;
	[tilespmem:$0x18400] =	vst v63  }
0x37e: {  	_ = 	snop  }
0x37f: {  	[tilespmem:s20], [sflag:$0x3] =	stream.indirect_vreg.gather [hbm4b:s1+s2], $0x80, v1, vm0, $0xb8;
	[tilespmem:$0x18400] =	vst v63  }
0x380: {  	v1 =	vld [tilespmem:$0x100];
	_ =	sdelay $0x4  }
0x381: {  	v63 =	vshll.u32 v1, $0x3  }
0x382: {  	v1 =	vand.u32 $0x7, v1;
	v63 =	vand.u32 $0xFFFFFFC0, v63  }
0x383: {  	v1 =	vor.u32 v1, v63  }
0x384: {  	v63 =	vperm.xlane v1, v60;
	_ =	sdelay $0x1  }
0x385: {  	v63 =	vadd.s32 v61, v63;
	_ =	sdelay $0x4  }
0x386: {  	[tilespmem:s21], [sflag:$0x3] =	stream.indirect_vreg.gather [hbm4b:s10+s2], $0x80, v63, vm0, $0xb8;
	[tilespmem:$0x18400] =	vst v63  }
0x387: {  	v1 =	vperm.xlane v1, v62  }
0x388: {  	[tilespmem:s22], [sflag:$0x3] =	stream.indirect_vreg.gather [hbm4b:s30+s2], $0x80, v63, vm0, $0xb8;
	[tilespmem:$0x18400] =	vst v63  }
0x389: {  	v1 =	vadd.s32 v61, v1  }
0x38a: {  	[tilespmem:s5], [sflag:$0x3] =	stream.indirect_vreg.gather [hbm4b:s31+s2], $0x80, v63, vm0, $0xb8;
	[tilespmem:$0x18400] =	vst v63  }
0x38b: {  	_ = 	snop  }
0x38c: {  	[tilespmem:s6], [sflag:$0x3] =	stream.indirect_vreg.gather [hbm4b:s1+s2], $0x80, v63, vm0, $0xb8;
	[tilespmem:$0x18400] =	vst v63  }
0x38d: {  	_ = 	snop  }
0x38e: {  	[tilespmem:s7], [sflag:$0x3] =	stream.indirect_vreg.gather [hbm4b:s10+s2], $0x80, v1, vm0, $0xb8;
	[tilespmem:$0x18400] =	vst v63  }
0x38f: {  	_ = 	snop  }
0x390: {  	[tilespmem:s12], [sflag:$0x3] =	stream.indirect_vreg.gather [hbm4b:s30+s2], $0x80, v1, vm0, $0xb8;
	[tilespmem:$0x18400] =	vst v63  }
0x391: {  	_ = 	snop  }
0x392: {  	[tilespmem:s13], [sflag:$0x3] =	stream.indirect_vreg.gather [hbm4b:s31+s2], $0x80, v1, vm0, $0xb8;
	[tilespmem:$0x18400] =	vst v63  }
0x393: {  	_ = 	snop  }
0x394: {  	[tilespmem:s23], [sflag:$0x3] =	stream.indirect_vreg.gather [hbm4b:s1+s2], $0x80, v1, vm0, $0xb8;
	[tilespmem:$0x18400] =	vst v63  }
0x395: {  	v1 =	vld [tilespmem:$0x110];
	_ =	sdelay $0x4  }
0x396: {  	v63 =	vshll.u32 v1, $0x3  }
0x397: {  	v1 =	vand.u32 $0x7, v1;
	v63 =	vand.u32 $0xFFFFFFC0, v63  }
0x398: {  	v1 =	vor.u32 v1, v63  }
0x399: {  	v63 =	vperm.xlane v1, v60;
	_ =	sdelay $0x1  }
0x39a: {  	v63 =	vadd.s32 v61, v63;
	_ =	sdelay $0x4  }
0x39b: {  	[tilespmem:s24], [sflag:$0x3] =	stream.indirect_vreg.gather [hbm4b:s10+s2], $0x80, v63, vm0, $0xb8;
	[tilespmem:$0x18400] =	vst v63  }
0x39c: {  	v1 =	vperm.xlane v1, v62  }
0x39d: {  	[tilespmem:s26], [sflag:$0x3] =	stream.indirect_vreg.gather [hbm4b:s30+s2], $0x80, v63, vm0, $0xb8;
	[tilespmem:$0x18400] =	vst v63  }
0x39e: {  	v1 =	vadd.s32 v61, v1  }
0x39f: {  	[tilespmem:s14], [sflag:$0x3] =	stream.indirect_vreg.gather [hbm4b:s31+s2], $0x80, v63, vm0, $0xb8;
	[tilespmem:$0x18400] =	vst v63  }
0x3a0: {  	_ = 	snop  }
0x3a1: {  	[tilespmem:s17], [sflag:$0x3] =	stream.indirect_vreg.gather [hbm4b:s1+s2], $0x80, v63, vm0, $0xb8;
	[tilespmem:$0x18400] =	vst v63  }
0x3a2: {  	_ = 	snop  }
0x3a3: {  	[tilespmem:s0], [sflag:$0x3] =	stream.indirect_vreg.gather [hbm4b:s10+s2], $0x80, v1, vm0, $0xb8;
	[tilespmem:$0x18400] =	vst v63  }
0x3a4: {  	_ = 	snop  }
0x3a5: {  	[tilespmem:s15], [sflag:$0x3] =	stream.indirect_vreg.gather [hbm4b:s30+s2], $0x80, v1, vm0, $0xb8;
	[tilespmem:$0x18400] =	vst v63  }
0x3a6: {  	_ = 	snop  }
0x3a7: {  	[tilespmem:s16], [sflag:$0x3] =	stream.indirect_vreg.gather [hbm4b:s31+s2], $0x80, v1, vm0, $0xb8;
	[tilespmem:$0x18400] =	vst v63  }
0x3a8: {  	_ = 	snop  }
0x3a9: {  	[tilespmem:s28], [sflag:$0x3] =	stream.indirect_vreg.gather [hbm4b:s1+s2], $0x80, v1, vm0, $0xb8;
	[tilespmem:$0x18400] =	vst v63  }
0x3aa: {  	v1 =	vperm.xlane v49, v60;
	[tilespmem:$0x300] =	vst v13  }
0x3ab: {  	[tilespmem:$0x310] =	vst v12  }
0x3ac: {  	s7 =	simm.s32 $0x2;
	[tilespmem:$0x320] =	vst v14;
	v1 =	vadd.s32 v61, v1  }
0x3ad: {  	_ =	swait.ge [sflag:s7], $0xC000  }
0x3ae: {  	s9 =	sld [smem:$0x7EB]  }
0x3af: {  	[sflag:s7] =	ssyncset.done $0x0  }
0x3b0: {  	s0 =	simm.s32 $0x400;
	[sflag:s7] =	ssyncadd.s32 $0xFFFF4000  }
0x3b1: {  	[hbm4b:s9+s2] =	stream.indirect_vreg.scatter [tilespmem:s0], [sflag:$0x4], $0x80, v1, vm0, $0xb8;
	[tilespmem:$0x18400] =	vst v63  }
0x3b2: {  	s12 =	simm.s32 $0xC00;
	v63 =	vperm.xlane v49, v62;
	s10 =	sadd.s32 $0x100, s9  }
0x3b3: {  	[hbm4b:s10+s2] =	stream.indirect_vreg.scatter [tilespmem:s12], [sflag:$0x4], $0x80, v1, vm0, $0xb8;
	[tilespmem:$0x18400] =	vst v63  }
0x3b4: {  	s13 =	simm.s32 $0x1400;
	v63 =	vadd.s32 v61, v63;
	s26 =	sadd.s32 $0x200, s9  }
0x3b5: {  	[hbm4b:s26+s2] =	stream.indirect_vreg.scatter [tilespmem:s13], [sflag:$0x4], $0x80, v1, vm0, $0xb8;
	[tilespmem:$0x18400] =	vst v63  }
0x3b6: {  	s4 =	simm.s32 $0x1C00;
	s30 =	sadd.s32 $0x300, s9  }
0x3b7: {  	[hbm4b:s30+s2] =	stream.indirect_vreg.scatter [tilespmem:s4], [sflag:$0x4], $0x80, v1, vm0, $0xb8;
	[tilespmem:$0x18400] =	vst v63  }
0x3b8: {  	s5 =	simm.s32 $0x2400  }
0x3b9: {  	[hbm4b:s9+s2] =	stream.indirect_vreg.scatter [tilespmem:s5], [sflag:$0x4], $0x80, v63, vm0, $0xb8;
	[tilespmem:$0x18400] =	vst v63  }
0x3ba: {  	s6 =	simm.s32 $0x2C00  }
0x3bb: {  	[hbm4b:s10+s2] =	stream.indirect_vreg.scatter [tilespmem:s6], [sflag:$0x4], $0x80, v63, vm0, $0xb8;
	[tilespmem:$0x18400] =	vst v63  }
0x3bc: {  	s7 =	simm.s32 $0x3400  }
0x3bd: {  	[hbm4b:s26+s2] =	stream.indirect_vreg.scatter [tilespmem:s7], [sflag:$0x4], $0x80, v63, vm0, $0xb8;
	[tilespmem:$0x18400] =	vst v63  }
0x3be: {  	s14 =	simm.s32 $0x3C00  }
0x3bf: {  	[hbm4b:s30+s2] =	stream.indirect_vreg.scatter [tilespmem:s14], [sflag:$0x4], $0x80, v63, vm0, $0xb8;
	[tilespmem:$0x18400] =	vst v63  }
0x3c0: {  	v1 =	vld [tilespmem:$0x310];
	_ =	sdelay $0x4  }
0x3c1: {  	v63 =	vshll.u32 v1, $0x3  }
0x3c2: {  	v1 =	vand.u32 $0x7, v1;
	v63 =	vand.u32 $0xFFFFFFC0, v63  }
0x3c3: {  	v1 =	vor.u32 v1, v63  }
0x3c4: {  	v63 =	vperm.xlane v1, v60;
	_ =	sdelay $0x1  }
0x3c5: {  	v63 =	vadd.s32 v61, v63;
	_ =	sdelay $0x3  }
0x3c6: {  	s21 =	simm.s32 $0x4400  }
0x3c7: {  	[hbm4b:s9+s2] =	stream.indirect_vreg.scatter [tilespmem:s21], [sflag:$0x4], $0x80, v63, vm0, $0xb8;
	[tilespmem:$0x18400] =	vst v63  }
0x3c8: {  	s22 =	simm.s32 $0x4C00;
	v1 =	vperm.xlane v1, v62  }
0x3c9: {  	[hbm4b:s10+s2] =	stream.indirect_vreg.scatter [tilespmem:s22], [sflag:$0x4], $0x80, v63, vm0, $0xb8;
	[tilespmem:$0x18400] =	vst v63  }
0x3ca: {  	s15 =	simm.s32 $0x5400;
	v1 =	vadd.s32 v61, v1  }
0x3cb: {  	[hbm4b:s26+s2] =	stream.indirect_vreg.scatter [tilespmem:s15], [sflag:$0x4], $0x80, v63, vm0, $0xb8;
	[tilespmem:$0x18400] =	vst v63  }
0x3cc: {  	s16 =	simm.s32 $0x5C00  }
0x3cd: {  	[hbm4b:s30+s2] =	stream.indirect_vreg.scatter [tilespmem:s16], [sflag:$0x4], $0x80, v63, vm0, $0xb8;
	[tilespmem:$0x18400] =	vst v63  }
0x3ce: {  	s18 =	simm.s32 $0x6400  }
0x3cf: {  	[hbm4b:s9+s2] =	stream.indirect_vreg.scatter [tilespmem:s18], [sflag:$0x4], $0x80, v1, vm0, $0xb8;
	[tilespmem:$0x18400] =	vst v63  }
0x3d0: {  	s19 =	simm.s32 $0x6C00  }
0x3d1: {  	[hbm4b:s10+s2] =	stream.indirect_vreg.scatter [tilespmem:s19], [sflag:$0x4], $0x80, v1, vm0, $0xb8;
	[tilespmem:$0x18400] =	vst v63  }
0x3d2: {  	s20 =	simm.s32 $0x7400  }
0x3d3: {  	[hbm4b:s26+s2] =	stream.indirect_vreg.scatter [tilespmem:s20], [sflag:$0x4], $0x80, v1, vm0, $0xb8;
	[tilespmem:$0x18400] =	vst v63  }
0x3d4: {  	s23 =	simm.s32 $0x7C00  }
0x3d5: {  	[hbm4b:s30+s2] =	stream.indirect_vreg.scatter [tilespmem:s23], [sflag:$0x4], $0x80, v1, vm0, $0xb8;
	[tilespmem:$0x18400] =	vst v63  }
0x3d6: {  	v1 =	vld [tilespmem:$0x320];
	_ =	sdelay $0x4  }
0x3d7: {  	v63 =	vshll.u32 v1, $0x3  }
0x3d8: {  	v1 =	vand.u32 $0x7, v1;
	v63 =	vand.u32 $0xFFFFFFC0, v63  }
0x3d9: {  	v1 =	vor.u32 v1, v63  }
0x3da: {  	v63 =	vperm.xlane v1, v60;
	_ =	sdelay $0x1  }
0x3db: {  	v63 =	vadd.s32 v61, v63;
	_ =	sdelay $0x3  }
0x3dc: {  	s31 =	simm.s32 $0x8400  }
0x3dd: {  	[hbm4b:s9+s2] =	stream.indirect_vreg.scatter [tilespmem:s31], [sflag:$0x4], $0x80, v63, vm0, $0xb8;
	[tilespmem:$0x18400] =	vst v63  }
0x3de: {  	s28 =	simm.s32 $0x8C00;
	v1 =	vperm.xlane v1, v62  }
0x3df: {  	[hbm4b:s10+s2] =	stream.indirect_vreg.scatter [tilespmem:s28], [sflag:$0x4], $0x80, v63, vm0, $0xb8;
	[tilespmem:$0x18400] =	vst v63  }
0x3e0: {  	s24 =	simm.s32 $0x9400;
	v1 =	vadd.s32 v61, v1  }
0x3e1: {  	[hbm4b:s26+s2] =	stream.indirect_vreg.scatter [tilespmem:s24], [sflag:$0x4], $0x80, v63, vm0, $0xb8;
	[tilespmem:$0x18400] =	vst v63  }
0x3e2: {  	s17 =	simm.s32 $0x9C00  }
0x3e3: {  	[hbm4b:s30+s2] =	stream.indirect_vreg.scatter [tilespmem:s17], [sflag:$0x4], $0x80, v63, vm0, $0xb8;
	[tilespmem:$0x18400] =	vst v63  }
0x3e4: {  	s3 =	simm.s32 $0xA400  }
0x3e5: {  	[hbm4b:s9+s2] =	stream.indirect_vreg.scatter [tilespmem:s3], [sflag:$0x4], $0x80, v1, vm0, $0xb8;
	[tilespmem:$0x18400] =	vst v63  }
0x3e6: {  	s25 =	simm.s32 $0xAC00  }
0x3e7: {  	[hbm4b:s10+s2] =	stream.indirect_vreg.scatter [tilespmem:s25], [sflag:$0x4], $0x80, v1, vm0, $0xb8;
	[tilespmem:$0x18400] =	vst v63  }
0x3e8: {  	s1 =	simm.s32 $0xB400  }
0x3e9: {  	[hbm4b:s26+s2] =	stream.indirect_vreg.scatter [tilespmem:s1], [sflag:$0x4], $0x80, v1, vm0, $0xb8;
	[tilespmem:$0x18400] =	vst v63  }
0x3ea: {  	s26 =	simm.s32 $0xBC00  }
0x3eb: {  	[hbm4b:s30+s2] =	stream.indirect_vreg.scatter [tilespmem:s26], [sflag:$0x4], $0x80, v1, vm0, $0xb8;
	[tilespmem:$0x18400] =	vst v63  }
0x3ec: {  	s30 =	simm.s32 $0x4  }
0x3ed: {  	_ =	swait.ge [sflag:s30], $0xC000  }
0x3ee: {  	[sflag:s30] =	ssyncset.done $0x0  }
0x3ef: {  	[sflag:s30] =	ssyncadd.s32 $0xFFFF4000  }
0x3f0: {  	v1 =	vld [tilespmem:$0x120];
	_ =	sdelay $0x4  }
0x3f1: {  	v63 =	vshll.u32 v1, $0x3  }
0x3f2: {  	v1 =	vand.u32 $0x7, v1;
	v63 =	vand.u32 $0xFFFFFFC0, v63  }
0x3f3: {  	v1 =	vor.u32 v1, v63  }
0x3f4: {  	v63 =	vperm.xlane v1, v60;
	_ =	sdelay $0x1  }
0x3f5: {  	v63 =	vadd.s32 v61, v63;
	_ =	sdelay $0x1  }
0x3f6: {  	s9 =	sld [smem:$0x7D8];
	_ =	sdelay $0x2  }
0x3f7: {  	[tilespmem:s0], [sflag:$0x2] =	stream.indirect_vreg.gather [hbm4b:s9+s2], $0x80, v63, vm0, $0xb8;
	[tilespmem:$0x18400] =	vst v63  }
0x3f8: {  	s10 =	sadd.s32 $0x100, s9;
	v1 =	vperm.xlane v1, v62  }
0x3f9: {  	[tilespmem:s12], [sflag:$0x2] =	stream.indirect_vreg.gather [hbm4b:s10+s2], $0x80, v63, vm0, $0xb8;
	[tilespmem:$0x18400] =	vst v63  }
0x3fa: {  	v1 =	vadd.s32 v61, v1;
	s12 =	sadd.s32 $0x200, s9  }
0x3fb: {  	[tilespmem:s13], [sflag:$0x2] =	stream.indirect_vreg.gather [hbm4b:s12+s2], $0x80, v63, vm0, $0xb8;
	[tilespmem:$0x18400] =	vst v63  }
0x3fc: {  	s13 =	sadd.s32 $0x300, s9  }
0x3fd: {  	[tilespmem:s4], [sflag:$0x2] =	stream.indirect_vreg.gather [hbm4b:s13+s2], $0x80, v63, vm0, $0xb8;
	[tilespmem:$0x18400] =	vst v63  }
0x3fe: {  	_ = 	snop  }
0x3ff: {  	[tilespmem:s5], [sflag:$0x2] =	stream.indirect_vreg.gather [hbm4b:s9+s2], $0x80, v1, vm0, $0xb8;
	[tilespmem:$0x18400] =	vst v63  }
0x400: {  	_ = 	snop  }
0x401: {  	[tilespmem:s6], [sflag:$0x2] =	stream.indirect_vreg.gather [hbm4b:s10+s2], $0x80, v1, vm0, $0xb8;
	[tilespmem:$0x18400] =	vst v63  }
0x402: {  	_ = 	snop  }
0x403: {  	[tilespmem:s7], [sflag:$0x2] =	stream.indirect_vreg.gather [hbm4b:s12+s2], $0x80, v1, vm0, $0xb8;
	[tilespmem:$0x18400] =	vst v63  }
0x404: {  	_ = 	snop  }
0x405: {  	[tilespmem:s14], [sflag:$0x2] =	stream.indirect_vreg.gather [hbm4b:s13+s2], $0x80, v1, vm0, $0xb8;
	[tilespmem:$0x18400] =	vst v63  }
0x406: {  	v1 =	vld [tilespmem:$0x130];
	_ =	sdelay $0x4  }
0x407: {  	v63 =	vshll.u32 v1, $0x3  }
0x408: {  	v1 =	vand.u32 $0x7, v1;
	v63 =	vand.u32 $0xFFFFFFC0, v63  }
0x409: {  	v1 =	vor.u32 v1, v63  }
0x40a: {  	v63 =	vperm.xlane v1, v60;
	_ =	sdelay $0x1  }
0x40b: {  	v63 =	vadd.s32 v61, v63;
	_ =	sdelay $0x4  }
0x40c: {  	[tilespmem:s21], [sflag:$0x2] =	stream.indirect_vreg.gather [hbm4b:s9+s2], $0x80, v63, vm0, $0xb8;
	[tilespmem:$0x18400] =	vst v63  }
0x40d: {  	v1 =	vperm.xlane v1, v62  }
0x40e: {  	[tilespmem:s22], [sflag:$0x2] =	stream.indirect_vreg.gather [hbm4b:s10+s2], $0x80, v63, vm0, $0xb8;
	[tilespmem:$0x18400] =	vst v63  }
0x40f: {  	v1 =	vadd.s32 v61, v1  }
0x410: {  	[tilespmem:s15], [sflag:$0x2] =	stream.indirect_vreg.gather [hbm4b:s12+s2], $0x80, v63, vm0, $0xb8;
	[tilespmem:$0x18400] =	vst v63  }
0x411: {  	_ = 	snop  }
0x412: {  	[tilespmem:s16], [sflag:$0x2] =	stream.indirect_vreg.gather [hbm4b:s13+s2], $0x80, v63, vm0, $0xb8;
	[tilespmem:$0x18400] =	vst v63  }
0x413: {  	_ = 	snop  }
0x414: {  	[tilespmem:s18], [sflag:$0x2] =	stream.indirect_vreg.gather [hbm4b:s9+s2], $0x80, v1, vm0, $0xb8;
	[tilespmem:$0x18400] =	vst v63  }
0x415: {  	_ = 	snop  }
0x416: {  	[tilespmem:s19], [sflag:$0x2] =	stream.indirect_vreg.gather [hbm4b:s10+s2], $0x80, v1, vm0, $0xb8;
	[tilespmem:$0x18400] =	vst v63  }
0x417: {  	_ = 	snop  }
0x418: {  	[tilespmem:s20], [sflag:$0x2] =	stream.indirect_vreg.gather [hbm4b:s12+s2], $0x80, v1, vm0, $0xb8;
	[tilespmem:$0x18400] =	vst v63  }
0x419: {  	_ = 	snop  }
0x41a: {  	[tilespmem:s23], [sflag:$0x2] =	stream.indirect_vreg.gather [hbm4b:s13+s2], $0x80, v1, vm0, $0xb8;
	[tilespmem:$0x18400] =	vst v63  }
0x41b: {  	v1 =	vld [tilespmem:$0x140];
	_ =	sdelay $0x4  }
0x41c: {  	v63 =	vshll.u32 v1, $0x3  }
0x41d: {  	v1 =	vand.u32 $0x7, v1;
	v63 =	vand.u32 $0xFFFFFFC0, v63  }
0x41e: {  	v1 =	vor.u32 v1, v63  }
0x41f: {  	v63 =	vperm.xlane v1, v60;
	_ =	sdelay $0x1  }
0x420: {  	v63 =	vadd.s32 v61, v63;
	_ =	sdelay $0x4  }
0x421: {  	[tilespmem:s31], [sflag:$0x2] =	stream.indirect_vreg.gather [hbm4b:s9+s2], $0x80, v63, vm0, $0xb8;
	[tilespmem:$0x18400] =	vst v63  }
0x422: {  	v1 =	vperm.xlane v1, v62  }
0x423: {  	[tilespmem:s28], [sflag:$0x2] =	stream.indirect_vreg.gather [hbm4b:s10+s2], $0x80, v63, vm0, $0xb8;
	[tilespmem:$0x18400] =	vst v63  }
0x424: {  	v1 =	vadd.s32 v61, v1  }
0x425: {  	[tilespmem:s24], [sflag:$0x2] =	stream.indirect_vreg.gather [hbm4b:s12+s2], $0x80, v63, vm0, $0xb8;
	[tilespmem:$0x18400] =	vst v63  }
0x426: {  	_ = 	snop  }
0x427: {  	[tilespmem:s17], [sflag:$0x2] =	stream.indirect_vreg.gather [hbm4b:s13+s2], $0x80, v63, vm0, $0xb8;
	[tilespmem:$0x18400] =	vst v63  }
0x428: {  	_ = 	snop  }
0x429: {  	[tilespmem:s3], [sflag:$0x2] =	stream.indirect_vreg.gather [hbm4b:s9+s2], $0x80, v1, vm0, $0xb8;
	[tilespmem:$0x18400] =	vst v63  }
0x42a: {  	_ = 	snop  }
0x42b: {  	[tilespmem:s25], [sflag:$0x2] =	stream.indirect_vreg.gather [hbm4b:s10+s2], $0x80, v1, vm0, $0xb8;
	[tilespmem:$0x18400] =	vst v63  }
0x42c: {  	_ = 	snop  }
0x42d: {  	[tilespmem:s1], [sflag:$0x2] =	stream.indirect_vreg.gather [hbm4b:s12+s2], $0x80, v1, vm0, $0xb8;
	[tilespmem:$0x18400] =	vst v63  }
0x42e: {  	_ = 	snop  }
0x42f: {  	[tilespmem:s26], [sflag:$0x2] =	stream.indirect_vreg.gather [hbm4b:s13+s2], $0x80, v1, vm0, $0xb8;
	[tilespmem:$0x18400] =	vst v63  }
0x430: {  	v1 =	vperm.xlane v50, v60;
	[tilespmem:$0x380] =	vst v16  }
0x431: {  	[tilespmem:$0x390] =	vst v15  }
0x432: {  	s14 =	simm.s32 $0x3;
	[tilespmem:$0x3A0] =	vst v17;
	v1 =	vadd.s32 v61, v1  }
0x433: {  	_ =	swait.ge [sflag:s14], $0xC000  }
0x434: {  	s15 =	sld [smem:$0x7EC]  }
0x435: {  	[sflag:s14] =	ssyncset.done $0x0  }
0x436: {  	s1 =	simm.s32 $0xC400;
	[sflag:s14] =	ssyncadd.s32 $0xFFFF4000  }
0x437: {  	[hbm4b:s15+s2] =	stream.indirect_vreg.scatter [tilespmem:s1], [sflag:$0x5], $0x80, v1, vm0, $0xb8;
	[tilespmem:$0x18400] =	vst v63  }
0x438: {  	s19 =	simm.s32 $0xCC00;
	v63 =	vperm.xlane v50, v62;
	s16 =	sadd.s32 $0x100, s15  }
0x439: {  	[hbm4b:s16+s2] =	stream.indirect_vreg.scatter [tilespmem:s19], [sflag:$0x5], $0x80, v1, vm0, $0xb8;
	[tilespmem:$0x18400] =	vst v63  }
0x43a: {  	s20 =	simm.s32 $0xD400;
	v63 =	vadd.s32 v61, v63;
	s28 =	sadd.s32 $0x200, s15  }
0x43b: {  	[hbm4b:s28+s2] =	stream.indirect_vreg.scatter [tilespmem:s20], [sflag:$0x5], $0x80, v1, vm0, $0xb8;
	[tilespmem:$0x18400] =	vst v63  }
0x43c: {  	s18 =	simm.s32 $0xDC00;
	s31 =	sadd.s32 $0x300, s15  }
0x43d: {  	[hbm4b:s31+s2] =	stream.indirect_vreg.scatter [tilespmem:s18], [sflag:$0x5], $0x80, v1, vm0, $0xb8;
	[tilespmem:$0x18400] =	vst v63  }
0x43e: {  	s29 =	simm.s32 $0xE400  }
0x43f: {  	[hbm4b:s15+s2] =	stream.indirect_vreg.scatter [tilespmem:s29], [sflag:$0x5], $0x80, v63, vm0, $0xb8;
	[tilespmem:$0x18400] =	vst v63  }
0x440: {  	s3 =	simm.s32 $0xEC00  }
0x441: {  	[hbm4b:s16+s2] =	stream.indirect_vreg.scatter [tilespmem:s3], [sflag:$0x5], $0x80, v63, vm0, $0xb8;
	[tilespmem:$0x18400] =	vst v63  }
0x442: {  	s4 =	simm.s32 $0xF400  }
0x443: {  	[hbm4b:s28+s2] =	stream.indirect_vreg.scatter [tilespmem:s4], [sflag:$0x5], $0x80, v63, vm0, $0xb8;
	[tilespmem:$0x18400] =	vst v63  }
0x444: {  	s21 =	simm.s32 $0xFC00  }
0x445: {  	[hbm4b:s31+s2] =	stream.indirect_vreg.scatter [tilespmem:s21], [sflag:$0x5], $0x80, v63, vm0, $0xb8;
	[tilespmem:$0x18400] =	vst v63  }
0x446: {  	v1 =	vld [tilespmem:$0x390];
	_ =	sdelay $0x4  }
0x447: {  	v63 =	vshll.u32 v1, $0x3  }
0x448: {  	v1 =	vand.u32 $0x7, v1;
	v63 =	vand.u32 $0xFFFFFFC0, v63  }
0x449: {  	v1 =	vor.u32 v1, v63  }
0x44a: {  	v63 =	vperm.xlane v1, v60;
	_ =	sdelay $0x1  }
0x44b: {  	v63 =	vadd.s32 v61, v63;
	_ =	sdelay $0x3  }
0x44c: {  	s22 =	simm.s32 $0x10400  }
0x44d: {  	[hbm4b:s15+s2] =	stream.indirect_vreg.scatter [tilespmem:s22], [sflag:$0x5], $0x80, v63, vm0, $0xb8;
	[tilespmem:$0x18400] =	vst v63  }
0x44e: {  	s23 =	simm.s32 $0x10C00;
	v1 =	vperm.xlane v1, v62  }
0x44f: {  	[hbm4b:s16+s2] =	stream.indirect_vreg.scatter [tilespmem:s23], [sflag:$0x5], $0x80, v63, vm0, $0xb8;
	[tilespmem:$0x18400] =	vst v63  }
0x450: {  	s5 =	simm.s32 $0x11400;
	v1 =	vadd.s32 v61, v1  }
0x451: {  	[hbm4b:s28+s2] =	stream.indirect_vreg.scatter [tilespmem:s5], [sflag:$0x5], $0x80, v63, vm0, $0xb8;
	[tilespmem:$0x18400] =	vst v63  }
0x452: {  	s6 =	simm.s32 $0x11C00  }
0x453: {  	[hbm4b:s31+s2] =	stream.indirect_vreg.scatter [tilespmem:s6], [sflag:$0x5], $0x80, v63, vm0, $0xb8;
	[tilespmem:$0x18400] =	vst v63  }
0x454: {  	s7 =	simm.s32 $0x12400  }
0x455: {  	[hbm4b:s15+s2] =	stream.indirect_vreg.scatter [tilespmem:s7], [sflag:$0x5], $0x80, v1, vm0, $0xb8;
	[tilespmem:$0x18400] =	vst v63  }
0x456: {  	s12 =	simm.s32 $0x12C00  }
0x457: {  	[hbm4b:s16+s2] =	stream.indirect_vreg.scatter [tilespmem:s12], [sflag:$0x5], $0x80, v1, vm0, $0xb8;
	[tilespmem:$0x18400] =	vst v63  }
0x458: {  	s13 =	simm.s32 $0x13400  }
0x459: {  	[hbm4b:s28+s2] =	stream.indirect_vreg.scatter [tilespmem:s13], [sflag:$0x5], $0x80, v1, vm0, $0xb8;
	[tilespmem:$0x18400] =	vst v63  }
0x45a: {  	s24 =	simm.s32 $0x13C00  }
0x45b: {  	[hbm4b:s31+s2] =	stream.indirect_vreg.scatter [tilespmem:s24], [sflag:$0x5], $0x80, v1, vm0, $0xb8;
	[tilespmem:$0x18400] =	vst v63  }
0x45c: {  	v1 =	vld [tilespmem:$0x3A0];
	_ =	sdelay $0x4  }
0x45d: {  	v63 =	vshll.u32 v1, $0x3  }
0x45e: {  	v1 =	vand.u32 $0x7, v1;
	v63 =	vand.u32 $0xFFFFFFC0, v63  }
0x45f: {  	v1 =	vor.u32 v1, v63  }
0x460: {  	v63 =	vperm.xlane v1, v60;
	_ =	sdelay $0x1  }
0x461: {  	v63 =	vadd.s32 v61, v63;
	_ =	sdelay $0x3  }
0x462: {  	s25 =	simm.s32 $0x14400  }
0x463: {  	[hbm4b:s15+s2] =	stream.indirect_vreg.scatter [tilespmem:s25], [sflag:$0x5], $0x80, v63, vm0, $0xb8;
	[tilespmem:$0x18400] =	vst v63  }
0x464: {  	s26 =	simm.s32 $0x14C00;
	v1 =	vperm.xlane v1, v62  }
0x465: {  	[hbm4b:s16+s2] =	stream.indirect_vreg.scatter [tilespmem:s26], [sflag:$0x5], $0x80, v63, vm0, $0xb8;
	[tilespmem:$0x18400] =	vst v63  }
0x466: {  	s14 =	simm.s32 $0x15400;
	v1 =	vadd.s32 v61, v1  }
0x467: {  	[hbm4b:s28+s2] =	stream.indirect_vreg.scatter [tilespmem:s14], [sflag:$0x5], $0x80, v63, vm0, $0xb8;
	[tilespmem:$0x18400] =	vst v63  }
0x468: {  	s17 =	simm.s32 $0x15C00  }
0x469: {  	[hbm4b:s31+s2] =	stream.indirect_vreg.scatter [tilespmem:s17], [sflag:$0x5], $0x80, v63, vm0, $0xb8;
	[tilespmem:$0x18400] =	vst v63  }
0x46a: {  	s0 =	simm.s32 $0x16400  }
0x46b: {  	[hbm4b:s15+s2] =	stream.indirect_vreg.scatter [tilespmem:s0], [sflag:$0x5], $0x80, v1, vm0, $0xb8;
	[tilespmem:$0x18400] =	vst v63  }
0x46c: {  	s15 =	simm.s32 $0x16C00  }
0x46d: {  	[hbm4b:s16+s2] =	stream.indirect_vreg.scatter [tilespmem:s15], [sflag:$0x5], $0x80, v1, vm0, $0xb8;
	[tilespmem:$0x18400] =	vst v63  }
0x46e: {  	s16 =	simm.s32 $0x17400  }
0x46f: {  	[hbm4b:s28+s2] =	stream.indirect_vreg.scatter [tilespmem:s16], [sflag:$0x5], $0x80, v1, vm0, $0xb8;
	[tilespmem:$0x18400] =	vst v63  }
0x470: {  	s28 =	simm.s32 $0x17C00  }
0x471: {  	[hbm4b:s31+s2] =	stream.indirect_vreg.scatter [tilespmem:s28], [sflag:$0x5], $0x80, v1, vm0, $0xb8;
	[tilespmem:$0x18400] =	vst v63  }
0x472: {  	s31 =	simm.s32 $0x5  }
0x473: {  	_ =	swait.ge [sflag:s31], $0xC000  }
0x474: {  	[sflag:s31] =	ssyncset.done $0x0  }
0x475: {  	[sflag:s31] =	ssyncadd.s32 $0xFFFF4000  }
0x476: {  	v1 =	vld [tilespmem:$0x150];
	_ =	sdelay $0x4  }
0x477: {  	v63 =	vshll.u32 v1, $0x3  }
0x478: {  	v1 =	vand.u32 $0x7, v1;
	v63 =	vand.u32 $0xFFFFFFC0, v63  }
0x479: {  	v1 =	vor.u32 v1, v63  }
0x47a: {  	v63 =	vperm.xlane v1, v60;
	_ =	sdelay $0x1  }
0x47b: {  	v63 =	vadd.s32 v61, v63;
	_ =	sdelay $0x1  }
0x47c: {  	s9 =	sld [smem:$0x7D9];
	_ =	sdelay $0x2  }
0x47d: {  	[tilespmem:s1], [sflag:$0x3] =	stream.indirect_vreg.gather [hbm4b:s9+s2], $0x80, v63, vm0, $0xb8;
	[tilespmem:$0x18400] =	vst v63  }
0x47e: {  	s10 =	sadd.s32 $0x100, s9;
	v1 =	vperm.xlane v1, v62  }
0x47f: {  	[tilespmem:s19], [sflag:$0x3] =	stream.indirect_vreg.gather [hbm4b:s10+s2], $0x80, v63, vm0, $0xb8;
	[tilespmem:$0x18400] =	vst v63  }
0x480: {  	v1 =	vadd.s32 v61, v1;
	s19 =	sadd.s32 $0x200, s9  }
0x481: {  	[tilespmem:s20], [sflag:$0x3] =	stream.indirect_vreg.gather [hbm4b:s19+s2], $0x80, v63, vm0, $0xb8;
	[tilespmem:$0x18400] =	vst v63  }
0x482: {  	s20 =	sadd.s32 $0x300, s9  }
0x483: {  	[tilespmem:s18], [sflag:$0x3] =	stream.indirect_vreg.gather [hbm4b:s20+s2], $0x80, v63, vm0, $0xb8;
	[tilespmem:$0x18400] =	vst v63  }
0x484: {  	_ = 	snop  }
0x485: {  	[tilespmem:s29], [sflag:$0x3] =	stream.indirect_vreg.gather [hbm4b:s9+s2], $0x80, v1, vm0, $0xb8;
	[tilespmem:$0x18400] =	vst v63  }
0x486: {  	_ = 	snop  }
0x487: {  	[tilespmem:s3], [sflag:$0x3] =	stream.indirect_vreg.gather [hbm4b:s10+s2], $0x80, v1, vm0, $0xb8;
	[tilespmem:$0x18400] =	vst v63  }
0x488: {  	_ = 	snop  }
0x489: {  	[tilespmem:s4], [sflag:$0x3] =	stream.indirect_vreg.gather [hbm4b:s19+s2], $0x80, v1, vm0, $0xb8;
	[tilespmem:$0x18400] =	vst v63  }
0x48a: {  	_ = 	snop  }
0x48b: {  	[tilespmem:s21], [sflag:$0x3] =	stream.indirect_vreg.gather [hbm4b:s20+s2], $0x80, v1, vm0, $0xb8;
	[tilespmem:$0x18400] =	vst v63  }
0x48c: {  	v1 =	vld [tilespmem:$0x160];
	_ =	sdelay $0x4  }
0x48d: {  	v63 =	vshll.u32 v1, $0x3  }
0x48e: {  	v1 =	vand.u32 $0x7, v1;
	v63 =	vand.u32 $0xFFFFFFC0, v63  }
0x48f: {  	v1 =	vor.u32 v1, v63  }
0x490: {  	v63 =	vperm.xlane v1, v60;
	_ =	sdelay $0x1  }
0x491: {  	v63 =	vadd.s32 v61, v63;
	_ =	sdelay $0x4  }
0x492: {  	[tilespmem:s22], [sflag:$0x3] =	stream.indirect_vreg.gather [hbm4b:s9+s2], $0x80, v63, vm0, $0xb8;
	[tilespmem:$0x18400] =	vst v63  }
0x493: {  	v1 =	vperm.xlane v1, v62  }
0x494: {  	[tilespmem:s23], [sflag:$0x3] =	stream.indirect_vreg.gather [hbm4b:s10+s2], $0x80, v63, vm0, $0xb8;
	[tilespmem:$0x18400] =	vst v63  }
0x495: {  	v1 =	vadd.s32 v61, v1  }
0x496: {  	[tilespmem:s5], [sflag:$0x3] =	stream.indirect_vreg.gather [hbm4b:s19+s2], $0x80, v63, vm0, $0xb8;
	[tilespmem:$0x18400] =	vst v63  }
0x497: {  	_ = 	snop  }
0x498: {  	[tilespmem:s6], [sflag:$0x3] =	stream.indirect_vreg.gather [hbm4b:s20+s2], $0x80, v63, vm0, $0xb8;
	[tilespmem:$0x18400] =	vst v63  }
0x499: {  	_ = 	snop  }
0x49a: {  	[tilespmem:s7], [sflag:$0x3] =	stream.indirect_vreg.gather [hbm4b:s9+s2], $0x80, v1, vm0, $0xb8;
	[tilespmem:$0x18400] =	vst v63  }
0x49b: {  	_ = 	snop  }
0x49c: {  	[tilespmem:s12], [sflag:$0x3] =	stream.indirect_vreg.gather [hbm4b:s10+s2], $0x80, v1, vm0, $0xb8;
	[tilespmem:$0x18400] =	vst v63  }
0x49d: {  	_ = 	snop  }
0x49e: {  	[tilespmem:s13], [sflag:$0x3] =	stream.indirect_vreg.gather [hbm4b:s19+s2], $0x80, v1, vm0, $0xb8;
	[tilespmem:$0x18400] =	vst v63  }
0x49f: {  	_ = 	snop  }
0x4a0: {  	[tilespmem:s24], [sflag:$0x3] =	stream.indirect_vreg.gather [hbm4b:s20+s2], $0x80, v1, vm0, $0xb8;
	[tilespmem:$0x18400] =	vst v63  }
0x4a1: {  	v1 =	vld [tilespmem:$0x170];
	_ =	sdelay $0x4  }
0x4a2: {  	v63 =	vshll.u32 v1, $0x3  }
0x4a3: {  	v1 =	vand.u32 $0x7, v1;
	v63 =	vand.u32 $0xFFFFFFC0, v63  }
0x4a4: {  	v1 =	vor.u32 v1, v63  }
0x4a5: {  	v63 =	vperm.xlane v1, v60;
	_ =	sdelay $0x1  }
0x4a6: {  	v63 =	vadd.s32 v61, v63;
	_ =	sdelay $0x4  }
0x4a7: {  	[tilespmem:s25], [sflag:$0x3] =	stream.indirect_vreg.gather [hbm4b:s9+s2], $0x80, v63, vm0, $0xb8;
	[tilespmem:$0x18400] =	vst v63  }
0x4a8: {  	v1 =	vperm.xlane v1, v62  }
0x4a9: {  	[tilespmem:s26], [sflag:$0x3] =	stream.indirect_vreg.gather [hbm4b:s10+s2], $0x80, v63, vm0, $0xb8;
	[tilespmem:$0x18400] =	vst v63  }
0x4aa: {  	v1 =	vadd.s32 v61, v1  }
0x4ab: {  	[tilespmem:s14], [sflag:$0x3] =	stream.indirect_vreg.gather [hbm4b:s19+s2], $0x80, v63, vm0, $0xb8;
	[tilespmem:$0x18400] =	vst v63  }
0x4ac: {  	_ = 	snop  }
0x4ad: {  	[tilespmem:s17], [sflag:$0x3] =	stream.indirect_vreg.gather [hbm4b:s20+s2], $0x80, v63, vm0, $0xb8;
	[tilespmem:$0x18400] =	vst v63  }
0x4ae: {  	_ = 	snop  }
0x4af: {  	[tilespmem:s0], [sflag:$0x3] =	stream.indirect_vreg.gather [hbm4b:s9+s2], $0x80, v1, vm0, $0xb8;
	[tilespmem:$0x18400] =	vst v63  }
0x4b0: {  	_ = 	snop  }
0x4b1: {  	[tilespmem:s15], [sflag:$0x3] =	stream.indirect_vreg.gather [hbm4b:s10+s2], $0x80, v1, vm0, $0xb8;
	[tilespmem:$0x18400] =	vst v63  }
0x4b2: {  	_ = 	snop  }
0x4b3: {  	[tilespmem:s16], [sflag:$0x3] =	stream.indirect_vreg.gather [hbm4b:s19+s2], $0x80, v1, vm0, $0xb8;
	[tilespmem:$0x18400] =	vst v63  }
0x4b4: {  	_ = 	snop  }
0x4b5: {  	[tilespmem:s28], [sflag:$0x3] =	stream.indirect_vreg.gather [hbm4b:s20+s2], $0x80, v1, vm0, $0xb8;
	[tilespmem:$0x18400] =	vst v63  }
0x4b6: {  	[tilespmem:$0x300] =	vst v19  }
0x4b7: {  	v1 =	vperm.xlane v51, v60;
	[tilespmem:$0x310] =	vst v18  }
0x4b8: {  	s25 =	simm.s32 $0x2;
	[tilespmem:$0x320] =	vst v20  }
0x4b9: {  	v1 =	vadd.s32 v61, v1;
	_ =	swait.ge [sflag:s25], $0xC000  }
0x4ba: {  	[sflag:s25] =	ssyncset.done $0x0  }
0x4bb: {  	s26 =	sld [smem:$0x7F3];
	_ =	sdelay $0x1  }
0x4bc: {  	s0 =	simm.s32 $0x400;
	[sflag:s25] =	ssyncadd.s32 $0xFFFF4000  }
0x4bd: {  	[hbm4b:s26+s2] =	stream.indirect_vreg.scatter [tilespmem:s0], [sflag:$0x4], $0x80, v1, vm0, $0xb8;
	[tilespmem:$0x18400] =	vst v63  }
0x4be: {  	s7 =	simm.s32 $0xC00;
	v63 =	vperm.xlane v51, v62;
	s28 =	sadd.s32 $0x100, s26  }
0x4bf: {  	[hbm4b:s28+s2] =	stream.indirect_vreg.scatter [tilespmem:s7], [sflag:$0x4], $0x80, v1, vm0, $0xb8;
	[tilespmem:$0x18400] =	vst v63  }
0x4c0: {  	s12 =	simm.s32 $0x1400;
	v63 =	vadd.s32 v61, v63;
	s29 =	sadd.s32 $0x200, s26  }
0x4c1: {  	[hbm4b:s29+s2] =	stream.indirect_vreg.scatter [tilespmem:s12], [sflag:$0x4], $0x80, v1, vm0, $0xb8;
	[tilespmem:$0x18400] =	vst v63  }
0x4c2: {  	s3 =	simm.s32 $0x1C00;
	s10 =	sadd.s32 $0x300, s26  }
0x4c3: {  	[hbm4b:s10+s2] =	stream.indirect_vreg.scatter [tilespmem:s3], [sflag:$0x4], $0x80, v1, vm0, $0xb8;
	[tilespmem:$0x18400] =	vst v63  }
0x4c4: {  	s4 =	simm.s32 $0x2400  }
0x4c5: {  	[hbm4b:s26+s2] =	stream.indirect_vreg.scatter [tilespmem:s4], [sflag:$0x4], $0x80, v63, vm0, $0xb8;
	[tilespmem:$0x18400] =	vst v63  }
0x4c6: {  	s5 =	simm.s32 $0x2C00  }
0x4c7: {  	[hbm4b:s28+s2] =	stream.indirect_vreg.scatter [tilespmem:s5], [sflag:$0x4], $0x80, v63, vm0, $0xb8;
	[tilespmem:$0x18400] =	vst v63  }
0x4c8: {  	s6 =	simm.s32 $0x3400  }
0x4c9: {  	[hbm4b:s29+s2] =	stream.indirect_vreg.scatter [tilespmem:s6], [sflag:$0x4], $0x80, v63, vm0, $0xb8;
	[tilespmem:$0x18400] =	vst v63  }
0x4ca: {  	s13 =	simm.s32 $0x3C00  }
0x4cb: {  	[hbm4b:s10+s2] =	stream.indirect_vreg.scatter [tilespmem:s13], [sflag:$0x4], $0x80, v63, vm0, $0xb8;
	[tilespmem:$0x18400] =	vst v63  }
0x4cc: {  	v1 =	vld [tilespmem:$0x310];
	_ =	sdelay $0x4  }
0x4cd: {  	v63 =	vshll.u32 v1, $0x3  }
0x4ce: {  	v1 =	vand.u32 $0x7, v1;
	v63 =	vand.u32 $0xFFFFFFC0, v63  }
0x4cf: {  	v1 =	vor.u32 v1, v63  }
0x4d0: {  	v63 =	vperm.xlane v1, v60;
	_ =	sdelay $0x1  }
0x4d1: {  	v63 =	vadd.s32 v61, v63;
	_ =	sdelay $0x3  }
0x4d2: {  	s20 =	simm.s32 $0x4400  }
0x4d3: {  	[hbm4b:s26+s2] =	stream.indirect_vreg.scatter [tilespmem:s20], [sflag:$0x4], $0x80, v63, vm0, $0xb8;
	[tilespmem:$0x18400] =	vst v63  }
0x4d4: {  	s21 =	simm.s32 $0x4C00;
	v1 =	vperm.xlane v1, v62  }
0x4d5: {  	[hbm4b:s28+s2] =	stream.indirect_vreg.scatter [tilespmem:s21], [sflag:$0x4], $0x80, v63, vm0, $0xb8;
	[tilespmem:$0x18400] =	vst v63  }
0x4d6: {  	s14 =	simm.s32 $0x5400;
	v1 =	vadd.s32 v61, v1  }
0x4d7: {  	[hbm4b:s29+s2] =	stream.indirect_vreg.scatter [tilespmem:s14], [sflag:$0x4], $0x80, v63, vm0, $0xb8;
	[tilespmem:$0x18400] =	vst v63  }
0x4d8: {  	s15 =	simm.s32 $0x5C00  }
0x4d9: {  	[hbm4b:s10+s2] =	stream.indirect_vreg.scatter [tilespmem:s15], [sflag:$0x4], $0x80, v63, vm0, $0xb8;
	[tilespmem:$0x18400] =	vst v63  }
0x4da: {  	s16 =	simm.s32 $0x6400  }
0x4db: {  	[hbm4b:s26+s2] =	stream.indirect_vreg.scatter [tilespmem:s16], [sflag:$0x4], $0x80, v1, vm0, $0xb8;
	[tilespmem:$0x18400] =	vst v63  }
0x4dc: {  	s18 =	simm.s32 $0x6C00  }
0x4dd: {  	[hbm4b:s28+s2] =	stream.indirect_vreg.scatter [tilespmem:s18], [sflag:$0x4], $0x80, v1, vm0, $0xb8;
	[tilespmem:$0x18400] =	vst v63  }
0x4de: {  	s19 =	simm.s32 $0x7400  }
0x4df: {  	[hbm4b:s29+s2] =	stream.indirect_vreg.scatter [tilespmem:s19], [sflag:$0x4], $0x80, v1, vm0, $0xb8;
	[tilespmem:$0x18400] =	vst v63  }
0x4e0: {  	s22 =	simm.s32 $0x7C00  }
0x4e1: {  	[hbm4b:s10+s2] =	stream.indirect_vreg.scatter [tilespmem:s22], [sflag:$0x4], $0x80, v1, vm0, $0xb8;
	[tilespmem:$0x18400] =	vst v63  }
0x4e2: {  	v1 =	vld [tilespmem:$0x320];
	_ =	sdelay $0x4  }
0x4e3: {  	v63 =	vshll.u32 v1, $0x3  }
0x4e4: {  	v1 =	vand.u32 $0x7, v1;
	v63 =	vand.u32 $0xFFFFFFC0, v63  }
0x4e5: {  	v1 =	vor.u32 v1, v63  }
0x4e6: {  	v63 =	vperm.xlane v1, v60;
	_ =	sdelay $0x1  }
0x4e7: {  	v63 =	vadd.s32 v61, v63;
	_ =	sdelay $0x3  }
0x4e8: {  	s25 =	simm.s32 $0x8400  }
0x4e9: {  	[hbm4b:s26+s2] =	stream.indirect_vreg.scatter [tilespmem:s25], [sflag:$0x4], $0x80, v63, vm0, $0xb8;
	[tilespmem:$0x18400] =	vst v63  }
0x4ea: {  	s24 =	simm.s32 $0x8C00;
	v1 =	vperm.xlane v1, v62  }
0x4eb: {  	[hbm4b:s28+s2] =	stream.indirect_vreg.scatter [tilespmem:s24], [sflag:$0x4], $0x80, v63, vm0, $0xb8;
	[tilespmem:$0x18400] =	vst v63  }
0x4ec: {  	s23 =	simm.s32 $0x9400;
	v1 =	vadd.s32 v61, v1  }
0x4ed: {  	[hbm4b:s29+s2] =	stream.indirect_vreg.scatter [tilespmem:s23], [sflag:$0x4], $0x80, v63, vm0, $0xb8;
	[tilespmem:$0x18400] =	vst v63  }
0x4ee: {  	s17 =	simm.s32 $0x9C00  }
0x4ef: {  	[hbm4b:s10+s2] =	stream.indirect_vreg.scatter [tilespmem:s17], [sflag:$0x4], $0x80, v63, vm0, $0xb8;
	[tilespmem:$0x18400] =	vst v63  }
0x4f0: {  	s1 =	simm.s32 $0xA400  }
0x4f1: {  	[hbm4b:s26+s2] =	stream.indirect_vreg.scatter [tilespmem:s1], [sflag:$0x4], $0x80, v1, vm0, $0xb8;
	[tilespmem:$0x18400] =	vst v63  }
0x4f2: {  	s26 =	simm.s32 $0xAC00  }
0x4f3: {  	[hbm4b:s28+s2] =	stream.indirect_vreg.scatter [tilespmem:s26], [sflag:$0x4], $0x80, v1, vm0, $0xb8;
	[tilespmem:$0x18400] =	vst v63  }
0x4f4: {  	s28 =	simm.s32 $0xB400  }
0x4f5: {  	[hbm4b:s29+s2] =	stream.indirect_vreg.scatter [tilespmem:s28], [sflag:$0x4], $0x80, v1, vm0, $0xb8;
	[tilespmem:$0x18400] =	vst v63  }
0x4f6: {  	s30 =	simm.s32 $0x4;
	s31 =	simm.s32 $0xBC00  }
0x4f7: {  	[hbm4b:s10+s2] =	stream.indirect_vreg.scatter [tilespmem:s31], [sflag:$0x4], $0x80, v1, vm0, $0xb8;
	[tilespmem:$0x18400] =	vst v63  }
0x4f8: {  	_ =	swait.ge [sflag:s30], $0xC000  }
0x4f9: {  	[sflag:s30] =	ssyncset.done $0x0  }
0x4fa: {  	[sflag:s30] =	ssyncadd.s32 $0xFFFF4000  }
0x4fb: {  	v1 =	vld [tilespmem:$0x180];
	_ =	sdelay $0x4  }
0x4fc: {  	v63 =	vshll.u32 v1, $0x3  }
0x4fd: {  	v1 =	vand.u32 $0x7, v1;
	v63 =	vand.u32 $0xFFFFFFC0, v63  }
0x4fe: {  	v1 =	vor.u32 v1, v63  }
0x4ff: {  	v63 =	vperm.xlane v1, v60;
	_ =	sdelay $0x1  }
0x500: {  	v63 =	vadd.s32 v61, v63;
	_ =	sdelay $0x1  }
0x501: {  	s8 =	sld [smem:$0x7DA];
	_ =	sdelay $0x2  }
0x502: {  	[tilespmem:s0], [sflag:$0x2] =	stream.indirect_vreg.gather [hbm4b:s8+s2], $0x80, v63, vm0, $0xb8;
	[tilespmem:$0x18400] =	vst v63  }
0x503: {  	s9 =	sadd.s32 $0x100, s8;
	v1 =	vperm.xlane v1, v62  }
0x504: {  	[tilespmem:s7], [sflag:$0x2] =	stream.indirect_vreg.gather [hbm4b:s9+s2], $0x80, v63, vm0, $0xb8;
	[tilespmem:$0x18400] =	vst v63  }
0x505: {  	s10 =	sadd.s32 $0x200, s8;
	v1 =	vadd.s32 v61, v1  }
0x506: {  	[tilespmem:s12], [sflag:$0x2] =	stream.indirect_vreg.gather [hbm4b:s10+s2], $0x80, v63, vm0, $0xb8;
	[tilespmem:$0x18400] =	vst v63  }
0x507: {  	s12 =	sadd.s32 $0x300, s8  }
0x508: {  	[tilespmem:s3], [sflag:$0x2] =	stream.indirect_vreg.gather [hbm4b:s12+s2], $0x80, v63, vm0, $0xb8;
	[tilespmem:$0x18400] =	vst v63  }
0x509: {  	_ = 	snop  }
0x50a: {  	[tilespmem:s4], [sflag:$0x2] =	stream.indirect_vreg.gather [hbm4b:s8+s2], $0x80, v1, vm0, $0xb8;
	[tilespmem:$0x18400] =	vst v63  }
0x50b: {  	_ = 	snop  }
0x50c: {  	[tilespmem:s5], [sflag:$0x2] =	stream.indirect_vreg.gather [hbm4b:s9+s2], $0x80, v1, vm0, $0xb8;
	[tilespmem:$0x18400] =	vst v63  }
0x50d: {  	_ = 	snop  }
0x50e: {  	[tilespmem:s6], [sflag:$0x2] =	stream.indirect_vreg.gather [hbm4b:s10+s2], $0x80, v1, vm0, $0xb8;
	[tilespmem:$0x18400] =	vst v63  }
0x50f: {  	_ = 	snop  }
0x510: {  	[tilespmem:s13], [sflag:$0x2] =	stream.indirect_vreg.gather [hbm4b:s12+s2], $0x80, v1, vm0, $0xb8;
	[tilespmem:$0x18400] =	vst v63  }
0x511: {  	v1 =	vld [tilespmem:$0x190];
	_ =	sdelay $0x4  }
0x512: {  	v63 =	vshll.u32 v1, $0x3  }
0x513: {  	v1 =	vand.u32 $0x7, v1;
	v63 =	vand.u32 $0xFFFFFFC0, v63  }
0x514: {  	v1 =	vor.u32 v1, v63  }
0x515: {  	v63 =	vperm.xlane v1, v60;
	_ =	sdelay $0x1  }
0x516: {  	v63 =	vadd.s32 v61, v63;
	_ =	sdelay $0x4  }
0x517: {  	[tilespmem:s20], [sflag:$0x2] =	stream.indirect_vreg.gather [hbm4b:s8+s2], $0x80, v63, vm0, $0xb8;
	[tilespmem:$0x18400] =	vst v63  }
0x518: {  	v1 =	vperm.xlane v1, v62  }
0x519: {  	[tilespmem:s21], [sflag:$0x2] =	stream.indirect_vreg.gather [hbm4b:s9+s2], $0x80, v63, vm0, $0xb8;
	[tilespmem:$0x18400] =	vst v63  }
0x51a: {  	v1 =	vadd.s32 v61, v1  }
0x51b: {  	[tilespmem:s14], [sflag:$0x2] =	stream.indirect_vreg.gather [hbm4b:s10+s2], $0x80, v63, vm0, $0xb8;
	[tilespmem:$0x18400] =	vst v63  }
0x51c: {  	_ = 	snop  }
0x51d: {  	[tilespmem:s15], [sflag:$0x2] =	stream.indirect_vreg.gather [hbm4b:s12+s2], $0x80, v63, vm0, $0xb8;
	[tilespmem:$0x18400] =	vst v63  }
0x51e: {  	_ = 	snop  }
0x51f: {  	[tilespmem:s16], [sflag:$0x2] =	stream.indirect_vreg.gather [hbm4b:s8+s2], $0x80, v1, vm0, $0xb8;
	[tilespmem:$0x18400] =	vst v63  }
0x520: {  	_ = 	snop  }
0x521: {  	[tilespmem:s18], [sflag:$0x2] =	stream.indirect_vreg.gather [hbm4b:s9+s2], $0x80, v1, vm0, $0xb8;
	[tilespmem:$0x18400] =	vst v63  }
0x522: {  	_ = 	snop  }
0x523: {  	[tilespmem:s19], [sflag:$0x2] =	stream.indirect_vreg.gather [hbm4b:s10+s2], $0x80, v1, vm0, $0xb8;
	[tilespmem:$0x18400] =	vst v63  }
0x524: {  	_ = 	snop  }
0x525: {  	[tilespmem:s22], [sflag:$0x2] =	stream.indirect_vreg.gather [hbm4b:s12+s2], $0x80, v1, vm0, $0xb8;
	[tilespmem:$0x18400] =	vst v63  }
0x526: {  	v1 =	vld [tilespmem:$0x1A0];
	_ =	sdelay $0x4  }
0x527: {  	v63 =	vshll.u32 v1, $0x3  }
0x528: {  	v1 =	vand.u32 $0x7, v1;
	v63 =	vand.u32 $0xFFFFFFC0, v63  }
0x529: {  	v1 =	vor.u32 v1, v63  }
0x52a: {  	v63 =	vperm.xlane v1, v60;
	_ =	sdelay $0x1  }
0x52b: {  	v63 =	vadd.s32 v61, v63;
	_ =	sdelay $0x4  }
0x52c: {  	[tilespmem:s25], [sflag:$0x2] =	stream.indirect_vreg.gather [hbm4b:s8+s2], $0x80, v63, vm0, $0xb8;
	[tilespmem:$0x18400] =	vst v63  }
0x52d: {  	v1 =	vperm.xlane v1, v62  }
0x52e: {  	[tilespmem:s24], [sflag:$0x2] =	stream.indirect_vreg.gather [hbm4b:s9+s2], $0x80, v63, vm0, $0xb8;
	[tilespmem:$0x18400] =	vst v63  }
0x52f: {  	v1 =	vadd.s32 v61, v1  }
0x530: {  	[tilespmem:s23], [sflag:$0x2] =	stream.indirect_vreg.gather [hbm4b:s10+s2], $0x80, v63, vm0, $0xb8;
	[tilespmem:$0x18400] =	vst v63  }
0x531: {  	_ = 	snop  }
0x532: {  	[tilespmem:s17], [sflag:$0x2] =	stream.indirect_vreg.gather [hbm4b:s12+s2], $0x80, v63, vm0, $0xb8;
	[tilespmem:$0x18400] =	vst v63  }
0x533: {  	_ = 	snop  }
0x534: {  	[tilespmem:s1], [sflag:$0x2] =	stream.indirect_vreg.gather [hbm4b:s8+s2], $0x80, v1, vm0, $0xb8;
	[tilespmem:$0x18400] =	vst v63  }
0x535: {  	_ = 	snop  }
0x536: {  	[tilespmem:s26], [sflag:$0x2] =	stream.indirect_vreg.gather [hbm4b:s9+s2], $0x80, v1, vm0, $0xb8;
	[tilespmem:$0x18400] =	vst v63  }
0x537: {  	_ = 	snop  }
0x538: {  	[tilespmem:s28], [sflag:$0x2] =	stream.indirect_vreg.gather [hbm4b:s10+s2], $0x80, v1, vm0, $0xb8;
	[tilespmem:$0x18400] =	vst v63  }
0x539: {  	_ = 	snop  }
0x53a: {  	[tilespmem:s31], [sflag:$0x2] =	stream.indirect_vreg.gather [hbm4b:s12+s2], $0x80, v1, vm0, $0xb8;
	[tilespmem:$0x18400] =	vst v63  }
0x53b: {  	v1 =	vperm.xlane v52, v60;
	[tilespmem:$0x380] =	vst v22  }
0x53c: {  	[tilespmem:$0x390] =	vst v21  }
0x53d: {  	s14 =	simm.s32 $0x3;
	[tilespmem:$0x3A0] =	vst v23;
	v1 =	vadd.s32 v61, v1  }
0x53e: {  	_ =	swait.ge [sflag:s14], $0xC000  }
0x53f: {  	s15 =	sld [smem:$0x7F4]  }
0x540: {  	[sflag:s14] =	ssyncset.done $0x0  }
0x541: {  	s1 =	simm.s32 $0xC400;
	[sflag:s14] =	ssyncadd.s32 $0xFFFF4000  }
0x542: {  	[hbm4b:s15+s2] =	stream.indirect_vreg.scatter [tilespmem:s1], [sflag:$0x5], $0x80, v1, vm0, $0xb8;
	[tilespmem:$0x18400] =	vst v63  }
0x543: {  	s19 =	simm.s32 $0xCC00;
	v63 =	vperm.xlane v52, v62;
	s16 =	sadd.s32 $0x100, s15  }
0x544: {  	[hbm4b:s16+s2] =	stream.indirect_vreg.scatter [tilespmem:s19], [sflag:$0x5], $0x80, v1, vm0, $0xb8;
	[tilespmem:$0x18400] =	vst v63  }
0x545: {  	s20 =	simm.s32 $0xD400;
	v63 =	vadd.s32 v61, v63;
	s28 =	sadd.s32 $0x200, s15  }
0x546: {  	[hbm4b:s28+s2] =	stream.indirect_vreg.scatter [tilespmem:s20], [sflag:$0x5], $0x80, v1, vm0, $0xb8;
	[tilespmem:$0x18400] =	vst v63  }
0x547: {  	s17 =	simm.s32 $0xDC00;
	s30 =	sadd.s32 $0x300, s15  }
0x548: {  	[hbm4b:s30+s2] =	stream.indirect_vreg.scatter [tilespmem:s17], [sflag:$0x5], $0x80, v1, vm0, $0xb8;
	[tilespmem:$0x18400] =	vst v63  }
0x549: {  	s29 =	simm.s32 $0xE400  }
0x54a: {  	[hbm4b:s15+s2] =	stream.indirect_vreg.scatter [tilespmem:s29], [sflag:$0x5], $0x80, v63, vm0, $0xb8;
	[tilespmem:$0x18400] =	vst v63  }
0x54b: {  	s3 =	simm.s32 $0xEC00  }
0x54c: {  	[hbm4b:s16+s2] =	stream.indirect_vreg.scatter [tilespmem:s3], [sflag:$0x5], $0x80, v63, vm0, $0xb8;
	[tilespmem:$0x18400] =	vst v63  }
0x54d: {  	s4 =	simm.s32 $0xF400  }
0x54e: {  	[hbm4b:s28+s2] =	stream.indirect_vreg.scatter [tilespmem:s4], [sflag:$0x5], $0x80, v63, vm0, $0xb8;
	[tilespmem:$0x18400] =	vst v63  }
0x54f: {  	s21 =	simm.s32 $0xFC00  }
0x550: {  	[hbm4b:s30+s2] =	stream.indirect_vreg.scatter [tilespmem:s21], [sflag:$0x5], $0x80, v63, vm0, $0xb8;
	[tilespmem:$0x18400] =	vst v63  }
0x551: {  	v1 =	vld [tilespmem:$0x390];
	_ =	sdelay $0x4  }
0x552: {  	v63 =	vshll.u32 v1, $0x3  }
0x553: {  	v1 =	vand.u32 $0x7, v1;
	v63 =	vand.u32 $0xFFFFFFC0, v63  }
0x554: {  	v1 =	vor.u32 v1, v63  }
0x555: {  	v63 =	vperm.xlane v1, v60;
	_ =	sdelay $0x1  }
0x556: {  	v63 =	vadd.s32 v61, v63;
	_ =	sdelay $0x3  }
0x557: {  	s22 =	simm.s32 $0x10400  }
0x558: {  	[hbm4b:s15+s2] =	stream.indirect_vreg.scatter [tilespmem:s22], [sflag:$0x5], $0x80, v63, vm0, $0xb8;
	[tilespmem:$0x18400] =	vst v63  }
0x559: {  	s23 =	simm.s32 $0x10C00;
	v1 =	vperm.xlane v1, v62  }
0x55a: {  	[hbm4b:s16+s2] =	stream.indirect_vreg.scatter [tilespmem:s23], [sflag:$0x5], $0x80, v63, vm0, $0xb8;
	[tilespmem:$0x18400] =	vst v63  }
0x55b: {  	s5 =	simm.s32 $0x11400;
	v1 =	vadd.s32 v61, v1  }
0x55c: {  	[hbm4b:s28+s2] =	stream.indirect_vreg.scatter [tilespmem:s5], [sflag:$0x5], $0x80, v63, vm0, $0xb8;
	[tilespmem:$0x18400] =	vst v63  }
0x55d: {  	s6 =	simm.s32 $0x11C00  }
0x55e: {  	[hbm4b:s30+s2] =	stream.indirect_vreg.scatter [tilespmem:s6], [sflag:$0x5], $0x80, v63, vm0, $0xb8;
	[tilespmem:$0x18400] =	vst v63  }
0x55f: {  	s7 =	simm.s32 $0x12400  }
0x560: {  	[hbm4b:s15+s2] =	stream.indirect_vreg.scatter [tilespmem:s7], [sflag:$0x5], $0x80, v1, vm0, $0xb8;
	[tilespmem:$0x18400] =	vst v63  }
0x561: {  	s12 =	simm.s32 $0x12C00  }
0x562: {  	[hbm4b:s16+s2] =	stream.indirect_vreg.scatter [tilespmem:s12], [sflag:$0x5], $0x80, v1, vm0, $0xb8;
	[tilespmem:$0x18400] =	vst v63  }
0x563: {  	s13 =	simm.s32 $0x13400  }
0x564: {  	[hbm4b:s28+s2] =	stream.indirect_vreg.scatter [tilespmem:s13], [sflag:$0x5], $0x80, v1, vm0, $0xb8;
	[tilespmem:$0x18400] =	vst v63  }
0x565: {  	s24 =	simm.s32 $0x13C00  }
0x566: {  	[hbm4b:s30+s2] =	stream.indirect_vreg.scatter [tilespmem:s24], [sflag:$0x5], $0x80, v1, vm0, $0xb8;
	[tilespmem:$0x18400] =	vst v63  }
0x567: {  	v1 =	vld [tilespmem:$0x3A0];
	_ =	sdelay $0x4  }
0x568: {  	v63 =	vshll.u32 v1, $0x3  }
0x569: {  	v1 =	vand.u32 $0x7, v1;
	v63 =	vand.u32 $0xFFFFFFC0, v63  }
0x56a: {  	v1 =	vor.u32 v1, v63  }
0x56b: {  	v63 =	vperm.xlane v1, v60;
	_ =	sdelay $0x1  }
0x56c: {  	v63 =	vadd.s32 v61, v63;
	_ =	sdelay $0x3  }
0x56d: {  	s25 =	simm.s32 $0x14400  }
0x56e: {  	[hbm4b:s15+s2] =	stream.indirect_vreg.scatter [tilespmem:s25], [sflag:$0x5], $0x80, v63, vm0, $0xb8;
	[tilespmem:$0x18400] =	vst v63  }
0x56f: {  	s26 =	simm.s32 $0x14C00;
	v1 =	vperm.xlane v1, v62  }
0x570: {  	[hbm4b:s16+s2] =	stream.indirect_vreg.scatter [tilespmem:s26], [sflag:$0x5], $0x80, v63, vm0, $0xb8;
	[tilespmem:$0x18400] =	vst v63  }
0x571: {  	s14 =	simm.s32 $0x15400;
	v1 =	vadd.s32 v61, v1  }
0x572: {  	[hbm4b:s28+s2] =	stream.indirect_vreg.scatter [tilespmem:s14], [sflag:$0x5], $0x80, v63, vm0, $0xb8;
	[tilespmem:$0x18400] =	vst v63  }
0x573: {  	s18 =	simm.s32 $0x15C00  }
0x574: {  	[hbm4b:s30+s2] =	stream.indirect_vreg.scatter [tilespmem:s18], [sflag:$0x5], $0x80, v63, vm0, $0xb8;
	[tilespmem:$0x18400] =	vst v63  }
0x575: {  	s0 =	simm.s32 $0x16400  }
0x576: {  	[hbm4b:s15+s2] =	stream.indirect_vreg.scatter [tilespmem:s0], [sflag:$0x5], $0x80, v1, vm0, $0xb8;
	[tilespmem:$0x18400] =	vst v63  }
0x577: {  	s15 =	simm.s32 $0x16C00  }
0x578: {  	[hbm4b:s16+s2] =	stream.indirect_vreg.scatter [tilespmem:s15], [sflag:$0x5], $0x80, v1, vm0, $0xb8;
	[tilespmem:$0x18400] =	vst v63  }
0x579: {  	s16 =	simm.s32 $0x17400  }
0x57a: {  	[hbm4b:s28+s2] =	stream.indirect_vreg.scatter [tilespmem:s16], [sflag:$0x5], $0x80, v1, vm0, $0xb8;
	[tilespmem:$0x18400] =	vst v63  }
0x57b: {  	s31 =	simm.s32 $0x5;
	s28 =	simm.s32 $0x17C00  }
0x57c: {  	[hbm4b:s30+s2] =	stream.indirect_vreg.scatter [tilespmem:s28], [sflag:$0x5], $0x80, v1, vm0, $0xb8;
	[tilespmem:$0x18400] =	vst v63  }
0x57d: {  	_ =	swait.ge [sflag:s31], $0xC000  }
0x57e: {  	[sflag:s31] =	ssyncset.done $0x0  }
0x57f: {  	[sflag:s31] =	ssyncadd.s32 $0xFFFF4000  }
0x580: {  	v1 =	vld [tilespmem:$0x1B0];
	_ =	sdelay $0x4  }
0x581: {  	v63 =	vshll.u32 v1, $0x3  }
0x582: {  	v1 =	vand.u32 $0x7, v1;
	v63 =	vand.u32 $0xFFFFFFC0, v63  }
0x583: {  	v1 =	vor.u32 v1, v63  }
0x584: {  	v63 =	vperm.xlane v1, v60;
	_ =	sdelay $0x1  }
0x585: {  	v63 =	vadd.s32 v61, v63;
	_ =	sdelay $0x1  }
0x586: {  	s9 =	sld [smem:$0x7DB];
	_ =	sdelay $0x2  }
0x587: {  	[tilespmem:s1], [sflag:$0x3] =	stream.indirect_vreg.gather [hbm4b:s9+s2], $0x80, v63, vm0, $0xb8;
	[tilespmem:$0x18400] =	vst v63  }
0x588: {  	s10 =	sadd.s32 $0x100, s9;
	v1 =	vperm.xlane v1, v62  }
0x589: {  	[tilespmem:s19], [sflag:$0x3] =	stream.indirect_vreg.gather [hbm4b:s10+s2], $0x80, v63, vm0, $0xb8;
	[tilespmem:$0x18400] =	vst v63  }
0x58a: {  	s30 =	sadd.s32 $0x200, s9;
	v1 =	vadd.s32 v61, v1  }
0x58b: {  	[tilespmem:s20], [sflag:$0x3] =	stream.indirect_vreg.gather [hbm4b:s30+s2], $0x80, v63, vm0, $0xb8;
	[tilespmem:$0x18400] =	vst v63  }
0x58c: {  	s1 =	sadd.s32 $0x300, s9  }
0x58d: {  	[tilespmem:s17], [sflag:$0x3] =	stream.indirect_vreg.gather [hbm4b:s1+s2], $0x80, v63, vm0, $0xb8;
	[tilespmem:$0x18400] =	vst v63  }
0x58e: {  	_ = 	snop  }
0x58f: {  	[tilespmem:s29], [sflag:$0x3] =	stream.indirect_vreg.gather [hbm4b:s9+s2], $0x80, v1, vm0, $0xb8;
	[tilespmem:$0x18400] =	vst v63  }
0x590: {  	_ = 	snop  }
0x591: {  	[tilespmem:s3], [sflag:$0x3] =	stream.indirect_vreg.gather [hbm4b:s10+s2], $0x80, v1, vm0, $0xb8;
	[tilespmem:$0x18400] =	vst v63  }
0x592: {  	_ = 	snop  }
0x593: {  	[tilespmem:s4], [sflag:$0x3] =	stream.indirect_vreg.gather [hbm4b:s30+s2], $0x80, v1, vm0, $0xb8;
	[tilespmem:$0x18400] =	vst v63  }
0x594: {  	_ = 	snop  }
0x595: {  	[tilespmem:s21], [sflag:$0x3] =	stream.indirect_vreg.gather [hbm4b:s1+s2], $0x80, v1, vm0, $0xb8;
	[tilespmem:$0x18400] =	vst v63  }
0x596: {  	v1 =	vld [tilespmem:$0x1C0];
	_ =	sdelay $0x4  }
0x597: {  	v63 =	vshll.u32 v1, $0x3  }
0x598: {  	v1 =	vand.u32 $0x7, v1;
	v63 =	vand.u32 $0xFFFFFFC0, v63  }
0x599: {  	v1 =	vor.u32 v1, v63  }
0x59a: {  	v63 =	vperm.xlane v1, v60;
	_ =	sdelay $0x1  }
0x59b: {  	v63 =	vadd.s32 v61, v63;
	_ =	sdelay $0x4  }
0x59c: {  	[tilespmem:s22], [sflag:$0x3] =	stream.indirect_vreg.gather [hbm4b:s9+s2], $0x80, v63, vm0, $0xb8;
	[tilespmem:$0x18400] =	vst v63  }
0x59d: {  	v1 =	vperm.xlane v1, v62  }
0x59e: {  	[tilespmem:s23], [sflag:$0x3] =	stream.indirect_vreg.gather [hbm4b:s10+s2], $0x80, v63, vm0, $0xb8;
	[tilespmem:$0x18400] =	vst v63  }
0x59f: {  	v1 =	vadd.s32 v61, v1  }
0x5a0: {  	[tilespmem:s5], [sflag:$0x3] =	stream.indirect_vreg.gather [hbm4b:s30+s2], $0x80, v63, vm0, $0xb8;
	[tilespmem:$0x18400] =	vst v63  }
0x5a1: {  	_ = 	snop  }
0x5a2: {  	[tilespmem:s6], [sflag:$0x3] =	stream.indirect_vreg.gather [hbm4b:s1+s2], $0x80, v63, vm0, $0xb8;
	[tilespmem:$0x18400] =	vst v63  }
0x5a3: {  	_ = 	snop  }
0x5a4: {  	[tilespmem:s7], [sflag:$0x3] =	stream.indirect_vreg.gather [hbm4b:s9+s2], $0x80, v1, vm0, $0xb8;
	[tilespmem:$0x18400] =	vst v63  }
0x5a5: {  	_ = 	snop  }
0x5a6: {  	[tilespmem:s12], [sflag:$0x3] =	stream.indirect_vreg.gather [hbm4b:s10+s2], $0x80, v1, vm0, $0xb8;
	[tilespmem:$0x18400] =	vst v63  }
0x5a7: {  	_ = 	snop  }
0x5a8: {  	[tilespmem:s13], [sflag:$0x3] =	stream.indirect_vreg.gather [hbm4b:s30+s2], $0x80, v1, vm0, $0xb8;
	[tilespmem:$0x18400] =	vst v63  }
0x5a9: {  	_ = 	snop  }
0x5aa: {  	[tilespmem:s24], [sflag:$0x3] =	stream.indirect_vreg.gather [hbm4b:s1+s2], $0x80, v1, vm0, $0xb8;
	[tilespmem:$0x18400] =	vst v63  }
0x5ab: {  	v1 =	vld [tilespmem:$0x1D0];
	_ =	sdelay $0x4  }
0x5ac: {  	v63 =	vshll.u32 v1, $0x3  }
0x5ad: {  	v1 =	vand.u32 $0x7, v1;
	v63 =	vand.u32 $0xFFFFFFC0, v63  }
0x5ae: {  	v1 =	vor.u32 v1, v63  }
0x5af: {  	v63 =	vperm.xlane v1, v60;
	_ =	sdelay $0x1  }
0x5b0: {  	v63 =	vadd.s32 v61, v63;
	_ =	sdelay $0x4  }
0x5b1: {  	[tilespmem:s25], [sflag:$0x3] =	stream.indirect_vreg.gather [hbm4b:s9+s2], $0x80, v63, vm0, $0xb8;
	[tilespmem:$0x18400] =	vst v63  }
0x5b2: {  	v1 =	vperm.xlane v1, v62  }
0x5b3: {  	[tilespmem:s26], [sflag:$0x3] =	stream.indirect_vreg.gather [hbm4b:s10+s2], $0x80, v63, vm0, $0xb8;
	[tilespmem:$0x18400] =	vst v63  }
0x5b4: {  	v1 =	vadd.s32 v61, v1  }
0x5b5: {  	[tilespmem:s14], [sflag:$0x3] =	stream.indirect_vreg.gather [hbm4b:s30+s2], $0x80, v63, vm0, $0xb8;
	[tilespmem:$0x18400] =	vst v63  }
0x5b6: {  	_ = 	snop  }
0x5b7: {  	[tilespmem:s18], [sflag:$0x3] =	stream.indirect_vreg.gather [hbm4b:s1+s2], $0x80, v63, vm0, $0xb8;
	[tilespmem:$0x18400] =	vst v63  }
0x5b8: {  	_ = 	snop  }
0x5b9: {  	[tilespmem:s0], [sflag:$0x3] =	stream.indirect_vreg.gather [hbm4b:s9+s2], $0x80, v1, vm0, $0xb8;
	[tilespmem:$0x18400] =	vst v63  }
0x5ba: {  	_ = 	snop  }
0x5bb: {  	[tilespmem:s15], [sflag:$0x3] =	stream.indirect_vreg.gather [hbm4b:s10+s2], $0x80, v1, vm0, $0xb8;
	[tilespmem:$0x18400] =	vst v63  }
0x5bc: {  	_ = 	snop  }
0x5bd: {  	[tilespmem:s16], [sflag:$0x3] =	stream.indirect_vreg.gather [hbm4b:s30+s2], $0x80, v1, vm0, $0xb8;
	[tilespmem:$0x18400] =	vst v63  }
0x5be: {  	_ = 	snop  }
0x5bf: {  	[tilespmem:s28], [sflag:$0x3] =	stream.indirect_vreg.gather [hbm4b:s1+s2], $0x80, v1, vm0, $0xb8;
	[tilespmem:$0x18400] =	vst v63  }
0x5c0: {  	v1 =	vperm.xlane v53, v60;
	[tilespmem:$0x300] =	vst v25  }
0x5c1: {  	[tilespmem:$0x310] =	vst v24  }
0x5c2: {  	s16 =	simm.s32 $0x2;
	[tilespmem:$0x320] =	vst v26;
	v1 =	vadd.s32 v61, v1  }
0x5c3: {  	_ =	swait.ge [sflag:s16], $0xC000  }
0x5c4: {  	s17 =	sld [smem:$0x7F6]  }
0x5c5: {  	[sflag:s16] =	ssyncset.done $0x0  }
0x5c6: {  	s26 =	simm.s32 $0x400;
	[sflag:s16] =	ssyncadd.s32 $0xFFFF4000  }
0x5c7: {  	[hbm4b:s17+s2] =	stream.indirect_vreg.scatter [tilespmem:s26], [sflag:$0x4], $0x80, v1, vm0, $0xb8;
	[tilespmem:$0x18400] =	vst v63  }
0x5c8: {  	s7 =	simm.s32 $0xC00;
	v63 =	vperm.xlane v53, v62;
	s28 =	sadd.s32 $0x100, s17  }
0x5c9: {  	[hbm4b:s28+s2] =	stream.indirect_vreg.scatter [tilespmem:s7], [sflag:$0x4], $0x80, v1, vm0, $0xb8;
	[tilespmem:$0x18400] =	vst v63  }
0x5ca: {  	s12 =	simm.s32 $0x1400;
	v63 =	vadd.s32 v61, v63;
	s29 =	sadd.s32 $0x200, s17  }
0x5cb: {  	[hbm4b:s29+s2] =	stream.indirect_vreg.scatter [tilespmem:s12], [sflag:$0x4], $0x80, v1, vm0, $0xb8;
	[tilespmem:$0x18400] =	vst v63  }
0x5cc: {  	s3 =	simm.s32 $0x1C00;
	s30 =	sadd.s32 $0x300, s17  }
0x5cd: {  	[hbm4b:s30+s2] =	stream.indirect_vreg.scatter [tilespmem:s3], [sflag:$0x4], $0x80, v1, vm0, $0xb8;
	[tilespmem:$0x18400] =	vst v63  }
0x5ce: {  	s4 =	simm.s32 $0x2400  }
0x5cf: {  	[hbm4b:s17+s2] =	stream.indirect_vreg.scatter [tilespmem:s4], [sflag:$0x4], $0x80, v63, vm0, $0xb8;
	[tilespmem:$0x18400] =	vst v63  }
0x5d0: {  	s5 =	simm.s32 $0x2C00  }
0x5d1: {  	[hbm4b:s28+s2] =	stream.indirect_vreg.scatter [tilespmem:s5], [sflag:$0x4], $0x80, v63, vm0, $0xb8;
	[tilespmem:$0x18400] =	vst v63  }
0x5d2: {  	s6 =	simm.s32 $0x3400  }
0x5d3: {  	[hbm4b:s29+s2] =	stream.indirect_vreg.scatter [tilespmem:s6], [sflag:$0x4], $0x80, v63, vm0, $0xb8;
	[tilespmem:$0x18400] =	vst v63  }
0x5d4: {  	s13 =	simm.s32 $0x3C00  }
0x5d5: {  	[hbm4b:s30+s2] =	stream.indirect_vreg.scatter [tilespmem:s13], [sflag:$0x4], $0x80, v63, vm0, $0xb8;
	[tilespmem:$0x18400] =	vst v63  }
0x5d6: {  	v1 =	vld [tilespmem:$0x310];
	_ =	sdelay $0x4  }
0x5d7: {  	v63 =	vshll.u32 v1, $0x3  }
0x5d8: {  	v1 =	vand.u32 $0x7, v1;
	v63 =	vand.u32 $0xFFFFFFC0, v63  }
0x5d9: {  	v1 =	vor.u32 v1, v63  }
0x5da: {  	v63 =	vperm.xlane v1, v60;
	_ =	sdelay $0x1  }
0x5db: {  	v63 =	vadd.s32 v61, v63;
	_ =	sdelay $0x3  }
0x5dc: {  	s20 =	simm.s32 $0x4400  }
0x5dd: {  	[hbm4b:s17+s2] =	stream.indirect_vreg.scatter [tilespmem:s20], [sflag:$0x4], $0x80, v63, vm0, $0xb8;
	[tilespmem:$0x18400] =	vst v63  }
0x5de: {  	s21 =	simm.s32 $0x4C00;
	v1 =	vperm.xlane v1, v62  }
0x5df: {  	[hbm4b:s28+s2] =	stream.indirect_vreg.scatter [tilespmem:s21], [sflag:$0x4], $0x80, v63, vm0, $0xb8;
	[tilespmem:$0x18400] =	vst v63  }
0x5e0: {  	s14 =	simm.s32 $0x5400;
	v1 =	vadd.s32 v61, v1  }
0x5e1: {  	[hbm4b:s29+s2] =	stream.indirect_vreg.scatter [tilespmem:s14], [sflag:$0x4], $0x80, v63, vm0, $0xb8;
	[tilespmem:$0x18400] =	vst v63  }
0x5e2: {  	s15 =	simm.s32 $0x5C00  }
0x5e3: {  	[hbm4b:s30+s2] =	stream.indirect_vreg.scatter [tilespmem:s15], [sflag:$0x4], $0x80, v63, vm0, $0xb8;
	[tilespmem:$0x18400] =	vst v63  }
0x5e4: {  	s16 =	simm.s32 $0x6400  }
0x5e5: {  	[hbm4b:s17+s2] =	stream.indirect_vreg.scatter [tilespmem:s16], [sflag:$0x4], $0x80, v1, vm0, $0xb8;
	[tilespmem:$0x18400] =	vst v63  }
0x5e6: {  	s18 =	simm.s32 $0x6C00  }
0x5e7: {  	[hbm4b:s28+s2] =	stream.indirect_vreg.scatter [tilespmem:s18], [sflag:$0x4], $0x80, v1, vm0, $0xb8;
	[tilespmem:$0x18400] =	vst v63  }
0x5e8: {  	s19 =	simm.s32 $0x7400  }
0x5e9: {  	[hbm4b:s29+s2] =	stream.indirect_vreg.scatter [tilespmem:s19], [sflag:$0x4], $0x80, v1, vm0, $0xb8;
	[tilespmem:$0x18400] =	vst v63  }
0x5ea: {  	s22 =	simm.s32 $0x7C00  }
0x5eb: {  	[hbm4b:s30+s2] =	stream.indirect_vreg.scatter [tilespmem:s22], [sflag:$0x4], $0x80, v1, vm0, $0xb8;
	[tilespmem:$0x18400] =	vst v63  }
0x5ec: {  	v1 =	vld [tilespmem:$0x320];
	_ =	sdelay $0x4  }
0x5ed: {  	v63 =	vshll.u32 v1, $0x3  }
0x5ee: {  	v1 =	vand.u32 $0x7, v1;
	v63 =	vand.u32 $0xFFFFFFC0, v63  }
0x5ef: {  	v1 =	vor.u32 v1, v63  }
0x5f0: {  	v63 =	vperm.xlane v1, v60;
	_ =	sdelay $0x1  }
0x5f1: {  	v63 =	vadd.s32 v61, v63;
	_ =	sdelay $0x3  }
0x5f2: {  	s25 =	simm.s32 $0x8400  }
0x5f3: {  	[hbm4b:s17+s2] =	stream.indirect_vreg.scatter [tilespmem:s25], [sflag:$0x4], $0x80, v63, vm0, $0xb8;
	[tilespmem:$0x18400] =	vst v63  }
0x5f4: {  	s24 =	simm.s32 $0x8C00;
	v1 =	vperm.xlane v1, v62  }
0x5f5: {  	[hbm4b:s28+s2] =	stream.indirect_vreg.scatter [tilespmem:s24], [sflag:$0x4], $0x80, v63, vm0, $0xb8;
	[tilespmem:$0x18400] =	vst v63  }
0x5f6: {  	s23 =	simm.s32 $0x9400;
	v1 =	vadd.s32 v61, v1  }
0x5f7: {  	[hbm4b:s29+s2] =	stream.indirect_vreg.scatter [tilespmem:s23], [sflag:$0x4], $0x80, v63, vm0, $0xb8;
	[tilespmem:$0x18400] =	vst v63  }
0x5f8: {  	s0 =	simm.s32 $0x9C00  }
0x5f9: {  	[hbm4b:s30+s2] =	stream.indirect_vreg.scatter [tilespmem:s0], [sflag:$0x4], $0x80, v63, vm0, $0xb8;
	[tilespmem:$0x18400] =	vst v63  }
0x5fa: {  	s1 =	simm.s32 $0xA400  }
0x5fb: {  	[hbm4b:s17+s2] =	stream.indirect_vreg.scatter [tilespmem:s1], [sflag:$0x4], $0x80, v1, vm0, $0xb8;
	[tilespmem:$0x18400] =	vst v63  }
0x5fc: {  	s17 =	simm.s32 $0xAC00  }
0x5fd: {  	[hbm4b:s28+s2] =	stream.indirect_vreg.scatter [tilespmem:s17], [sflag:$0x4], $0x80, v1, vm0, $0xb8;
	[tilespmem:$0x18400] =	vst v63  }
0x5fe: {  	s28 =	simm.s32 $0xB400  }
0x5ff: {  	[hbm4b:s29+s2] =	stream.indirect_vreg.scatter [tilespmem:s28], [sflag:$0x4], $0x80, v1, vm0, $0xb8;
	[tilespmem:$0x18400] =	vst v63  }
0x600: {  	s29 =	simm.s32 $0xBC00  }
0x601: {  	[hbm4b:s30+s2] =	stream.indirect_vreg.scatter [tilespmem:s29], [sflag:$0x4], $0x80, v1, vm0, $0xb8;
	[tilespmem:$0x18400] =	vst v63  }
0x602: {  	s30 =	simm.s32 $0x4  }
0x603: {  	_ =	swait.ge [sflag:s30], $0xC000  }
0x604: {  	[sflag:s30] =	ssyncset.done $0x0  }
0x605: {  	[sflag:s30] =	ssyncadd.s32 $0xFFFF4000  }
0x606: {  	v1 =	vld [tilespmem:$0x1E0];
	_ =	sdelay $0x4  }
0x607: {  	v63 =	vshll.u32 v1, $0x3  }
0x608: {  	v1 =	vand.u32 $0x7, v1;
	v63 =	vand.u32 $0xFFFFFFC0, v63  }
0x609: {  	v1 =	vor.u32 v1, v63  }
0x60a: {  	v63 =	vperm.xlane v1, v60;
	_ =	sdelay $0x1  }
0x60b: {  	v63 =	vadd.s32 v61, v63;
	_ =	sdelay $0x1  }
0x60c: {  	s8 =	sld [smem:$0x7DC];
	_ =	sdelay $0x2  }
0x60d: {  	[tilespmem:s26], [sflag:$0x2] =	stream.indirect_vreg.gather [hbm4b:s8+s2], $0x80, v63, vm0, $0xb8;
	[tilespmem:$0x18400] =	vst v63  }
0x60e: {  	s9 =	sadd.s32 $0x100, s8;
	v1 =	vperm.xlane v1, v62  }
0x60f: {  	[tilespmem:s7], [sflag:$0x2] =	stream.indirect_vreg.gather [hbm4b:s9+s2], $0x80, v63, vm0, $0xb8;
	[tilespmem:$0x18400] =	vst v63  }
0x610: {  	s10 =	sadd.s32 $0x200, s8;
	v1 =	vadd.s32 v61, v1  }
0x611: {  	[tilespmem:s12], [sflag:$0x2] =	stream.indirect_vreg.gather [hbm4b:s10+s2], $0x80, v63, vm0, $0xb8;
	[tilespmem:$0x18400] =	vst v63  }
0x612: {  	s12 =	sadd.s32 $0x300, s8  }
0x613: {  	[tilespmem:s3], [sflag:$0x2] =	stream.indirect_vreg.gather [hbm4b:s12+s2], $0x80, v63, vm0, $0xb8;
	[tilespmem:$0x18400] =	vst v63  }
0x614: {  	_ = 	snop  }
0x615: {  	[tilespmem:s4], [sflag:$0x2] =	stream.indirect_vreg.gather [hbm4b:s8+s2], $0x80, v1, vm0, $0xb8;
	[tilespmem:$0x18400] =	vst v63  }
0x616: {  	_ = 	snop  }
0x617: {  	[tilespmem:s5], [sflag:$0x2] =	stream.indirect_vreg.gather [hbm4b:s9+s2], $0x80, v1, vm0, $0xb8;
	[tilespmem:$0x18400] =	vst v63  }
0x618: {  	_ = 	snop  }
0x619: {  	[tilespmem:s6], [sflag:$0x2] =	stream.indirect_vreg.gather [hbm4b:s10+s2], $0x80, v1, vm0, $0xb8;
	[tilespmem:$0x18400] =	vst v63  }
0x61a: {  	_ = 	snop  }
0x61b: {  	[tilespmem:s13], [sflag:$0x2] =	stream.indirect_vreg.gather [hbm4b:s12+s2], $0x80, v1, vm0, $0xb8;
	[tilespmem:$0x18400] =	vst v63  }
0x61c: {  	v1 =	vld [tilespmem:$0x1F0];
	_ =	sdelay $0x4  }
0x61d: {  	v63 =	vshll.u32 v1, $0x3  }
0x61e: {  	v1 =	vand.u32 $0x7, v1;
	v63 =	vand.u32 $0xFFFFFFC0, v63  }
0x61f: {  	v1 =	vor.u32 v1, v63  }
0x620: {  	v63 =	vperm.xlane v1, v60;
	_ =	sdelay $0x1  }
0x621: {  	v63 =	vadd.s32 v61, v63;
	_ =	sdelay $0x4  }
0x622: {  	[tilespmem:s20], [sflag:$0x2] =	stream.indirect_vreg.gather [hbm4b:s8+s2], $0x80, v63, vm0, $0xb8;
	[tilespmem:$0x18400] =	vst v63  }
0x623: {  	v1 =	vperm.xlane v1, v62  }
0x624: {  	[tilespmem:s21], [sflag:$0x2] =	stream.indirect_vreg.gather [hbm4b:s9+s2], $0x80, v63, vm0, $0xb8;
	[tilespmem:$0x18400] =	vst v63  }
0x625: {  	v1 =	vadd.s32 v61, v1  }
0x626: {  	[tilespmem:s14], [sflag:$0x2] =	stream.indirect_vreg.gather [hbm4b:s10+s2], $0x80, v63, vm0, $0xb8;
	[tilespmem:$0x18400] =	vst v63  }
0x627: {  	_ = 	snop  }
0x628: {  	[tilespmem:s15], [sflag:$0x2] =	stream.indirect_vreg.gather [hbm4b:s12+s2], $0x80, v63, vm0, $0xb8;
	[tilespmem:$0x18400] =	vst v63  }
0x629: {  	_ = 	snop  }
0x62a: {  	[tilespmem:s16], [sflag:$0x2] =	stream.indirect_vreg.gather [hbm4b:s8+s2], $0x80, v1, vm0, $0xb8;
	[tilespmem:$0x18400] =	vst v63  }
0x62b: {  	_ = 	snop  }
0x62c: {  	[tilespmem:s18], [sflag:$0x2] =	stream.indirect_vreg.gather [hbm4b:s9+s2], $0x80, v1, vm0, $0xb8;
	[tilespmem:$0x18400] =	vst v63  }
0x62d: {  	_ = 	snop  }
0x62e: {  	[tilespmem:s19], [sflag:$0x2] =	stream.indirect_vreg.gather [hbm4b:s10+s2], $0x80, v1, vm0, $0xb8;
	[tilespmem:$0x18400] =	vst v63  }
0x62f: {  	_ = 	snop  }
0x630: {  	[tilespmem:s22], [sflag:$0x2] =	stream.indirect_vreg.gather [hbm4b:s12+s2], $0x80, v1, vm0, $0xb8;
	[tilespmem:$0x18400] =	vst v63  }
0x631: {  	v1 =	vld [tilespmem:$0x200];
	_ =	sdelay $0x4  }
0x632: {  	v63 =	vshll.u32 v1, $0x3  }
0x633: {  	v1 =	vand.u32 $0x7, v1;
	v63 =	vand.u32 $0xFFFFFFC0, v63  }
0x634: {  	v1 =	vor.u32 v1, v63  }
0x635: {  	v63 =	vperm.xlane v1, v60;
	_ =	sdelay $0x1  }
0x636: {  	v63 =	vadd.s32 v61, v63;
	_ =	sdelay $0x4  }
0x637: {  	[tilespmem:s25], [sflag:$0x2] =	stream.indirect_vreg.gather [hbm4b:s8+s2], $0x80, v63, vm0, $0xb8;
	[tilespmem:$0x18400] =	vst v63  }
0x638: {  	v1 =	vperm.xlane v1, v62  }
0x639: {  	[tilespmem:s24], [sflag:$0x2] =	stream.indirect_vreg.gather [hbm4b:s9+s2], $0x80, v63, vm0, $0xb8;
	[tilespmem:$0x18400] =	vst v63  }
0x63a: {  	v1 =	vadd.s32 v61, v1  }
0x63b: {  	[tilespmem:s23], [sflag:$0x2] =	stream.indirect_vreg.gather [hbm4b:s10+s2], $0x80, v63, vm0, $0xb8;
	[tilespmem:$0x18400] =	vst v63  }
0x63c: {  	_ = 	snop  }
0x63d: {  	[tilespmem:s0], [sflag:$0x2] =	stream.indirect_vreg.gather [hbm4b:s12+s2], $0x80, v63, vm0, $0xb8;
	[tilespmem:$0x18400] =	vst v63  }
0x63e: {  	_ = 	snop  }
0x63f: {  	[tilespmem:s1], [sflag:$0x2] =	stream.indirect_vreg.gather [hbm4b:s8+s2], $0x80, v1, vm0, $0xb8;
	[tilespmem:$0x18400] =	vst v63  }
0x640: {  	_ = 	snop  }
0x641: {  	[tilespmem:s17], [sflag:$0x2] =	stream.indirect_vreg.gather [hbm4b:s9+s2], $0x80, v1, vm0, $0xb8;
	[tilespmem:$0x18400] =	vst v63  }
0x642: {  	_ = 	snop  }
0x643: {  	[tilespmem:s28], [sflag:$0x2] =	stream.indirect_vreg.gather [hbm4b:s10+s2], $0x80, v1, vm0, $0xb8;
	[tilespmem:$0x18400] =	vst v63  }
0x644: {  	_ = 	snop  }
0x645: {  	[tilespmem:s29], [sflag:$0x2] =	stream.indirect_vreg.gather [hbm4b:s12+s2], $0x80, v1, vm0, $0xb8;
	[tilespmem:$0x18400] =	vst v63  }
0x646: {  	v1 =	vperm.xlane v54, v60;
	[tilespmem:$0x380] =	vst v28  }
0x647: {  	[tilespmem:$0x390] =	vst v27  }
0x648: {  	s14 =	simm.s32 $0x3;
	[tilespmem:$0x3A0] =	vst v29;
	v1 =	vadd.s32 v61, v1  }
0x649: {  	_ =	swait.ge [sflag:s14], $0xC000  }
0x64a: {  	s15 =	sld [smem:$0x7F8]  }
0x64b: {  	[sflag:s14] =	ssyncset.done $0x0  }
0x64c: {  	s1 =	simm.s32 $0xC400;
	[sflag:s14] =	ssyncadd.s32 $0xFFFF4000  }
0x64d: {  	[hbm4b:s15+s2] =	stream.indirect_vreg.scatter [tilespmem:s1], [sflag:$0x5], $0x80, v1, vm0, $0xb8;
	[tilespmem:$0x18400] =	vst v63  }
0x64e: {  	s19 =	simm.s32 $0xCC00;
	v63 =	vperm.xlane v54, v62;
	s16 =	sadd.s32 $0x100, s15  }
0x64f: {  	[hbm4b:s16+s2] =	stream.indirect_vreg.scatter [tilespmem:s19], [sflag:$0x5], $0x80, v1, vm0, $0xb8;
	[tilespmem:$0x18400] =	vst v63  }
0x650: {  	s20 =	simm.s32 $0xD400;
	v63 =	vadd.s32 v61, v63;
	s28 =	sadd.s32 $0x200, s15  }
0x651: {  	[hbm4b:s28+s2] =	stream.indirect_vreg.scatter [tilespmem:s20], [sflag:$0x5], $0x80, v1, vm0, $0xb8;
	[tilespmem:$0x18400] =	vst v63  }
0x652: {  	s17 =	simm.s32 $0xDC00;
	s10 =	sadd.s32 $0x300, s15  }
0x653: {  	[hbm4b:s10+s2] =	stream.indirect_vreg.scatter [tilespmem:s17], [sflag:$0x5], $0x80, v1, vm0, $0xb8;
	[tilespmem:$0x18400] =	vst v63  }
0x654: {  	s29 =	simm.s32 $0xE400  }
0x655: {  	[hbm4b:s15+s2] =	stream.indirect_vreg.scatter [tilespmem:s29], [sflag:$0x5], $0x80, v63, vm0, $0xb8;
	[tilespmem:$0x18400] =	vst v63  }
0x656: {  	s3 =	simm.s32 $0xEC00  }
0x657: {  	[hbm4b:s16+s2] =	stream.indirect_vreg.scatter [tilespmem:s3], [sflag:$0x5], $0x80, v63, vm0, $0xb8;
	[tilespmem:$0x18400] =	vst v63  }
0x658: {  	s4 =	simm.s32 $0xF400  }
0x659: {  	[hbm4b:s28+s2] =	stream.indirect_vreg.scatter [tilespmem:s4], [sflag:$0x5], $0x80, v63, vm0, $0xb8;
	[tilespmem:$0x18400] =	vst v63  }
0x65a: {  	s21 =	simm.s32 $0xFC00  }
0x65b: {  	[hbm4b:s10+s2] =	stream.indirect_vreg.scatter [tilespmem:s21], [sflag:$0x5], $0x80, v63, vm0, $0xb8;
	[tilespmem:$0x18400] =	vst v63  }
0x65c: {  	v1 =	vld [tilespmem:$0x390];
	_ =	sdelay $0x4  }
0x65d: {  	v63 =	vshll.u32 v1, $0x3  }
0x65e: {  	v1 =	vand.u32 $0x7, v1;
	v63 =	vand.u32 $0xFFFFFFC0, v63  }
0x65f: {  	v1 =	vor.u32 v1, v63  }
0x660: {  	v63 =	vperm.xlane v1, v60;
	_ =	sdelay $0x1  }
0x661: {  	v63 =	vadd.s32 v61, v63;
	_ =	sdelay $0x3  }
0x662: {  	s22 =	simm.s32 $0x10400  }
0x663: {  	[hbm4b:s15+s2] =	stream.indirect_vreg.scatter [tilespmem:s22], [sflag:$0x5], $0x80, v63, vm0, $0xb8;
	[tilespmem:$0x18400] =	vst v63  }
0x664: {  	s23 =	simm.s32 $0x10C00;
	v1 =	vperm.xlane v1, v62  }
0x665: {  	[hbm4b:s16+s2] =	stream.indirect_vreg.scatter [tilespmem:s23], [sflag:$0x5], $0x80, v63, vm0, $0xb8;
	[tilespmem:$0x18400] =	vst v63  }
0x666: {  	s5 =	simm.s32 $0x11400;
	v1 =	vadd.s32 v61, v1  }
0x667: {  	[hbm4b:s28+s2] =	stream.indirect_vreg.scatter [tilespmem:s5], [sflag:$0x5], $0x80, v63, vm0, $0xb8;
	[tilespmem:$0x18400] =	vst v63  }
0x668: {  	s6 =	simm.s32 $0x11C00  }
0x669: {  	[hbm4b:s10+s2] =	stream.indirect_vreg.scatter [tilespmem:s6], [sflag:$0x5], $0x80, v63, vm0, $0xb8;
	[tilespmem:$0x18400] =	vst v63  }
0x66a: {  	s7 =	simm.s32 $0x12400  }
0x66b: {  	[hbm4b:s15+s2] =	stream.indirect_vreg.scatter [tilespmem:s7], [sflag:$0x5], $0x80, v1, vm0, $0xb8;
	[tilespmem:$0x18400] =	vst v63  }
0x66c: {  	s12 =	simm.s32 $0x12C00  }
0x66d: {  	[hbm4b:s16+s2] =	stream.indirect_vreg.scatter [tilespmem:s12], [sflag:$0x5], $0x80, v1, vm0, $0xb8;
	[tilespmem:$0x18400] =	vst v63  }
0x66e: {  	s13 =	simm.s32 $0x13400  }
0x66f: {  	[hbm4b:s28+s2] =	stream.indirect_vreg.scatter [tilespmem:s13], [sflag:$0x5], $0x80, v1, vm0, $0xb8;
	[tilespmem:$0x18400] =	vst v63  }
0x670: {  	s24 =	simm.s32 $0x13C00  }
0x671: {  	[hbm4b:s10+s2] =	stream.indirect_vreg.scatter [tilespmem:s24], [sflag:$0x5], $0x80, v1, vm0, $0xb8;
	[tilespmem:$0x18400] =	vst v63  }
0x672: {  	v1 =	vld [tilespmem:$0x3A0];
	_ =	sdelay $0x4  }
0x673: {  	v63 =	vshll.u32 v1, $0x3  }
0x674: {  	v1 =	vand.u32 $0x7, v1;
	v63 =	vand.u32 $0xFFFFFFC0, v63  }
0x675: {  	v1 =	vor.u32 v1, v63  }
0x676: {  	v63 =	vperm.xlane v1, v60;
	_ =	sdelay $0x1  }
0x677: {  	v63 =	vadd.s32 v61, v63;
	_ =	sdelay $0x3  }
0x678: {  	s25 =	simm.s32 $0x14400  }
0x679: {  	[hbm4b:s15+s2] =	stream.indirect_vreg.scatter [tilespmem:s25], [sflag:$0x5], $0x80, v63, vm0, $0xb8;
	[tilespmem:$0x18400] =	vst v63  }
0x67a: {  	s26 =	simm.s32 $0x14C00;
	v1 =	vperm.xlane v1, v62  }
0x67b: {  	[hbm4b:s16+s2] =	stream.indirect_vreg.scatter [tilespmem:s26], [sflag:$0x5], $0x80, v63, vm0, $0xb8;
	[tilespmem:$0x18400] =	vst v63  }
0x67c: {  	s14 =	simm.s32 $0x15400;
	v1 =	vadd.s32 v61, v1  }
0x67d: {  	[hbm4b:s28+s2] =	stream.indirect_vreg.scatter [tilespmem:s14], [sflag:$0x5], $0x80, v63, vm0, $0xb8;
	[tilespmem:$0x18400] =	vst v63  }
0x67e: {  	s18 =	simm.s32 $0x15C00  }
0x67f: {  	[hbm4b:s10+s2] =	stream.indirect_vreg.scatter [tilespmem:s18], [sflag:$0x5], $0x80, v63, vm0, $0xb8;
	[tilespmem:$0x18400] =	vst v63  }
0x680: {  	s0 =	simm.s32 $0x16400  }
0x681: {  	[hbm4b:s15+s2] =	stream.indirect_vreg.scatter [tilespmem:s0], [sflag:$0x5], $0x80, v1, vm0, $0xb8;
	[tilespmem:$0x18400] =	vst v63  }
0x682: {  	s15 =	simm.s32 $0x16C00  }
0x683: {  	[hbm4b:s16+s2] =	stream.indirect_vreg.scatter [tilespmem:s15], [sflag:$0x5], $0x80, v1, vm0, $0xb8;
	[tilespmem:$0x18400] =	vst v63  }
0x684: {  	s16 =	simm.s32 $0x17400  }
0x685: {  	[hbm4b:s28+s2] =	stream.indirect_vreg.scatter [tilespmem:s16], [sflag:$0x5], $0x80, v1, vm0, $0xb8;
	[tilespmem:$0x18400] =	vst v63  }
0x686: {  	s31 =	simm.s32 $0x5;
	s28 =	simm.s32 $0x17C00  }
0x687: {  	[hbm4b:s10+s2] =	stream.indirect_vreg.scatter [tilespmem:s28], [sflag:$0x5], $0x80, v1, vm0, $0xb8;
	[tilespmem:$0x18400] =	vst v63  }
0x688: {  	_ =	swait.ge [sflag:s31], $0xC000  }
0x689: {  	[sflag:s31] =	ssyncset.done $0x0  }
0x68a: {  	[sflag:s31] =	ssyncadd.s32 $0xFFFF4000  }
0x68b: {  	v1 =	vld [tilespmem:$0x210];
	_ =	sdelay $0x4  }
0x68c: {  	v63 =	vshll.u32 v1, $0x3  }
0x68d: {  	v1 =	vand.u32 $0x7, v1;
	v63 =	vand.u32 $0xFFFFFFC0, v63  }
0x68e: {  	v1 =	vor.u32 v1, v63  }
0x68f: {  	v63 =	vperm.xlane v1, v60;
	_ =	sdelay $0x1  }
0x690: {  	v63 =	vadd.s32 v61, v63;
	_ =	sdelay $0x1  }
0x691: {  	s9 =	sld [smem:$0x7DD];
	_ =	sdelay $0x2  }
0x692: {  	[tilespmem:s1], [sflag:$0x3] =	stream.indirect_vreg.gather [hbm4b:s9+s2], $0x80, v63, vm0, $0xb8;
	[tilespmem:$0x18400] =	vst v63  }
0x693: {  	s10 =	sadd.s32 $0x100, s9;
	v1 =	vperm.xlane v1, v62  }
0x694: {  	[tilespmem:s19], [sflag:$0x3] =	stream.indirect_vreg.gather [hbm4b:s10+s2], $0x80, v63, vm0, $0xb8;
	[tilespmem:$0x18400] =	vst v63  }
0x695: {  	s31 =	sadd.s32 $0x200, s9;
	v1 =	vadd.s32 v61, v1  }
0x696: {  	[tilespmem:s20], [sflag:$0x3] =	stream.indirect_vreg.gather [hbm4b:s31+s2], $0x80, v63, vm0, $0xb8;
	[tilespmem:$0x18400] =	vst v63  }
0x697: {  	s1 =	sadd.s32 $0x300, s9  }
0x698: {  	[tilespmem:s17], [sflag:$0x3] =	stream.indirect_vreg.gather [hbm4b:s1+s2], $0x80, v63, vm0, $0xb8;
	[tilespmem:$0x18400] =	vst v63  }
0x699: {  	_ = 	snop  }
0x69a: {  	[tilespmem:s29], [sflag:$0x3] =	stream.indirect_vreg.gather [hbm4b:s9+s2], $0x80, v1, vm0, $0xb8;
	[tilespmem:$0x18400] =	vst v63  }
0x69b: {  	_ = 	snop  }
0x69c: {  	[tilespmem:s3], [sflag:$0x3] =	stream.indirect_vreg.gather [hbm4b:s10+s2], $0x80, v1, vm0, $0xb8;
	[tilespmem:$0x18400] =	vst v63  }
0x69d: {  	_ = 	snop  }
0x69e: {  	[tilespmem:s4], [sflag:$0x3] =	stream.indirect_vreg.gather [hbm4b:s31+s2], $0x80, v1, vm0, $0xb8;
	[tilespmem:$0x18400] =	vst v63  }
0x69f: {  	_ = 	snop  }
0x6a0: {  	[tilespmem:s21], [sflag:$0x3] =	stream.indirect_vreg.gather [hbm4b:s1+s2], $0x80, v1, vm0, $0xb8;
	[tilespmem:$0x18400] =	vst v63  }
0x6a1: {  	v1 =	vld [tilespmem:$0x220];
	_ =	sdelay $0x4  }
0x6a2: {  	v63 =	vshll.u32 v1, $0x3  }
0x6a3: {  	v1 =	vand.u32 $0x7, v1;
	v63 =	vand.u32 $0xFFFFFFC0, v63  }
0x6a4: {  	v1 =	vor.u32 v1, v63  }
0x6a5: {  	v63 =	vperm.xlane v1, v60;
	_ =	sdelay $0x1  }
0x6a6: {  	v63 =	vadd.s32 v61, v63;
	_ =	sdelay $0x4  }
0x6a7: {  	[tilespmem:s22], [sflag:$0x3] =	stream.indirect_vreg.gather [hbm4b:s9+s2], $0x80, v63, vm0, $0xb8;
	[tilespmem:$0x18400] =	vst v63  }
0x6a8: {  	v1 =	vperm.xlane v1, v62  }
0x6a9: {  	[tilespmem:s23], [sflag:$0x3] =	stream.indirect_vreg.gather [hbm4b:s10+s2], $0x80, v63, vm0, $0xb8;
	[tilespmem:$0x18400] =	vst v63  }
0x6aa: {  	v1 =	vadd.s32 v61, v1  }
0x6ab: {  	[tilespmem:s5], [sflag:$0x3] =	stream.indirect_vreg.gather [hbm4b:s31+s2], $0x80, v63, vm0, $0xb8;
	[tilespmem:$0x18400] =	vst v63  }
0x6ac: {  	_ = 	snop  }
0x6ad: {  	[tilespmem:s6], [sflag:$0x3] =	stream.indirect_vreg.gather [hbm4b:s1+s2], $0x80, v63, vm0, $0xb8;
	[tilespmem:$0x18400] =	vst v63  }
0x6ae: {  	_ = 	snop  }
0x6af: {  	[tilespmem:s7], [sflag:$0x3] =	stream.indirect_vreg.gather [hbm4b:s9+s2], $0x80, v1, vm0, $0xb8;
	[tilespmem:$0x18400] =	vst v63  }
0x6b0: {  	_ = 	snop  }
0x6b1: {  	[tilespmem:s12], [sflag:$0x3] =	stream.indirect_vreg.gather [hbm4b:s10+s2], $0x80, v1, vm0, $0xb8;
	[tilespmem:$0x18400] =	vst v63  }
0x6b2: {  	_ = 	snop  }
0x6b3: {  	[tilespmem:s13], [sflag:$0x3] =	stream.indirect_vreg.gather [hbm4b:s31+s2], $0x80, v1, vm0, $0xb8;
	[tilespmem:$0x18400] =	vst v63  }
0x6b4: {  	_ = 	snop  }
0x6b5: {  	[tilespmem:s24], [sflag:$0x3] =	stream.indirect_vreg.gather [hbm4b:s1+s2], $0x80, v1, vm0, $0xb8;
	[tilespmem:$0x18400] =	vst v63  }
0x6b6: {  	v1 =	vld [tilespmem:$0x230];
	_ =	sdelay $0x4  }
0x6b7: {  	v63 =	vshll.u32 v1, $0x3  }
0x6b8: {  	v1 =	vand.u32 $0x7, v1;
	v63 =	vand.u32 $0xFFFFFFC0, v63  }
0x6b9: {  	v1 =	vor.u32 v1, v63  }
0x6ba: {  	v63 =	vperm.xlane v1, v60;
	_ =	sdelay $0x1  }
0x6bb: {  	v63 =	vadd.s32 v61, v63;
	_ =	sdelay $0x4  }
0x6bc: {  	[tilespmem:s25], [sflag:$0x3] =	stream.indirect_vreg.gather [hbm4b:s9+s2], $0x80, v63, vm0, $0xb8;
	[tilespmem:$0x18400] =	vst v63  }
0x6bd: {  	v1 =	vperm.xlane v1, v62  }
0x6be: {  	[tilespmem:s26], [sflag:$0x3] =	stream.indirect_vreg.gather [hbm4b:s10+s2], $0x80, v63, vm0, $0xb8;
	[tilespmem:$0x18400] =	vst v63  }
0x6bf: {  	v1 =	vadd.s32 v61, v1  }
0x6c0: {  	[tilespmem:s14], [sflag:$0x3] =	stream.indirect_vreg.gather [hbm4b:s31+s2], $0x80, v63, vm0, $0xb8;
	[tilespmem:$0x18400] =	vst v63  }
0x6c1: {  	_ = 	snop  }
0x6c2: {  	[tilespmem:s18], [sflag:$0x3] =	stream.indirect_vreg.gather [hbm4b:s1+s2], $0x80, v63, vm0, $0xb8;
	[tilespmem:$0x18400] =	vst v63  }
0x6c3: {  	_ = 	snop  }
0x6c4: {  	[tilespmem:s0], [sflag:$0x3] =	stream.indirect_vreg.gather [hbm4b:s9+s2], $0x80, v1, vm0, $0xb8;
	[tilespmem:$0x18400] =	vst v63  }
0x6c5: {  	_ = 	snop  }
0x6c6: {  	[tilespmem:s15], [sflag:$0x3] =	stream.indirect_vreg.gather [hbm4b:s10+s2], $0x80, v1, vm0, $0xb8;
	[tilespmem:$0x18400] =	vst v63  }
0x6c7: {  	_ = 	snop  }
0x6c8: {  	[tilespmem:s16], [sflag:$0x3] =	stream.indirect_vreg.gather [hbm4b:s31+s2], $0x80, v1, vm0, $0xb8;
	[tilespmem:$0x18400] =	vst v63  }
0x6c9: {  	_ = 	snop  }
0x6ca: {  	[tilespmem:s28], [sflag:$0x3] =	stream.indirect_vreg.gather [hbm4b:s1+s2], $0x80, v1, vm0, $0xb8;
	[tilespmem:$0x18400] =	vst v63  }
0x6cb: {  	v1 =	vperm.xlane v55, v60;
	[tilespmem:$0x300] =	vst v31  }
0x6cc: {  	[tilespmem:$0x310] =	vst v30  }
0x6cd: {  	s16 =	simm.s32 $0x2;
	[tilespmem:$0x320] =	vst v32;
	v1 =	vadd.s32 v61, v1  }
0x6ce: {  	_ =	swait.ge [sflag:s16], $0xC000  }
0x6cf: {  	s17 =	sld [smem:$0x7F9]  }
0x6d0: {  	[sflag:s16] =	ssyncset.done $0x0  }
0x6d1: {  	s25 =	simm.s32 $0x400;
	[sflag:s16] =	ssyncadd.s32 $0xFFFF4000  }
0x6d2: {  	[hbm4b:s17+s2] =	stream.indirect_vreg.scatter [tilespmem:s25], [sflag:$0x4], $0x80, v1, vm0, $0xb8;
	[tilespmem:$0x18400] =	vst v63  }
0x6d3: {  	s6 =	simm.s32 $0xC00;
	v63 =	vperm.xlane v55, v62;
	s28 =	sadd.s32 $0x100, s17  }
0x6d4: {  	[hbm4b:s28+s2] =	stream.indirect_vreg.scatter [tilespmem:s6], [sflag:$0x4], $0x80, v1, vm0, $0xb8;
	[tilespmem:$0x18400] =	vst v63  }
0x6d5: {  	s7 =	simm.s32 $0x1400;
	v63 =	vadd.s32 v61, v63;
	s29 =	sadd.s32 $0x200, s17  }
0x6d6: {  	[hbm4b:s29+s2] =	stream.indirect_vreg.scatter [tilespmem:s7], [sflag:$0x4], $0x80, v1, vm0, $0xb8;
	[tilespmem:$0x18400] =	vst v63  }
0x6d7: {  	s1 =	simm.s32 $0x1C00;
	s10 =	sadd.s32 $0x300, s17  }
0x6d8: {  	[hbm4b:s10+s2] =	stream.indirect_vreg.scatter [tilespmem:s1], [sflag:$0x4], $0x80, v1, vm0, $0xb8;
	[tilespmem:$0x18400] =	vst v63  }
0x6d9: {  	s3 =	simm.s32 $0x2400  }
0x6da: {  	[hbm4b:s17+s2] =	stream.indirect_vreg.scatter [tilespmem:s3], [sflag:$0x4], $0x80, v63, vm0, $0xb8;
	[tilespmem:$0x18400] =	vst v63  }
0x6db: {  	s4 =	simm.s32 $0x2C00  }
0x6dc: {  	[hbm4b:s28+s2] =	stream.indirect_vreg.scatter [tilespmem:s4], [sflag:$0x4], $0x80, v63, vm0, $0xb8;
	[tilespmem:$0x18400] =	vst v63  }
0x6dd: {  	s5 =	simm.s32 $0x3400  }
0x6de: {  	[hbm4b:s29+s2] =	stream.indirect_vreg.scatter [tilespmem:s5], [sflag:$0x4], $0x80, v63, vm0, $0xb8;
	[tilespmem:$0x18400] =	vst v63  }
0x6df: {  	s12 =	simm.s32 $0x3C00  }
0x6e0: {  	[hbm4b:s10+s2] =	stream.indirect_vreg.scatter [tilespmem:s12], [sflag:$0x4], $0x80, v63, vm0, $0xb8;
	[tilespmem:$0x18400] =	vst v63  }
0x6e1: {  	v1 =	vld [tilespmem:$0x310];
	_ =	sdelay $0x4  }
0x6e2: {  	v63 =	vshll.u32 v1, $0x3  }
0x6e3: {  	v1 =	vand.u32 $0x7, v1;
	v63 =	vand.u32 $0xFFFFFFC0, v63  }
0x6e4: {  	v1 =	vor.u32 v1, v63  }
0x6e5: {  	v63 =	vperm.xlane v1, v60;
	_ =	sdelay $0x1  }
0x6e6: {  	v63 =	vadd.s32 v61, v63;
	_ =	sdelay $0x3  }
0x6e7: {  	s19 =	simm.s32 $0x4400  }
0x6e8: {  	[hbm4b:s17+s2] =	stream.indirect_vreg.scatter [tilespmem:s19], [sflag:$0x4], $0x80, v63, vm0, $0xb8;
	[tilespmem:$0x18400] =	vst v63  }
0x6e9: {  	s20 =	simm.s32 $0x4C00;
	v1 =	vperm.xlane v1, v62  }
0x6ea: {  	[hbm4b:s28+s2] =	stream.indirect_vreg.scatter [tilespmem:s20], [sflag:$0x4], $0x80, v63, vm0, $0xb8;
	[tilespmem:$0x18400] =	vst v63  }
0x6eb: {  	s13 =	simm.s32 $0x5400;
	v1 =	vadd.s32 v61, v1  }
0x6ec: {  	[hbm4b:s29+s2] =	stream.indirect_vreg.scatter [tilespmem:s13], [sflag:$0x4], $0x80, v63, vm0, $0xb8;
	[tilespmem:$0x18400] =	vst v63  }
0x6ed: {  	s14 =	simm.s32 $0x5C00  }
0x6ee: {  	[hbm4b:s10+s2] =	stream.indirect_vreg.scatter [tilespmem:s14], [sflag:$0x4], $0x80, v63, vm0, $0xb8;
	[tilespmem:$0x18400] =	vst v63  }
0x6ef: {  	s15 =	simm.s32 $0x6400  }
0x6f0: {  	[hbm4b:s17+s2] =	stream.indirect_vreg.scatter [tilespmem:s15], [sflag:$0x4], $0x80, v1, vm0, $0xb8;
	[tilespmem:$0x18400] =	vst v63  }
0x6f1: {  	s16 =	simm.s32 $0x6C00  }
0x6f2: {  	[hbm4b:s28+s2] =	stream.indirect_vreg.scatter [tilespmem:s16], [sflag:$0x4], $0x80, v1, vm0, $0xb8;
	[tilespmem:$0x18400] =	vst v63  }
0x6f3: {  	s18 =	simm.s32 $0x7400  }
0x6f4: {  	[hbm4b:s29+s2] =	stream.indirect_vreg.scatter [tilespmem:s18], [sflag:$0x4], $0x80, v1, vm0, $0xb8;
	[tilespmem:$0x18400] =	vst v63  }
0x6f5: {  	s21 =	simm.s32 $0x7C00  }
0x6f6: {  	[hbm4b:s10+s2] =	stream.indirect_vreg.scatter [tilespmem:s21], [sflag:$0x4], $0x80, v1, vm0, $0xb8;
	[tilespmem:$0x18400] =	vst v63  }
0x6f7: {  	v1 =	vld [tilespmem:$0x320];
	_ =	sdelay $0x4  }
0x6f8: {  	v63 =	vshll.u32 v1, $0x3  }
0x6f9: {  	v1 =	vand.u32 $0x7, v1;
	v63 =	vand.u32 $0xFFFFFFC0, v63  }
0x6fa: {  	v1 =	vor.u32 v1, v63  }
0x6fb: {  	v63 =	vperm.xlane v1, v60;
	_ =	sdelay $0x1  }
0x6fc: {  	v63 =	vadd.s32 v61, v63;
	_ =	sdelay $0x3  }
0x6fd: {  	s24 =	simm.s32 $0x8400  }
0x6fe: {  	[hbm4b:s17+s2] =	stream.indirect_vreg.scatter [tilespmem:s24], [sflag:$0x4], $0x80, v63, vm0, $0xb8;
	[tilespmem:$0x18400] =	vst v63  }
0x6ff: {  	s23 =	simm.s32 $0x8C00;
	v1 =	vperm.xlane v1, v62  }
0x700: {  	[hbm4b:s28+s2] =	stream.indirect_vreg.scatter [tilespmem:s23], [sflag:$0x4], $0x80, v63, vm0, $0xb8;
	[tilespmem:$0x18400] =	vst v63  }
0x701: {  	s22 =	simm.s32 $0x9400;
	v1 =	vadd.s32 v61, v1  }
0x702: {  	[hbm4b:s29+s2] =	stream.indirect_vreg.scatter [tilespmem:s22], [sflag:$0x4], $0x80, v63, vm0, $0xb8;
	[tilespmem:$0x18400] =	vst v63  }
0x703: {  	s0 =	simm.s32 $0x9C00  }
0x704: {  	[hbm4b:s10+s2] =	stream.indirect_vreg.scatter [tilespmem:s0], [sflag:$0x4], $0x80, v63, vm0, $0xb8;
	[tilespmem:$0x18400] =	vst v63  }
0x705: {  	s26 =	simm.s32 $0xA400  }
0x706: {  	[hbm4b:s17+s2] =	stream.indirect_vreg.scatter [tilespmem:s26], [sflag:$0x4], $0x80, v1, vm0, $0xb8;
	[tilespmem:$0x18400] =	vst v63  }
0x707: {  	s17 =	simm.s32 $0xAC00  }
0x708: {  	[hbm4b:s28+s2] =	stream.indirect_vreg.scatter [tilespmem:s17], [sflag:$0x4], $0x80, v1, vm0, $0xb8;
	[tilespmem:$0x18400] =	vst v63  }
0x709: {  	s28 =	simm.s32 $0xB400  }
0x70a: {  	[hbm4b:s29+s2] =	stream.indirect_vreg.scatter [tilespmem:s28], [sflag:$0x4], $0x80, v1, vm0, $0xb8;
	[tilespmem:$0x18400] =	vst v63  }
0x70b: {  	s30 =	simm.s32 $0x4;
	s29 =	simm.s32 $0xBC00  }
0x70c: {  	[hbm4b:s10+s2] =	stream.indirect_vreg.scatter [tilespmem:s29], [sflag:$0x4], $0x80, v1, vm0, $0xb8;
	[tilespmem:$0x18400] =	vst v63  }
0x70d: {  	_ =	swait.ge [sflag:s30], $0xC000  }
0x70e: {  	[sflag:s30] =	ssyncset.done $0x0  }
0x70f: {  	[sflag:s30] =	ssyncadd.s32 $0xFFFF4000  }
0x710: {  	v1 =	vld [tilespmem:$0x240];
	_ =	sdelay $0x4  }
0x711: {  	v63 =	vshll.u32 v1, $0x3  }
0x712: {  	v1 =	vand.u32 $0x7, v1;
	v63 =	vand.u32 $0xFFFFFFC0, v63  }
0x713: {  	v1 =	vor.u32 v1, v63  }
0x714: {  	v63 =	vperm.xlane v1, v60;
	_ =	sdelay $0x1  }
0x715: {  	v63 =	vadd.s32 v61, v63;
	_ =	sdelay $0x1  }
0x716: {  	s10 =	sld [smem:$0x7DE];
	_ =	sdelay $0x2  }
0x717: {  	[tilespmem:s25], [sflag:$0x2] =	stream.indirect_vreg.gather [hbm4b:s10+s2], $0x80, v63, vm0, $0xb8;
	[tilespmem:$0x18400] =	vst v63  }
0x718: {  	s30 =	sadd.s32 $0x100, s10;
	v1 =	vperm.xlane v1, v62  }
0x719: {  	[tilespmem:s6], [sflag:$0x2] =	stream.indirect_vreg.gather [hbm4b:s30+s2], $0x80, v63, vm0, $0xb8;
	[tilespmem:$0x18400] =	vst v63  }
0x71a: {  	v1 =	vadd.s32 v61, v1;
	s6 =	sadd.s32 $0x200, s10  }
0x71b: {  	[tilespmem:s7], [sflag:$0x2] =	stream.indirect_vreg.gather [hbm4b:s6+s2], $0x80, v63, vm0, $0xb8;
	[tilespmem:$0x18400] =	vst v63  }
0x71c: {  	s7 =	sadd.s32 $0x300, s10  }
0x71d: {  	[tilespmem:s1], [sflag:$0x2] =	stream.indirect_vreg.gather [hbm4b:s7+s2], $0x80, v63, vm0, $0xb8;
	[tilespmem:$0x18400] =	vst v63  }
0x71e: {  	_ = 	snop  }
0x71f: {  	[tilespmem:s3], [sflag:$0x2] =	stream.indirect_vreg.gather [hbm4b:s10+s2], $0x80, v1, vm0, $0xb8;
	[tilespmem:$0x18400] =	vst v63  }
0x720: {  	_ = 	snop  }
0x721: {  	[tilespmem:s4], [sflag:$0x2] =	stream.indirect_vreg.gather [hbm4b:s30+s2], $0x80, v1, vm0, $0xb8;
	[tilespmem:$0x18400] =	vst v63  }
0x722: {  	_ = 	snop  }
0x723: {  	[tilespmem:s5], [sflag:$0x2] =	stream.indirect_vreg.gather [hbm4b:s6+s2], $0x80, v1, vm0, $0xb8;
	[tilespmem:$0x18400] =	vst v63  }
0x724: {  	_ = 	snop  }
0x725: {  	[tilespmem:s12], [sflag:$0x2] =	stream.indirect_vreg.gather [hbm4b:s7+s2], $0x80, v1, vm0, $0xb8;
	[tilespmem:$0x18400] =	vst v63  }
0x726: {  	v1 =	vld [tilespmem:$0x250];
	_ =	sdelay $0x4  }
0x727: {  	v63 =	vshll.u32 v1, $0x3  }
0x728: {  	v1 =	vand.u32 $0x7, v1;
	v63 =	vand.u32 $0xFFFFFFC0, v63  }
0x729: {  	v1 =	vor.u32 v1, v63  }
0x72a: {  	v63 =	vperm.xlane v1, v60;
	_ =	sdelay $0x1  }
0x72b: {  	v63 =	vadd.s32 v61, v63;
	_ =	sdelay $0x4  }
0x72c: {  	[tilespmem:s19], [sflag:$0x2] =	stream.indirect_vreg.gather [hbm4b:s10+s2], $0x80, v63, vm0, $0xb8;
	[tilespmem:$0x18400] =	vst v63  }
0x72d: {  	v1 =	vperm.xlane v1, v62  }
0x72e: {  	[tilespmem:s20], [sflag:$0x2] =	stream.indirect_vreg.gather [hbm4b:s30+s2], $0x80, v63, vm0, $0xb8;
	[tilespmem:$0x18400] =	vst v63  }
0x72f: {  	v1 =	vadd.s32 v61, v1  }
0x730: {  	[tilespmem:s13], [sflag:$0x2] =	stream.indirect_vreg.gather [hbm4b:s6+s2], $0x80, v63, vm0, $0xb8;
	[tilespmem:$0x18400] =	vst v63  }
0x731: {  	_ = 	snop  }
0x732: {  	[tilespmem:s14], [sflag:$0x2] =	stream.indirect_vreg.gather [hbm4b:s7+s2], $0x80, v63, vm0, $0xb8;
	[tilespmem:$0x18400] =	vst v63  }
0x733: {  	_ = 	snop  }
0x734: {  	[tilespmem:s15], [sflag:$0x2] =	stream.indirect_vreg.gather [hbm4b:s10+s2], $0x80, v1, vm0, $0xb8;
	[tilespmem:$0x18400] =	vst v63  }
0x735: {  	_ = 	snop  }
0x736: {  	[tilespmem:s16], [sflag:$0x2] =	stream.indirect_vreg.gather [hbm4b:s30+s2], $0x80, v1, vm0, $0xb8;
	[tilespmem:$0x18400] =	vst v63  }
0x737: {  	_ = 	snop  }
0x738: {  	[tilespmem:s18], [sflag:$0x2] =	stream.indirect_vreg.gather [hbm4b:s6+s2], $0x80, v1, vm0, $0xb8;
	[tilespmem:$0x18400] =	vst v63  }
0x739: {  	_ = 	snop  }
0x73a: {  	[tilespmem:s21], [sflag:$0x2] =	stream.indirect_vreg.gather [hbm4b:s7+s2], $0x80, v1, vm0, $0xb8;
	[tilespmem:$0x18400] =	vst v63  }
0x73b: {  	v1 =	vld [tilespmem:$0x260];
	_ =	sdelay $0x4  }
0x73c: {  	v63 =	vshll.u32 v1, $0x3  }
0x73d: {  	v1 =	vand.u32 $0x7, v1;
	v63 =	vand.u32 $0xFFFFFFC0, v63  }
0x73e: {  	v1 =	vor.u32 v1, v63  }
0x73f: {  	v63 =	vperm.xlane v1, v60;
	_ =	sdelay $0x1  }
0x740: {  	v63 =	vadd.s32 v61, v63;
	_ =	sdelay $0x4  }
0x741: {  	[tilespmem:s24], [sflag:$0x2] =	stream.indirect_vreg.gather [hbm4b:s10+s2], $0x80, v63, vm0, $0xb8;
	[tilespmem:$0x18400] =	vst v63  }
0x742: {  	v1 =	vperm.xlane v1, v62  }
0x743: {  	[tilespmem:s23], [sflag:$0x2] =	stream.indirect_vreg.gather [hbm4b:s30+s2], $0x80, v63, vm0, $0xb8;
	[tilespmem:$0x18400] =	vst v63  }
0x744: {  	v1 =	vadd.s32 v61, v1  }
0x745: {  	[tilespmem:s22], [sflag:$0x2] =	stream.indirect_vreg.gather [hbm4b:s6+s2], $0x80, v63, vm0, $0xb8;
	[tilespmem:$0x18400] =	vst v63  }
0x746: {  	_ = 	snop  }
0x747: {  	[tilespmem:s0], [sflag:$0x2] =	stream.indirect_vreg.gather [hbm4b:s7+s2], $0x80, v63, vm0, $0xb8;
	[tilespmem:$0x18400] =	vst v63  }
0x748: {  	_ = 	snop  }
0x749: {  	[tilespmem:s26], [sflag:$0x2] =	stream.indirect_vreg.gather [hbm4b:s10+s2], $0x80, v1, vm0, $0xb8;
	[tilespmem:$0x18400] =	vst v63  }
0x74a: {  	_ = 	snop  }
0x74b: {  	[tilespmem:s17], [sflag:$0x2] =	stream.indirect_vreg.gather [hbm4b:s30+s2], $0x80, v1, vm0, $0xb8;
	[tilespmem:$0x18400] =	vst v63  }
0x74c: {  	_ = 	snop  }
0x74d: {  	[tilespmem:s28], [sflag:$0x2] =	stream.indirect_vreg.gather [hbm4b:s6+s2], $0x80, v1, vm0, $0xb8;
	[tilespmem:$0x18400] =	vst v63  }
0x74e: {  	_ = 	snop  }
0x74f: {  	[tilespmem:s29], [sflag:$0x2] =	stream.indirect_vreg.gather [hbm4b:s7+s2], $0x80, v1, vm0, $0xb8;
	[tilespmem:$0x18400] =	vst v63  }
0x750: {  	v1 =	vperm.xlane v56, v60;
	[tilespmem:$0x380] =	vst v34  }
0x751: {  	[tilespmem:$0x390] =	vst v33  }
0x752: {  	s15 =	simm.s32 $0x3;
	[tilespmem:$0x3A0] =	vst v35;
	v1 =	vadd.s32 v61, v1  }
0x753: {  	_ =	swait.ge [sflag:s15], $0xC000  }
0x754: {  	s16 =	sld [smem:$0x7FA]  }
0x755: {  	[sflag:s15] =	ssyncset.done $0x0  }
0x756: {  	s1 =	simm.s32 $0xC400;
	[sflag:s15] =	ssyncadd.s32 $0xFFFF4000  }
0x757: {  	[hbm4b:s16+s2] =	stream.indirect_vreg.scatter [tilespmem:s1], [sflag:$0x5], $0x80, v1, vm0, $0xb8;
	[tilespmem:$0x18400] =	vst v63  }
0x758: {  	s19 =	simm.s32 $0xCC00;
	v63 =	vperm.xlane v56, v62;
	s17 =	sadd.s32 $0x100, s16  }
0x759: {  	[hbm4b:s17+s2] =	stream.indirect_vreg.scatter [tilespmem:s19], [sflag:$0x5], $0x80, v1, vm0, $0xb8;
	[tilespmem:$0x18400] =	vst v63  }
0x75a: {  	s20 =	simm.s32 $0xD400;
	v63 =	vadd.s32 v61, v63;
	s28 =	sadd.s32 $0x200, s16  }
0x75b: {  	[hbm4b:s28+s2] =	stream.indirect_vreg.scatter [tilespmem:s20], [sflag:$0x5], $0x80, v1, vm0, $0xb8;
	[tilespmem:$0x18400] =	vst v63  }
0x75c: {  	s29 =	simm.s32 $0xDC00;
	s30 =	sadd.s32 $0x300, s16  }
0x75d: {  	[hbm4b:s30+s2] =	stream.indirect_vreg.scatter [tilespmem:s29], [sflag:$0x5], $0x80, v1, vm0, $0xb8;
	[tilespmem:$0x18400] =	vst v63  }
0x75e: {  	s3 =	simm.s32 $0xE400  }
0x75f: {  	[hbm4b:s16+s2] =	stream.indirect_vreg.scatter [tilespmem:s3], [sflag:$0x5], $0x80, v63, vm0, $0xb8;
	[tilespmem:$0x18400] =	vst v63  }
0x760: {  	s4 =	simm.s32 $0xEC00  }
0x761: {  	[hbm4b:s17+s2] =	stream.indirect_vreg.scatter [tilespmem:s4], [sflag:$0x5], $0x80, v63, vm0, $0xb8;
	[tilespmem:$0x18400] =	vst v63  }
0x762: {  	s5 =	simm.s32 $0xF400  }
0x763: {  	[hbm4b:s28+s2] =	stream.indirect_vreg.scatter [tilespmem:s5], [sflag:$0x5], $0x80, v63, vm0, $0xb8;
	[tilespmem:$0x18400] =	vst v63  }
0x764: {  	s21 =	simm.s32 $0xFC00  }
0x765: {  	[hbm4b:s30+s2] =	stream.indirect_vreg.scatter [tilespmem:s21], [sflag:$0x5], $0x80, v63, vm0, $0xb8;
	[tilespmem:$0x18400] =	vst v63  }
0x766: {  	v1 =	vld [tilespmem:$0x390];
	_ =	sdelay $0x4  }
0x767: {  	v63 =	vshll.u32 v1, $0x3  }
0x768: {  	v1 =	vand.u32 $0x7, v1;
	v63 =	vand.u32 $0xFFFFFFC0, v63  }
0x769: {  	v1 =	vor.u32 v1, v63  }
0x76a: {  	v63 =	vperm.xlane v1, v60;
	_ =	sdelay $0x1  }
0x76b: {  	v63 =	vadd.s32 v61, v63;
	_ =	sdelay $0x3  }
0x76c: {  	s22 =	simm.s32 $0x10400  }
0x76d: {  	[hbm4b:s16+s2] =	stream.indirect_vreg.scatter [tilespmem:s22], [sflag:$0x5], $0x80, v63, vm0, $0xb8;
	[tilespmem:$0x18400] =	vst v63  }
0x76e: {  	s23 =	simm.s32 $0x10C00;
	v1 =	vperm.xlane v1, v62  }
0x76f: {  	[hbm4b:s17+s2] =	stream.indirect_vreg.scatter [tilespmem:s23], [sflag:$0x5], $0x80, v63, vm0, $0xb8;
	[tilespmem:$0x18400] =	vst v63  }
0x770: {  	s6 =	simm.s32 $0x11400;
	v1 =	vadd.s32 v61, v1  }
0x771: {  	[hbm4b:s28+s2] =	stream.indirect_vreg.scatter [tilespmem:s6], [sflag:$0x5], $0x80, v63, vm0, $0xb8;
	[tilespmem:$0x18400] =	vst v63  }
0x772: {  	s7 =	simm.s32 $0x11C00  }
0x773: {  	[hbm4b:s30+s2] =	stream.indirect_vreg.scatter [tilespmem:s7], [sflag:$0x5], $0x80, v63, vm0, $0xb8;
	[tilespmem:$0x18400] =	vst v63  }
0x774: {  	s12 =	simm.s32 $0x12400  }
0x775: {  	[hbm4b:s16+s2] =	stream.indirect_vreg.scatter [tilespmem:s12], [sflag:$0x5], $0x80, v1, vm0, $0xb8;
	[tilespmem:$0x18400] =	vst v63  }
0x776: {  	s13 =	simm.s32 $0x12C00  }
0x777: {  	[hbm4b:s17+s2] =	stream.indirect_vreg.scatter [tilespmem:s13], [sflag:$0x5], $0x80, v1, vm0, $0xb8;
	[tilespmem:$0x18400] =	vst v63  }
0x778: {  	s14 =	simm.s32 $0x13400  }
0x779: {  	[hbm4b:s28+s2] =	stream.indirect_vreg.scatter [tilespmem:s14], [sflag:$0x5], $0x80, v1, vm0, $0xb8;
	[tilespmem:$0x18400] =	vst v63  }
0x77a: {  	s24 =	simm.s32 $0x13C00  }
0x77b: {  	[hbm4b:s30+s2] =	stream.indirect_vreg.scatter [tilespmem:s24], [sflag:$0x5], $0x80, v1, vm0, $0xb8;
	[tilespmem:$0x18400] =	vst v63  }
0x77c: {  	v1 =	vld [tilespmem:$0x3A0];
	_ =	sdelay $0x4  }
0x77d: {  	v63 =	vshll.u32 v1, $0x3  }
0x77e: {  	v1 =	vand.u32 $0x7, v1;
	v63 =	vand.u32 $0xFFFFFFC0, v63  }
0x77f: {  	v1 =	vor.u32 v1, v63  }
0x780: {  	v63 =	vperm.xlane v1, v60;
	_ =	sdelay $0x1  }
0x781: {  	v63 =	vadd.s32 v61, v63;
	_ =	sdelay $0x3  }
0x782: {  	s25 =	simm.s32 $0x14400  }
0x783: {  	[hbm4b:s16+s2] =	stream.indirect_vreg.scatter [tilespmem:s25], [sflag:$0x5], $0x80, v63, vm0, $0xb8;
	[tilespmem:$0x18400] =	vst v63  }
0x784: {  	s26 =	simm.s32 $0x14C00;
	v1 =	vperm.xlane v1, v62  }
0x785: {  	[hbm4b:s17+s2] =	stream.indirect_vreg.scatter [tilespmem:s26], [sflag:$0x5], $0x80, v63, vm0, $0xb8;
	[tilespmem:$0x18400] =	vst v63  }
0x786: {  	s15 =	simm.s32 $0x15400;
	v1 =	vadd.s32 v61, v1  }
0x787: {  	[hbm4b:s28+s2] =	stream.indirect_vreg.scatter [tilespmem:s15], [sflag:$0x5], $0x80, v63, vm0, $0xb8;
	[tilespmem:$0x18400] =	vst v63  }
0x788: {  	s18 =	simm.s32 $0x15C00  }
0x789: {  	[hbm4b:s30+s2] =	stream.indirect_vreg.scatter [tilespmem:s18], [sflag:$0x5], $0x80, v63, vm0, $0xb8;
	[tilespmem:$0x18400] =	vst v63  }
0x78a: {  	s0 =	simm.s32 $0x16400  }
0x78b: {  	[hbm4b:s16+s2] =	stream.indirect_vreg.scatter [tilespmem:s0], [sflag:$0x5], $0x80, v1, vm0, $0xb8;
	[tilespmem:$0x18400] =	vst v63  }
0x78c: {  	s16 =	simm.s32 $0x16C00  }
0x78d: {  	[hbm4b:s17+s2] =	stream.indirect_vreg.scatter [tilespmem:s16], [sflag:$0x5], $0x80, v1, vm0, $0xb8;
	[tilespmem:$0x18400] =	vst v63  }
0x78e: {  	s17 =	simm.s32 $0x17400  }
0x78f: {  	[hbm4b:s28+s2] =	stream.indirect_vreg.scatter [tilespmem:s17], [sflag:$0x5], $0x80, v1, vm0, $0xb8;
	[tilespmem:$0x18400] =	vst v63  }
0x790: {  	s28 =	simm.s32 $0x17C00  }
0x791: {  	[hbm4b:s30+s2] =	stream.indirect_vreg.scatter [tilespmem:s28], [sflag:$0x5], $0x80, v1, vm0, $0xb8;
	[tilespmem:$0x18400] =	vst v63  }
0x792: {  	s30 =	simm.s32 $0x5  }
0x793: {  	_ =	swait.ge [sflag:s30], $0xC000  }
0x794: {  	[sflag:s30] =	ssyncset.done $0x0  }
0x795: {  	[sflag:s30] =	ssyncadd.s32 $0xFFFF4000  }
0x796: {  	v1 =	vld [tilespmem:$0x270];
	_ =	sdelay $0x4  }
0x797: {  	v63 =	vshll.u32 v1, $0x3  }
0x798: {  	v1 =	vand.u32 $0x7, v1;
	v63 =	vand.u32 $0xFFFFFFC0, v63  }
0x799: {  	v1 =	vor.u32 v1, v63  }
0x79a: {  	v63 =	vperm.xlane v1, v60;
	_ =	sdelay $0x1  }
0x79b: {  	v63 =	vadd.s32 v61, v63;
	_ =	sdelay $0x1  }
0x79c: {  	s9 =	sld [smem:$0x7DF];
	_ =	sdelay $0x2  }
0x79d: {  	[tilespmem:s1], [sflag:$0x3] =	stream.indirect_vreg.gather [hbm4b:s9+s2], $0x80, v63, vm0, $0xb8;
	[tilespmem:$0x18400] =	vst v63  }
0x79e: {  	s10 =	sadd.s32 $0x100, s9;
	v1 =	vperm.xlane v1, v62  }
0x79f: {  	[tilespmem:s19], [sflag:$0x3] =	stream.indirect_vreg.gather [hbm4b:s10+s2], $0x80, v63, vm0, $0xb8;
	[tilespmem:$0x18400] =	vst v63  }
0x7a0: {  	v1 =	vadd.s32 v61, v1;
	s19 =	sadd.s32 $0x200, s9  }
0x7a1: {  	[tilespmem:s20], [sflag:$0x3] =	stream.indirect_vreg.gather [hbm4b:s19+s2], $0x80, v63, vm0, $0xb8;
	[tilespmem:$0x18400] =	vst v63  }
0x7a2: {  	s20 =	sadd.s32 $0x300, s9  }
0x7a3: {  	[tilespmem:s29], [sflag:$0x3] =	stream.indirect_vreg.gather [hbm4b:s20+s2], $0x80, v63, vm0, $0xb8;
	[tilespmem:$0x18400] =	vst v63  }
0x7a4: {  	_ = 	snop  }
0x7a5: {  	[tilespmem:s3], [sflag:$0x3] =	stream.indirect_vreg.gather [hbm4b:s9+s2], $0x80, v1, vm0, $0xb8;
	[tilespmem:$0x18400] =	vst v63  }
0x7a6: {  	_ = 	snop  }
0x7a7: {  	[tilespmem:s4], [sflag:$0x3] =	stream.indirect_vreg.gather [hbm4b:s10+s2], $0x80, v1, vm0, $0xb8;
	[tilespmem:$0x18400] =	vst v63  }
0x7a8: {  	_ = 	snop  }
0x7a9: {  	[tilespmem:s5], [sflag:$0x3] =	stream.indirect_vreg.gather [hbm4b:s19+s2], $0x80, v1, vm0, $0xb8;
	[tilespmem:$0x18400] =	vst v63  }
0x7aa: {  	_ = 	snop  }
0x7ab: {  	[tilespmem:s21], [sflag:$0x3] =	stream.indirect_vreg.gather [hbm4b:s20+s2], $0x80, v1, vm0, $0xb8;
	[tilespmem:$0x18400] =	vst v63  }
0x7ac: {  	v1 =	vld [tilespmem:$0x280];
	_ =	sdelay $0x4  }
0x7ad: {  	v63 =	vshll.u32 v1, $0x3  }
0x7ae: {  	v1 =	vand.u32 $0x7, v1;
	v63 =	vand.u32 $0xFFFFFFC0, v63  }
0x7af: {  	v1 =	vor.u32 v1, v63  }
0x7b0: {  	v63 =	vperm.xlane v1, v60;
	_ =	sdelay $0x1  }
0x7b1: {  	v63 =	vadd.s32 v61, v63;
	_ =	sdelay $0x4  }
0x7b2: {  	[tilespmem:s22], [sflag:$0x3] =	stream.indirect_vreg.gather [hbm4b:s9+s2], $0x80, v63, vm0, $0xb8;
	[tilespmem:$0x18400] =	vst v63  }
0x7b3: {  	v1 =	vperm.xlane v1, v62  }
0x7b4: {  	[tilespmem:s23], [sflag:$0x3] =	stream.indirect_vreg.gather [hbm4b:s10+s2], $0x80, v63, vm0, $0xb8;
	[tilespmem:$0x18400] =	vst v63  }
0x7b5: {  	v1 =	vadd.s32 v61, v1  }
0x7b6: {  	[tilespmem:s6], [sflag:$0x3] =	stream.indirect_vreg.gather [hbm4b:s19+s2], $0x80, v63, vm0, $0xb8;
	[tilespmem:$0x18400] =	vst v63  }
0x7b7: {  	_ = 	snop  }
0x7b8: {  	[tilespmem:s7], [sflag:$0x3] =	stream.indirect_vreg.gather [hbm4b:s20+s2], $0x80, v63, vm0, $0xb8;
	[tilespmem:$0x18400] =	vst v63  }
0x7b9: {  	_ = 	snop  }
0x7ba: {  	[tilespmem:s12], [sflag:$0x3] =	stream.indirect_vreg.gather [hbm4b:s9+s2], $0x80, v1, vm0, $0xb8;
	[tilespmem:$0x18400] =	vst v63  }
0x7bb: {  	_ = 	snop  }
0x7bc: {  	[tilespmem:s13], [sflag:$0x3] =	stream.indirect_vreg.gather [hbm4b:s10+s2], $0x80, v1, vm0, $0xb8;
	[tilespmem:$0x18400] =	vst v63  }
0x7bd: {  	_ = 	snop  }
0x7be: {  	[tilespmem:s14], [sflag:$0x3] =	stream.indirect_vreg.gather [hbm4b:s19+s2], $0x80, v1, vm0, $0xb8;
	[tilespmem:$0x18400] =	vst v63  }
0x7bf: {  	_ = 	snop  }
0x7c0: {  	[tilespmem:s24], [sflag:$0x3] =	stream.indirect_vreg.gather [hbm4b:s20+s2], $0x80, v1, vm0, $0xb8;
	[tilespmem:$0x18400] =	vst v63  }
0x7c1: {  	v1 =	vld [tilespmem:$0x290];
	_ =	sdelay $0x4  }
0x7c2: {  	v63 =	vshll.u32 v1, $0x3  }
0x7c3: {  	v1 =	vand.u32 $0x7, v1;
	v63 =	vand.u32 $0xFFFFFFC0, v63  }
0x7c4: {  	v1 =	vor.u32 v1, v63  }
0x7c5: {  	v63 =	vperm.xlane v1, v60;
	_ =	sdelay $0x1  }
0x7c6: {  	v63 =	vadd.s32 v61, v63;
	_ =	sdelay $0x4  }
0x7c7: {  	[tilespmem:s25], [sflag:$0x3] =	stream.indirect_vreg.gather [hbm4b:s9+s2], $0x80, v63, vm0, $0xb8;
	[tilespmem:$0x18400] =	vst v63  }
0x7c8: {  	v1 =	vperm.xlane v1, v62  }
0x7c9: {  	[tilespmem:s26], [sflag:$0x3] =	stream.indirect_vreg.gather [hbm4b:s10+s2], $0x80, v63, vm0, $0xb8;
	[tilespmem:$0x18400] =	vst v63  }
0x7ca: {  	v1 =	vadd.s32 v61, v1  }
0x7cb: {  	[tilespmem:s15], [sflag:$0x3] =	stream.indirect_vreg.gather [hbm4b:s19+s2], $0x80, v63, vm0, $0xb8;
	[tilespmem:$0x18400] =	vst v63  }
0x7cc: {  	_ = 	snop  }
0x7cd: {  	[tilespmem:s18], [sflag:$0x3] =	stream.indirect_vreg.gather [hbm4b:s20+s2], $0x80, v63, vm0, $0xb8;
	[tilespmem:$0x18400] =	vst v63  }
0x7ce: {  	_ = 	snop  }
0x7cf: {  	[tilespmem:s0], [sflag:$0x3] =	stream.indirect_vreg.gather [hbm4b:s9+s2], $0x80, v1, vm0, $0xb8;
	[tilespmem:$0x18400] =	vst v63  }
0x7d0: {  	_ = 	snop  }
0x7d1: {  	[tilespmem:s16], [sflag:$0x3] =	stream.indirect_vreg.gather [hbm4b:s10+s2], $0x80, v1, vm0, $0xb8;
	[tilespmem:$0x18400] =	vst v63  }
0x7d2: {  	_ = 	snop  }
0x7d3: {  	[tilespmem:s17], [sflag:$0x3] =	stream.indirect_vreg.gather [hbm4b:s19+s2], $0x80, v1, vm0, $0xb8;
	[tilespmem:$0x18400] =	vst v63  }
0x7d4: {  	_ = 	snop  }
0x7d5: {  	[tilespmem:s28], [sflag:$0x3] =	stream.indirect_vreg.gather [hbm4b:s20+s2], $0x80, v1, vm0, $0xb8;
	[tilespmem:$0x18400] =	vst v63  }
0x7d6: {  	v1 =	vperm.xlane v57, v60;
	[tilespmem:$0x300] =	vst v37  }
0x7d7: {  	[tilespmem:$0x310] =	vst v36  }
0x7d8: {  	s31 =	simm.s32 $0x2;
	[tilespmem:$0x320] =	vst v38;
	v1 =	vadd.s32 v61, v1  }
0x7d9: {  	_ =	swait.ge [sflag:s31], $0xC000  }
0x7da: {  	s26 =	sld [smem:$0x7FB]  }
0x7db: {  	[sflag:s31] =	ssyncset.done $0x0  }
0x7dc: {  	s3 =	simm.s32 $0x400;
	[sflag:s31] =	ssyncadd.s32 $0xFFFF4000  }
0x7dd: {  	[hbm4b:s26+s2] =	stream.indirect_vreg.scatter [tilespmem:s3], [sflag:$0x4], $0x80, v1, vm0, $0xb8;
	[tilespmem:$0x18400] =	vst v63  }
0x7de: {  	s7 =	simm.s32 $0xC00;
	v63 =	vperm.xlane v57, v62;
	s28 =	sadd.s32 $0x100, s26  }
0x7df: {  	[hbm4b:s28+s2] =	stream.indirect_vreg.scatter [tilespmem:s7], [sflag:$0x4], $0x80, v1, vm0, $0xb8;
	[tilespmem:$0x18400] =	vst v63  }
0x7e0: {  	s12 =	simm.s32 $0x1400;
	v63 =	vadd.s32 v61, v63;
	s29 =	sadd.s32 $0x200, s26  }
0x7e1: {  	[hbm4b:s29+s2] =	stream.indirect_vreg.scatter [tilespmem:s12], [sflag:$0x4], $0x80, v1, vm0, $0xb8;
	[tilespmem:$0x18400] =	vst v63  }
0x7e2: {  	s30 =	simm.s32 $0x1C00;
	s0 =	sadd.s32 $0x300, s26  }
0x7e3: {  	[hbm4b:s0+s2] =	stream.indirect_vreg.scatter [tilespmem:s30], [sflag:$0x4], $0x80, v1, vm0, $0xb8;
	[tilespmem:$0x18400] =	vst v63  }
0x7e4: {  	s4 =	simm.s32 $0x2400  }
0x7e5: {  	[hbm4b:s26+s2] =	stream.indirect_vreg.scatter [tilespmem:s4], [sflag:$0x4], $0x80, v63, vm0, $0xb8;
	[tilespmem:$0x18400] =	vst v63  }
0x7e6: {  	s5 =	simm.s32 $0x2C00  }
0x7e7: {  	[hbm4b:s28+s2] =	stream.indirect_vreg.scatter [tilespmem:s5], [sflag:$0x4], $0x80, v63, vm0, $0xb8;
	[tilespmem:$0x18400] =	vst v63  }
0x7e8: {  	s6 =	simm.s32 $0x3400  }
0x7e9: {  	[hbm4b:s29+s2] =	stream.indirect_vreg.scatter [tilespmem:s6], [sflag:$0x4], $0x80, v63, vm0, $0xb8;
	[tilespmem:$0x18400] =	vst v63  }
0x7ea: {  	s13 =	simm.s32 $0x3C00  }
0x7eb: {  	[hbm4b:s0+s2] =	stream.indirect_vreg.scatter [tilespmem:s13], [sflag:$0x4], $0x80, v63, vm0, $0xb8;
	[tilespmem:$0x18400] =	vst v63  }
0x7ec: {  	v1 =	vld [tilespmem:$0x310];
	_ =	sdelay $0x4  }
0x7ed: {  	v63 =	vshll.u32 v1, $0x3  }
0x7ee: {  	v1 =	vand.u32 $0x7, v1;
	v63 =	vand.u32 $0xFFFFFFC0, v63  }
0x7ef: {  	v1 =	vor.u32 v1, v63  }
0x7f0: {  	v63 =	vperm.xlane v1, v60;
	_ =	sdelay $0x1  }
0x7f1: {  	v63 =	vadd.s32 v61, v63;
	_ =	sdelay $0x3  }
0x7f2: {  	s20 =	simm.s32 $0x4400  }
0x7f3: {  	[hbm4b:s26+s2] =	stream.indirect_vreg.scatter [tilespmem:s20], [sflag:$0x4], $0x80, v63, vm0, $0xb8;
	[tilespmem:$0x18400] =	vst v63  }
0x7f4: {  	s21 =	simm.s32 $0x4C00;
	v1 =	vperm.xlane v1, v62  }
0x7f5: {  	[hbm4b:s28+s2] =	stream.indirect_vreg.scatter [tilespmem:s21], [sflag:$0x4], $0x80, v63, vm0, $0xb8;
	[tilespmem:$0x18400] =	vst v63  }
0x7f6: {  	s14 =	simm.s32 $0x5400;
	v1 =	vadd.s32 v61, v1  }
0x7f7: {  	[hbm4b:s29+s2] =	stream.indirect_vreg.scatter [tilespmem:s14], [sflag:$0x4], $0x80, v63, vm0, $0xb8;
	[tilespmem:$0x18400] =	vst v63  }
0x7f8: {  	s15 =	simm.s32 $0x5C00  }
0x7f9: {  	[hbm4b:s0+s2] =	stream.indirect_vreg.scatter [tilespmem:s15], [sflag:$0x4], $0x80, v63, vm0, $0xb8;
	[tilespmem:$0x18400] =	vst v63  }
0x7fa: {  	s16 =	simm.s32 $0x6400  }
0x7fb: {  	[hbm4b:s26+s2] =	stream.indirect_vreg.scatter [tilespmem:s16], [sflag:$0x4], $0x80, v1, vm0, $0xb8;
	[tilespmem:$0x18400] =	vst v63  }
0x7fc: {  	s17 =	simm.s32 $0x6C00  }
0x7fd: {  	[hbm4b:s28+s2] =	stream.indirect_vreg.scatter [tilespmem:s17], [sflag:$0x4], $0x80, v1, vm0, $0xb8;
	[tilespmem:$0x18400] =	vst v63  }
0x7fe: {  	s19 =	simm.s32 $0x7400  }
0x7ff: {  	[hbm4b:s29+s2] =	stream.indirect_vreg.scatter [tilespmem:s19], [sflag:$0x4], $0x80, v1, vm0, $0xb8;
	[tilespmem:$0x18400] =	vst v63  }
0x800: {  	s22 =	simm.s32 $0x7C00  }
0x801: {  	[hbm4b:s0+s2] =	stream.indirect_vreg.scatter [tilespmem:s22], [sflag:$0x4], $0x80, v1, vm0, $0xb8;
	[tilespmem:$0x18400] =	vst v63  }
0x802: {  	v1 =	vld [tilespmem:$0x320];
	_ =	sdelay $0x4  }
0x803: {  	v63 =	vshll.u32 v1, $0x3  }
0x804: {  	v1 =	vand.u32 $0x7, v1;
	v63 =	vand.u32 $0xFFFFFFC0, v63  }
0x805: {  	v1 =	vor.u32 v1, v63  }
0x806: {  	v63 =	vperm.xlane v1, v60;
	_ =	sdelay $0x1  }
0x807: {  	v63 =	vadd.s32 v61, v63;
	_ =	sdelay $0x3  }
0x808: {  	s25 =	simm.s32 $0x8400  }
0x809: {  	[hbm4b:s26+s2] =	stream.indirect_vreg.scatter [tilespmem:s25], [sflag:$0x4], $0x80, v63, vm0, $0xb8;
	[tilespmem:$0x18400] =	vst v63  }
0x80a: {  	s24 =	simm.s32 $0x8C00;
	v1 =	vperm.xlane v1, v62  }
0x80b: {  	[hbm4b:s28+s2] =	stream.indirect_vreg.scatter [tilespmem:s24], [sflag:$0x4], $0x80, v63, vm0, $0xb8;
	[tilespmem:$0x18400] =	vst v63  }
0x80c: {  	s23 =	simm.s32 $0x9400;
	v1 =	vadd.s32 v61, v1  }
0x80d: {  	[hbm4b:s29+s2] =	stream.indirect_vreg.scatter [tilespmem:s23], [sflag:$0x4], $0x80, v63, vm0, $0xb8;
	[tilespmem:$0x18400] =	vst v63  }
0x80e: {  	s18 =	simm.s32 $0x9C00  }
0x80f: {  	[hbm4b:s0+s2] =	stream.indirect_vreg.scatter [tilespmem:s18], [sflag:$0x4], $0x80, v63, vm0, $0xb8;
	[tilespmem:$0x18400] =	vst v63  }
0x810: {  	s1 =	simm.s32 $0xA400  }
0x811: {  	[hbm4b:s26+s2] =	stream.indirect_vreg.scatter [tilespmem:s1], [sflag:$0x4], $0x80, v1, vm0, $0xb8;
	[tilespmem:$0x18400] =	vst v63  }
0x812: {  	s26 =	simm.s32 $0xAC00  }
0x813: {  	[hbm4b:s28+s2] =	stream.indirect_vreg.scatter [tilespmem:s26], [sflag:$0x4], $0x80, v1, vm0, $0xb8;
	[tilespmem:$0x18400] =	vst v63  }
0x814: {  	s28 =	simm.s32 $0xB400  }
0x815: {  	[hbm4b:s29+s2] =	stream.indirect_vreg.scatter [tilespmem:s28], [sflag:$0x4], $0x80, v1, vm0, $0xb8;
	[tilespmem:$0x18400] =	vst v63  }
0x816: {  	s11 =	simm.s32 $0x4;
	s29 =	simm.s32 $0xBC00  }
0x817: {  	[hbm4b:s0+s2] =	stream.indirect_vreg.scatter [tilespmem:s29], [sflag:$0x4], $0x80, v1, vm0, $0xb8;
	[tilespmem:$0x18400] =	vst v63  }
0x818: {  	_ =	swait.ge [sflag:s11], $0xC000  }
0x819: {  	[sflag:s11] =	ssyncset.done $0x0  }
0x81a: {  	[sflag:s11] =	ssyncadd.s32 $0xFFFF4000  }
0x81b: {  	v1 =	vld [tilespmem:$0x2A0];
	_ =	sdelay $0x4  }
0x81c: {  	v63 =	vshll.u32 v1, $0x3  }
0x81d: {  	v1 =	vand.u32 $0x7, v1;
	v63 =	vand.u32 $0xFFFFFFC0, v63  }
0x81e: {  	v1 =	vor.u32 v1, v63  }
0x81f: {  	v63 =	vperm.xlane v1, v60;
	_ =	sdelay $0x1  }
0x820: {  	v63 =	vadd.s32 v61, v63;
	_ =	sdelay $0x1  }
0x821: {  	s11 =	sld [smem:$0x7E0];
	_ =	sdelay $0x2  }
0x822: {  	[tilespmem:s3], [sflag:$0x2] =	stream.indirect_vreg.gather [hbm4b:s11+s2], $0x80, v63, vm0, $0xb8;
	[tilespmem:$0x18400] =	vst v63  }
0x823: {  	s8 =	sadd.s32 $0x100, s11;
	v1 =	vperm.xlane v1, v62  }
0x824: {  	[tilespmem:s7], [sflag:$0x2] =	stream.indirect_vreg.gather [hbm4b:s8+s2], $0x80, v63, vm0, $0xb8;
	[tilespmem:$0x18400] =	vst v63  }
0x825: {  	s9 =	sadd.s32 $0x200, s11;
	v1 =	vadd.s32 v61, v1  }
0x826: {  	[tilespmem:s12], [sflag:$0x2] =	stream.indirect_vreg.gather [hbm4b:s9+s2], $0x80, v63, vm0, $0xb8;
	[tilespmem:$0x18400] =	vst v63  }
0x827: {  	s10 =	sadd.s32 $0x300, s11  }
0x828: {  	[tilespmem:s30], [sflag:$0x2] =	stream.indirect_vreg.gather [hbm4b:s10+s2], $0x80, v63, vm0, $0xb8;
	[tilespmem:$0x18400] =	vst v63  }
0x829: {  	_ = 	snop  }
0x82a: {  	[tilespmem:s4], [sflag:$0x2] =	stream.indirect_vreg.gather [hbm4b:s11+s2], $0x80, v1, vm0, $0xb8;
	[tilespmem:$0x18400] =	vst v63  }
0x82b: {  	_ = 	snop  }
0x82c: {  	[tilespmem:s5], [sflag:$0x2] =	stream.indirect_vreg.gather [hbm4b:s8+s2], $0x80, v1, vm0, $0xb8;
	[tilespmem:$0x18400] =	vst v63  }
0x82d: {  	_ = 	snop  }
0x82e: {  	[tilespmem:s6], [sflag:$0x2] =	stream.indirect_vreg.gather [hbm4b:s9+s2], $0x80, v1, vm0, $0xb8;
	[tilespmem:$0x18400] =	vst v63  }
0x82f: {  	_ = 	snop  }
0x830: {  	[tilespmem:s13], [sflag:$0x2] =	stream.indirect_vreg.gather [hbm4b:s10+s2], $0x80, v1, vm0, $0xb8;
	[tilespmem:$0x18400] =	vst v63  }
0x831: {  	v1 =	vld [tilespmem:$0x2B0];
	_ =	sdelay $0x4  }
0x832: {  	v63 =	vshll.u32 v1, $0x3  }
0x833: {  	v1 =	vand.u32 $0x7, v1;
	v63 =	vand.u32 $0xFFFFFFC0, v63  }
0x834: {  	v1 =	vor.u32 v1, v63  }
0x835: {  	v63 =	vperm.xlane v1, v60;
	_ =	sdelay $0x1  }
0x836: {  	v63 =	vadd.s32 v61, v63;
	_ =	sdelay $0x4  }
0x837: {  	[tilespmem:s20], [sflag:$0x2] =	stream.indirect_vreg.gather [hbm4b:s11+s2], $0x80, v63, vm0, $0xb8;
	[tilespmem:$0x18400] =	vst v63  }
0x838: {  	v1 =	vperm.xlane v1, v62  }
0x839: {  	[tilespmem:s21], [sflag:$0x2] =	stream.indirect_vreg.gather [hbm4b:s8+s2], $0x80, v63, vm0, $0xb8;
	[tilespmem:$0x18400] =	vst v63  }
0x83a: {  	v1 =	vadd.s32 v61, v1  }
0x83b: {  	[tilespmem:s14], [sflag:$0x2] =	stream.indirect_vreg.gather [hbm4b:s9+s2], $0x80, v63, vm0, $0xb8;
	[tilespmem:$0x18400] =	vst v63  }
0x83c: {  	_ = 	snop  }
0x83d: {  	[tilespmem:s15], [sflag:$0x2] =	stream.indirect_vreg.gather [hbm4b:s10+s2], $0x80, v63, vm0, $0xb8;
	[tilespmem:$0x18400] =	vst v63  }
0x83e: {  	_ = 	snop  }
0x83f: {  	[tilespmem:s16], [sflag:$0x2] =	stream.indirect_vreg.gather [hbm4b:s11+s2], $0x80, v1, vm0, $0xb8;
	[tilespmem:$0x18400] =	vst v63  }
0x840: {  	_ = 	snop  }
0x841: {  	[tilespmem:s17], [sflag:$0x2] =	stream.indirect_vreg.gather [hbm4b:s8+s2], $0x80, v1, vm0, $0xb8;
	[tilespmem:$0x18400] =	vst v63  }
0x842: {  	_ = 	snop  }
0x843: {  	[tilespmem:s19], [sflag:$0x2] =	stream.indirect_vreg.gather [hbm4b:s9+s2], $0x80, v1, vm0, $0xb8;
	[tilespmem:$0x18400] =	vst v63  }
0x844: {  	_ = 	snop  }
0x845: {  	[tilespmem:s22], [sflag:$0x2] =	stream.indirect_vreg.gather [hbm4b:s10+s2], $0x80, v1, vm0, $0xb8;
	[tilespmem:$0x18400] =	vst v63  }
0x846: {  	v1 =	vld [tilespmem:$0x2C0];
	_ =	sdelay $0x4  }
0x847: {  	v63 =	vshll.u32 v1, $0x3  }
0x848: {  	v1 =	vand.u32 $0x7, v1;
	v63 =	vand.u32 $0xFFFFFFC0, v63  }
0x849: {  	v1 =	vor.u32 v1, v63  }
0x84a: {  	v63 =	vperm.xlane v1, v60;
	_ =	sdelay $0x1  }
0x84b: {  	v63 =	vadd.s32 v61, v63;
	_ =	sdelay $0x4  }
0x84c: {  	[tilespmem:s25], [sflag:$0x2] =	stream.indirect_vreg.gather [hbm4b:s11+s2], $0x80, v63, vm0, $0xb8;
	[tilespmem:$0x18400] =	vst v63  }
0x84d: {  	v1 =	vperm.xlane v1, v62  }
0x84e: {  	[tilespmem:s24], [sflag:$0x2] =	stream.indirect_vreg.gather [hbm4b:s8+s2], $0x80, v63, vm0, $0xb8;
	[tilespmem:$0x18400] =	vst v63  }
0x84f: {  	v1 =	vadd.s32 v61, v1  }
0x850: {  	[tilespmem:s23], [sflag:$0x2] =	stream.indirect_vreg.gather [hbm4b:s9+s2], $0x80, v63, vm0, $0xb8;
	[tilespmem:$0x18400] =	vst v63  }
0x851: {  	_ = 	snop  }
0x852: {  	[tilespmem:s18], [sflag:$0x2] =	stream.indirect_vreg.gather [hbm4b:s10+s2], $0x80, v63, vm0, $0xb8;
	[tilespmem:$0x18400] =	vst v63  }
0x853: {  	_ = 	snop  }
0x854: {  	[tilespmem:s1], [sflag:$0x2] =	stream.indirect_vreg.gather [hbm4b:s11+s2], $0x80, v1, vm0, $0xb8;
	[tilespmem:$0x18400] =	vst v63  }
0x855: {  	_ = 	snop  }
0x856: {  	[tilespmem:s26], [sflag:$0x2] =	stream.indirect_vreg.gather [hbm4b:s8+s2], $0x80, v1, vm0, $0xb8;
	[tilespmem:$0x18400] =	vst v63  }
0x857: {  	_ = 	snop  }
0x858: {  	[tilespmem:s28], [sflag:$0x2] =	stream.indirect_vreg.gather [hbm4b:s9+s2], $0x80, v1, vm0, $0xb8;
	[tilespmem:$0x18400] =	vst v63  }
0x859: {  	_ = 	snop  }
0x85a: {  	[tilespmem:s29], [sflag:$0x2] =	stream.indirect_vreg.gather [hbm4b:s10+s2], $0x80, v1, vm0, $0xb8;
	[tilespmem:$0x18400] =	vst v63  }
0x85b: {  	v1 =	vperm.xlane v58, v60;
	[tilespmem:$0x380] =	vst v40  }
0x85c: {  	[tilespmem:$0x390] =	vst v39  }
0x85d: {  	s30 =	simm.s32 $0x3;
	[tilespmem:$0x3A0] =	vst v41;
	v1 =	vadd.s32 v61, v1  }
0x85e: {  	_ =	swait.ge [sflag:s30], $0xC000  }
0x85f: {  	s11 =	sld [smem:$0x7FC]  }
0x860: {  	[sflag:s30] =	ssyncset.done $0x0  }
0x861: {  	s9 =	simm.s32 $0xC400;
	[sflag:s30] =	ssyncadd.s32 $0xFFFF4000  }
0x862: {  	[hbm4b:s11+s2] =	stream.indirect_vreg.scatter [tilespmem:s9], [sflag:$0x5], $0x80, v1, vm0, $0xb8;
	[tilespmem:$0x18400] =	vst v63  }
0x863: {  	v63 =	vperm.xlane v58, v62;
	s10 =	simm.s32 $0xCC00;
	s8 =	sadd.s32 $0x100, s11  }
0x864: {  	[hbm4b:s8+s2] =	stream.indirect_vreg.scatter [tilespmem:s10], [sflag:$0x5], $0x80, v1, vm0, $0xb8;
	[tilespmem:$0x18400] =	vst v63  }
0x865: {  	v63 =	vadd.s32 v61, v63;
	s30 =	simm.s32 $0xD400;
	s9 =	sadd.s32 $0x200, s11  }
0x866: {  	[hbm4b:s9+s2] =	stream.indirect_vreg.scatter [tilespmem:s30], [sflag:$0x5], $0x80, v1, vm0, $0xb8;
	[tilespmem:$0x18400] =	vst v63  }
0x867: {  	s10 =	sadd.s32 $0x300, s11;
	s30 =	simm.s32 $0xDC00  }
0x868: {  	[hbm4b:s10+s2] =	stream.indirect_vreg.scatter [tilespmem:s30], [sflag:$0x5], $0x80, v1, vm0, $0xb8;
	[tilespmem:$0x18400] =	vst v63  }
0x869: {  	s30 =	simm.s32 $0xE400  }
0x86a: {  	[hbm4b:s11+s2] =	stream.indirect_vreg.scatter [tilespmem:s30], [sflag:$0x5], $0x80, v63, vm0, $0xb8;
	[tilespmem:$0x18400] =	vst v63  }
0x86b: {  	s30 =	simm.s32 $0xEC00  }
0x86c: {  	[hbm4b:s8+s2] =	stream.indirect_vreg.scatter [tilespmem:s30], [sflag:$0x5], $0x80, v63, vm0, $0xb8;
	[tilespmem:$0x18400] =	vst v63  }
0x86d: {  	s30 =	simm.s32 $0xF400  }
0x86e: {  	[hbm4b:s9+s2] =	stream.indirect_vreg.scatter [tilespmem:s30], [sflag:$0x5], $0x80, v63, vm0, $0xb8;
	[tilespmem:$0x18400] =	vst v63  }
0x86f: {  	s30 =	simm.s32 $0xFC00  }
0x870: {  	[hbm4b:s10+s2] =	stream.indirect_vreg.scatter [tilespmem:s30], [sflag:$0x5], $0x80, v63, vm0, $0xb8;
	[tilespmem:$0x18400] =	vst v63  }
0x871: {  	v1 =	vld [tilespmem:$0x390];
	_ =	sdelay $0x4  }
0x872: {  	v63 =	vshll.u32 v1, $0x3  }
0x873: {  	v1 =	vand.u32 $0x7, v1;
	v63 =	vand.u32 $0xFFFFFFC0, v63  }
0x874: {  	v1 =	vor.u32 v1, v63  }
0x875: {  	v63 =	vperm.xlane v1, v60;
	_ =	sdelay $0x1  }
0x876: {  	v63 =	vadd.s32 v61, v63;
	_ =	sdelay $0x3  }
0x877: {  	s30 =	simm.s32 $0x10400  }
0x878: {  	[hbm4b:s11+s2] =	stream.indirect_vreg.scatter [tilespmem:s30], [sflag:$0x5], $0x80, v63, vm0, $0xb8;
	[tilespmem:$0x18400] =	vst v63  }
0x879: {  	v1 =	vperm.xlane v1, v62;
	s30 =	simm.s32 $0x10C00  }
0x87a: {  	[hbm4b:s8+s2] =	stream.indirect_vreg.scatter [tilespmem:s30], [sflag:$0x5], $0x80, v63, vm0, $0xb8;
	[tilespmem:$0x18400] =	vst v63  }
0x87b: {  	v1 =	vadd.s32 v61, v1;
	s30 =	simm.s32 $0x11400  }
0x87c: {  	[hbm4b:s9+s2] =	stream.indirect_vreg.scatter [tilespmem:s30], [sflag:$0x5], $0x80, v63, vm0, $0xb8;
	[tilespmem:$0x18400] =	vst v63  }
0x87d: {  	s30 =	simm.s32 $0x11C00  }
0x87e: {  	[hbm4b:s10+s2] =	stream.indirect_vreg.scatter [tilespmem:s30], [sflag:$0x5], $0x80, v63, vm0, $0xb8;
	[tilespmem:$0x18400] =	vst v63  }
0x87f: {  	s30 =	simm.s32 $0x12400  }
0x880: {  	[hbm4b:s11+s2] =	stream.indirect_vreg.scatter [tilespmem:s30], [sflag:$0x5], $0x80, v1, vm0, $0xb8;
	[tilespmem:$0x18400] =	vst v63  }
0x881: {  	s30 =	simm.s32 $0x12C00  }
0x882: {  	[hbm4b:s8+s2] =	stream.indirect_vreg.scatter [tilespmem:s30], [sflag:$0x5], $0x80, v1, vm0, $0xb8;
	[tilespmem:$0x18400] =	vst v63  }
0x883: {  	s30 =	simm.s32 $0x13400  }
0x884: {  	[hbm4b:s9+s2] =	stream.indirect_vreg.scatter [tilespmem:s30], [sflag:$0x5], $0x80, v1, vm0, $0xb8;
	[tilespmem:$0x18400] =	vst v63  }
0x885: {  	s30 =	simm.s32 $0x13C00  }
0x886: {  	[hbm4b:s10+s2] =	stream.indirect_vreg.scatter [tilespmem:s30], [sflag:$0x5], $0x80, v1, vm0, $0xb8;
	[tilespmem:$0x18400] =	vst v63  }
0x887: {  	v1 =	vld [tilespmem:$0x3A0];
	_ =	sdelay $0x4  }
0x888: {  	v63 =	vshll.u32 v1, $0x3  }
0x889: {  	v1 =	vand.u32 $0x7, v1;
	v63 =	vand.u32 $0xFFFFFFC0, v63  }
0x88a: {  	v1 =	vor.u32 v1, v63  }
0x88b: {  	v63 =	vperm.xlane v1, v60;
	_ =	sdelay $0x1  }
0x88c: {  	v63 =	vadd.s32 v61, v63;
	_ =	sdelay $0x3  }
0x88d: {  	s30 =	simm.s32 $0x14400  }
0x88e: {  	[hbm4b:s11+s2] =	stream.indirect_vreg.scatter [tilespmem:s30], [sflag:$0x5], $0x80, v63, vm0, $0xb8;
	[tilespmem:$0x18400] =	vst v63  }
0x88f: {  	v1 =	vperm.xlane v1, v62;
	s30 =	simm.s32 $0x14C00  }
0x890: {  	[hbm4b:s8+s2] =	stream.indirect_vreg.scatter [tilespmem:s30], [sflag:$0x5], $0x80, v63, vm0, $0xb8;
	[tilespmem:$0x18400] =	vst v63  }
0x891: {  	v1 =	vadd.s32 v61, v1;
	s30 =	simm.s32 $0x15400  }
0x892: {  	[hbm4b:s9+s2] =	stream.indirect_vreg.scatter [tilespmem:s30], [sflag:$0x5], $0x80, v63, vm0, $0xb8;
	[tilespmem:$0x18400] =	vst v63  }
0x893: {  	s30 =	simm.s32 $0x15C00  }
0x894: {  	[hbm4b:s10+s2] =	stream.indirect_vreg.scatter [tilespmem:s30], [sflag:$0x5], $0x80, v63, vm0, $0xb8;
	[tilespmem:$0x18400] =	vst v63  }
0x895: {  	s30 =	simm.s32 $0x16400  }
0x896: {  	[hbm4b:s11+s2] =	stream.indirect_vreg.scatter [tilespmem:s30], [sflag:$0x5], $0x80, v1, vm0, $0xb8;
	[tilespmem:$0x18400] =	vst v63  }
0x897: {  	s30 =	simm.s32 $0x16C00  }
0x898: {  	[hbm4b:s8+s2] =	stream.indirect_vreg.scatter [tilespmem:s30], [sflag:$0x5], $0x80, v1, vm0, $0xb8;
	[tilespmem:$0x18400] =	vst v63  }
0x899: {  	s30 =	simm.s32 $0x17400  }
0x89a: {  	[hbm4b:s9+s2] =	stream.indirect_vreg.scatter [tilespmem:s30], [sflag:$0x5], $0x80, v1, vm0, $0xb8;
	[tilespmem:$0x18400] =	vst v63  }
0x89b: {  	s11 =	simm.s32 $0x17C00  }
0x89c: {  	[hbm4b:s10+s2] =	stream.indirect_vreg.scatter [tilespmem:s11], [sflag:$0x5], $0x80, v1, vm0, $0xb8;
	[tilespmem:$0x18400] =	vst v63  }
0x89d: {  	v1 =	vperm.xlane v59, v60;
	[tilespmem:$0x300] =	vst v43  }
0x89e: {  	[tilespmem:$0x310] =	vst v42  }
0x89f: {  	[tilespmem:$0x320] =	vst v44;
	v1 =	vadd.s32 v61, v1  }
0x8a0: {  	_ =	swait.ge [sflag:s31], $0xC000  }
0x8a1: {  	s30 =	sld [smem:$0x7FD]  }
0x8a2: {  	[sflag:s31] =	ssyncset.done $0x0  }
0x8a3: {  	[sflag:s31] =	ssyncadd.s32 $0xFFFF4000;
	s31 =	simm.s32 $0x400  }
0x8a4: {  	[hbm4b:s30+s2] =	stream.indirect_vreg.scatter [tilespmem:s31], [sflag:$0x4], $0x80, v1, vm0, $0xb8;
	[tilespmem:$0x18400] =	vst v63  }
0x8a5: {  	s7 =	simm.s32 $0xC00;
	v63 =	vperm.xlane v59, v62;
	s9 =	sadd.s32 $0x100, s30  }
0x8a6: {  	[hbm4b:s9+s2] =	stream.indirect_vreg.scatter [tilespmem:s7], [sflag:$0x4], $0x80, v1, vm0, $0xb8;
	[tilespmem:$0x18400] =	vst v63  }
0x8a7: {  	s12 =	simm.s32 $0x1400;
	v63 =	vadd.s32 v61, v63;
	s10 =	sadd.s32 $0x200, s30  }
0x8a8: {  	[hbm4b:s10+s2] =	stream.indirect_vreg.scatter [tilespmem:s12], [sflag:$0x4], $0x80, v1, vm0, $0xb8;
	[tilespmem:$0x18400] =	vst v63  }
0x8a9: {  	s3 =	simm.s32 $0x1C00;
	s12 =	sadd.s32 $0x300, s30  }
0x8aa: {  	[hbm4b:s12+s2] =	stream.indirect_vreg.scatter [tilespmem:s3], [sflag:$0x4], $0x80, v1, vm0, $0xb8;
	[tilespmem:$0x18400] =	vst v63  }
0x8ab: {  	s4 =	simm.s32 $0x2400  }
0x8ac: {  	[hbm4b:s30+s2] =	stream.indirect_vreg.scatter [tilespmem:s4], [sflag:$0x4], $0x80, v63, vm0, $0xb8;
	[tilespmem:$0x18400] =	vst v63  }
0x8ad: {  	s5 =	simm.s32 $0x2C00  }
0x8ae: {  	[hbm4b:s9+s2] =	stream.indirect_vreg.scatter [tilespmem:s5], [sflag:$0x4], $0x80, v63, vm0, $0xb8;
	[tilespmem:$0x18400] =	vst v63  }
0x8af: {  	s6 =	simm.s32 $0x3400  }
0x8b0: {  	[hbm4b:s10+s2] =	stream.indirect_vreg.scatter [tilespmem:s6], [sflag:$0x4], $0x80, v63, vm0, $0xb8;
	[tilespmem:$0x18400] =	vst v63  }
0x8b1: {  	s13 =	simm.s32 $0x3C00  }
0x8b2: {  	[hbm4b:s12+s2] =	stream.indirect_vreg.scatter [tilespmem:s13], [sflag:$0x4], $0x80, v63, vm0, $0xb8;
	[tilespmem:$0x18400] =	vst v63  }
0x8b3: {  	v1 =	vld [tilespmem:$0x310];
	_ =	sdelay $0x4  }
0x8b4: {  	v63 =	vshll.u32 v1, $0x3  }
0x8b5: {  	v1 =	vand.u32 $0x7, v1;
	v63 =	vand.u32 $0xFFFFFFC0, v63  }
0x8b6: {  	v1 =	vor.u32 v1, v63  }
0x8b7: {  	v63 =	vperm.xlane v1, v60;
	_ =	sdelay $0x1  }
0x8b8: {  	v63 =	vadd.s32 v61, v63;
	_ =	sdelay $0x3  }
0x8b9: {  	s20 =	simm.s32 $0x4400  }
0x8ba: {  	[hbm4b:s30+s2] =	stream.indirect_vreg.scatter [tilespmem:s20], [sflag:$0x4], $0x80, v63, vm0, $0xb8;
	[tilespmem:$0x18400] =	vst v63  }
0x8bb: {  	s21 =	simm.s32 $0x4C00;
	v1 =	vperm.xlane v1, v62  }
0x8bc: {  	[hbm4b:s9+s2] =	stream.indirect_vreg.scatter [tilespmem:s21], [sflag:$0x4], $0x80, v63, vm0, $0xb8;
	[tilespmem:$0x18400] =	vst v63  }
0x8bd: {  	s14 =	simm.s32 $0x5400;
	v1 =	vadd.s32 v61, v1  }
0x8be: {  	[hbm4b:s10+s2] =	stream.indirect_vreg.scatter [tilespmem:s14], [sflag:$0x4], $0x80, v63, vm0, $0xb8;
	[tilespmem:$0x18400] =	vst v63  }
0x8bf: {  	s15 =	simm.s32 $0x5C00  }
0x8c0: {  	[hbm4b:s12+s2] =	stream.indirect_vreg.scatter [tilespmem:s15], [sflag:$0x4], $0x80, v63, vm0, $0xb8;
	[tilespmem:$0x18400] =	vst v63  }
0x8c1: {  	s16 =	simm.s32 $0x6400  }
0x8c2: {  	[hbm4b:s30+s2] =	stream.indirect_vreg.scatter [tilespmem:s16], [sflag:$0x4], $0x80, v1, vm0, $0xb8;
	[tilespmem:$0x18400] =	vst v63  }
0x8c3: {  	s17 =	simm.s32 $0x6C00  }
0x8c4: {  	[hbm4b:s9+s2] =	stream.indirect_vreg.scatter [tilespmem:s17], [sflag:$0x4], $0x80, v1, vm0, $0xb8;
	[tilespmem:$0x18400] =	vst v63  }
0x8c5: {  	s19 =	simm.s32 $0x7400  }
0x8c6: {  	[hbm4b:s10+s2] =	stream.indirect_vreg.scatter [tilespmem:s19], [sflag:$0x4], $0x80, v1, vm0, $0xb8;
	[tilespmem:$0x18400] =	vst v63  }
0x8c7: {  	s22 =	simm.s32 $0x7C00  }
0x8c8: {  	[hbm4b:s12+s2] =	stream.indirect_vreg.scatter [tilespmem:s22], [sflag:$0x4], $0x80, v1, vm0, $0xb8;
	[tilespmem:$0x18400] =	vst v63  }
0x8c9: {  	v1 =	vld [tilespmem:$0x320];
	_ =	sdelay $0x4  }
0x8ca: {  	v63 =	vshll.u32 v1, $0x3  }
0x8cb: {  	v1 =	vand.u32 $0x7, v1;
	v63 =	vand.u32 $0xFFFFFFC0, v63  }
0x8cc: {  	v1 =	vor.u32 v1, v63  }
0x8cd: {  	v63 =	vperm.xlane v1, v60;
	_ =	sdelay $0x1  }
0x8ce: {  	v63 =	vadd.s32 v61, v63;
	_ =	sdelay $0x3  }
0x8cf: {  	s25 =	simm.s32 $0x8400  }
0x8d0: {  	[hbm4b:s30+s2] =	stream.indirect_vreg.scatter [tilespmem:s25], [sflag:$0x4], $0x80, v63, vm0, $0xb8;
	[tilespmem:$0x18400] =	vst v63  }
0x8d1: {  	s24 =	simm.s32 $0x8C00;
	v1 =	vperm.xlane v1, v62  }
0x8d2: {  	[hbm4b:s9+s2] =	stream.indirect_vreg.scatter [tilespmem:s24], [sflag:$0x4], $0x80, v63, vm0, $0xb8;
	[tilespmem:$0x18400] =	vst v63  }
0x8d3: {  	s23 =	simm.s32 $0x9400;
	v1 =	vadd.s32 v61, v1  }
0x8d4: {  	[hbm4b:s10+s2] =	stream.indirect_vreg.scatter [tilespmem:s23], [sflag:$0x4], $0x80, v63, vm0, $0xb8;
	[tilespmem:$0x18400] =	vst v63  }
0x8d5: {  	s18 =	simm.s32 $0x9C00  }
0x8d6: {  	[hbm4b:s12+s2] =	stream.indirect_vreg.scatter [tilespmem:s18], [sflag:$0x4], $0x80, v63, vm0, $0xb8;
	[tilespmem:$0x18400] =	vst v63  }
0x8d7: {  	s1 =	simm.s32 $0xA400  }
0x8d8: {  	[hbm4b:s30+s2] =	stream.indirect_vreg.scatter [tilespmem:s1], [sflag:$0x4], $0x80, v1, vm0, $0xb8;
	[tilespmem:$0x18400] =	vst v63  }
0x8d9: {  	s26 =	simm.s32 $0xAC00  }
0x8da: {  	[hbm4b:s9+s2] =	stream.indirect_vreg.scatter [tilespmem:s26], [sflag:$0x4], $0x80, v1, vm0, $0xb8;
	[tilespmem:$0x18400] =	vst v63  }
0x8db: {  	s28 =	simm.s32 $0xB400;
	s26 =	sld [smem:$0x7BF]  }
0x8dc: {  	[hbm4b:s10+s2] =	stream.indirect_vreg.scatter [tilespmem:s28], [sflag:$0x4], $0x80, v1, vm0, $0xb8;
	[tilespmem:$0x18400] =	vst v63  }
0x8dd: {  	s0 =	simm.s32 $0x4;
	s29 =	simm.s32 $0xBC00  }
0x8de: {  	[hbm4b:s12+s2] =	stream.indirect_vreg.scatter [tilespmem:s29], [sflag:$0x4], $0x80, v1, vm0, $0xb8;
	[tilespmem:$0x18400] =	vst v63  }
0x8df: {  	p0 =	sne.s32 s26, $0x1;
	_ =	swait.ge [sflag:s0], $0xC000  }
.Ltmp0:
0x8e0: {  	[sflag:s0] =	ssyncset.done $0x0;
	(pc) =	sbr.rel @p0 .LBB2_1-.Ltmp0, $4  }
0x8e1: {  	s30 =	simm.s32 $0x5;
	[sflag:s0] =	ssyncadd.s32 $0xFFFF4000  }
0x8e2: {  	_ =	swait.ge [sflag:s30], $0xC000  }
0x8e3: {  	s31 =	simm.s32 $0x5;
	[sflag:s30] =	ssyncset.done $0x0  }
0x8e4: {  	s8 =	sadd.s32 $0xFFFFFFFF, s26;
	[sflag:s31] =	ssyncadd.s32 $0xFFFF4000  }
0x8e5: {  	_ =	sfence.sel $0x180000  }
0x8e6: {  	[bflag:$0x0] =	sbarrier.arrive $0xFFFF  }
0x8e7: {  	_ =	strace $0x9000004A  }
0x8e8: {  	s0 =	stileid.u32;
	[bflag:$0x2] =	sbarrier.arrive $0xFFFF  }
0x8e9: {  	p0 =	sne.s32 s0, $0x0;
	s0 =	rddreg [dreg:$0x2]  }
0x8ea: {  	s0 =	sadd.s32 @!p0 $0x100000, s0  }
0x8eb: {  	[sflag:s0] =	ssyncadd.tile.s32 @!p0 $0x1;
	_ =	shalt  }
.Lfunc_end2:
_tile_overlayer_lowered:
.L_overlay_start_2:
0x8ec: {  	(tag) =	ssettag $0x2  }
0x8ed: {  	s0 =	rddreg [dreg:$0x0];
	s2 =	stileid.u32  }
0x8ee: {  	s1 =	rddreg [dreg:$0x1];
	p0 =	sne.s32 s2, $0x0  }
0x8ef: {  	s3 =	rddreg [dreg:$0x2];
	[bflag:$0x3] =	sbarrier.arrive $0xFFFF;
	s2 =	simm.s32 @!p0 $0x1C06  }
0x8f0: {  	[timem:s3], [sflag:s2] =	dma.local @!p0 [hbm:s0], s1  }
0x8f1: {  	s0 =	simm.s32 @!p0 $0x6  }
0x8f2: {  	_ =	swait.ge @!p0 [sflag:s0], s1  }
0x8f3: {  	s1 =	ssub.s32 @!p0 $0x0, s1;
	[sflag:s0] =	ssyncset.done @!p0 $0x0  }
0x8f4: {  	[sflag:s0] =	ssyncadd.s32 @!p0 s1  }
0x8f5: {  	[bflag:$0x3] =	sbarrier.arrive $0xFFFF  }
0x8f6: {  	_ =	shalt  }

</sc_bundles>
